<compile_context>
chip_gen: v7x
topology: tpu7x:2x2x1
jax: 0.10.2.dev20260603
libtpu: 0.0.44.dev20260713+nightly
codegen_flags: <defaults>
</compile_context>

<pallas_src>
import jax
import jax.numpy as jnp
from jax import lax
from jax.experimental import pallas as pl
from jax.experimental.pallas import tpu as pltpu
from jax.experimental.pallas import tpu_sc as plsc

N_NODES = 10000
N_EDGES = 320000
D = 80
NC = 2
NS = 16
NW = NC * NS
CHUNK = 128
REAL = 125
PCH = 80
NCH = PCH
NB = 4
NJ = 240
N_ACC = N_NODES + NJ
WT = 10
WROWS = N_NODES // WT


def _agg_body(y_hbm, srcr_hbm, dstr_hbm, out_hbm,
              src_all, dst_all, b0, b1, b2, b3, acc_sh, g0, g1, g2, g3, ssem):
    bufs = (b0, b1, b2, b3)
    gsems = (g0, g1, g2, g3)
    z16 = jnp.zeros((16,), jnp.float32)
    c = lax.axis_index("c")
    s = lax.axis_index("s")
    wid = s * NC + c

    def zrow(i, carry):
        for j in range(D // 16):
            b0[i, pl.ds(j * 16, 16)] = z16
        return carry
    lax.fori_loop(0, CHUNK, zrow, 0)

    @pl.when(s < WT)
    def _():
        for q in range(10):
            pltpu.sync_copy(b0.at[pl.ds(0, 96)],
                            acc_sh.at[pl.ds(s * WROWS + q * 96, 96)])
        pltpu.sync_copy(b0.at[pl.ds(0, 40)],
                        acc_sh.at[pl.ds(s * WROWS + 960, 40)])
    plsc.subcore_barrier()

    pltpu.sync_copy(srcr_hbm.at[wid], src_all)
    pltpu.sync_copy(dstr_hbm.at[wid], dst_all)

    def ebody(k, carry):
        i0 = NB * k
        gds = [pltpu.async_copy(y_hbm.at[src_all.at[i0 + b]], bufs[b],
                                gsems[b]) for b in range(NB)]
        sds = []
        for b in range(NB):
            gds[b].wait()
            sds.append(pltpu.async_copy(
                bufs[b], acc_sh.at[dst_all.at[i0 + b]], ssem, add=True))
        for d in sds:
            d.wait()
        return carry
    lax.fori_loop(0, PCH // NB, ebody, 0)
    plsc.subcore_barrier()

    @pl.when(s < WT)
    def _():
        for q in range(10):
            r = s * WROWS + q * 96
            pltpu.sync_copy(acc_sh.at[pl.ds(r, 96)], b0.at[pl.ds(0, 96)])
            pltpu.sync_copy(b0.at[pl.ds(0, 96)], out_hbm.at[c, pl.ds(r, 96)])
        r = s * WROWS + 960
        pltpu.sync_copy(acc_sh.at[pl.ds(r, 40)], b0.at[pl.ds(0, 40)])
        pltpu.sync_copy(b0.at[pl.ds(0, 40)], out_hbm.at[c, pl.ds(r, 40)])


def _make_agg():
    return pl.kernel(
        _agg_body,
        out_type=jax.ShapeDtypeStruct((NC, N_NODES, D), jnp.float32),
        mesh=plsc.VectorSubcoreMesh(core_axis_name="c", subcore_axis_name="s"),
        compiler_params=pltpu.CompilerParams(use_tc_tiling_on_sc=False),
        scratch_types=[
            pltpu.VMEM((PCH, CHUNK), jnp.int32),
            pltpu.VMEM((PCH, CHUNK), jnp.int32),
            pltpu.VMEM((CHUNK, D), jnp.float32),
            pltpu.VMEM((CHUNK, D), jnp.float32),
            pltpu.VMEM((CHUNK, D), jnp.float32),
            pltpu.VMEM((CHUNK, D), jnp.float32),
            pltpu.VMEM_SHARED((N_ACC, D), jnp.float32),
            pltpu.SemaphoreType.DMA,
            pltpu.SemaphoreType.DMA,
            pltpu.SemaphoreType.DMA,
            pltpu.SemaphoreType.DMA,
            pltpu.SemaphoreType.DMA,
        ],
    )


_BM = 2000


_DN = (((1,), (1,)), ((), ()))


def _mm1_body(x_ref, wrel_ref, wroot_ref, t1_ref, r1_ref):
    x = x_ref[...]
    y = lax.dot_general(x, wrel_ref[...], _DN,
                        preferred_element_type=jnp.float32)
    t1_ref[...] = jnp.concatenate(
        [y, jnp.ones((_BM, 1), jnp.float32),
         jnp.zeros((_BM, 15), jnp.float32)], axis=1)
    r1_ref[...] = lax.dot_general(x, wroot_ref[...], _DN,
                                  preferred_element_type=jnp.float32)


def _mm1(x, w1rel_t, w1root_t):
    return pl.pallas_call(
        _mm1_body,
        grid=(N_NODES // _BM,),
        in_specs=[pl.BlockSpec((_BM, 128), lambda i: (i, 0)),
                  pl.BlockSpec((64, 128), lambda i: (0, 0)),
                  pl.BlockSpec((64, 128), lambda i: (0, 0))],
        out_specs=[pl.BlockSpec((_BM, D), lambda i: (i, 0)),
                   pl.BlockSpec((_BM, 64), lambda i: (i, 0))],
        out_shape=[jax.ShapeDtypeStruct((N_NODES, D), jnp.float32),
                   jax.ShapeDtypeStruct((N_NODES, 64), jnp.float32)],
    )(x, w1rel_t, w1root_t)


def _combine1_body(p0_ref, p1_ref, r1_ref, b1_ref, wrel_ref, wroot_ref,
                   t2_ref):
    p0 = p0_ref[...]
    p1 = p1_ref[...]
    inv = 1.0 / jnp.maximum(p0[:, 64:65] + p1[:, 64:65], 1.0)
    h = jnp.maximum(
        (p0[:, :64] + p1[:, :64]) * inv + b1_ref[...] + r1_ref[...], 0.0)
    y2 = lax.dot_general(h, wrel_ref[...], _DN,
                         preferred_element_type=jnp.float32)
    r2 = lax.dot_general(h, wroot_ref[...], _DN,
                         preferred_element_type=jnp.float32)
    t2_ref[...] = jnp.concatenate(
        [y2, r2, inv, jnp.zeros((_BM, 15), jnp.float32)], axis=1)


def _combine1(p0, p1, r1, b1r, w2rel_t, w2root_t):
    return pl.pallas_call(
        _combine1_body,
        grid=(N_NODES // _BM,),
        in_specs=[pl.BlockSpec((_BM, D), lambda i: (i, 0)),
                  pl.BlockSpec((_BM, D), lambda i: (i, 0)),
                  pl.BlockSpec((_BM, 64), lambda i: (i, 0)),
                  pl.BlockSpec((1, 64), lambda i: (0, 0)),
                  pl.BlockSpec((32, 64), lambda i: (0, 0)),
                  pl.BlockSpec((32, 64), lambda i: (0, 0))],
        out_specs=pl.BlockSpec((_BM, D), lambda i: (i, 0)),
        out_shape=jax.ShapeDtypeStruct((N_NODES, D), jnp.float32),
    )(p0, p1, r1, b1r, w2rel_t, w2root_t)


def _combine2_body(p0_ref, p1_ref, t2_ref, b2_ref, wl_ref, bl_ref, o_ref):
    p0 = p0_ref[...]
    p1 = p1_ref[...]
    t2 = t2_ref[...]
    inv = t2[:, 64:65]
    h = jnp.maximum(
        (p0[:, :32] + p1[:, :32]) * inv + b2_ref[...] + t2[:, 32:64], 0.0)
    o_ref[...] = jnp.dot(h, wl_ref[...],
                         preferred_element_type=jnp.float32) + bl_ref[...]


def _combine2(p0, p1, t2, b2r, wl_t, blr):
    return pl.pallas_call(
        _combine2_body,
        grid=(N_NODES // _BM,),
        in_specs=[pl.BlockSpec((_BM, D), lambda i: (i, 0)),
                  pl.BlockSpec((_BM, D), lambda i: (i, 0)),
                  pl.BlockSpec((_BM, D), lambda i: (i, 0)),
                  pl.BlockSpec((1, 32), lambda i: (0, 0)),
                  pl.BlockSpec((32, 1), lambda i: (0, 0)),
                  pl.BlockSpec((1, 1), lambda i: (0, 0))],
        out_specs=pl.BlockSpec((_BM, 1), lambda i: (i, 0)),
        out_shape=jax.ShapeDtypeStruct((N_NODES, 1), jnp.float32),
    )(p0, p1, t2, b2r, wl_t, blr)


def kernel(x, edge_index, W1_rel, b1, W1_root, W2_rel, b2, W2_root, Wl, bl):
    src = edge_index[0].astype(jnp.int32)
    dst = edge_index[1].astype(jnp.int32)
    j3 = jnp.arange(3 * PCH, dtype=jnp.int32).reshape(PCH, 3)
    pad_src = jnp.broadcast_to(j3, (NW, PCH, 3))
    pad_dst = jnp.broadcast_to(N_NODES + j3, (NW, PCH, 3))
    srcp = jnp.concatenate([src.reshape(NW, PCH, REAL), pad_src], axis=2)
    dstp = jnp.concatenate([dst.reshape(NW, PCH, REAL), pad_dst], axis=2)

    t1, r1 = _mm1(x, W1_rel, W1_root)
    agg = _make_agg()
    sums1 = agg(t1, srcp, dstp)
    t2 = _combine1(sums1[0], sums1[1], r1, b1.reshape(1, 64),
                   W2_rel, W2_root)
    sums2 = agg(t2, srcp, dstp)
    return _combine2(sums2[0], sums2[1], t2, b2.reshape(1, 32),
                     Wl.T, bl.reshape(1, 1))

# --- scband reference (transcript-rebuilt; emitter-appended) ---
"""Pipeline reference for scband-fae-graph-conv-5231270167344 (READ-ONLY COPY).

The authoritative reference and input builder live on the scoring server;
editing this copy changes nothing except your own understanding.
"""

import jax, jax.numpy as jnp
import numpy as np

N_NODES = 10000
N_EDGES = 320000
D_IN = 128


def setup_inputs(seed: int = 0) -> dict:
    key = jax.random.key(seed)
    ks = [jax.random.fold_in(key, i) for i in range(12)]
    x = jax.random.normal(ks[0], (N_NODES, D_IN), dtype=jnp.float32)
    edge_index = jax.random.randint(ks[1], (2, N_EDGES), 0, N_NODES, dtype=jnp.int64)
    # GraphConv(128 -> 64, aggr='mean'): lin_rel (with bias) applied to aggregated
    # neighbor features, lin_root (no bias) applied to root features.
    W1_rel = jax.random.normal(ks[2], (64, D_IN), dtype=jnp.float32) * (1.0 / np.sqrt(D_IN))
    b1 = jnp.zeros((64,), dtype=jnp.float32)
    W1_root = jax.random.normal(ks[3], (64, D_IN), dtype=jnp.float32) * (1.0 / np.sqrt(D_IN))
    # GraphConv(64 -> 32, aggr='mean')
    W2_rel = jax.random.normal(ks[4], (32, 64), dtype=jnp.float32) * (1.0 / np.sqrt(64))
    b2 = jnp.zeros((32,), dtype=jnp.float32)
    W2_root = jax.random.normal(ks[5], (32, 64), dtype=jnp.float32) * (1.0 / np.sqrt(64))
    # Linear(32 -> 1)
    Wl = jax.random.normal(ks[6], (1, 32), dtype=jnp.float32) * (1.0 / np.sqrt(32))
    bl = jnp.zeros((1,), dtype=jnp.float32)
    return {
        "x": x, "edge_index": edge_index,
        "W1_rel": W1_rel, "b1": b1, "W1_root": W1_root,
        "W2_rel": W2_rel, "b2": b2, "W2_root": W2_root,
        "Wl": Wl, "bl": bl,
    }


def _graph_conv_mean(x, src, dst, W_rel, b_rel, W_root, n_nodes):
    # message: x_j gathered from source nodes
    msg = jnp.take(x, src, axis=0)
    summed = jax.ops.segment_sum(msg, dst, num_segments=n_nodes)
    deg = jax.ops.segment_sum(jnp.ones((src.shape[0],), dtype=x.dtype), dst, num_segments=n_nodes)
    mean = summed / jnp.clip(deg, 1.0, None)[:, None]
    return mean @ W_rel.T + b_rel + x @ W_root.T


def reference(x, edge_index, W1_rel, b1, W1_root, W2_rel, b2, W2_root, Wl, bl):
    src = edge_index[0]
    dst = edge_index[1]
    n = x.shape[0]
    h = jax.nn.relu(_graph_conv_mean(x, src, dst, W1_rel, b1, W1_root, n))
    h = jax.nn.relu(_graph_conv_mean(h, src, dst, W2_rel, b2, W2_root, n))
    out = h @ Wl.T + bl
    return out

if __name__ == "__main__":
    import jax
    _d = setup_inputs()
    print(jax.jit(kernel)(*tuple(_d.values())))

</pallas_src>

<mosaic_0001>
#map = affine_map<(d0, d1) -> (0, 0)>
#map1 = affine_map<(d0, d1) -> (0, 0, 0)>
module attributes {stable_mosaic.version = 14 : i64} {
  func.func @_agg_body(%arg0: i32, %arg1: i32, %arg2: memref<10000x80xf32, #tpu.memory_space<hbm>>, %arg3: memref<32x80x128xi32, #tpu.memory_space<hbm>>, %arg4: memref<32x80x128xi32, #tpu.memory_space<hbm>>, %arg5: memref<2x10000x80xf32, #tpu.memory_space<hbm>>, %arg6: memref<80x128xi32, #tpu.memory_space<vmem>>, %arg7: memref<80x128xi32, #tpu.memory_space<vmem>>, %arg8: memref<128x80xf32, #tpu.memory_space<vmem>>, %arg9: memref<128x80xf32, #tpu.memory_space<vmem>>, %arg10: memref<128x80xf32, #tpu.memory_space<vmem>>, %arg11: memref<128x80xf32, #tpu.memory_space<vmem>>, %arg12: memref<10240x80xf32, #tpu.memory_space<vmem_shared>>, %arg13: memref<!tpu.dma_semaphore, #tpu.memory_space<semaphore_mem>>, %arg14: memref<!tpu.dma_semaphore, #tpu.memory_space<semaphore_mem>>, %arg15: memref<!tpu.dma_semaphore, #tpu.memory_space<semaphore_mem>>, %arg16: memref<!tpu.dma_semaphore, #tpu.memory_space<semaphore_mem>>, %arg17: memref<!tpu.dma_semaphore, #tpu.memory_space<semaphore_mem>>) attributes {dimension_semantics = [#tpu.dimension_semantics<core_parallel>, #tpu.dimension_semantics<subcore_parallel>], iteration_bounds = array<i64: 2, 16>, scalar_prefetch = 0 : i64, scratch_operands = 12 : i64, tpu.core_type = #tpu.core_type<sc_vector_subcore>, window_params = [{transform_indices = #map}, {transform_indices = #map1}, {transform_indices = #map1}, {transform_indices = #map1}]} {
    %broadcast_in_dim3A = arith.constant 0.000000e+00 : f32
    %broadcast_in_dim3A_0 = vector.broadcast %broadcast_in_dim3A : f32 to vector<16xf32>
    %mul3A = arith.constant 2 : i32
    %mul3A_1 = arith.muli %arg1, %mul3A : i32
    %add3A = arith.addi %mul3A_1, %arg0 : i32
    %scan3A = arith.constant 0 : i32
    %scan3A_2 = arith.constant 0 : i32
    %scan3A_3 = arith.constant 128 : i32
    %scan3A_4 = arith.addi %scan3A_2, %scan3A_3 : i32
    %scan3A_5 = arith.constant 1 : i32
    scf.for %scan3A_21 = %scan3A_2 to %scan3A_4 step %scan3A_5  : i32 {
      %swap3A = arith.index_cast %scan3A_21 : i32 to index
      %swap3A_22 = arith.constant 0 : index
      %swap3A_23 = tpu.vector_load %arg8[%swap3A, %swap3A_22] {strides = array<i32>} : memref<128x80xf32, #tpu.memory_space<vmem>>, vector<1x16xf32>,
      %swap3A_24 = vector.shape_cast %swap3A_23 : vector<1x16xf32> to vector<16xf32>
      %swap3A_25 = vector.shape_cast %broadcast_in_dim3A_0 : vector<16xf32> to vector<1x16xf32>
      tpu.vector_store %arg8[%swap3A, %swap3A_22], %swap3A_25 {strides = array<i32>} : memref<128x80xf32, #tpu.memory_space<vmem>>, vector<1x16xf32>,
      %swap3A_26 = arith.index_cast %scan3A_21 : i32 to index
      %swap3A_27 = arith.constant 16 : index
      %swap3A_28 = tpu.vector_load %arg8[%swap3A_26, %swap3A_27] {strides = array<i32>} : memref<128x80xf32, #tpu.memory_space<vmem>>, vector<1x16xf32>,
      %swap3A_29 = vector.shape_cast %swap3A_28 : vector<1x16xf32> to vector<16xf32>
      %swap3A_30 = vector.shape_cast %broadcast_in_dim3A_0 : vector<16xf32> to vector<1x16xf32>
      tpu.vector_store %arg8[%swap3A_26, %swap3A_27], %swap3A_30 {strides = array<i32>} : memref<128x80xf32, #tpu.memory_space<vmem>>, vector<1x16xf32>,
      %swap3A_31 = arith.index_cast %scan3A_21 : i32 to index
      %swap3A_32 = arith.constant 32 : index
      %swap3A_33 = tpu.vector_load %arg8[%swap3A_31, %swap3A_32] {strides = array<i32>} : memref<128x80xf32, #tpu.memory_space<vmem>>, vector<1x16xf32>,
      %swap3A_34 = vector.shape_cast %swap3A_33 : vector<1x16xf32> to vector<16xf32>
      %swap3A_35 = vector.shape_cast %broadcast_in_dim3A_0 : vector<16xf32> to vector<1x16xf32>
      tpu.vector_store %arg8[%swap3A_31, %swap3A_32], %swap3A_35 {strides = array<i32>} : memref<128x80xf32, #tpu.memory_space<vmem>>, vector<1x16xf32>,
      %swap3A_36 = arith.index_cast %scan3A_21 : i32 to index
      %swap3A_37 = arith.constant 48 : index
      %swap3A_38 = tpu.vector_load %arg8[%swap3A_36, %swap3A_37] {strides = array<i32>} : memref<128x80xf32, #tpu.memory_space<vmem>>, vector<1x16xf32>,
      %swap3A_39 = vector.shape_cast %swap3A_38 : vector<1x16xf32> to vector<16xf32>
      %swap3A_40 = vector.shape_cast %broadcast_in_dim3A_0 : vector<16xf32> to vector<1x16xf32>
      tpu.vector_store %arg8[%swap3A_36, %swap3A_37], %swap3A_40 {strides = array<i32>} : memref<128x80xf32, #tpu.memory_space<vmem>>, vector<1x16xf32>,
      %swap3A_41 = arith.index_cast %scan3A_21 : i32 to index
      %swap3A_42 = arith.constant 64 : index
      %swap3A_43 = tpu.vector_load %arg8[%swap3A_41, %swap3A_42] {strides = array<i32>} : memref<128x80xf32, #tpu.memory_space<vmem>>, vector<1x16xf32>,
      %swap3A_44 = vector.shape_cast %swap3A_43 : vector<1x16xf32> to vector<16xf32>
      %swap3A_45 = vector.shape_cast %broadcast_in_dim3A_0 : vector<16xf32> to vector<1x16xf32>
      tpu.vector_store %arg8[%swap3A_41, %swap3A_42], %swap3A_45 {strides = array<i32>} : memref<128x80xf32, #tpu.memory_space<vmem>>, vector<1x16xf32>,
    }
    %scan3A_6 = arith.constant 128 : i32
    %lt3A = arith.constant 10 : i32
    %lt3A_7 = arith.cmpi slt, %arg1, %lt3A : i32
    %convert_element_type3A = arith.extui %lt3A_7 : i1 to i32
    %cond3A = arith.constant 0 : i32
    %cond3A_8 = arith.cmpi ne, %convert_element_type3A, %cond3A : i32
    scf.if %cond3A_8 {
      %mul3A_21 = arith.constant 1000 : i32
      %mul3A_22 = arith.muli %arg1, %mul3A_21 : i32
      %add3A_23 = arith.constant 0 : i32
      %add3A_24 = arith.addi %mul3A_22, %add3A_23 : i32
      "tpu.region"() ({
        %run_scoped3A = tpu.sem_alloc : memref<!tpu.dma_semaphore, #tpu.memory_space<semaphore_mem>>
        %dma_start3A = arith.constant 0 : i32
        %dma_start3A_65 = arith.constant 0 : i32
        %dma_start3A_66 = tpu.memref_slice %arg8[%dma_start3A, %dma_start3A_65] : memref<128x80xf32, #tpu.memory_space<vmem>> -> memref<96x80xf32, #tpu.memory_space<vmem>>
        %dma_start3A_67 = arith.constant 0 : i32
        %dma_start3A_68 = tpu.memref_slice %arg12[%add3A_24, %dma_start3A_67] : memref<10240x80xf32, #tpu.memory_space<vmem_shared>> -> memref<96x80xf32, #tpu.memory_space<vmem_shared>>
        %dma_start3A_69 = arith.constant 0 : i32
        %dma_start3A_70 = tpu.memref_slice %arg12[%add3A_24, %dma_start3A_69] : memref<10240x80xf32, #tpu.memory_space<vmem_shared>> -> memref<96x80xf32, #tpu.memory_space<vmem_shared>>
        %dma_start3A_71 = arith.constant 0 : i32
        %dma_start3A_72 = arith.constant 0 : i32
        %dma_start3A_73 = tpu.memref_slice %arg8[%dma_start3A_71, %dma_start3A_72] : memref<128x80xf32, #tpu.memory_space<vmem>> -> memref<96x80xf32, #tpu.memory_space<vmem>>
        tpu.enqueue_dma source(%dma_start3A_73 : memref<96x80xf32, #tpu.memory_space<vmem>>) target(%dma_start3A_70 : memref<96x80xf32, #tpu.memory_space<vmem_shared>>) target_semaphore(%run_scoped3A : memref<!tpu.dma_semaphore, #tpu.memory_space<semaphore_mem>>)
        %dma_wait3A = arith.constant 0 : i32
        %dma_wait3A_74 = arith.constant 0 : i32
        %dma_wait3A_75 = tpu.memref_slice %arg8[%dma_wait3A, %dma_wait3A_74] : memref<128x80xf32, #tpu.memory_space<vmem>> -> memref<96x80xf32, #tpu.memory_space<vmem>>
        %dma_wait3A_76 = arith.constant 0 : i32
        %dma_wait3A_77 = tpu.memref_slice %arg12[%add3A_24, %dma_wait3A_76] : memref<10240x80xf32, #tpu.memory_space<vmem_shared>> -> memref<96x80xf32, #tpu.memory_space<vmem_shared>>
        %dma_wait3A_78 = arith.constant 0 : i32
        %dma_wait3A_79 = tpu.memref_slice %arg12[%add3A_24, %dma_wait3A_78] : memref<10240x80xf32, #tpu.memory_space<vmem_shared>> -> memref<96x80xf32, #tpu.memory_space<vmem_shared>>
        %dma_wait3A_80 = arith.constant 0 : i32
        %dma_wait3A_81 = arith.constant 0 : i32
        %dma_wait3A_82 = tpu.memref_slice %arg8[%dma_wait3A_80, %dma_wait3A_81] : memref<128x80xf32, #tpu.memory_space<vmem>> -> memref<96x80xf32, #tpu.memory_space<vmem>>
        tpu.wait_dma2 semaphore(%run_scoped3A : memref<!tpu.dma_semaphore, #tpu.memory_space<semaphore_mem>>) src(%dma_wait3A_82 : memref<96x80xf32, #tpu.memory_space<vmem>>) dst(%dma_wait3A_79 : memref<96x80xf32, #tpu.memory_space<vmem_shared>>)
        tpu.yield
      }) : () -> ()
      %mul3A_25 = arith.constant 1000 : i32
      %mul3A_26 = arith.muli %arg1, %mul3A_25 : i32
      %add3A_27 = arith.constant 96 : i32
      %add3A_28 = arith.addi %mul3A_26, %add3A_27 : i32
      "tpu.region"() ({
        %run_scoped3A = tpu.sem_alloc : memref<!tpu.dma_semaphore, #tpu.memory_space<semaphore_mem>>
        %dma_start3A = arith.constant 0 : i32
        %dma_start3A_65 = arith.constant 0 : i32
        %dma_start3A_66 = tpu.memref_slice %arg8[%dma_start3A, %dma_start3A_65] : memref<128x80xf32, #tpu.memory_space<vmem>> -> memref<96x80xf32, #tpu.memory_space<vmem>>
        %dma_start3A_67 = arith.constant 0 : i32
        %dma_start3A_68 = tpu.memref_slice %arg12[%add3A_28, %dma_start3A_67] : memref<10240x80xf32, #tpu.memory_space<vmem_shared>> -> memref<96x80xf32, #tpu.memory_space<vmem_shared>>
        %dma_start3A_69 = arith.constant 0 : i32
        %dma_start3A_70 = tpu.memref_slice %arg12[%add3A_28, %dma_start3A_69] : memref<10240x80xf32, #tpu.memory_space<vmem_shared>> -> memref<96x80xf32, #tpu.memory_space<vmem_shared>>
        %dma_start3A_71 = arith.constant 0 : i32
        %dma_start3A_72 = arith.constant 0 : i32
        %dma_start3A_73 = tpu.memref_slice %arg8[%dma_start3A_71, %dma_start3A_72] : memref<128x80xf32, #tpu.memory_space<vmem>> -> memref<96x80xf32, #tpu.memory_space<vmem>>
        tpu.enqueue_dma source(%dma_start3A_73 : memref<96x80xf32, #tpu.memory_space<vmem>>) target(%dma_start3A_70 : memref<96x80xf32, #tpu.memory_space<vmem_shared>>) target_semaphore(%run_scoped3A : memref<!tpu.dma_semaphore, #tpu.memory_space<semaphore_mem>>)
        %dma_wait3A = arith.constant 0 : i32
        %dma_wait3A_74 = arith.constant 0 : i32
        %dma_wait3A_75 = tpu.memref_slice %arg8[%dma_wait3A, %dma_wait3A_74] : memref<128x80xf32, #tpu.memory_space<vmem>> -> memref<96x80xf32, #tpu.memory_space<vmem>>
        %dma_wait3A_76 = arith.constant 0 : i32
        %dma_wait3A_77 = tpu.memref_slice %arg12[%add3A_28, %dma_wait3A_76] : memref<10240x80xf32, #tpu.memory_space<vmem_shared>> -> memref<96x80xf32, #tpu.memory_space<vmem_shared>>
        %dma_wait3A_78 = arith.constant 0 : i32
        %dma_wait3A_79 = tpu.memref_slice %arg12[%add3A_28, %dma_wait3A_78] : memref<10240x80xf32, #tpu.memory_space<vmem_shared>> -> memref<96x80xf32, #tpu.memory_space<vmem_shared>>
        %dma_wait3A_80 = arith.constant 0 : i32
        %dma_wait3A_81 = arith.constant 0 : i32
        %dma_wait3A_82 = tpu.memref_slice %arg8[%dma_wait3A_80, %dma_wait3A_81] : memref<128x80xf32, #tpu.memory_space<vmem>> -> memref<96x80xf32, #tpu.memory_space<vmem>>
        tpu.wait_dma2 semaphore(%run_scoped3A : memref<!tpu.dma_semaphore, #tpu.memory_space<semaphore_mem>>) src(%dma_wait3A_82 : memref<96x80xf32, #tpu.memory_space<vmem>>) dst(%dma_wait3A_79 : memref<96x80xf32, #tpu.memory_space<vmem_shared>>)
        tpu.yield
      }) : () -> ()
      %mul3A_29 = arith.constant 1000 : i32
      %mul3A_30 = arith.muli %arg1, %mul3A_29 : i32
      %add3A_31 = arith.constant 192 : i32
      %add3A_32 = arith.addi %mul3A_30, %add3A_31 : i32
      "tpu.region"() ({
        %run_scoped3A = tpu.sem_alloc : memref<!tpu.dma_semaphore, #tpu.memory_space<semaphore_mem>>
        %dma_start3A = arith.constant 0 : i32
        %dma_start3A_65 = arith.constant 0 : i32
        %dma_start3A_66 = tpu.memref_slice %arg8[%dma_start3A, %dma_start3A_65] : memref<128x80xf32, #tpu.memory_space<vmem>> -> memref<96x80xf32, #tpu.memory_space<vmem>>
        %dma_start3A_67 = arith.constant 0 : i32
        %dma_start3A_68 = tpu.memref_slice %arg12[%add3A_32, %dma_start3A_67] : memref<10240x80xf32, #tpu.memory_space<vmem_shared>> -> memref<96x80xf32, #tpu.memory_space<vmem_shared>>
        %dma_start3A_69 = arith.constant 0 : i32
        %dma_start3A_70 = tpu.memref_slice %arg12[%add3A_32, %dma_start3A_69] : memref<10240x80xf32, #tpu.memory_space<vmem_shared>> -> memref<96x80xf32, #tpu.memory_space<vmem_shared>>
        %dma_start3A_71 = arith.constant 0 : i32
        %dma_start3A_72 = arith.constant 0 : i32
        %dma_start3A_73 = tpu.memref_slice %arg8[%dma_start3A_71, %dma_start3A_72] : memref<128x80xf32, #tpu.memory_space<vmem>> -> memref<96x80xf32, #tpu.memory_space<vmem>>
        tpu.enqueue_dma source(%dma_start3A_73 : memref<96x80xf32, #tpu.memory_space<vmem>>) target(%dma_start3A_70 : memref<96x80xf32, #tpu.memory_space<vmem_shared>>) target_semaphore(%run_scoped3A : memref<!tpu.dma_semaphore, #tpu.memory_space<semaphore_mem>>)
        %dma_wait3A = arith.constant 0 : i32
        %dma_wait3A_74 = arith.constant 0 : i32
        %dma_wait3A_75 = tpu.memref_slice %arg8[%dma_wait3A, %dma_wait3A_74] : memref<128x80xf32, #tpu.memory_space<vmem>> -> memref<96x80xf32, #tpu.memory_space<vmem>>
        %dma_wait3A_76 = arith.constant 0 : i32
        %dma_wait3A_77 = tpu.memref_slice %arg12[%add3A_32, %dma_wait3A_76] : memref<10240x80xf32, #tpu.memory_space<vmem_shared>> -> memref<96x80xf32, #tpu.memory_space<vmem_shared>>
        %dma_wait3A_78 = arith.constant 0 : i32
        %dma_wait3A_79 = tpu.memref_slice %arg12[%add3A_32, %dma_wait3A_78] : memref<10240x80xf32, #tpu.memory_space<vmem_shared>> -> memref<96x80xf32, #tpu.memory_space<vmem_shared>>
        %dma_wait3A_80 = arith.constant 0 : i32
        %dma_wait3A_81 = arith.constant 0 : i32
        %dma_wait3A_82 = tpu.memref_slice %arg8[%dma_wait3A_80, %dma_wait3A_81] : memref<128x80xf32, #tpu.memory_space<vmem>> -> memref<96x80xf32, #tpu.memory_space<vmem>>
        tpu.wait_dma2 semaphore(%run_scoped3A : memref<!tpu.dma_semaphore, #tpu.memory_space<semaphore_mem>>) src(%dma_wait3A_82 : memref<96x80xf32, #tpu.memory_space<vmem>>) dst(%dma_wait3A_79 : memref<96x80xf32, #tpu.memory_space<vmem_shared>>)
        tpu.yield
      }) : () -> ()
      %mul3A_33 = arith.constant 1000 : i32
      %mul3A_34 = arith.muli %arg1, %mul3A_33 : i32
      %add3A_35 = arith.constant 288 : i32
      %add3A_36 = arith.addi %mul3A_34, %add3A_35 : i32
      "tpu.region"() ({
        %run_scoped3A = tpu.sem_alloc : memref<!tpu.dma_semaphore, #tpu.memory_space<semaphore_mem>>
        %dma_start3A = arith.constant 0 : i32
        %dma_start3A_65 = arith.constant 0 : i32
        %dma_start3A_66 = tpu.memref_slice %arg8[%dma_start3A, %dma_start3A_65] : memref<128x80xf32, #tpu.memory_space<vmem>> -> memref<96x80xf32, #tpu.memory_space<vmem>>
        %dma_start3A_67 = arith.constant 0 : i32
        %dma_start3A_68 = tpu.memref_slice %arg12[%add3A_36, %dma_start3A_67] : memref<10240x80xf32, #tpu.memory_space<vmem_shared>> -> memref<96x80xf32, #tpu.memory_space<vmem_shared>>
        %dma_start3A_69 = arith.constant 0 : i32
        %dma_start3A_70 = tpu.memref_slice %arg12[%add3A_36, %dma_start3A_69] : memref<10240x80xf32, #tpu.memory_space<vmem_shared>> -> memref<96x80xf32, #tpu.memory_space<vmem_shared>>
        %dma_start3A_71 = arith.constant 0 : i32
        %dma_start3A_72 = arith.constant 0 : i32
        %dma_start3A_73 = tpu.memref_slice %arg8[%dma_start3A_71, %dma_start3A_72] : memref<128x80xf32, #tpu.memory_space<vmem>> -> memref<96x80xf32, #tpu.memory_space<vmem>>
        tpu.enqueue_dma source(%dma_start3A_73 : memref<96x80xf32, #tpu.memory_space<vmem>>) target(%dma_start3A_70 : memref<96x80xf32, #tpu.memory_space<vmem_shared>>) target_semaphore(%run_scoped3A : memref<!tpu.dma_semaphore, #tpu.memory_space<semaphore_mem>>)
        %dma_wait3A = arith.constant 0 : i32
        %dma_wait3A_74 = arith.constant 0 : i32
        %dma_wait3A_75 = tpu.memref_slice %arg8[%dma_wait3A, %dma_wait3A_74] : memref<128x80xf32, #tpu.memory_space<vmem>> -> memref<96x80xf32, #tpu.memory_space<vmem>>
        %dma_wait3A_76 = arith.constant 0 : i32
        %dma_wait3A_77 = tpu.memref_slice %arg12[%add3A_36, %dma_wait3A_76] : memref<10240x80xf32, #tpu.memory_space<vmem_shared>> -> memref<96x80xf32, #tpu.memory_space<vmem_shared>>
        %dma_wait3A_78 = arith.constant 0 : i32
        %dma_wait3A_79 = tpu.memref_slice %arg12[%add3A_36, %dma_wait3A_78] : memref<10240x80xf32, #tpu.memory_space<vmem_shared>> -> memref<96x80xf32, #tpu.memory_space<vmem_shared>>
        %dma_wait3A_80 = arith.constant 0 : i32
        %dma_wait3A_81 = arith.constant 0 : i32
        %dma_wait3A_82 = tpu.memref_slice %arg8[%dma_wait3A_80, %dma_wait3A_81] : memref<128x80xf32, #tpu.memory_space<vmem>> -> memref<96x80xf32, #tpu.memory_space<vmem>>
        tpu.wait_dma2 semaphore(%run_scoped3A : memref<!tpu.dma_semaphore, #tpu.memory_space<semaphore_mem>>) src(%dma_wait3A_82 : memref<96x80xf32, #tpu.memory_space<vmem>>) dst(%dma_wait3A_79 : memref<96x80xf32, #tpu.memory_space<vmem_shared>>)
        tpu.yield
      }) : () -> ()
      %mul3A_37 = arith.constant 1000 : i32
      %mul3A_38 = arith.muli %arg1, %mul3A_37 : i32
      %add3A_39 = arith.constant 384 : i32
      %add3A_40 = arith.addi %mul3A_38, %add3A_39 : i32
      "tpu.region"() ({
        %run_scoped3A = tpu.sem_alloc : memref<!tpu.dma_semaphore, #tpu.memory_space<semaphore_mem>>
        %dma_start3A = arith.constant 0 : i32
        %dma_start3A_65 = arith.constant 0 : i32
        %dma_start3A_66 = tpu.memref_slice %arg8[%dma_start3A, %dma_start3A_65] : memref<128x80xf32, #tpu.memory_space<vmem>> -> memref<96x80xf32, #tpu.memory_space<vmem>>
        %dma_start3A_67 = arith.constant 0 : i32
        %dma_start3A_68 = tpu.memref_slice %arg12[%add3A_40, %dma_start3A_67] : memref<10240x80xf32, #tpu.memory_space<vmem_shared>> -> memref<96x80xf32, #tpu.memory_space<vmem_shared>>
        %dma_start3A_69 = arith.constant 0 : i32
        %dma_start3A_70 = tpu.memref_slice %arg12[%add3A_40, %dma_start3A_69] : memref<10240x80xf32, #tpu.memory_space<vmem_shared>> -> memref<96x80xf32, #tpu.memory_space<vmem_shared>>
        %dma_start3A_71 = arith.constant 0 : i32
        %dma_start3A_72 = arith.constant 0 : i32
        %dma_start3A_73 = tpu.memref_slice %arg8[%dma_start3A_71, %dma_start3A_72] : memref<128x80xf32, #tpu.memory_space<vmem>> -> memref<96x80xf32, #tpu.memory_space<vmem>>
        tpu.enqueue_dma source(%dma_start3A_73 : memref<96x80xf32, #tpu.memory_space<vmem>>) target(%dma_start3A_70 : memref<96x80xf32, #tpu.memory_space<vmem_shared>>) target_semaphore(%run_scoped3A : memref<!tpu.dma_semaphore, #tpu.memory_space<semaphore_mem>>)
        %dma_wait3A = arith.constant 0 : i32
        %dma_wait3A_74 = arith.constant 0 : i32
        %dma_wait3A_75 = tpu.memref_slice %arg8[%dma_wait3A, %dma_wait3A_74] : memref<128x80xf32, #tpu.memory_space<vmem>> -> memref<96x80xf32, #tpu.memory_space<vmem>>
        %dma_wait3A_76 = arith.constant 0 : i32
        %dma_wait3A_77 = tpu.memref_slice %arg12[%add3A_40, %dma_wait3A_76] : memref<10240x80xf32, #tpu.memory_space<vmem_shared>> -> memref<96x80xf32, #tpu.memory_space<vmem_shared>>
        %dma_wait3A_78 = arith.constant 0 : i32
        %dma_wait3A_79 = tpu.memref_slice %arg12[%add3A_40, %dma_wait3A_78] : memref<10240x80xf32, #tpu.memory_space<vmem_shared>> -> memref<96x80xf32, #tpu.memory_space<vmem_shared>>
        %dma_wait3A_80 = arith.constant 0 : i32
        %dma_wait3A_81 = arith.constant 0 : i32
        %dma_wait3A_82 = tpu.memref_slice %arg8[%dma_wait3A_80, %dma_wait3A_81] : memref<128x80xf32, #tpu.memory_space<vmem>> -> memref<96x80xf32, #tpu.memory_space<vmem>>
        tpu.wait_dma2 semaphore(%run_scoped3A : memref<!tpu.dma_semaphore, #tpu.memory_space<semaphore_mem>>) src(%dma_wait3A_82 : memref<96x80xf32, #tpu.memory_space<vmem>>) dst(%dma_wait3A_79 : memref<96x80xf32, #tpu.memory_space<vmem_shared>>)
        tpu.yield
      }) : () -> ()
      %mul3A_41 = arith.constant 1000 : i32
      %mul3A_42 = arith.muli %arg1, %mul3A_41 : i32
      %add3A_43 = arith.constant 480 : i32
      %add3A_44 = arith.addi %mul3A_42, %add3A_43 : i32
      "tpu.region"() ({
        %run_scoped3A = tpu.sem_alloc : memref<!tpu.dma_semaphore, #tpu.memory_space<semaphore_mem>>
        %dma_start3A = arith.constant 0 : i32
        %dma_start3A_65 = arith.constant 0 : i32
        %dma_start3A_66 = tpu.memref_slice %arg8[%dma_start3A, %dma_start3A_65] : memref<128x80xf32, #tpu.memory_space<vmem>> -> memref<96x80xf32, #tpu.memory_space<vmem>>
        %dma_start3A_67 = arith.constant 0 : i32
        %dma_start3A_68 = tpu.memref_slice %arg12[%add3A_44, %dma_start3A_67] : memref<10240x80xf32, #tpu.memory_space<vmem_shared>> -> memref<96x80xf32, #tpu.memory_space<vmem_shared>>
        %dma_start3A_69 = arith.constant 0 : i32
        %dma_start3A_70 = tpu.memref_slice %arg12[%add3A_44, %dma_start3A_69] : memref<10240x80xf32, #tpu.memory_space<vmem_shared>> -> memref<96x80xf32, #tpu.memory_space<vmem_shared>>
        %dma_start3A_71 = arith.constant 0 : i32
        %dma_start3A_72 = arith.constant 0 : i32
        %dma_start3A_73 = tpu.memref_slice %arg8[%dma_start3A_71, %dma_start3A_72] : memref<128x80xf32, #tpu.memory_space<vmem>> -> memref<96x80xf32, #tpu.memory_space<vmem>>
        tpu.enqueue_dma source(%dma_start3A_73 : memref<96x80xf32, #tpu.memory_space<vmem>>) target(%dma_start3A_70 : memref<96x80xf32, #tpu.memory_space<vmem_shared>>) target_semaphore(%run_scoped3A : memref<!tpu.dma_semaphore, #tpu.memory_space<semaphore_mem>>)
        %dma_wait3A = arith.constant 0 : i32
        %dma_wait3A_74 = arith.constant 0 : i32
        %dma_wait3A_75 = tpu.memref_slice %arg8[%dma_wait3A, %dma_wait3A_74] : memref<128x80xf32, #tpu.memory_space<vmem>> -> memref<96x80xf32, #tpu.memory_space<vmem>>
        %dma_wait3A_76 = arith.constant 0 : i32
        %dma_wait3A_77 = tpu.memref_slice %arg12[%add3A_44, %dma_wait3A_76] : memref<10240x80xf32, #tpu.memory_space<vmem_shared>> -> memref<96x80xf32, #tpu.memory_space<vmem_shared>>
        %dma_wait3A_78 = arith.constant 0 : i32
        %dma_wait3A_79 = tpu.memref_slice %arg12[%add3A_44, %dma_wait3A_78] : memref<10240x80xf32, #tpu.memory_space<vmem_shared>> -> memref<96x80xf32, #tpu.memory_space<vmem_shared>>
        %dma_wait3A_80 = arith.constant 0 : i32
        %dma_wait3A_81 = arith.constant 0 : i32
        %dma_wait3A_82 = tpu.memref_slice %arg8[%dma_wait3A_80, %dma_wait3A_81] : memref<128x80xf32, #tpu.memory_space<vmem>> -> memref<96x80xf32, #tpu.memory_space<vmem>>
        tpu.wait_dma2 semaphore(%run_scoped3A : memref<!tpu.dma_semaphore, #tpu.memory_space<semaphore_mem>>) src(%dma_wait3A_82 : memref<96x80xf32, #tpu.memory_space<vmem>>) dst(%dma_wait3A_79 : memref<96x80xf32, #tpu.memory_space<vmem_shared>>)
        tpu.yield
      }) : () -> ()
      %mul3A_45 = arith.constant 1000 : i32
      %mul3A_46 = arith.muli %arg1, %mul3A_45 : i32
      %add3A_47 = arith.constant 576 : i32
      %add3A_48 = arith.addi %mul3A_46, %add3A_47 : i32
      "tpu.region"() ({
        %run_scoped3A = tpu.sem_alloc : memref<!tpu.dma_semaphore, #tpu.memory_space<semaphore_mem>>
        %dma_start3A = arith.constant 0 : i32
        %dma_start3A_65 = arith.constant 0 : i32
        %dma_start3A_66 = tpu.memref_slice %arg8[%dma_start3A, %dma_start3A_65] : memref<128x80xf32, #tpu.memory_space<vmem>> -> memref<96x80xf32, #tpu.memory_space<vmem>>
        %dma_start3A_67 = arith.constant 0 : i32
        %dma_start3A_68 = tpu.memref_slice %arg12[%add3A_48, %dma_start3A_67] : memref<10240x80xf32, #tpu.memory_space<vmem_shared>> -> memref<96x80xf32, #tpu.memory_space<vmem_shared>>
        %dma_start3A_69 = arith.constant 0 : i32
        %dma_start3A_70 = tpu.memref_slice %arg12[%add3A_48, %dma_start3A_69] : memref<10240x80xf32, #tpu.memory_space<vmem_shared>> -> memref<96x80xf32, #tpu.memory_space<vmem_shared>>
        %dma_start3A_71 = arith.constant 0 : i32
        %dma_start3A_72 = arith.constant 0 : i32
        %dma_start3A_73 = tpu.memref_slice %arg8[%dma_start3A_71, %dma_start3A_72] : memref<128x80xf32, #tpu.memory_space<vmem>> -> memref<96x80xf32, #tpu.memory_space<vmem>>
        tpu.enqueue_dma source(%dma_start3A_73 : memref<96x80xf32, #tpu.memory_space<vmem>>) target(%dma_start3A_70 : memref<96x80xf32, #tpu.memory_space<vmem_shared>>) target_semaphore(%run_scoped3A : memref<!tpu.dma_semaphore, #tpu.memory_space<semaphore_mem>>)
        %dma_wait3A = arith.constant 0 : i32
        %dma_wait3A_74 = arith.constant 0 : i32
        %dma_wait3A_75 = tpu.memref_slice %arg8[%dma_wait3A, %dma_wait3A_74] : memref<128x80xf32, #tpu.memory_space<vmem>> -> memref<96x80xf32, #tpu.memory_space<vmem>>
        %dma_wait3A_76 = arith.constant 0 : i32
        %dma_wait3A_77 = tpu.memref_slice %arg12[%add3A_48, %dma_wait3A_76] : memref<10240x80xf32, #tpu.memory_space<vmem_shared>> -> memref<96x80xf32, #tpu.memory_space<vmem_shared>>
        %dma_wait3A_78 = arith.constant 0 : i32
        %dma_wait3A_79 = tpu.memref_slice %arg12[%add3A_48, %dma_wait3A_78] : memref<10240x80xf32, #tpu.memory_space<vmem_shared>> -> memref<96x80xf32, #tpu.memory_space<vmem_shared>>
        %dma_wait3A_80 = arith.constant 0 : i32
        %dma_wait3A_81 = arith.constant 0 : i32
        %dma_wait3A_82 = tpu.memref_slice %arg8[%dma_wait3A_80, %dma_wait3A_81] : memref<128x80xf32, #tpu.memory_space<vmem>> -> memref<96x80xf32, #tpu.memory_space<vmem>>
        tpu.wait_dma2 semaphore(%run_scoped3A : memref<!tpu.dma_semaphore, #tpu.memory_space<semaphore_mem>>) src(%dma_wait3A_82 : memref<96x80xf32, #tpu.memory_space<vmem>>) dst(%dma_wait3A_79 : memref<96x80xf32, #tpu.memory_space<vmem_shared>>)
        tpu.yield
      }) : () -> ()
      %mul3A_49 = arith.constant 1000 : i32
      %mul3A_50 = arith.muli %arg1, %mul3A_49 : i32
      %add3A_51 = arith.constant 672 : i32
      %add3A_52 = arith.addi %mul3A_50, %add3A_51 : i32
      "tpu.region"() ({
        %run_scoped3A = tpu.sem_alloc : memref<!tpu.dma_semaphore, #tpu.memory_space<semaphore_mem>>
        %dma_start3A = arith.constant 0 : i32
        %dma_start3A_65 = arith.constant 0 : i32
        %dma_start3A_66 = tpu.memref_slice %arg8[%dma_start3A, %dma_start3A_65] : memref<128x80xf32, #tpu.memory_space<vmem>> -> memref<96x80xf32, #tpu.memory_space<vmem>>
        %dma_start3A_67 = arith.constant 0 : i32
        %dma_start3A_68 = tpu.memref_slice %arg12[%add3A_52, %dma_start3A_67] : memref<10240x80xf32, #tpu.memory_space<vmem_shared>> -> memref<96x80xf32, #tpu.memory_space<vmem_shared>>
        %dma_start3A_69 = arith.constant 0 : i32
        %dma_start3A_70 = tpu.memref_slice %arg12[%add3A_52, %dma_start3A_69] : memref<10240x80xf32, #tpu.memory_space<vmem_shared>> -> memref<96x80xf32, #tpu.memory_space<vmem_shared>>
        %dma_start3A_71 = arith.constant 0 : i32
        %dma_start3A_72 = arith.constant 0 : i32
        %dma_start3A_73 = tpu.memref_slice %arg8[%dma_start3A_71, %dma_start3A_72] : memref<128x80xf32, #tpu.memory_space<vmem>> -> memref<96x80xf32, #tpu.memory_space<vmem>>
        tpu.enqueue_dma source(%dma_start3A_73 : memref<96x80xf32, #tpu.memory_space<vmem>>) target(%dma_start3A_70 : memref<96x80xf32, #tpu.memory_space<vmem_shared>>) target_semaphore(%run_scoped3A : memref<!tpu.dma_semaphore, #tpu.memory_space<semaphore_mem>>)
        %dma_wait3A = arith.constant 0 : i32
        %dma_wait3A_74 = arith.constant 0 : i32
        %dma_wait3A_75 = tpu.memref_slice %arg8[%dma_wait3A, %dma_wait3A_74] : memref<128x80xf32, #tpu.memory_space<vmem>> -> memref<96x80xf32, #tpu.memory_space<vmem>>
        %dma_wait3A_76 = arith.constant 0 : i32
        %dma_wait3A_77 = tpu.memref_slice %arg12[%add3A_52, %dma_wait3A_76] : memref<10240x80xf32, #tpu.memory_space<vmem_shared>> -> memref<96x80xf32, #tpu.memory_space<vmem_shared>>
        %dma_wait3A_78 = arith.constant 0 : i32
        %dma_wait3A_79 = tpu.memref_slice %arg12[%add3A_52, %dma_wait3A_78] : memref<10240x80xf32, #tpu.memory_space<vmem_shared>> -> memref<96x80xf32, #tpu.memory_space<vmem_shared>>
        %dma_wait3A_80 = arith.constant 0 : i32
        %dma_wait3A_81 = arith.constant 0 : i32
        %dma_wait3A_82 = tpu.memref_slice %arg8[%dma_wait3A_80, %dma_wait3A_81] : memref<128x80xf32, #tpu.memory_space<vmem>> -> memref<96x80xf32, #tpu.memory_space<vmem>>
        tpu.wait_dma2 semaphore(%run_scoped3A : memref<!tpu.dma_semaphore, #tpu.memory_space<semaphore_mem>>) src(%dma_wait3A_82 : memref<96x80xf32, #tpu.memory_space<vmem>>) dst(%dma_wait3A_79 : memref<96x80xf32, #tpu.memory_space<vmem_shared>>)
        tpu.yield
      }) : () -> ()
      %mul3A_53 = arith.constant 1000 : i32
      %mul3A_54 = arith.muli %arg1, %mul3A_53 : i32
      %add3A_55 = arith.constant 768 : i32
      %add3A_56 = arith.addi %mul3A_54, %add3A_55 : i32
      "tpu.region"() ({
        %run_scoped3A = tpu.sem_alloc : memref<!tpu.dma_semaphore, #tpu.memory_space<semaphore_mem>>
        %dma_start3A = arith.constant 0 : i32
        %dma_start3A_65 = arith.constant 0 : i32
        %dma_start3A_66 = tpu.memref_slice %arg8[%dma_start3A, %dma_start3A_65] : memref<128x80xf32, #tpu.memory_space<vmem>> -> memref<96x80xf32, #tpu.memory_space<vmem>>
        %dma_start3A_67 = arith.constant 0 : i32
        %dma_start3A_68 = tpu.memref_slice %arg12[%add3A_56, %dma_start3A_67] : memref<10240x80xf32, #tpu.memory_space<vmem_shared>> -> memref<96x80xf32, #tpu.memory_space<vmem_shared>>
        %dma_start3A_69 = arith.constant 0 : i32
        %dma_start3A_70 = tpu.memref_slice %arg12[%add3A_56, %dma_start3A_69] : memref<10240x80xf32, #tpu.memory_space<vmem_shared>> -> memref<96x80xf32, #tpu.memory_space<vmem_shared>>
        %dma_start3A_71 = arith.constant 0 : i32
        %dma_start3A_72 = arith.constant 0 : i32
        %dma_start3A_73 = tpu.memref_slice %arg8[%dma_start3A_71, %dma_start3A_72] : memref<128x80xf32, #tpu.memory_space<vmem>> -> memref<96x80xf32, #tpu.memory_space<vmem>>
        tpu.enqueue_dma source(%dma_start3A_73 : memref<96x80xf32, #tpu.memory_space<vmem>>) target(%dma_start3A_70 : memref<96x80xf32, #tpu.memory_space<vmem_shared>>) target_semaphore(%run_scoped3A : memref<!tpu.dma_semaphore, #tpu.memory_space<semaphore_mem>>)
        %dma_wait3A = arith.constant 0 : i32
        %dma_wait3A_74 = arith.constant 0 : i32
        %dma_wait3A_75 = tpu.memref_slice %arg8[%dma_wait3A, %dma_wait3A_74] : memref<128x80xf32, #tpu.memory_space<vmem>> -> memref<96x80xf32, #tpu.memory_space<vmem>>
        %dma_wait3A_76 = arith.constant 0 : i32
        %dma_wait3A_77 = tpu.memref_slice %arg12[%add3A_56, %dma_wait3A_76] : memref<10240x80xf32, #tpu.memory_space<vmem_shared>> -> memref<96x80xf32, #tpu.memory_space<vmem_shared>>
        %dma_wait3A_78 = arith.constant 0 : i32
        %dma_wait3A_79 = tpu.memref_slice %arg12[%add3A_56, %dma_wait3A_78] : memref<10240x80xf32, #tpu.memory_space<vmem_shared>> -> memref<96x80xf32, #tpu.memory_space<vmem_shared>>
        %dma_wait3A_80 = arith.constant 0 : i32
        %dma_wait3A_81 = arith.constant 0 : i32
        %dma_wait3A_82 = tpu.memref_slice %arg8[%dma_wait3A_80, %dma_wait3A_81] : memref<128x80xf32, #tpu.memory_space<vmem>> -> memref<96x80xf32, #tpu.memory_space<vmem>>
        tpu.wait_dma2 semaphore(%run_scoped3A : memref<!tpu.dma_semaphore, #tpu.memory_space<semaphore_mem>>) src(%dma_wait3A_82 : memref<96x80xf32, #tpu.memory_space<vmem>>) dst(%dma_wait3A_79 : memref<96x80xf32, #tpu.memory_space<vmem_shared>>)
        tpu.yield
      }) : () -> ()
      %mul3A_57 = arith.constant 1000 : i32
      %mul3A_58 = arith.muli %arg1, %mul3A_57 : i32
      %add3A_59 = arith.constant 864 : i32
      %add3A_60 = arith.addi %mul3A_58, %add3A_59 : i32
      "tpu.region"() ({
        %run_scoped3A = tpu.sem_alloc : memref<!tpu.dma_semaphore, #tpu.memory_space<semaphore_mem>>
        %dma_start3A = arith.constant 0 : i32
        %dma_start3A_65 = arith.constant 0 : i32
        %dma_start3A_66 = tpu.memref_slice %arg8[%dma_start3A, %dma_start3A_65] : memref<128x80xf32, #tpu.memory_space<vmem>> -> memref<96x80xf32, #tpu.memory_space<vmem>>
        %dma_start3A_67 = arith.constant 0 : i32
        %dma_start3A_68 = tpu.memref_slice %arg12[%add3A_60, %dma_start3A_67] : memref<10240x80xf32, #tpu.memory_space<vmem_shared>> -> memref<96x80xf32, #tpu.memory_space<vmem_shared>>
        %dma_start3A_69 = arith.constant 0 : i32
        %dma_start3A_70 = tpu.memref_slice %arg12[%add3A_60, %dma_start3A_69] : memref<10240x80xf32, #tpu.memory_space<vmem_shared>> -> memref<96x80xf32, #tpu.memory_space<vmem_shared>>
        %dma_start3A_71 = arith.constant 0 : i32
        %dma_start3A_72 = arith.constant 0 : i32
        %dma_start3A_73 = tpu.memref_slice %arg8[%dma_start3A_71, %dma_start3A_72] : memref<128x80xf32, #tpu.memory_space<vmem>> -> memref<96x80xf32, #tpu.memory_space<vmem>>
        tpu.enqueue_dma source(%dma_start3A_73 : memref<96x80xf32, #tpu.memory_space<vmem>>) target(%dma_start3A_70 : memref<96x80xf32, #tpu.memory_space<vmem_shared>>) target_semaphore(%run_scoped3A : memref<!tpu.dma_semaphore, #tpu.memory_space<semaphore_mem>>)
        %dma_wait3A = arith.constant 0 : i32
        %dma_wait3A_74 = arith.constant 0 : i32
        %dma_wait3A_75 = tpu.memref_slice %arg8[%dma_wait3A, %dma_wait3A_74] : memref<128x80xf32, #tpu.memory_space<vmem>> -> memref<96x80xf32, #tpu.memory_space<vmem>>
        %dma_wait3A_76 = arith.constant 0 : i32
        %dma_wait3A_77 = tpu.memref_slice %arg12[%add3A_60, %dma_wait3A_76] : memref<10240x80xf32, #tpu.memory_space<vmem_shared>> -> memref<96x80xf32, #tpu.memory_space<vmem_shared>>
        %dma_wait3A_78 = arith.constant 0 : i32
        %dma_wait3A_79 = tpu.memref_slice %arg12[%add3A_60, %dma_wait3A_78] : memref<10240x80xf32, #tpu.memory_space<vmem_shared>> -> memref<96x80xf32, #tpu.memory_space<vmem_shared>>
        %dma_wait3A_80 = arith.constant 0 : i32
        %dma_wait3A_81 = arith.constant 0 : i32
        %dma_wait3A_82 = tpu.memref_slice %arg8[%dma_wait3A_80, %dma_wait3A_81] : memref<128x80xf32, #tpu.memory_space<vmem>> -> memref<96x80xf32, #tpu.memory_space<vmem>>
        tpu.wait_dma2 semaphore(%run_scoped3A : memref<!tpu.dma_semaphore, #tpu.memory_space<semaphore_mem>>) src(%dma_wait3A_82 : memref<96x80xf32, #tpu.memory_space<vmem>>) dst(%dma_wait3A_79 : memref<96x80xf32, #tpu.memory_space<vmem_shared>>)
        tpu.yield
      }) : () -> ()
      %mul3A_61 = arith.constant 1000 : i32
      %mul3A_62 = arith.muli %arg1, %mul3A_61 : i32
      %add3A_63 = arith.constant 960 : i32
      %add3A_64 = arith.addi %mul3A_62, %add3A_63 : i32
      "tpu.region"() ({
        %run_scoped3A = tpu.sem_alloc : memref<!tpu.dma_semaphore, #tpu.memory_space<semaphore_mem>>
        %dma_start3A = arith.constant 0 : i32
        %dma_start3A_65 = arith.constant 0 : i32
        %dma_start3A_66 = tpu.memref_slice %arg8[%dma_start3A, %dma_start3A_65] : memref<128x80xf32, #tpu.memory_space<vmem>> -> memref<40x80xf32, #tpu.memory_space<vmem>>
        %dma_start3A_67 = arith.constant 0 : i32
        %dma_start3A_68 = tpu.memref_slice %arg12[%add3A_64, %dma_start3A_67] : memref<10240x80xf32, #tpu.memory_space<vmem_shared>> -> memref<40x80xf32, #tpu.memory_space<vmem_shared>>
        %dma_start3A_69 = arith.constant 0 : i32
        %dma_start3A_70 = tpu.memref_slice %arg12[%add3A_64, %dma_start3A_69] : memref<10240x80xf32, #tpu.memory_space<vmem_shared>> -> memref<40x80xf32, #tpu.memory_space<vmem_shared>>
        %dma_start3A_71 = arith.constant 0 : i32
        %dma_start3A_72 = arith.constant 0 : i32
        %dma_start3A_73 = tpu.memref_slice %arg8[%dma_start3A_71, %dma_start3A_72] : memref<128x80xf32, #tpu.memory_space<vmem>> -> memref<40x80xf32, #tpu.memory_space<vmem>>
        tpu.enqueue_dma source(%dma_start3A_73 : memref<40x80xf32, #tpu.memory_space<vmem>>) target(%dma_start3A_70 : memref<40x80xf32, #tpu.memory_space<vmem_shared>>) target_semaphore(%run_scoped3A : memref<!tpu.dma_semaphore, #tpu.memory_space<semaphore_mem>>)
        %dma_wait3A = arith.constant 0 : i32
        %dma_wait3A_74 = arith.constant 0 : i32
        %dma_wait3A_75 = tpu.memref_slice %arg8[%dma_wait3A, %dma_wait3A_74] : memref<128x80xf32, #tpu.memory_space<vmem>> -> memref<40x80xf32, #tpu.memory_space<vmem>>
        %dma_wait3A_76 = arith.constant 0 : i32
        %dma_wait3A_77 = tpu.memref_slice %arg12[%add3A_64, %dma_wait3A_76] : memref<10240x80xf32, #tpu.memory_space<vmem_shared>> -> memref<40x80xf32, #tpu.memory_space<vmem_shared>>
        %dma_wait3A_78 = arith.constant 0 : i32
        %dma_wait3A_79 = tpu.memref_slice %arg12[%add3A_64, %dma_wait3A_78] : memref<10240x80xf32, #tpu.memory_space<vmem_shared>> -> memref<40x80xf32, #tpu.memory_space<vmem_shared>>
        %dma_wait3A_80 = arith.constant 0 : i32
        %dma_wait3A_81 = arith.constant 0 : i32
        %dma_wait3A_82 = tpu.memref_slice %arg8[%dma_wait3A_80, %dma_wait3A_81] : memref<128x80xf32, #tpu.memory_space<vmem>> -> memref<40x80xf32, #tpu.memory_space<vmem>>
        tpu.wait_dma2 semaphore(%run_scoped3A : memref<!tpu.dma_semaphore, #tpu.memory_space<semaphore_mem>>) src(%dma_wait3A_82 : memref<40x80xf32, #tpu.memory_space<vmem>>) dst(%dma_wait3A_79 : memref<40x80xf32, #tpu.memory_space<vmem_shared>>)
        tpu.yield
      }) : () -> ()
    } else {
    }
    %barrier3A = arith.constant 0 : index
    tpu.barrier barrier_id(%barrier3A)
    "tpu.region"() ({
      %run_scoped3A = tpu.sem_alloc : memref<!tpu.dma_semaphore, #tpu.memory_space<semaphore_mem>>
      %dma_start3A = arith.constant 0 : i32
      %dma_start3A_21 = arith.constant 0 : i32
      %dma_start3A_22 = tpu.memref_slice %arg3[%add3A, %dma_start3A, %dma_start3A_21] : memref<32x80x128xi32, #tpu.memory_space<hbm>> -> memref<1x80x128xi32, #tpu.memory_space<hbm>>
      %dma_start3A_23 = tpu.memref_squeeze %dma_start3A_22 : memref<1x80x128xi32, #tpu.memory_space<hbm>> -> memref<80x128xi32, #tpu.memory_space<hbm>>
      %dma_start3A_24 = arith.constant 0 : i32
      %dma_start3A_25 = arith.constant 0 : i32
      %dma_start3A_26 = tpu.memref_slice %arg3[%add3A, %dma_start3A_24, %dma_start3A_25] : memref<32x80x128xi32, #tpu.memory_space<hbm>> -> memref<1x80x128xi32, #tpu.memory_space<hbm>>
      %dma_start3A_27 = tpu.memref_squeeze %dma_start3A_26 : memref<1x80x128xi32, #tpu.memory_space<hbm>> -> memref<80x128xi32, #tpu.memory_space<hbm>>
      tpu.enqueue_dma source(%dma_start3A_27 : memref<80x128xi32, #tpu.memory_space<hbm>>) target(%arg6 : memref<80x128xi32, #tpu.memory_space<vmem>>) target_semaphore(%run_scoped3A : memref<!tpu.dma_semaphore, #tpu.memory_space<semaphore_mem>>)
      %dma_wait3A = arith.constant 0 : i32
      %dma_wait3A_28 = arith.constant 0 : i32
      %dma_wait3A_29 = tpu.memref_slice %arg3[%add3A, %dma_wait3A, %dma_wait3A_28] : memref<32x80x128xi32, #tpu.memory_space<hbm>> -> memref<1x80x128xi32, #tpu.memory_space<hbm>>
      %dma_wait3A_30 = tpu.memref_squeeze %dma_wait3A_29 : memref<1x80x128xi32, #tpu.memory_space<hbm>> -> memref<80x128xi32, #tpu.memory_space<hbm>>
      %dma_wait3A_31 = arith.constant 0 : i32
      %dma_wait3A_32 = arith.constant 0 : i32
      %dma_wait3A_33 = tpu.memref_slice %arg3[%add3A, %dma_wait3A_31, %dma_wait3A_32] : memref<32x80x128xi32, #tpu.memory_space<hbm>> -> memref<1x80x128xi32, #tpu.memory_space<hbm>>
      %dma_wait3A_34 = tpu.memref_squeeze %dma_wait3A_33 : memref<1x80x128xi32, #tpu.memory_space<hbm>> -> memref<80x128xi32, #tpu.memory_space<hbm>>
      tpu.wait_dma2 semaphore(%run_scoped3A : memref<!tpu.dma_semaphore, #tpu.memory_space<semaphore_mem>>) src(%dma_wait3A_34 : memref<80x128xi32, #tpu.memory_space<hbm>>) dst(%arg6 : memref<80x128xi32, #tpu.memory_space<vmem>>)
      tpu.yield
    }) : () -> ()
    "tpu.region"() ({
      %run_scoped3A = tpu.sem_alloc : memref<!tpu.dma_semaphore, #tpu.memory_space<semaphore_mem>>
      %dma_start3A = arith.constant 0 : i32
      %dma_start3A_21 = arith.constant 0 : i32
      %dma_start3A_22 = tpu.memref_slice %arg4[%add3A, %dma_start3A, %dma_start3A_21] : memref<32x80x128xi32, #tpu.memory_space<hbm>> -> memref<1x80x128xi32, #tpu.memory_space<hbm>>
      %dma_start3A_23 = tpu.memref_squeeze %dma_start3A_22 : memref<1x80x128xi32, #tpu.memory_space<hbm>> -> memref<80x128xi32, #tpu.memory_space<hbm>>
      %dma_start3A_24 = arith.constant 0 : i32
      %dma_start3A_25 = arith.constant 0 : i32
      %dma_start3A_26 = tpu.memref_slice %arg4[%add3A, %dma_start3A_24, %dma_start3A_25] : memref<32x80x128xi32, #tpu.memory_space<hbm>> -> memref<1x80x128xi32, #tpu.memory_space<hbm>>
      %dma_start3A_27 = tpu.memref_squeeze %dma_start3A_26 : memref<1x80x128xi32, #tpu.memory_space<hbm>> -> memref<80x128xi32, #tpu.memory_space<hbm>>
      tpu.enqueue_dma source(%dma_start3A_27 : memref<80x128xi32, #tpu.memory_space<hbm>>) target(%arg7 : memref<80x128xi32, #tpu.memory_space<vmem>>) target_semaphore(%run_scoped3A : memref<!tpu.dma_semaphore, #tpu.memory_space<semaphore_mem>>)
      %dma_wait3A = arith.constant 0 : i32
      %dma_wait3A_28 = arith.constant 0 : i32
      %dma_wait3A_29 = tpu.memref_slice %arg4[%add3A, %dma_wait3A, %dma_wait3A_28] : memref<32x80x128xi32, #tpu.memory_space<hbm>> -> memref<1x80x128xi32, #tpu.memory_space<hbm>>
      %dma_wait3A_30 = tpu.memref_squeeze %dma_wait3A_29 : memref<1x80x128xi32, #tpu.memory_space<hbm>> -> memref<80x128xi32, #tpu.memory_space<hbm>>
      %dma_wait3A_31 = arith.constant 0 : i32
      %dma_wait3A_32 = arith.constant 0 : i32
      %dma_wait3A_33 = tpu.memref_slice %arg4[%add3A, %dma_wait3A_31, %dma_wait3A_32] : memref<32x80x128xi32, #tpu.memory_space<hbm>> -> memref<1x80x128xi32, #tpu.memory_space<hbm>>
      %dma_wait3A_34 = tpu.memref_squeeze %dma_wait3A_33 : memref<1x80x128xi32, #tpu.memory_space<hbm>> -> memref<80x128xi32, #tpu.memory_space<hbm>>
      tpu.wait_dma2 semaphore(%run_scoped3A : memref<!tpu.dma_semaphore, #tpu.memory_space<semaphore_mem>>) src(%dma_wait3A_34 : memref<80x128xi32, #tpu.memory_space<hbm>>) dst(%arg7 : memref<80x128xi32, #tpu.memory_space<vmem>>)
      tpu.yield
    }) : () -> ()
    %scan3A_9 = arith.constant 0 : i32
    %scan3A_10 = arith.constant 0 : i32
    %scan3A_11 = arith.constant 20 : i32
    %scan3A_12 = arith.addi %scan3A_10, %scan3A_11 : i32
    %scan3A_13 = arith.constant 1 : i32
    scf.for %scan3A_21 = %scan3A_10 to %scan3A_12 step %scan3A_13  : i32 {
      %mul3A_22 = arith.constant 4 : i32
      %mul3A_23 = arith.muli %mul3A_22, %scan3A_21 : i32
      %add3A_24 = arith.constant 0 : i32
      %add3A_25 = arith.addi %mul3A_23, %add3A_24 : i32
      %dma_start3A = arith.constant 0 : i32
      %dma_start3A_26 = tpu.memref_slice %arg6[%add3A_25, %dma_start3A] : memref<80x128xi32, #tpu.memory_space<vmem>> -> memref<1x128xi32, #tpu.memory_space<vmem>>
      %dma_start3A_27 = tpu.memref_squeeze %dma_start3A_26 : memref<1x128xi32, #tpu.memory_space<vmem>> -> memref<128xi32, #tpu.memory_space<vmem>>
      %dma_start3A_28 = arith.constant 0 : i32
      %dma_start3A_29 = arith.constant 0 : i32
      %dma_start3A_30 = tpu.memref_slice %arg2[%dma_start3A_28, %dma_start3A_29] : memref<10000x80xf32, #tpu.memory_space<hbm>> -> memref<10000x80xf32, #tpu.memory_space<hbm>>
      tpu.enqueue_indirect_dma source(%dma_start3A_30 : memref<10000x80xf32, #tpu.memory_space<hbm>>) target(%arg8 : memref<128x80xf32, #tpu.memory_space<vmem>>) offsets(%dma_start3A_27 : memref<128xi32, #tpu.memory_space<vmem>>) semaphore(%arg13 : memref<!tpu.dma_semaphore, #tpu.memory_space<semaphore_mem>>)
      %add3A_31 = arith.constant 1 : i32
      %add3A_32 = arith.addi %mul3A_23, %add3A_31 : i32
      %dma_start3A_33 = arith.constant 0 : i32
      %dma_start3A_34 = tpu.memref_slice %arg6[%add3A_32, %dma_start3A_33] : memref<80x128xi32, #tpu.memory_space<vmem>> -> memref<1x128xi32, #tpu.memory_space<vmem>>
      %dma_start3A_35 = tpu.memref_squeeze %dma_start3A_34 : memref<1x128xi32, #tpu.memory_space<vmem>> -> memref<128xi32, #tpu.memory_space<vmem>>
      %dma_start3A_36 = arith.constant 0 : i32
      %dma_start3A_37 = arith.constant 0 : i32
      %dma_start3A_38 = tpu.memref_slice %arg2[%dma_start3A_36, %dma_start3A_37] : memref<10000x80xf32, #tpu.memory_space<hbm>> -> memref<10000x80xf32, #tpu.memory_space<hbm>>
      tpu.enqueue_indirect_dma source(%dma_start3A_38 : memref<10000x80xf32, #tpu.memory_space<hbm>>) target(%arg9 : memref<128x80xf32, #tpu.memory_space<vmem>>) offsets(%dma_start3A_35 : memref<128xi32, #tpu.memory_space<vmem>>) semaphore(%arg14 : memref<!tpu.dma_semaphore, #tpu.memory_space<semaphore_mem>>)
      %add3A_39 = arith.constant 2 : i32
      %add3A_40 = arith.addi %mul3A_23, %add3A_39 : i32
      %dma_start3A_41 = arith.constant 0 : i32
      %dma_start3A_42 = tpu.memref_slice %arg6[%add3A_40, %dma_start3A_41] : memref<80x128xi32, #tpu.memory_space<vmem>> -> memref<1x128xi32, #tpu.memory_space<vmem>>
      %dma_start3A_43 = tpu.memref_squeeze %dma_start3A_42 : memref<1x128xi32, #tpu.memory_space<vmem>> -> memref<128xi32, #tpu.memory_space<vmem>>
      %dma_start3A_44 = arith.constant 0 : i32
      %dma_start3A_45 = arith.constant 0 : i32
      %dma_start3A_46 = tpu.memref_slice %arg2[%dma_start3A_44, %dma_start3A_45] : memref<10000x80xf32, #tpu.memory_space<hbm>> -> memref<10000x80xf32, #tpu.memory_space<hbm>>
      tpu.enqueue_indirect_dma source(%dma_start3A_46 : memref<10000x80xf32, #tpu.memory_space<hbm>>) target(%arg10 : memref<128x80xf32, #tpu.memory_space<vmem>>) offsets(%dma_start3A_43 : memref<128xi32, #tpu.memory_space<vmem>>) semaphore(%arg15 : memref<!tpu.dma_semaphore, #tpu.memory_space<semaphore_mem>>)
      %add3A_47 = arith.constant 3 : i32
      %add3A_48 = arith.addi %mul3A_23, %add3A_47 : i32
      %dma_start3A_49 = arith.constant 0 : i32
      %dma_start3A_50 = tpu.memref_slice %arg6[%add3A_48, %dma_start3A_49] : memref<80x128xi32, #tpu.memory_space<vmem>> -> memref<1x128xi32, #tpu.memory_space<vmem>>
      %dma_start3A_51 = tpu.memref_squeeze %dma_start3A_50 : memref<1x128xi32, #tpu.memory_space<vmem>> -> memref<128xi32, #tpu.memory_space<vmem>>
      %dma_start3A_52 = arith.constant 0 : i32
      %dma_start3A_53 = arith.constant 0 : i32
      %dma_start3A_54 = tpu.memref_slice %arg2[%dma_start3A_52, %dma_start3A_53] : memref<10000x80xf32, #tpu.memory_space<hbm>> -> memref<10000x80xf32, #tpu.memory_space<hbm>>
      tpu.enqueue_indirect_dma source(%dma_start3A_54 : memref<10000x80xf32, #tpu.memory_space<hbm>>) target(%arg11 : memref<128x80xf32, #tpu.memory_space<vmem>>) offsets(%dma_start3A_51 : memref<128xi32, #tpu.memory_space<vmem>>) semaphore(%arg16 : memref<!tpu.dma_semaphore, #tpu.memory_space<semaphore_mem>>)
      %dma_wait3A = arith.constant 0 : i32
      %dma_wait3A_55 = tpu.memref_slice %arg6[%add3A_25, %dma_wait3A] : memref<80x128xi32, #tpu.memory_space<vmem>> -> memref<1x128xi32, #tpu.memory_space<vmem>>
      %dma_wait3A_56 = tpu.memref_squeeze %dma_wait3A_55 : memref<1x128xi32, #tpu.memory_space<vmem>> -> memref<128xi32, #tpu.memory_space<vmem>>
      %dma_wait3A_57 = arith.constant 0 : i32
      %dma_wait3A_58 = arith.constant 0 : i32
      %dma_wait3A_59 = tpu.memref_slice %arg2[%dma_wait3A_57, %dma_wait3A_58] : memref<10000x80xf32, #tpu.memory_space<hbm>> -> memref<10000x80xf32, #tpu.memory_space<hbm>>
      tpu.wait_indirect_dma semaphore(%arg13 : memref<!tpu.dma_semaphore, #tpu.memory_space<semaphore_mem>>) src(%dma_wait3A_59 : memref<10000x80xf32, #tpu.memory_space<hbm>>) dst(%arg8 : memref<128x80xf32, #tpu.memory_space<vmem>>)
      %add3A_60 = arith.constant 0 : i32
      %add3A_61 = arith.addi %mul3A_23, %add3A_60 : i32
      %dma_start3A_62 = arith.constant 0 : i32
      %dma_start3A_63 = tpu.memref_slice %arg7[%add3A_61, %dma_start3A_62] : memref<80x128xi32, #tpu.memory_space<vmem>> -> memref<1x128xi32, #tpu.memory_space<vmem>>
      %dma_start3A_64 = tpu.memref_squeeze %dma_start3A_63 : memref<1x128xi32, #tpu.memory_space<vmem>> -> memref<128xi32, #tpu.memory_space<vmem>>
      %dma_start3A_65 = arith.constant 0 : i32
      %dma_start3A_66 = arith.constant 0 : i32
      %dma_start3A_67 = tpu.memref_slice %arg12[%dma_start3A_65, %dma_start3A_66] : memref<10240x80xf32, #tpu.memory_space<vmem_shared>> -> memref<10240x80xf32, #tpu.memory_space<vmem_shared>>
      tpu.enqueue_indirect_dma source(%arg8 : memref<128x80xf32, #tpu.memory_space<vmem>>) target(%dma_start3A_67 : memref<10240x80xf32, #tpu.memory_space<vmem_shared>>) offsets(%dma_start3A_64 : memref<128xi32, #tpu.memory_space<vmem>>) semaphore(%arg17 : memref<!tpu.dma_semaphore, #tpu.memory_space<semaphore_mem>>) {add = true}
      %dma_wait3A_68 = arith.constant 0 : i32
      %dma_wait3A_69 = tpu.memref_slice %arg6[%add3A_32, %dma_wait3A_68] : memref<80x128xi32, #tpu.memory_space<vmem>> -> memref<1x128xi32, #tpu.memory_space<vmem>>
      %dma_wait3A_70 = tpu.memref_squeeze %dma_wait3A_69 : memref<1x128xi32, #tpu.memory_space<vmem>> -> memref<128xi32, #tpu.memory_space<vmem>>
      %dma_wait3A_71 = arith.constant 0 : i32
      %dma_wait3A_72 = arith.constant 0 : i32
      %dma_wait3A_73 = tpu.memref_slice %arg2[%dma_wait3A_71, %dma_wait3A_72] : memref<10000x80xf32, #tpu.memory_space<hbm>> -> memref<10000x80xf32, #tpu.memory_space<hbm>>
      tpu.wait_indirect_dma semaphore(%arg14 : memref<!tpu.dma_semaphore, #tpu.memory_space<semaphore_mem>>) src(%dma_wait3A_73 : memref<10000x80xf32, #tpu.memory_space<hbm>>) dst(%arg9 : memref<128x80xf32, #tpu.memory_space<vmem>>)
      %add3A_74 = arith.constant 1 : i32
      %add3A_75 = arith.addi %mul3A_23, %add3A_74 : i32
      %dma_start3A_76 = arith.constant 0 : i32
      %dma_start3A_77 = tpu.memref_slice %arg7[%add3A_75, %dma_start3A_76] : memref<80x128xi32, #tpu.memory_space<vmem>> -> memref<1x128xi32, #tpu.memory_space<vmem>>
      %dma_start3A_78 = tpu.memref_squeeze %dma_start3A_77 : memref<1x128xi32, #tpu.memory_space<vmem>> -> memref<128xi32, #tpu.memory_space<vmem>>
      %dma_start3A_79 = arith.constant 0 : i32
      %dma_start3A_80 = arith.constant 0 : i32
      %dma_start3A_81 = tpu.memref_slice %arg12[%dma_start3A_79, %dma_start3A_80] : memref<10240x80xf32, #tpu.memory_space<vmem_shared>> -> memref<10240x80xf32, #tpu.memory_space<vmem_shared>>
      tpu.enqueue_indirect_dma source(%arg9 : memref<128x80xf32, #tpu.memory_space<vmem>>) target(%dma_start3A_81 : memref<10240x80xf32, #tpu.memory_space<vmem_shared>>) offsets(%dma_start3A_78 : memref<128xi32, #tpu.memory_space<vmem>>) semaphore(%arg17 : memref<!tpu.dma_semaphore, #tpu.memory_space<semaphore_mem>>) {add = true}
      %dma_wait3A_82 = arith.constant 0 : i32
      %dma_wait3A_83 = tpu.memref_slice %arg6[%add3A_40, %dma_wait3A_82] : memref<80x128xi32, #tpu.memory_space<vmem>> -> memref<1x128xi32, #tpu.memory_space<vmem>>
      %dma_wait3A_84 = tpu.memref_squeeze %dma_wait3A_83 : memref<1x128xi32, #tpu.memory_space<vmem>> -> memref<128xi32, #tpu.memory_space<vmem>>
      %dma_wait3A_85 = arith.constant 0 : i32
      %dma_wait3A_86 = arith.constant 0 : i32
      %dma_wait3A_87 = tpu.memref_slice %arg2[%dma_wait3A_85, %dma_wait3A_86] : memref<10000x80xf32, #tpu.memory_space<hbm>> -> memref<10000x80xf32, #tpu.memory_space<hbm>>
      tpu.wait_indirect_dma semaphore(%arg15 : memref<!tpu.dma_semaphore, #tpu.memory_space<semaphore_mem>>) src(%dma_wait3A_87 : memref<10000x80xf32, #tpu.memory_space<hbm>>) dst(%arg10 : memref<128x80xf32, #tpu.memory_space<vmem>>)
      %add3A_88 = arith.constant 2 : i32
      %add3A_89 = arith.addi %mul3A_23, %add3A_88 : i32
      %dma_start3A_90 = arith.constant 0 : i32
      %dma_start3A_91 = tpu.memref_slice %arg7[%add3A_89, %dma_start3A_90] : memref<80x128xi32, #tpu.memory_space<vmem>> -> memref<1x128xi32, #tpu.memory_space<vmem>>
      %dma_start3A_92 = tpu.memref_squeeze %dma_start3A_91 : memref<1x128xi32, #tpu.memory_space<vmem>> -> memref<128xi32, #tpu.memory_space<vmem>>
      %dma_start3A_93 = arith.constant 0 : i32
      %dma_start3A_94 = arith.constant 0 : i32
      %dma_start3A_95 = tpu.memref_slice %arg12[%dma_start3A_93, %dma_start3A_94] : memref<10240x80xf32, #tpu.memory_space<vmem_shared>> -> memref<10240x80xf32, #tpu.memory_space<vmem_shared>>
      tpu.enqueue_indirect_dma source(%arg10 : memref<128x80xf32, #tpu.memory_space<vmem>>) target(%dma_start3A_95 : memref<10240x80xf32, #tpu.memory_space<vmem_shared>>) offsets(%dma_start3A_92 : memref<128xi32, #tpu.memory_space<vmem>>) semaphore(%arg17 : memref<!tpu.dma_semaphore, #tpu.memory_space<semaphore_mem>>) {add = true}
      %dma_wait3A_96 = arith.constant 0 : i32
      %dma_wait3A_97 = tpu.memref_slice %arg6[%add3A_48, %dma_wait3A_96] : memref<80x128xi32, #tpu.memory_space<vmem>> -> memref<1x128xi32, #tpu.memory_space<vmem>>
      %dma_wait3A_98 = tpu.memref_squeeze %dma_wait3A_97 : memref<1x128xi32, #tpu.memory_space<vmem>> -> memref<128xi32, #tpu.memory_space<vmem>>
      %dma_wait3A_99 = arith.constant 0 : i32
      %dma_wait3A_100 = arith.constant 0 : i32
      %dma_wait3A_101 = tpu.memref_slice %arg2[%dma_wait3A_99, %dma_wait3A_100] : memref<10000x80xf32, #tpu.memory_space<hbm>> -> memref<10000x80xf32, #tpu.memory_space<hbm>>
      tpu.wait_indirect_dma semaphore(%arg16 : memref<!tpu.dma_semaphore, #tpu.memory_space<semaphore_mem>>) src(%dma_wait3A_101 : memref<10000x80xf32, #tpu.memory_space<hbm>>) dst(%arg11 : memref<128x80xf32, #tpu.memory_space<vmem>>)
      %add3A_102 = arith.constant 3 : i32
      %add3A_103 = arith.addi %mul3A_23, %add3A_102 : i32
      %dma_start3A_104 = arith.constant 0 : i32
      %dma_start3A_105 = tpu.memref_slice %arg7[%add3A_103, %dma_start3A_104] : memref<80x128xi32, #tpu.memory_space<vmem>> -> memref<1x128xi32, #tpu.memory_space<vmem>>
      %dma_start3A_106 = tpu.memref_squeeze %dma_start3A_105 : memref<1x128xi32, #tpu.memory_space<vmem>> -> memref<128xi32, #tpu.memory_space<vmem>>
      %dma_start3A_107 = arith.constant 0 : i32
      %dma_start3A_108 = arith.constant 0 : i32
      %dma_start3A_109 = tpu.memref_slice %arg12[%dma_start3A_107, %dma_start3A_108] : memref<10240x80xf32, #tpu.memory_space<vmem_shared>> -> memref<10240x80xf32, #tpu.memory_space<vmem_shared>>
      tpu.enqueue_indirect_dma source(%arg11 : memref<128x80xf32, #tpu.memory_space<vmem>>) target(%dma_start3A_109 : memref<10240x80xf32, #tpu.memory_space<vmem_shared>>) offsets(%dma_start3A_106 : memref<128xi32, #tpu.memory_space<vmem>>) semaphore(%arg17 : memref<!tpu.dma_semaphore, #tpu.memory_space<semaphore_mem>>) {add = true}
      %dma_wait3A_110 = arith.constant 0 : i32
      %dma_wait3A_111 = tpu.memref_slice %arg7[%add3A_61, %dma_wait3A_110] : memref<80x128xi32, #tpu.memory_space<vmem>> -> memref<1x128xi32, #tpu.memory_space<vmem>>
      %dma_wait3A_112 = tpu.memref_squeeze %dma_wait3A_111 : memref<1x128xi32, #tpu.memory_space<vmem>> -> memref<128xi32, #tpu.memory_space<vmem>>
      %dma_wait3A_113 = arith.constant 0 : i32
      %dma_wait3A_114 = arith.constant 0 : i32
      %dma_wait3A_115 = tpu.memref_slice %arg12[%dma_wait3A_113, %dma_wait3A_114] : memref<10240x80xf32, #tpu.memory_space<vmem_shared>> -> memref<10240x80xf32, #tpu.memory_space<vmem_shared>>
      tpu.wait_indirect_dma semaphore(%arg17 : memref<!tpu.dma_semaphore, #tpu.memory_space<semaphore_mem>>) src(%arg8 : memref<128x80xf32, #tpu.memory_space<vmem>>) dst(%dma_wait3A_115 : memref<10240x80xf32, #tpu.memory_space<vmem_shared>>)
      %dma_wait3A_116 = arith.constant 0 : i32
      %dma_wait3A_117 = tpu.memref_slice %arg7[%add3A_75, %dma_wait3A_116] : memref<80x128xi32, #tpu.memory_space<vmem>> -> memref<1x128xi32, #tpu.memory_space<vmem>>
      %dma_wait3A_118 = tpu.memref_squeeze %dma_wait3A_117 : memref<1x128xi32, #tpu.memory_space<vmem>> -> memref<128xi32, #tpu.memory_space<vmem>>
      %dma_wait3A_119 = arith.constant 0 : i32
      %dma_wait3A_120 = arith.constant 0 : i32
      %dma_wait3A_121 = tpu.memref_slice %arg12[%dma_wait3A_119, %dma_wait3A_120] : memref<10240x80xf32, #tpu.memory_space<vmem_shared>> -> memref<10240x80xf32, #tpu.memory_space<vmem_shared>>
      tpu.wait_indirect_dma semaphore(%arg17 : memref<!tpu.dma_semaphore, #tpu.memory_space<semaphore_mem>>) src(%arg9 : memref<128x80xf32, #tpu.memory_space<vmem>>) dst(%dma_wait3A_121 : memref<10240x80xf32, #tpu.memory_space<vmem_shared>>)
      %dma_wait3A_122 = arith.constant 0 : i32
      %dma_wait3A_123 = tpu.memref_slice %arg7[%add3A_89, %dma_wait3A_122] : memref<80x128xi32, #tpu.memory_space<vmem>> -> memref<1x128xi32, #tpu.memory_space<vmem>>
      %dma_wait3A_124 = tpu.memref_squeeze %dma_wait3A_123 : memref<1x128xi32, #tpu.memory_space<vmem>> -> memref<128xi32, #tpu.memory_space<vmem>>
      %dma_wait3A_125 = arith.constant 0 : i32
      %dma_wait3A_126 = arith.constant 0 : i32
      %dma_wait3A_127 = tpu.memref_slice %arg12[%dma_wait3A_125, %dma_wait3A_126] : memref<10240x80xf32, #tpu.memory_space<vmem_shared>> -> memref<10240x80xf32, #tpu.memory_space<vmem_shared>>
      tpu.wait_indirect_dma semaphore(%arg17 : memref<!tpu.dma_semaphore, #tpu.memory_space<semaphore_mem>>) src(%arg10 : memref<128x80xf32, #tpu.memory_space<vmem>>) dst(%dma_wait3A_127 : memref<10240x80xf32, #tpu.memory_space<vmem_shared>>)
      %dma_wait3A_128 = arith.constant 0 : i32
      %dma_wait3A_129 = tpu.memref_slice %arg7[%add3A_103, %dma_wait3A_128] : memref<80x128xi32, #tpu.memory_space<vmem>> -> memref<1x128xi32, #tpu.memory_space<vmem>>
      %dma_wait3A_130 = tpu.memref_squeeze %dma_wait3A_129 : memref<1x128xi32, #tpu.memory_space<vmem>> -> memref<128xi32, #tpu.memory_space<vmem>>
      %dma_wait3A_131 = arith.constant 0 : i32
      %dma_wait3A_132 = arith.constant 0 : i32
      %dma_wait3A_133 = tpu.memref_slice %arg12[%dma_wait3A_131, %dma_wait3A_132] : memref<10240x80xf32, #tpu.memory_space<vmem_shared>> -> memref<10240x80xf32, #tpu.memory_space<vmem_shared>>
      tpu.wait_indirect_dma semaphore(%arg17 : memref<!tpu.dma_semaphore, #tpu.memory_space<semaphore_mem>>) src(%arg11 : memref<128x80xf32, #tpu.memory_space<vmem>>) dst(%dma_wait3A_133 : memref<10240x80xf32, #tpu.memory_space<vmem_shared>>)
    }
    %scan3A_14 = arith.constant 20 : i32
    %barrier3A_15 = arith.constant 0 : index
    tpu.barrier barrier_id(%barrier3A_15)
    %lt3A_16 = arith.constant 10 : i32
    %lt3A_17 = arith.cmpi slt, %arg1, %lt3A_16 : i32
    %convert_element_type3A_18 = arith.extui %lt3A_17 : i1 to i32
    %cond3A_19 = arith.constant 0 : i32
    %cond3A_20 = arith.cmpi ne, %convert_element_type3A_18, %cond3A_19 : i32
    scf.if %cond3A_20 {
      %mul3A_21 = arith.constant 1000 : i32
      %mul3A_22 = arith.muli %arg1, %mul3A_21 : i32
      %add3A_23 = arith.constant 0 : i32
      %add3A_24 = arith.addi %mul3A_22, %add3A_23 : i32
      "tpu.region"() ({
        %run_scoped3A = tpu.sem_alloc : memref<!tpu.dma_semaphore, #tpu.memory_space<semaphore_mem>>
        %dma_start3A = arith.constant 0 : i32
        %dma_start3A_65 = arith.constant 0 : i32
        %dma_start3A_66 = tpu.memref_slice %arg8[%dma_start3A, %dma_start3A_65] : memref<128x80xf32, #tpu.memory_space<vmem>> -> memref<96x80xf32, #tpu.memory_space<vmem>>
        %dma_start3A_67 = arith.constant 0 : i32
        %dma_start3A_68 = tpu.memref_slice %arg12[%add3A_24, %dma_start3A_67] : memref<10240x80xf32, #tpu.memory_space<vmem_shared>> -> memref<96x80xf32, #tpu.memory_space<vmem_shared>>
        %dma_start3A_69 = arith.constant 0 : i32
        %dma_start3A_70 = arith.constant 0 : i32
        %dma_start3A_71 = tpu.memref_slice %arg8[%dma_start3A_69, %dma_start3A_70] : memref<128x80xf32, #tpu.memory_space<vmem>> -> memref<96x80xf32, #tpu.memory_space<vmem>>
        %dma_start3A_72 = arith.constant 0 : i32
        %dma_start3A_73 = tpu.memref_slice %arg12[%add3A_24, %dma_start3A_72] : memref<10240x80xf32, #tpu.memory_space<vmem_shared>> -> memref<96x80xf32, #tpu.memory_space<vmem_shared>>
        tpu.enqueue_dma source(%dma_start3A_73 : memref<96x80xf32, #tpu.memory_space<vmem_shared>>) target(%dma_start3A_71 : memref<96x80xf32, #tpu.memory_space<vmem>>) target_semaphore(%run_scoped3A : memref<!tpu.dma_semaphore, #tpu.memory_space<semaphore_mem>>)
        %dma_wait3A = arith.constant 0 : i32
        %dma_wait3A_74 = arith.constant 0 : i32
        %dma_wait3A_75 = tpu.memref_slice %arg8[%dma_wait3A, %dma_wait3A_74] : memref<128x80xf32, #tpu.memory_space<vmem>> -> memref<96x80xf32, #tpu.memory_space<vmem>>
        %dma_wait3A_76 = arith.constant 0 : i32
        %dma_wait3A_77 = tpu.memref_slice %arg12[%add3A_24, %dma_wait3A_76] : memref<10240x80xf32, #tpu.memory_space<vmem_shared>> -> memref<96x80xf32, #tpu.memory_space<vmem_shared>>
        %dma_wait3A_78 = arith.constant 0 : i32
        %dma_wait3A_79 = arith.constant 0 : i32
        %dma_wait3A_80 = tpu.memref_slice %arg8[%dma_wait3A_78, %dma_wait3A_79] : memref<128x80xf32, #tpu.memory_space<vmem>> -> memref<96x80xf32, #tpu.memory_space<vmem>>
        %dma_wait3A_81 = arith.constant 0 : i32
        %dma_wait3A_82 = tpu.memref_slice %arg12[%add3A_24, %dma_wait3A_81] : memref<10240x80xf32, #tpu.memory_space<vmem_shared>> -> memref<96x80xf32, #tpu.memory_space<vmem_shared>>
        tpu.wait_dma2 semaphore(%run_scoped3A : memref<!tpu.dma_semaphore, #tpu.memory_space<semaphore_mem>>) src(%dma_wait3A_82 : memref<96x80xf32, #tpu.memory_space<vmem_shared>>) dst(%dma_wait3A_80 : memref<96x80xf32, #tpu.memory_space<vmem>>)
        tpu.yield
      }) : () -> ()
      "tpu.region"() ({
        %run_scoped3A = tpu.sem_alloc : memref<!tpu.dma_semaphore, #tpu.memory_space<semaphore_mem>>
        %dma_start3A = arith.constant 0 : i32
        %dma_start3A_65 = arith.constant 0 : i32
        %dma_start3A_66 = tpu.memref_slice %arg8[%dma_start3A, %dma_start3A_65] : memref<128x80xf32, #tpu.memory_space<vmem>> -> memref<96x80xf32, #tpu.memory_space<vmem>>
        %dma_start3A_67 = arith.constant 0 : i32
        %dma_start3A_68 = tpu.memref_slice %arg5[%arg0, %add3A_24, %dma_start3A_67] : memref<2x10000x80xf32, #tpu.memory_space<hbm>> -> memref<1x96x80xf32, #tpu.memory_space<hbm>>
        %dma_start3A_69 = tpu.memref_squeeze %dma_start3A_68 : memref<1x96x80xf32, #tpu.memory_space<hbm>> -> memref<96x80xf32, #tpu.memory_space<hbm>>
        %dma_start3A_70 = arith.constant 0 : i32
        %dma_start3A_71 = tpu.memref_slice %arg5[%arg0, %add3A_24, %dma_start3A_70] : memref<2x10000x80xf32, #tpu.memory_space<hbm>> -> memref<1x96x80xf32, #tpu.memory_space<hbm>>
        %dma_start3A_72 = tpu.memref_squeeze %dma_start3A_71 : memref<1x96x80xf32, #tpu.memory_space<hbm>> -> memref<96x80xf32, #tpu.memory_space<hbm>>
        %dma_start3A_73 = arith.constant 0 : i32
        %dma_start3A_74 = arith.constant 0 : i32
        %dma_start3A_75 = tpu.memref_slice %arg8[%dma_start3A_73, %dma_start3A_74] : memref<128x80xf32, #tpu.memory_space<vmem>> -> memref<96x80xf32, #tpu.memory_space<vmem>>
        tpu.enqueue_dma source(%dma_start3A_75 : memref<96x80xf32, #tpu.memory_space<vmem>>) target(%dma_start3A_72 : memref<96x80xf32, #tpu.memory_space<hbm>>) target_semaphore(%run_scoped3A : memref<!tpu.dma_semaphore, #tpu.memory_space<semaphore_mem>>)
        %dma_wait3A = arith.constant 0 : i32
        %dma_wait3A_76 = arith.constant 0 : i32
        %dma_wait3A_77 = tpu.memref_slice %arg8[%dma_wait3A, %dma_wait3A_76] : memref<128x80xf32, #tpu.memory_space<vmem>> -> memref<96x80xf32, #tpu.memory_space<vmem>>
        %dma_wait3A_78 = arith.constant 0 : i32
        %dma_wait3A_79 = tpu.memref_slice %arg5[%arg0, %add3A_24, %dma_wait3A_78] : memref<2x10000x80xf32, #tpu.memory_space<hbm>> -> memref<1x96x80xf32, #tpu.memory_space<hbm>>
        %dma_wait3A_80 = tpu.memref_squeeze %dma_wait3A_79 : memref<1x96x80xf32, #tpu.memory_space<hbm>> -> memref<96x80xf32, #tpu.memory_space<hbm>>
        %dma_wait3A_81 = arith.constant 0 : i32
        %dma_wait3A_82 = tpu.memref_slice %arg5[%arg0, %add3A_24, %dma_wait3A_81] : memref<2x10000x80xf32, #tpu.memory_space<hbm>> -> memref<1x96x80xf32, #tpu.memory_space<hbm>>
        %dma_wait3A_83 = tpu.memref_squeeze %dma_wait3A_82 : memref<1x96x80xf32, #tpu.memory_space<hbm>> -> memref<96x80xf32, #tpu.memory_space<hbm>>
        %dma_wait3A_84 = arith.constant 0 : i32
        %dma_wait3A_85 = arith.constant 0 : i32
        %dma_wait3A_86 = tpu.memref_slice %arg8[%dma_wait3A_84, %dma_wait3A_85] : memref<128x80xf32, #tpu.memory_space<vmem>> -> memref<96x80xf32, #tpu.memory_space<vmem>>
        tpu.wait_dma2 semaphore(%run_scoped3A : memref<!tpu.dma_semaphore, #tpu.memory_space<semaphore_mem>>) src(%dma_wait3A_86 : memref<96x80xf32, #tpu.memory_space<vmem>>) dst(%dma_wait3A_83 : memref<96x80xf32, #tpu.memory_space<hbm>>)
        tpu.yield
      }) : () -> ()
      %mul3A_25 = arith.constant 1000 : i32
      %mul3A_26 = arith.muli %arg1, %mul3A_25 : i32
      %add3A_27 = arith.constant 96 : i32
      %add3A_28 = arith.addi %mul3A_26, %add3A_27 : i32
      "tpu.region"() ({
        %run_scoped3A = tpu.sem_alloc : memref<!tpu.dma_semaphore, #tpu.memory_space<semaphore_mem>>
        %dma_start3A = arith.constant 0 : i32
        %dma_start3A_65 = arith.constant 0 : i32
        %dma_start3A_66 = tpu.memref_slice %arg8[%dma_start3A, %dma_start3A_65] : memref<128x80xf32, #tpu.memory_space<vmem>> -> memref<96x80xf32, #tpu.memory_space<vmem>>
        %dma_start3A_67 = arith.constant 0 : i32
        %dma_start3A_68 = tpu.memref_slice %arg12[%add3A_28, %dma_start3A_67] : memref<10240x80xf32, #tpu.memory_space<vmem_shared>> -> memref<96x80xf32, #tpu.memory_space<vmem_shared>>
        %dma_start3A_69 = arith.constant 0 : i32
        %dma_start3A_70 = arith.constant 0 : i32
        %dma_start3A_71 = tpu.memref_slice %arg8[%dma_start3A_69, %dma_start3A_70] : memref<128x80xf32, #tpu.memory_space<vmem>> -> memref<96x80xf32, #tpu.memory_space<vmem>>
        %dma_start3A_72 = arith.constant 0 : i32
        %dma_start3A_73 = tpu.memref_slice %arg12[%add3A_28, %dma_start3A_72] : memref<10240x80xf32, #tpu.memory_space<vmem_shared>> -> memref<96x80xf32, #tpu.memory_space<vmem_shared>>
        tpu.enqueue_dma source(%dma_start3A_73 : memref<96x80xf32, #tpu.memory_space<vmem_shared>>) target(%dma_start3A_71 : memref<96x80xf32, #tpu.memory_space<vmem>>) target_semaphore(%run_scoped3A : memref<!tpu.dma_semaphore, #tpu.memory_space<semaphore_mem>>)
        %dma_wait3A = arith.constant 0 : i32
        %dma_wait3A_74 = arith.constant 0 : i32
        %dma_wait3A_75 = tpu.memref_slice %arg8[%dma_wait3A, %dma_wait3A_74] : memref<128x80xf32, #tpu.memory_space<vmem>> -> memref<96x80xf32, #tpu.memory_space<vmem>>
        %dma_wait3A_76 = arith.constant 0 : i32
        %dma_wait3A_77 = tpu.memref_slice %arg12[%add3A_28, %dma_wait3A_76] : memref<10240x80xf32, #tpu.memory_space<vmem_shared>> -> memref<96x80xf32, #tpu.memory_space<vmem_shared>>
        %dma_wait3A_78 = arith.constant 0 : i32
        %dma_wait3A_79 = arith.constant 0 : i32
        %dma_wait3A_80 = tpu.memref_slice %arg8[%dma_wait3A_78, %dma_wait3A_79] : memref<128x80xf32, #tpu.memory_space<vmem>> -> memref<96x80xf32, #tpu.memory_space<vmem>>
        %dma_wait3A_81 = arith.constant 0 : i32
        %dma_wait3A_82 = tpu.memref_slice %arg12[%add3A_28, %dma_wait3A_81] : memref<10240x80xf32, #tpu.memory_space<vmem_shared>> -> memref<96x80xf32, #tpu.memory_space<vmem_shared>>
        tpu.wait_dma2 semaphore(%run_scoped3A : memref<!tpu.dma_semaphore, #tpu.memory_space<semaphore_mem>>) src(%dma_wait3A_82 : memref<96x80xf32, #tpu.memory_space<vmem_shared>>) dst(%dma_wait3A_80 : memref<96x80xf32, #tpu.memory_space<vmem>>)
        tpu.yield
      }) : () -> ()
      "tpu.region"() ({
        %run_scoped3A = tpu.sem_alloc : memref<!tpu.dma_semaphore, #tpu.memory_space<semaphore_mem>>
        %dma_start3A = arith.constant 0 : i32
        %dma_start3A_65 = arith.constant 0 : i32
        %dma_start3A_66 = tpu.memref_slice %arg8[%dma_start3A, %dma_start3A_65] : memref<128x80xf32, #tpu.memory_space<vmem>> -> memref<96x80xf32, #tpu.memory_space<vmem>>
        %dma_start3A_67 = arith.constant 0 : i32
        %dma_start3A_68 = tpu.memref_slice %arg5[%arg0, %add3A_28, %dma_start3A_67] : memref<2x10000x80xf32, #tpu.memory_space<hbm>> -> memref<1x96x80xf32, #tpu.memory_space<hbm>>
        %dma_start3A_69 = tpu.memref_squeeze %dma_start3A_68 : memref<1x96x80xf32, #tpu.memory_space<hbm>> -> memref<96x80xf32, #tpu.memory_space<hbm>>
        %dma_start3A_70 = arith.constant 0 : i32
        %dma_start3A_71 = tpu.memref_slice %arg5[%arg0, %add3A_28, %dma_start3A_70] : memref<2x10000x80xf32, #tpu.memory_space<hbm>> -> memref<1x96x80xf32, #tpu.memory_space<hbm>>
        %dma_start3A_72 = tpu.memref_squeeze %dma_start3A_71 : memref<1x96x80xf32, #tpu.memory_space<hbm>> -> memref<96x80xf32, #tpu.memory_space<hbm>>
        %dma_start3A_73 = arith.constant 0 : i32
        %dma_start3A_74 = arith.constant 0 : i32
        %dma_start3A_75 = tpu.memref_slice %arg8[%dma_start3A_73, %dma_start3A_74] : memref<128x80xf32, #tpu.memory_space<vmem>> -> memref<96x80xf32, #tpu.memory_space<vmem>>
        tpu.enqueue_dma source(%dma_start3A_75 : memref<96x80xf32, #tpu.memory_space<vmem>>) target(%dma_start3A_72 : memref<96x80xf32, #tpu.memory_space<hbm>>) target_semaphore(%run_scoped3A : memref<!tpu.dma_semaphore, #tpu.memory_space<semaphore_mem>>)
        %dma_wait3A = arith.constant 0 : i32
        %dma_wait3A_76 = arith.constant 0 : i32
        %dma_wait3A_77 = tpu.memref_slice %arg8[%dma_wait3A, %dma_wait3A_76] : memref<128x80xf32, #tpu.memory_space<vmem>> -> memref<96x80xf32, #tpu.memory_space<vmem>>
        %dma_wait3A_78 = arith.constant 0 : i32
        %dma_wait3A_79 = tpu.memref_slice %arg5[%arg0, %add3A_28, %dma_wait3A_78] : memref<2x10000x80xf32, #tpu.memory_space<hbm>> -> memref<1x96x80xf32, #tpu.memory_space<hbm>>
        %dma_wait3A_80 = tpu.memref_squeeze %dma_wait3A_79 : memref<1x96x80xf32, #tpu.memory_space<hbm>> -> memref<96x80xf32, #tpu.memory_space<hbm>>
        %dma_wait3A_81 = arith.constant 0 : i32
        %dma_wait3A_82 = tpu.memref_slice %arg5[%arg0, %add3A_28, %dma_wait3A_81] : memref<2x10000x80xf32, #tpu.memory_space<hbm>> -> memref<1x96x80xf32, #tpu.memory_space<hbm>>
        %dma_wait3A_83 = tpu.memref_squeeze %dma_wait3A_82 : memref<1x96x80xf32, #tpu.memory_space<hbm>> -> memref<96x80xf32, #tpu.memory_space<hbm>>
        %dma_wait3A_84 = arith.constant 0 : i32
        %dma_wait3A_85 = arith.constant 0 : i32
        %dma_wait3A_86 = tpu.memref_slice %arg8[%dma_wait3A_84, %dma_wait3A_85] : memref<128x80xf32, #tpu.memory_space<vmem>> -> memref<96x80xf32, #tpu.memory_space<vmem>>
        tpu.wait_dma2 semaphore(%run_scoped3A : memref<!tpu.dma_semaphore, #tpu.memory_space<semaphore_mem>>) src(%dma_wait3A_86 : memref<96x80xf32, #tpu.memory_space<vmem>>) dst(%dma_wait3A_83 : memref<96x80xf32, #tpu.memory_space<hbm>>)
        tpu.yield
      }) : () -> ()
      %mul3A_29 = arith.constant 1000 : i32
      %mul3A_30 = arith.muli %arg1, %mul3A_29 : i32
      %add3A_31 = arith.constant 192 : i32
      %add3A_32 = arith.addi %mul3A_30, %add3A_31 : i32
      "tpu.region"() ({
        %run_scoped3A = tpu.sem_alloc : memref<!tpu.dma_semaphore, #tpu.memory_space<semaphore_mem>>
        %dma_start3A = arith.constant 0 : i32
        %dma_start3A_65 = arith.constant 0 : i32
        %dma_start3A_66 = tpu.memref_slice %arg8[%dma_start3A, %dma_start3A_65] : memref<128x80xf32, #tpu.memory_space<vmem>> -> memref<96x80xf32, #tpu.memory_space<vmem>>
        %dma_start3A_67 = arith.constant 0 : i32
        %dma_start3A_68 = tpu.memref_slice %arg12[%add3A_32, %dma_start3A_67] : memref<10240x80xf32, #tpu.memory_space<vmem_shared>> -> memref<96x80xf32, #tpu.memory_space<vmem_shared>>
        %dma_start3A_69 = arith.constant 0 : i32
        %dma_start3A_70 = arith.constant 0 : i32
        %dma_start3A_71 = tpu.memref_slice %arg8[%dma_start3A_69, %dma_start3A_70] : memref<128x80xf32, #tpu.memory_space<vmem>> -> memref<96x80xf32, #tpu.memory_space<vmem>>
        %dma_start3A_72 = arith.constant 0 : i32
        %dma_start3A_73 = tpu.memref_slice %arg12[%add3A_32, %dma_start3A_72] : memref<10240x80xf32, #tpu.memory_space<vmem_shared>> -> memref<96x80xf32, #tpu.memory_space<vmem_shared>>
        tpu.enqueue_dma source(%dma_start3A_73 : memref<96x80xf32, #tpu.memory_space<vmem_shared>>) target(%dma_start3A_71 : memref<96x80xf32, #tpu.memory_space<vmem>>) target_semaphore(%run_scoped3A : memref<!tpu.dma_semaphore, #tpu.memory_space<semaphore_mem>>)
        %dma_wait3A = arith.constant 0 : i32
        %dma_wait3A_74 = arith.constant 0 : i32
        %dma_wait3A_75 = tpu.memref_slice %arg8[%dma_wait3A, %dma_wait3A_74] : memref<128x80xf32, #tpu.memory_space<vmem>> -> memref<96x80xf32, #tpu.memory_space<vmem>>
        %dma_wait3A_76 = arith.constant 0 : i32
        %dma_wait3A_77 = tpu.memref_slice %arg12[%add3A_32, %dma_wait3A_76] : memref<10240x80xf32, #tpu.memory_space<vmem_shared>> -> memref<96x80xf32, #tpu.memory_space<vmem_shared>>
        %dma_wait3A_78 = arith.constant 0 : i32
        %dma_wait3A_79 = arith.constant 0 : i32
        %dma_wait3A_80 = tpu.memref_slice %arg8[%dma_wait3A_78, %dma_wait3A_79] : memref<128x80xf32, #tpu.memory_space<vmem>> -> memref<96x80xf32, #tpu.memory_space<vmem>>
        %dma_wait3A_81 = arith.constant 0 : i32
        %dma_wait3A_82 = tpu.memref_slice %arg12[%add3A_32, %dma_wait3A_81] : memref<10240x80xf32, #tpu.memory_space<vmem_shared>> -> memref<96x80xf32, #tpu.memory_space<vmem_shared>>
        tpu.wait_dma2 semaphore(%run_scoped3A : memref<!tpu.dma_semaphore, #tpu.memory_space<semaphore_mem>>) src(%dma_wait3A_82 : memref<96x80xf32, #tpu.memory_space<vmem_shared>>) dst(%dma_wait3A_80 : memref<96x80xf32, #tpu.memory_space<vmem>>)
        tpu.yield
      }) : () -> ()
      "tpu.region"() ({
        %run_scoped3A = tpu.sem_alloc : memref<!tpu.dma_semaphore, #tpu.memory_space<semaphore_mem>>
        %dma_start3A = arith.constant 0 : i32
        %dma_start3A_65 = arith.constant 0 : i32
        %dma_start3A_66 = tpu.memref_slice %arg8[%dma_start3A, %dma_start3A_65] : memref<128x80xf32, #tpu.memory_space<vmem>> -> memref<96x80xf32, #tpu.memory_space<vmem>>
        %dma_start3A_67 = arith.constant 0 : i32
        %dma_start3A_68 = tpu.memref_slice %arg5[%arg0, %add3A_32, %dma_start3A_67] : memref<2x10000x80xf32, #tpu.memory_space<hbm>> -> memref<1x96x80xf32, #tpu.memory_space<hbm>>
        %dma_start3A_69 = tpu.memref_squeeze %dma_start3A_68 : memref<1x96x80xf32, #tpu.memory_space<hbm>> -> memref<96x80xf32, #tpu.memory_space<hbm>>
        %dma_start3A_70 = arith.constant 0 : i32
        %dma_start3A_71 = tpu.memref_slice %arg5[%arg0, %add3A_32, %dma_start3A_70] : memref<2x10000x80xf32, #tpu.memory_space<hbm>> -> memref<1x96x80xf32, #tpu.memory_space<hbm>>
        %dma_start3A_72 = tpu.memref_squeeze %dma_start3A_71 : memref<1x96x80xf32, #tpu.memory_space<hbm>> -> memref<96x80xf32, #tpu.memory_space<hbm>>
        %dma_start3A_73 = arith.constant 0 : i32
        %dma_start3A_74 = arith.constant 0 : i32
        %dma_start3A_75 = tpu.memref_slice %arg8[%dma_start3A_73, %dma_start3A_74] : memref<128x80xf32, #tpu.memory_space<vmem>> -> memref<96x80xf32, #tpu.memory_space<vmem>>
        tpu.enqueue_dma source(%dma_start3A_75 : memref<96x80xf32, #tpu.memory_space<vmem>>) target(%dma_start3A_72 : memref<96x80xf32, #tpu.memory_space<hbm>>) target_semaphore(%run_scoped3A : memref<!tpu.dma_semaphore, #tpu.memory_space<semaphore_mem>>)
        %dma_wait3A = arith.constant 0 : i32
        %dma_wait3A_76 = arith.constant 0 : i32
        %dma_wait3A_77 = tpu.memref_slice %arg8[%dma_wait3A, %dma_wait3A_76] : memref<128x80xf32, #tpu.memory_space<vmem>> -> memref<96x80xf32, #tpu.memory_space<vmem>>
        %dma_wait3A_78 = arith.constant 0 : i32
        %dma_wait3A_79 = tpu.memref_slice %arg5[%arg0, %add3A_32, %dma_wait3A_78] : memref<2x10000x80xf32, #tpu.memory_space<hbm>> -> memref<1x96x80xf32, #tpu.memory_space<hbm>>
        %dma_wait3A_80 = tpu.memref_squeeze %dma_wait3A_79 : memref<1x96x80xf32, #tpu.memory_space<hbm>> -> memref<96x80xf32, #tpu.memory_space<hbm>>
        %dma_wait3A_81 = arith.constant 0 : i32
        %dma_wait3A_82 = tpu.memref_slice %arg5[%arg0, %add3A_32, %dma_wait3A_81] : memref<2x10000x80xf32, #tpu.memory_space<hbm>> -> memref<1x96x80xf32, #tpu.memory_space<hbm>>
        %dma_wait3A_83 = tpu.memref_squeeze %dma_wait3A_82 : memref<1x96x80xf32, #tpu.memory_space<hbm>> -> memref<96x80xf32, #tpu.memory_space<hbm>>
        %dma_wait3A_84 = arith.constant 0 : i32
        %dma_wait3A_85 = arith.constant 0 : i32
        %dma_wait3A_86 = tpu.memref_slice %arg8[%dma_wait3A_84, %dma_wait3A_85] : memref<128x80xf32, #tpu.memory_space<vmem>> -> memref<96x80xf32, #tpu.memory_space<vmem>>
        tpu.wait_dma2 semaphore(%run_scoped3A : memref<!tpu.dma_semaphore, #tpu.memory_space<semaphore_mem>>) src(%dma_wait3A_86 : memref<96x80xf32, #tpu.memory_space<vmem>>) dst(%dma_wait3A_83 : memref<96x80xf32, #tpu.memory_space<hbm>>)
        tpu.yield
      }) : () -> ()
      %mul3A_33 = arith.constant 1000 : i32
      %mul3A_34 = arith.muli %arg1, %mul3A_33 : i32
      %add3A_35 = arith.constant 288 : i32
      %add3A_36 = arith.addi %mul3A_34, %add3A_35 : i32
      "tpu.region"() ({
        %run_scoped3A = tpu.sem_alloc : memref<!tpu.dma_semaphore, #tpu.memory_space<semaphore_mem>>
        %dma_start3A = arith.constant 0 : i32
        %dma_start3A_65 = arith.constant 0 : i32
        %dma_start3A_66 = tpu.memref_slice %arg8[%dma_start3A, %dma_start3A_65] : memref<128x80xf32, #tpu.memory_space<vmem>> -> memref<96x80xf32, #tpu.memory_space<vmem>>
        %dma_start3A_67 = arith.constant 0 : i32
        %dma_start3A_68 = tpu.memref_slice %arg12[%add3A_36, %dma_start3A_67] : memref<10240x80xf32, #tpu.memory_space<vmem_shared>> -> memref<96x80xf32, #tpu.memory_space<vmem_shared>>
        %dma_start3A_69 = arith.constant 0 : i32
        %dma_start3A_70 = arith.constant 0 : i32
        %dma_start3A_71 = tpu.memref_slice %arg8[%dma_start3A_69, %dma_start3A_70] : memref<128x80xf32, #tpu.memory_space<vmem>> -> memref<96x80xf32, #tpu.memory_space<vmem>>
        %dma_start3A_72 = arith.constant 0 : i32
        %dma_start3A_73 = tpu.memref_slice %arg12[%add3A_36, %dma_start3A_72] : memref<10240x80xf32, #tpu.memory_space<vmem_shared>> -> memref<96x80xf32, #tpu.memory_space<vmem_shared>>
        tpu.enqueue_dma source(%dma_start3A_73 : memref<96x80xf32, #tpu.memory_space<vmem_shared>>) target(%dma_start3A_71 : memref<96x80xf32, #tpu.memory_space<vmem>>) target_semaphore(%run_scoped3A : memref<!tpu.dma_semaphore, #tpu.memory_space<semaphore_mem>>)
        %dma_wait3A = arith.constant 0 : i32
        %dma_wait3A_74 = arith.constant 0 : i32
        %dma_wait3A_75 = tpu.memref_slice %arg8[%dma_wait3A, %dma_wait3A_74] : memref<128x80xf32, #tpu.memory_space<vmem>> -> memref<96x80xf32, #tpu.memory_space<vmem>>
        %dma_wait3A_76 = arith.constant 0 : i32
        %dma_wait3A_77 = tpu.memref_slice %arg12[%add3A_36, %dma_wait3A_76] : memref<10240x80xf32, #tpu.memory_space<vmem_shared>> -> memref<96x80xf32, #tpu.memory_space<vmem_shared>>
        %dma_wait3A_78 = arith.constant 0 : i32
        %dma_wait3A_79 = arith.constant 0 : i32
        %dma_wait3A_80 = tpu.memref_slice %arg8[%dma_wait3A_78, %dma_wait3A_79] : memref<128x80xf32, #tpu.memory_space<vmem>> -> memref<96x80xf32, #tpu.memory_space<vmem>>
        %dma_wait3A_81 = arith.constant 0 : i32
        %dma_wait3A_82 = tpu.memref_slice %arg12[%add3A_36, %dma_wait3A_81] : memref<10240x80xf32, #tpu.memory_space<vmem_shared>> -> memref<96x80xf32, #tpu.memory_space<vmem_shared>>
        tpu.wait_dma2 semaphore(%run_scoped3A : memref<!tpu.dma_semaphore, #tpu.memory_space<semaphore_mem>>) src(%dma_wait3A_82 : memref<96x80xf32, #tpu.memory_space<vmem_shared>>) dst(%dma_wait3A_80 : memref<96x80xf32, #tpu.memory_space<vmem>>)
        tpu.yield
      }) : () -> ()
      "tpu.region"() ({
        %run_scoped3A = tpu.sem_alloc : memref<!tpu.dma_semaphore, #tpu.memory_space<semaphore_mem>>
        %dma_start3A = arith.constant 0 : i32
        %dma_start3A_65 = arith.constant 0 : i32
        %dma_start3A_66 = tpu.memref_slice %arg8[%dma_start3A, %dma_start3A_65] : memref<128x80xf32, #tpu.memory_space<vmem>> -> memref<96x80xf32, #tpu.memory_space<vmem>>
        %dma_start3A_67 = arith.constant 0 : i32
        %dma_start3A_68 = tpu.memref_slice %arg5[%arg0, %add3A_36, %dma_start3A_67] : memref<2x10000x80xf32, #tpu.memory_space<hbm>> -> memref<1x96x80xf32, #tpu.memory_space<hbm>>
        %dma_start3A_69 = tpu.memref_squeeze %dma_start3A_68 : memref<1x96x80xf32, #tpu.memory_space<hbm>> -> memref<96x80xf32, #tpu.memory_space<hbm>>
        %dma_start3A_70 = arith.constant 0 : i32
        %dma_start3A_71 = tpu.memref_slice %arg5[%arg0, %add3A_36, %dma_start3A_70] : memref<2x10000x80xf32, #tpu.memory_space<hbm>> -> memref<1x96x80xf32, #tpu.memory_space<hbm>>
        %dma_start3A_72 = tpu.memref_squeeze %dma_start3A_71 : memref<1x96x80xf32, #tpu.memory_space<hbm>> -> memref<96x80xf32, #tpu.memory_space<hbm>>
        %dma_start3A_73 = arith.constant 0 : i32
        %dma_start3A_74 = arith.constant 0 : i32
        %dma_start3A_75 = tpu.memref_slice %arg8[%dma_start3A_73, %dma_start3A_74] : memref<128x80xf32, #tpu.memory_space<vmem>> -> memref<96x80xf32, #tpu.memory_space<vmem>>
        tpu.enqueue_dma source(%dma_start3A_75 : memref<96x80xf32, #tpu.memory_space<vmem>>) target(%dma_start3A_72 : memref<96x80xf32, #tpu.memory_space<hbm>>) target_semaphore(%run_scoped3A : memref<!tpu.dma_semaphore, #tpu.memory_space<semaphore_mem>>)
        %dma_wait3A = arith.constant 0 : i32
        %dma_wait3A_76 = arith.constant 0 : i32
        %dma_wait3A_77 = tpu.memref_slice %arg8[%dma_wait3A, %dma_wait3A_76] : memref<128x80xf32, #tpu.memory_space<vmem>> -> memref<96x80xf32, #tpu.memory_space<vmem>>
        %dma_wait3A_78 = arith.constant 0 : i32
        %dma_wait3A_79 = tpu.memref_slice %arg5[%arg0, %add3A_36, %dma_wait3A_78] : memref<2x10000x80xf32, #tpu.memory_space<hbm>> -> memref<1x96x80xf32, #tpu.memory_space<hbm>>
        %dma_wait3A_80 = tpu.memref_squeeze %dma_wait3A_79 : memref<1x96x80xf32, #tpu.memory_space<hbm>> -> memref<96x80xf32, #tpu.memory_space<hbm>>
        %dma_wait3A_81 = arith.constant 0 : i32
        %dma_wait3A_82 = tpu.memref_slice %arg5[%arg0, %add3A_36, %dma_wait3A_81] : memref<2x10000x80xf32, #tpu.memory_space<hbm>> -> memref<1x96x80xf32, #tpu.memory_space<hbm>>
        %dma_wait3A_83 = tpu.memref_squeeze %dma_wait3A_82 : memref<1x96x80xf32, #tpu.memory_space<hbm>> -> memref<96x80xf32, #tpu.memory_space<hbm>>
        %dma_wait3A_84 = arith.constant 0 : i32
        %dma_wait3A_85 = arith.constant 0 : i32
        %dma_wait3A_86 = tpu.memref_slice %arg8[%dma_wait3A_84, %dma_wait3A_85] : memref<128x80xf32, #tpu.memory_space<vmem>> -> memref<96x80xf32, #tpu.memory_space<vmem>>
        tpu.wait_dma2 semaphore(%run_scoped3A : memref<!tpu.dma_semaphore, #tpu.memory_space<semaphore_mem>>) src(%dma_wait3A_86 : memref<96x80xf32, #tpu.memory_space<vmem>>) dst(%dma_wait3A_83 : memref<96x80xf32, #tpu.memory_space<hbm>>)
        tpu.yield
      }) : () -> ()
      %mul3A_37 = arith.constant 1000 : i32
      %mul3A_38 = arith.muli %arg1, %mul3A_37 : i32
      %add3A_39 = arith.constant 384 : i32
      %add3A_40 = arith.addi %mul3A_38, %add3A_39 : i32
      "tpu.region"() ({
        %run_scoped3A = tpu.sem_alloc : memref<!tpu.dma_semaphore, #tpu.memory_space<semaphore_mem>>
        %dma_start3A = arith.constant 0 : i32
        %dma_start3A_65 = arith.constant 0 : i32
        %dma_start3A_66 = tpu.memref_slice %arg8[%dma_start3A, %dma_start3A_65] : memref<128x80xf32, #tpu.memory_space<vmem>> -> memref<96x80xf32, #tpu.memory_space<vmem>>
        %dma_start3A_67 = arith.constant 0 : i32
        %dma_start3A_68 = tpu.memref_slice %arg12[%add3A_40, %dma_start3A_67] : memref<10240x80xf32, #tpu.memory_space<vmem_shared>> -> memref<96x80xf32, #tpu.memory_space<vmem_shared>>
        %dma_start3A_69 = arith.constant 0 : i32
        %dma_start3A_70 = arith.constant 0 : i32
        %dma_start3A_71 = tpu.memref_slice %arg8[%dma_start3A_69, %dma_start3A_70] : memref<128x80xf32, #tpu.memory_space<vmem>> -> memref<96x80xf32, #tpu.memory_space<vmem>>
        %dma_start3A_72 = arith.constant 0 : i32
        %dma_start3A_73 = tpu.memref_slice %arg12[%add3A_40, %dma_start3A_72] : memref<10240x80xf32, #tpu.memory_space<vmem_shared>> -> memref<96x80xf32, #tpu.memory_space<vmem_shared>>
        tpu.enqueue_dma source(%dma_start3A_73 : memref<96x80xf32, #tpu.memory_space<vmem_shared>>) target(%dma_start3A_71 : memref<96x80xf32, #tpu.memory_space<vmem>>) target_semaphore(%run_scoped3A : memref<!tpu.dma_semaphore, #tpu.memory_space<semaphore_mem>>)
        %dma_wait3A = arith.constant 0 : i32
        %dma_wait3A_74 = arith.constant 0 : i32
        %dma_wait3A_75 = tpu.memref_slice %arg8[%dma_wait3A, %dma_wait3A_74] : memref<128x80xf32, #tpu.memory_space<vmem>> -> memref<96x80xf32, #tpu.memory_space<vmem>>
        %dma_wait3A_76 = arith.constant 0 : i32
        %dma_wait3A_77 = tpu.memref_slice %arg12[%add3A_40, %dma_wait3A_76] : memref<10240x80xf32, #tpu.memory_space<vmem_shared>> -> memref<96x80xf32, #tpu.memory_space<vmem_shared>>
        %dma_wait3A_78 = arith.constant 0 : i32
        %dma_wait3A_79 = arith.constant 0 : i32
        %dma_wait3A_80 = tpu.memref_slice %arg8[%dma_wait3A_78, %dma_wait3A_79] : memref<128x80xf32, #tpu.memory_space<vmem>> -> memref<96x80xf32, #tpu.memory_space<vmem>>
        %dma_wait3A_81 = arith.constant 0 : i32
        %dma_wait3A_82 = tpu.memref_slice %arg12[%add3A_40, %dma_wait3A_81] : memref<10240x80xf32, #tpu.memory_space<vmem_shared>> -> memref<96x80xf32, #tpu.memory_space<vmem_shared>>
        tpu.wait_dma2 semaphore(%run_scoped3A : memref<!tpu.dma_semaphore, #tpu.memory_space<semaphore_mem>>) src(%dma_wait3A_82 : memref<96x80xf32, #tpu.memory_space<vmem_shared>>) dst(%dma_wait3A_80 : memref<96x80xf32, #tpu.memory_space<vmem>>)
        tpu.yield
      }) : () -> ()
      "tpu.region"() ({
        %run_scoped3A = tpu.sem_alloc : memref<!tpu.dma_semaphore, #tpu.memory_space<semaphore_mem>>
        %dma_start3A = arith.constant 0 : i32
        %dma_start3A_65 = arith.constant 0 : i32
        %dma_start3A_66 = tpu.memref_slice %arg8[%dma_start3A, %dma_start3A_65] : memref<128x80xf32, #tpu.memory_space<vmem>> -> memref<96x80xf32, #tpu.memory_space<vmem>>
        %dma_start3A_67 = arith.constant 0 : i32
        %dma_start3A_68 = tpu.memref_slice %arg5[%arg0, %add3A_40, %dma_start3A_67] : memref<2x10000x80xf32, #tpu.memory_space<hbm>> -> memref<1x96x80xf32, #tpu.memory_space<hbm>>
        %dma_start3A_69 = tpu.memref_squeeze %dma_start3A_68 : memref<1x96x80xf32, #tpu.memory_space<hbm>> -> memref<96x80xf32, #tpu.memory_space<hbm>>
        %dma_start3A_70 = arith.constant 0 : i32
        %dma_start3A_71 = tpu.memref_slice %arg5[%arg0, %add3A_40, %dma_start3A_70] : memref<2x10000x80xf32, #tpu.memory_space<hbm>> -> memref<1x96x80xf32, #tpu.memory_space<hbm>>
        %dma_start3A_72 = tpu.memref_squeeze %dma_start3A_71 : memref<1x96x80xf32, #tpu.memory_space<hbm>> -> memref<96x80xf32, #tpu.memory_space<hbm>>
        %dma_start3A_73 = arith.constant 0 : i32
        %dma_start3A_74 = arith.constant 0 : i32
        %dma_start3A_75 = tpu.memref_slice %arg8[%dma_start3A_73, %dma_start3A_74] : memref<128x80xf32, #tpu.memory_space<vmem>> -> memref<96x80xf32, #tpu.memory_space<vmem>>
        tpu.enqueue_dma source(%dma_start3A_75 : memref<96x80xf32, #tpu.memory_space<vmem>>) target(%dma_start3A_72 : memref<96x80xf32, #tpu.memory_space<hbm>>) target_semaphore(%run_scoped3A : memref<!tpu.dma_semaphore, #tpu.memory_space<semaphore_mem>>)
        %dma_wait3A = arith.constant 0 : i32
        %dma_wait3A_76 = arith.constant 0 : i32
        %dma_wait3A_77 = tpu.memref_slice %arg8[%dma_wait3A, %dma_wait3A_76] : memref<128x80xf32, #tpu.memory_space<vmem>> -> memref<96x80xf32, #tpu.memory_space<vmem>>
        %dma_wait3A_78 = arith.constant 0 : i32
        %dma_wait3A_79 = tpu.memref_slice %arg5[%arg0, %add3A_40, %dma_wait3A_78] : memref<2x10000x80xf32, #tpu.memory_space<hbm>> -> memref<1x96x80xf32, #tpu.memory_space<hbm>>
        %dma_wait3A_80 = tpu.memref_squeeze %dma_wait3A_79 : memref<1x96x80xf32, #tpu.memory_space<hbm>> -> memref<96x80xf32, #tpu.memory_space<hbm>>
        %dma_wait3A_81 = arith.constant 0 : i32
        %dma_wait3A_82 = tpu.memref_slice %arg5[%arg0, %add3A_40, %dma_wait3A_81] : memref<2x10000x80xf32, #tpu.memory_space<hbm>> -> memref<1x96x80xf32, #tpu.memory_space<hbm>>
        %dma_wait3A_83 = tpu.memref_squeeze %dma_wait3A_82 : memref<1x96x80xf32, #tpu.memory_space<hbm>> -> memref<96x80xf32, #tpu.memory_space<hbm>>
        %dma_wait3A_84 = arith.constant 0 : i32
        %dma_wait3A_85 = arith.constant 0 : i32
        %dma_wait3A_86 = tpu.memref_slice %arg8[%dma_wait3A_84, %dma_wait3A_85] : memref<128x80xf32, #tpu.memory_space<vmem>> -> memref<96x80xf32, #tpu.memory_space<vmem>>
        tpu.wait_dma2 semaphore(%run_scoped3A : memref<!tpu.dma_semaphore, #tpu.memory_space<semaphore_mem>>) src(%dma_wait3A_86 : memref<96x80xf32, #tpu.memory_space<vmem>>) dst(%dma_wait3A_83 : memref<96x80xf32, #tpu.memory_space<hbm>>)
        tpu.yield
      }) : () -> ()
      %mul3A_41 = arith.constant 1000 : i32
      %mul3A_42 = arith.muli %arg1, %mul3A_41 : i32
      %add3A_43 = arith.constant 480 : i32
      %add3A_44 = arith.addi %mul3A_42, %add3A_43 : i32
      "tpu.region"() ({
        %run_scoped3A = tpu.sem_alloc : memref<!tpu.dma_semaphore, #tpu.memory_space<semaphore_mem>>
        %dma_start3A = arith.constant 0 : i32
        %dma_start3A_65 = arith.constant 0 : i32
        %dma_start3A_66 = tpu.memref_slice %arg8[%dma_start3A, %dma_start3A_65] : memref<128x80xf32, #tpu.memory_space<vmem>> -> memref<96x80xf32, #tpu.memory_space<vmem>>
        %dma_start3A_67 = arith.constant 0 : i32
        %dma_start3A_68 = tpu.memref_slice %arg12[%add3A_44, %dma_start3A_67] : memref<10240x80xf32, #tpu.memory_space<vmem_shared>> -> memref<96x80xf32, #tpu.memory_space<vmem_shared>>
        %dma_start3A_69 = arith.constant 0 : i32
        %dma_start3A_70 = arith.constant 0 : i32
        %dma_start3A_71 = tpu.memref_slice %arg8[%dma_start3A_69, %dma_start3A_70] : memref<128x80xf32, #tpu.memory_space<vmem>> -> memref<96x80xf32, #tpu.memory_space<vmem>>
        %dma_start3A_72 = arith.constant 0 : i32
        %dma_start3A_73 = tpu.memref_slice %arg12[%add3A_44, %dma_start3A_72] : memref<10240x80xf32, #tpu.memory_space<vmem_shared>> -> memref<96x80xf32, #tpu.memory_space<vmem_shared>>
        tpu.enqueue_dma source(%dma_start3A_73 : memref<96x80xf32, #tpu.memory_space<vmem_shared>>) target(%dma_start3A_71 : memref<96x80xf32, #tpu.memory_space<vmem>>) target_semaphore(%run_scoped3A : memref<!tpu.dma_semaphore, #tpu.memory_space<semaphore_mem>>)
        %dma_wait3A = arith.constant 0 : i32
        %dma_wait3A_74 = arith.constant 0 : i32
        %dma_wait3A_75 = tpu.memref_slice %arg8[%dma_wait3A, %dma_wait3A_74] : memref<128x80xf32, #tpu.memory_space<vmem>> -> memref<96x80xf32, #tpu.memory_space<vmem>>
        %dma_wait3A_76 = arith.constant 0 : i32
        %dma_wait3A_77 = tpu.memref_slice %arg12[%add3A_44, %dma_wait3A_76] : memref<10240x80xf32, #tpu.memory_space<vmem_shared>> -> memref<96x80xf32, #tpu.memory_space<vmem_shared>>
        %dma_wait3A_78 = arith.constant 0 : i32
        %dma_wait3A_79 = arith.constant 0 : i32
        %dma_wait3A_80 = tpu.memref_slice %arg8[%dma_wait3A_78, %dma_wait3A_79] : memref<128x80xf32, #tpu.memory_space<vmem>> -> memref<96x80xf32, #tpu.memory_space<vmem>>
        %dma_wait3A_81 = arith.constant 0 : i32
        %dma_wait3A_82 = tpu.memref_slice %arg12[%add3A_44, %dma_wait3A_81] : memref<10240x80xf32, #tpu.memory_space<vmem_shared>> -> memref<96x80xf32, #tpu.memory_space<vmem_shared>>
        tpu.wait_dma2 semaphore(%run_scoped3A : memref<!tpu.dma_semaphore, #tpu.memory_space<semaphore_mem>>) src(%dma_wait3A_82 : memref<96x80xf32, #tpu.memory_space<vmem_shared>>) dst(%dma_wait3A_80 : memref<96x80xf32, #tpu.memory_space<vmem>>)
        tpu.yield
      }) : () -> ()
      "tpu.region"() ({
        %run_scoped3A = tpu.sem_alloc : memref<!tpu.dma_semaphore, #tpu.memory_space<semaphore_mem>>
        %dma_start3A = arith.constant 0 : i32
        %dma_start3A_65 = arith.constant 0 : i32
        %dma_start3A_66 = tpu.memref_slice %arg8[%dma_start3A, %dma_start3A_65] : memref<128x80xf32, #tpu.memory_space<vmem>> -> memref<96x80xf32, #tpu.memory_space<vmem>>
        %dma_start3A_67 = arith.constant 0 : i32
        %dma_start3A_68 = tpu.memref_slice %arg5[%arg0, %add3A_44, %dma_start3A_67] : memref<2x10000x80xf32, #tpu.memory_space<hbm>> -> memref<1x96x80xf32, #tpu.memory_space<hbm>>
        %dma_start3A_69 = tpu.memref_squeeze %dma_start3A_68 : memref<1x96x80xf32, #tpu.memory_space<hbm>> -> memref<96x80xf32, #tpu.memory_space<hbm>>
        %dma_start3A_70 = arith.constant 0 : i32
        %dma_start3A_71 = tpu.memref_slice %arg5[%arg0, %add3A_44, %dma_start3A_70] : memref<2x10000x80xf32, #tpu.memory_space<hbm>> -> memref<1x96x80xf32, #tpu.memory_space<hbm>>
        %dma_start3A_72 = tpu.memref_squeeze %dma_start3A_71 : memref<1x96x80xf32, #tpu.memory_space<hbm>> -> memref<96x80xf32, #tpu.memory_space<hbm>>
        %dma_start3A_73 = arith.constant 0 : i32
        %dma_start3A_74 = arith.constant 0 : i32
        %dma_start3A_75 = tpu.memref_slice %arg8[%dma_start3A_73, %dma_start3A_74] : memref<128x80xf32, #tpu.memory_space<vmem>> -> memref<96x80xf32, #tpu.memory_space<vmem>>
        tpu.enqueue_dma source(%dma_start3A_75 : memref<96x80xf32, #tpu.memory_space<vmem>>) target(%dma_start3A_72 : memref<96x80xf32, #tpu.memory_space<hbm>>) target_semaphore(%run_scoped3A : memref<!tpu.dma_semaphore, #tpu.memory_space<semaphore_mem>>)
        %dma_wait3A = arith.constant 0 : i32
        %dma_wait3A_76 = arith.constant 0 : i32
        %dma_wait3A_77 = tpu.memref_slice %arg8[%dma_wait3A, %dma_wait3A_76] : memref<128x80xf32, #tpu.memory_space<vmem>> -> memref<96x80xf32, #tpu.memory_space<vmem>>
        %dma_wait3A_78 = arith.constant 0 : i32
        %dma_wait3A_79 = tpu.memref_slice %arg5[%arg0, %add3A_44, %dma_wait3A_78] : memref<2x10000x80xf32, #tpu.memory_space<hbm>> -> memref<1x96x80xf32, #tpu.memory_space<hbm>>
        %dma_wait3A_80 = tpu.memref_squeeze %dma_wait3A_79 : memref<1x96x80xf32, #tpu.memory_space<hbm>> -> memref<96x80xf32, #tpu.memory_space<hbm>>
        %dma_wait3A_81 = arith.constant 0 : i32
        %dma_wait3A_82 = tpu.memref_slice %arg5[%arg0, %add3A_44, %dma_wait3A_81] : memref<2x10000x80xf32, #tpu.memory_space<hbm>> -> memref<1x96x80xf32, #tpu.memory_space<hbm>>
        %dma_wait3A_83 = tpu.memref_squeeze %dma_wait3A_82 : memref<1x96x80xf32, #tpu.memory_space<hbm>> -> memref<96x80xf32, #tpu.memory_space<hbm>>
        %dma_wait3A_84 = arith.constant 0 : i32
        %dma_wait3A_85 = arith.constant 0 : i32
        %dma_wait3A_86 = tpu.memref_slice %arg8[%dma_wait3A_84, %dma_wait3A_85] : memref<128x80xf32, #tpu.memory_space<vmem>> -> memref<96x80xf32, #tpu.memory_space<vmem>>
        tpu.wait_dma2 semaphore(%run_scoped3A : memref<!tpu.dma_semaphore, #tpu.memory_space<semaphore_mem>>) src(%dma_wait3A_86 : memref<96x80xf32, #tpu.memory_space<vmem>>) dst(%dma_wait3A_83 : memref<96x80xf32, #tpu.memory_space<hbm>>)
        tpu.yield
      }) : () -> ()
      %mul3A_45 = arith.constant 1000 : i32
      %mul3A_46 = arith.muli %arg1, %mul3A_45 : i32
      %add3A_47 = arith.constant 576 : i32
      %add3A_48 = arith.addi %mul3A_46, %add3A_47 : i32
      "tpu.region"() ({
        %run_scoped3A = tpu.sem_alloc : memref<!tpu.dma_semaphore, #tpu.memory_space<semaphore_mem>>
        %dma_start3A = arith.constant 0 : i32
        %dma_start3A_65 = arith.constant 0 : i32
        %dma_start3A_66 = tpu.memref_slice %arg8[%dma_start3A, %dma_start3A_65] : memref<128x80xf32, #tpu.memory_space<vmem>> -> memref<96x80xf32, #tpu.memory_space<vmem>>
        %dma_start3A_67 = arith.constant 0 : i32
        %dma_start3A_68 = tpu.memref_slice %arg12[%add3A_48, %dma_start3A_67] : memref<10240x80xf32, #tpu.memory_space<vmem_shared>> -> memref<96x80xf32, #tpu.memory_space<vmem_shared>>
        %dma_start3A_69 = arith.constant 0 : i32
        %dma_start3A_70 = arith.constant 0 : i32
        %dma_start3A_71 = tpu.memref_slice %arg8[%dma_start3A_69, %dma_start3A_70] : memref<128x80xf32, #tpu.memory_space<vmem>> -> memref<96x80xf32, #tpu.memory_space<vmem>>
        %dma_start3A_72 = arith.constant 0 : i32
        %dma_start3A_73 = tpu.memref_slice %arg12[%add3A_48, %dma_start3A_72] : memref<10240x80xf32, #tpu.memory_space<vmem_shared>> -> memref<96x80xf32, #tpu.memory_space<vmem_shared>>
        tpu.enqueue_dma source(%dma_start3A_73 : memref<96x80xf32, #tpu.memory_space<vmem_shared>>) target(%dma_start3A_71 : memref<96x80xf32, #tpu.memory_space<vmem>>) target_semaphore(%run_scoped3A : memref<!tpu.dma_semaphore, #tpu.memory_space<semaphore_mem>>)
        %dma_wait3A = arith.constant 0 : i32
        %dma_wait3A_74 = arith.constant 0 : i32
        %dma_wait3A_75 = tpu.memref_slice %arg8[%dma_wait3A, %dma_wait3A_74] : memref<128x80xf32, #tpu.memory_space<vmem>> -> memref<96x80xf32, #tpu.memory_space<vmem>>
        %dma_wait3A_76 = arith.constant 0 : i32
        %dma_wait3A_77 = tpu.memref_slice %arg12[%add3A_48, %dma_wait3A_76] : memref<10240x80xf32, #tpu.memory_space<vmem_shared>> -> memref<96x80xf32, #tpu.memory_space<vmem_shared>>
        %dma_wait3A_78 = arith.constant 0 : i32
        %dma_wait3A_79 = arith.constant 0 : i32
        %dma_wait3A_80 = tpu.memref_slice %arg8[%dma_wait3A_78, %dma_wait3A_79] : memref<128x80xf32, #tpu.memory_space<vmem>> -> memref<96x80xf32, #tpu.memory_space<vmem>>
        %dma_wait3A_81 = arith.constant 0 : i32
        %dma_wait3A_82 = tpu.memref_slice %arg12[%add3A_48, %dma_wait3A_81] : memref<10240x80xf32, #tpu.memory_space<vmem_shared>> -> memref<96x80xf32, #tpu.memory_space<vmem_shared>>
        tpu.wait_dma2 semaphore(%run_scoped3A : memref<!tpu.dma_semaphore, #tpu.memory_space<semaphore_mem>>) src(%dma_wait3A_82 : memref<96x80xf32, #tpu.memory_space<vmem_shared>>) dst(%dma_wait3A_80 : memref<96x80xf32, #tpu.memory_space<vmem>>)
        tpu.yield
      }) : () -> ()
      "tpu.region"() ({
        %run_scoped3A = tpu.sem_alloc : memref<!tpu.dma_semaphore, #tpu.memory_space<semaphore_mem>>
        %dma_start3A = arith.constant 0 : i32
        %dma_start3A_65 = arith.constant 0 : i32
        %dma_start3A_66 = tpu.memref_slice %arg8[%dma_start3A, %dma_start3A_65] : memref<128x80xf32, #tpu.memory_space<vmem>> -> memref<96x80xf32, #tpu.memory_space<vmem>>
        %dma_start3A_67 = arith.constant 0 : i32
        %dma_start3A_68 = tpu.memref_slice %arg5[%arg0, %add3A_48, %dma_start3A_67] : memref<2x10000x80xf32, #tpu.memory_space<hbm>> -> memref<1x96x80xf32, #tpu.memory_space<hbm>>
        %dma_start3A_69 = tpu.memref_squeeze %dma_start3A_68 : memref<1x96x80xf32, #tpu.memory_space<hbm>> -> memref<96x80xf32, #tpu.memory_space<hbm>>
        %dma_start3A_70 = arith.constant 0 : i32
        %dma_start3A_71 = tpu.memref_slice %arg5[%arg0, %add3A_48, %dma_start3A_70] : memref<2x10000x80xf32, #tpu.memory_space<hbm>> -> memref<1x96x80xf32, #tpu.memory_space<hbm>>
        %dma_start3A_72 = tpu.memref_squeeze %dma_start3A_71 : memref<1x96x80xf32, #tpu.memory_space<hbm>> -> memref<96x80xf32, #tpu.memory_space<hbm>>
        %dma_start3A_73 = arith.constant 0 : i32
        %dma_start3A_74 = arith.constant 0 : i32
        %dma_start3A_75 = tpu.memref_slice %arg8[%dma_start3A_73, %dma_start3A_74] : memref<128x80xf32, #tpu.memory_space<vmem>> -> memref<96x80xf32, #tpu.memory_space<vmem>>
        tpu.enqueue_dma source(%dma_start3A_75 : memref<96x80xf32, #tpu.memory_space<vmem>>) target(%dma_start3A_72 : memref<96x80xf32, #tpu.memory_space<hbm>>) target_semaphore(%run_scoped3A : memref<!tpu.dma_semaphore, #tpu.memory_space<semaphore_mem>>)
        %dma_wait3A = arith.constant 0 : i32
        %dma_wait3A_76 = arith.constant 0 : i32
        %dma_wait3A_77 = tpu.memref_slice %arg8[%dma_wait3A, %dma_wait3A_76] : memref<128x80xf32, #tpu.memory_space<vmem>> -> memref<96x80xf32, #tpu.memory_space<vmem>>
        %dma_wait3A_78 = arith.constant 0 : i32
        %dma_wait3A_79 = tpu.memref_slice %arg5[%arg0, %add3A_48, %dma_wait3A_78] : memref<2x10000x80xf32, #tpu.memory_space<hbm>> -> memref<1x96x80xf32, #tpu.memory_space<hbm>>
        %dma_wait3A_80 = tpu.memref_squeeze %dma_wait3A_79 : memref<1x96x80xf32, #tpu.memory_space<hbm>> -> memref<96x80xf32, #tpu.memory_space<hbm>>
        %dma_wait3A_81 = arith.constant 0 : i32
        %dma_wait3A_82 = tpu.memref_slice %arg5[%arg0, %add3A_48, %dma_wait3A_81] : memref<2x10000x80xf32, #tpu.memory_space<hbm>> -> memref<1x96x80xf32, #tpu.memory_space<hbm>>
        %dma_wait3A_83 = tpu.memref_squeeze %dma_wait3A_82 : memref<1x96x80xf32, #tpu.memory_space<hbm>> -> memref<96x80xf32, #tpu.memory_space<hbm>>
        %dma_wait3A_84 = arith.constant 0 : i32
        %dma_wait3A_85 = arith.constant 0 : i32
        %dma_wait3A_86 = tpu.memref_slice %arg8[%dma_wait3A_84, %dma_wait3A_85] : memref<128x80xf32, #tpu.memory_space<vmem>> -> memref<96x80xf32, #tpu.memory_space<vmem>>
        tpu.wait_dma2 semaphore(%run_scoped3A : memref<!tpu.dma_semaphore, #tpu.memory_space<semaphore_mem>>) src(%dma_wait3A_86 : memref<96x80xf32, #tpu.memory_space<vmem>>) dst(%dma_wait3A_83 : memref<96x80xf32, #tpu.memory_space<hbm>>)
        tpu.yield
      }) : () -> ()
      %mul3A_49 = arith.constant 1000 : i32
      %mul3A_50 = arith.muli %arg1, %mul3A_49 : i32
      %add3A_51 = arith.constant 672 : i32
      %add3A_52 = arith.addi %mul3A_50, %add3A_51 : i32
      "tpu.region"() ({
        %run_scoped3A = tpu.sem_alloc : memref<!tpu.dma_semaphore, #tpu.memory_space<semaphore_mem>>
        %dma_start3A = arith.constant 0 : i32
        %dma_start3A_65 = arith.constant 0 : i32
        %dma_start3A_66 = tpu.memref_slice %arg8[%dma_start3A, %dma_start3A_65] : memref<128x80xf32, #tpu.memory_space<vmem>> -> memref<96x80xf32, #tpu.memory_space<vmem>>
        %dma_start3A_67 = arith.constant 0 : i32
        %dma_start3A_68 = tpu.memref_slice %arg12[%add3A_52, %dma_start3A_67] : memref<10240x80xf32, #tpu.memory_space<vmem_shared>> -> memref<96x80xf32, #tpu.memory_space<vmem_shared>>
        %dma_start3A_69 = arith.constant 0 : i32
        %dma_start3A_70 = arith.constant 0 : i32
        %dma_start3A_71 = tpu.memref_slice %arg8[%dma_start3A_69, %dma_start3A_70] : memref<128x80xf32, #tpu.memory_space<vmem>> -> memref<96x80xf32, #tpu.memory_space<vmem>>
        %dma_start3A_72 = arith.constant 0 : i32
        %dma_start3A_73 = tpu.memref_slice %arg12[%add3A_52, %dma_start3A_72] : memref<10240x80xf32, #tpu.memory_space<vmem_shared>> -> memref<96x80xf32, #tpu.memory_space<vmem_shared>>
        tpu.enqueue_dma source(%dma_start3A_73 : memref<96x80xf32, #tpu.memory_space<vmem_shared>>) target(%dma_start3A_71 : memref<96x80xf32, #tpu.memory_space<vmem>>) target_semaphore(%run_scoped3A : memref<!tpu.dma_semaphore, #tpu.memory_space<semaphore_mem>>)
        %dma_wait3A = arith.constant 0 : i32
        %dma_wait3A_74 = arith.constant 0 : i32
        %dma_wait3A_75 = tpu.memref_slice %arg8[%dma_wait3A, %dma_wait3A_74] : memref<128x80xf32, #tpu.memory_space<vmem>> -> memref<96x80xf32, #tpu.memory_space<vmem>>
        %dma_wait3A_76 = arith.constant 0 : i32
        %dma_wait3A_77 = tpu.memref_slice %arg12[%add3A_52, %dma_wait3A_76] : memref<10240x80xf32, #tpu.memory_space<vmem_shared>> -> memref<96x80xf32, #tpu.memory_space<vmem_shared>>
        %dma_wait3A_78 = arith.constant 0 : i32
        %dma_wait3A_79 = arith.constant 0 : i32
        %dma_wait3A_80 = tpu.memref_slice %arg8[%dma_wait3A_78, %dma_wait3A_79] : memref<128x80xf32, #tpu.memory_space<vmem>> -> memref<96x80xf32, #tpu.memory_space<vmem>>
        %dma_wait3A_81 = arith.constant 0 : i32
        %dma_wait3A_82 = tpu.memref_slice %arg12[%add3A_52, %dma_wait3A_81] : memref<10240x80xf32, #tpu.memory_space<vmem_shared>> -> memref<96x80xf32, #tpu.memory_space<vmem_shared>>
        tpu.wait_dma2 semaphore(%run_scoped3A : memref<!tpu.dma_semaphore, #tpu.memory_space<semaphore_mem>>) src(%dma_wait3A_82 : memref<96x80xf32, #tpu.memory_space<vmem_shared>>) dst(%dma_wait3A_80 : memref<96x80xf32, #tpu.memory_space<vmem>>)
        tpu.yield
      }) : () -> ()
      "tpu.region"() ({
        %run_scoped3A = tpu.sem_alloc : memref<!tpu.dma_semaphore, #tpu.memory_space<semaphore_mem>>
        %dma_start3A = arith.constant 0 : i32
        %dma_start3A_65 = arith.constant 0 : i32
        %dma_start3A_66 = tpu.memref_slice %arg8[%dma_start3A, %dma_start3A_65] : memref<128x80xf32, #tpu.memory_space<vmem>> -> memref<96x80xf32, #tpu.memory_space<vmem>>
        %dma_start3A_67 = arith.constant 0 : i32
        %dma_start3A_68 = tpu.memref_slice %arg5[%arg0, %add3A_52, %dma_start3A_67] : memref<2x10000x80xf32, #tpu.memory_space<hbm>> -> memref<1x96x80xf32, #tpu.memory_space<hbm>>
        %dma_start3A_69 = tpu.memref_squeeze %dma_start3A_68 : memref<1x96x80xf32, #tpu.memory_space<hbm>> -> memref<96x80xf32, #tpu.memory_space<hbm>>
        %dma_start3A_70 = arith.constant 0 : i32
        %dma_start3A_71 = tpu.memref_slice %arg5[%arg0, %add3A_52, %dma_start3A_70] : memref<2x10000x80xf32, #tpu.memory_space<hbm>> -> memref<1x96x80xf32, #tpu.memory_space<hbm>>
        %dma_start3A_72 = tpu.memref_squeeze %dma_start3A_71 : memref<1x96x80xf32, #tpu.memory_space<hbm>> -> memref<96x80xf32, #tpu.memory_space<hbm>>
        %dma_start3A_73 = arith.constant 0 : i32
        %dma_start3A_74 = arith.constant 0 : i32
        %dma_start3A_75 = tpu.memref_slice %arg8[%dma_start3A_73, %dma_start3A_74] : memref<128x80xf32, #tpu.memory_space<vmem>> -> memref<96x80xf32, #tpu.memory_space<vmem>>
        tpu.enqueue_dma source(%dma_start3A_75 : memref<96x80xf32, #tpu.memory_space<vmem>>) target(%dma_start3A_72 : memref<96x80xf32, #tpu.memory_space<hbm>>) target_semaphore(%run_scoped3A : memref<!tpu.dma_semaphore, #tpu.memory_space<semaphore_mem>>)
        %dma_wait3A = arith.constant 0 : i32
        %dma_wait3A_76 = arith.constant 0 : i32
        %dma_wait3A_77 = tpu.memref_slice %arg8[%dma_wait3A, %dma_wait3A_76] : memref<128x80xf32, #tpu.memory_space<vmem>> -> memref<96x80xf32, #tpu.memory_space<vmem>>
        %dma_wait3A_78 = arith.constant 0 : i32
        %dma_wait3A_79 = tpu.memref_slice %arg5[%arg0, %add3A_52, %dma_wait3A_78] : memref<2x10000x80xf32, #tpu.memory_space<hbm>> -> memref<1x96x80xf32, #tpu.memory_space<hbm>>
        %dma_wait3A_80 = tpu.memref_squeeze %dma_wait3A_79 : memref<1x96x80xf32, #tpu.memory_space<hbm>> -> memref<96x80xf32, #tpu.memory_space<hbm>>
        %dma_wait3A_81 = arith.constant 0 : i32
        %dma_wait3A_82 = tpu.memref_slice %arg5[%arg0, %add3A_52, %dma_wait3A_81] : memref<2x10000x80xf32, #tpu.memory_space<hbm>> -> memref<1x96x80xf32, #tpu.memory_space<hbm>>
        %dma_wait3A_83 = tpu.memref_squeeze %dma_wait3A_82 : memref<1x96x80xf32, #tpu.memory_space<hbm>> -> memref<96x80xf32, #tpu.memory_space<hbm>>
        %dma_wait3A_84 = arith.constant 0 : i32
        %dma_wait3A_85 = arith.constant 0 : i32
        %dma_wait3A_86 = tpu.memref_slice %arg8[%dma_wait3A_84, %dma_wait3A_85] : memref<128x80xf32, #tpu.memory_space<vmem>> -> memref<96x80xf32, #tpu.memory_space<vmem>>
        tpu.wait_dma2 semaphore(%run_scoped3A : memref<!tpu.dma_semaphore, #tpu.memory_space<semaphore_mem>>) src(%dma_wait3A_86 : memref<96x80xf32, #tpu.memory_space<vmem>>) dst(%dma_wait3A_83 : memref<96x80xf32, #tpu.memory_space<hbm>>)
        tpu.yield
      }) : () -> ()
      %mul3A_53 = arith.constant 1000 : i32
      %mul3A_54 = arith.muli %arg1, %mul3A_53 : i32
      %add3A_55 = arith.constant 768 : i32
      %add3A_56 = arith.addi %mul3A_54, %add3A_55 : i32
      "tpu.region"() ({
        %run_scoped3A = tpu.sem_alloc : memref<!tpu.dma_semaphore, #tpu.memory_space<semaphore_mem>>
        %dma_start3A = arith.constant 0 : i32
        %dma_start3A_65 = arith.constant 0 : i32
        %dma_start3A_66 = tpu.memref_slice %arg8[%dma_start3A, %dma_start3A_65] : memref<128x80xf32, #tpu.memory_space<vmem>> -> memref<96x80xf32, #tpu.memory_space<vmem>>
        %dma_start3A_67 = arith.constant 0 : i32
        %dma_start3A_68 = tpu.memref_slice %arg12[%add3A_56, %dma_start3A_67] : memref<10240x80xf32, #tpu.memory_space<vmem_shared>> -> memref<96x80xf32, #tpu.memory_space<vmem_shared>>
        %dma_start3A_69 = arith.constant 0 : i32
        %dma_start3A_70 = arith.constant 0 : i32
        %dma_start3A_71 = tpu.memref_slice %arg8[%dma_start3A_69, %dma_start3A_70] : memref<128x80xf32, #tpu.memory_space<vmem>> -> memref<96x80xf32, #tpu.memory_space<vmem>>
        %dma_start3A_72 = arith.constant 0 : i32
        %dma_start3A_73 = tpu.memref_slice %arg12[%add3A_56, %dma_start3A_72] : memref<10240x80xf32, #tpu.memory_space<vmem_shared>> -> memref<96x80xf32, #tpu.memory_space<vmem_shared>>
        tpu.enqueue_dma source(%dma_start3A_73 : memref<96x80xf32, #tpu.memory_space<vmem_shared>>) target(%dma_start3A_71 : memref<96x80xf32, #tpu.memory_space<vmem>>) target_semaphore(%run_scoped3A : memref<!tpu.dma_semaphore, #tpu.memory_space<semaphore_mem>>)
        %dma_wait3A = arith.constant 0 : i32
        %dma_wait3A_74 = arith.constant 0 : i32
        %dma_wait3A_75 = tpu.memref_slice %arg8[%dma_wait3A, %dma_wait3A_74] : memref<128x80xf32, #tpu.memory_space<vmem>> -> memref<96x80xf32, #tpu.memory_space<vmem>>
        %dma_wait3A_76 = arith.constant 0 : i32
        %dma_wait3A_77 = tpu.memref_slice %arg12[%add3A_56, %dma_wait3A_76] : memref<10240x80xf32, #tpu.memory_space<vmem_shared>> -> memref<96x80xf32, #tpu.memory_space<vmem_shared>>
        %dma_wait3A_78 = arith.constant 0 : i32
        %dma_wait3A_79 = arith.constant 0 : i32
        %dma_wait3A_80 = tpu.memref_slice %arg8[%dma_wait3A_78, %dma_wait3A_79] : memref<128x80xf32, #tpu.memory_space<vmem>> -> memref<96x80xf32, #tpu.memory_space<vmem>>
        %dma_wait3A_81 = arith.constant 0 : i32
        %dma_wait3A_82 = tpu.memref_slice %arg12[%add3A_56, %dma_wait3A_81] : memref<10240x80xf32, #tpu.memory_space<vmem_shared>> -> memref<96x80xf32, #tpu.memory_space<vmem_shared>>
        tpu.wait_dma2 semaphore(%run_scoped3A : memref<!tpu.dma_semaphore, #tpu.memory_space<semaphore_mem>>) src(%dma_wait3A_82 : memref<96x80xf32, #tpu.memory_space<vmem_shared>>) dst(%dma_wait3A_80 : memref<96x80xf32, #tpu.memory_space<vmem>>)
        tpu.yield
      }) : () -> ()
      "tpu.region"() ({
        %run_scoped3A = tpu.sem_alloc : memref<!tpu.dma_semaphore, #tpu.memory_space<semaphore_mem>>
        %dma_start3A = arith.constant 0 : i32
        %dma_start3A_65 = arith.constant 0 : i32
        %dma_start3A_66 = tpu.memref_slice %arg8[%dma_start3A, %dma_start3A_65] : memref<128x80xf32, #tpu.memory_space<vmem>> -> memref<96x80xf32, #tpu.memory_space<vmem>>
        %dma_start3A_67 = arith.constant 0 : i32
        %dma_start3A_68 = tpu.memref_slice %arg5[%arg0, %add3A_56, %dma_start3A_67] : memref<2x10000x80xf32, #tpu.memory_space<hbm>> -> memref<1x96x80xf32, #tpu.memory_space<hbm>>
        %dma_start3A_69 = tpu.memref_squeeze %dma_start3A_68 : memref<1x96x80xf32, #tpu.memory_space<hbm>> -> memref<96x80xf32, #tpu.memory_space<hbm>>
        %dma_start3A_70 = arith.constant 0 : i32
        %dma_start3A_71 = tpu.memref_slice %arg5[%arg0, %add3A_56, %dma_start3A_70] : memref<2x10000x80xf32, #tpu.memory_space<hbm>> -> memref<1x96x80xf32, #tpu.memory_space<hbm>>
        %dma_start3A_72 = tpu.memref_squeeze %dma_start3A_71 : memref<1x96x80xf32, #tpu.memory_space<hbm>> -> memref<96x80xf32, #tpu.memory_space<hbm>>
        %dma_start3A_73 = arith.constant 0 : i32
        %dma_start3A_74 = arith.constant 0 : i32
        %dma_start3A_75 = tpu.memref_slice %arg8[%dma_start3A_73, %dma_start3A_74] : memref<128x80xf32, #tpu.memory_space<vmem>> -> memref<96x80xf32, #tpu.memory_space<vmem>>
        tpu.enqueue_dma source(%dma_start3A_75 : memref<96x80xf32, #tpu.memory_space<vmem>>) target(%dma_start3A_72 : memref<96x80xf32, #tpu.memory_space<hbm>>) target_semaphore(%run_scoped3A : memref<!tpu.dma_semaphore, #tpu.memory_space<semaphore_mem>>)
        %dma_wait3A = arith.constant 0 : i32
        %dma_wait3A_76 = arith.constant 0 : i32
        %dma_wait3A_77 = tpu.memref_slice %arg8[%dma_wait3A, %dma_wait3A_76] : memref<128x80xf32, #tpu.memory_space<vmem>> -> memref<96x80xf32, #tpu.memory_space<vmem>>
        %dma_wait3A_78 = arith.constant 0 : i32
        %dma_wait3A_79 = tpu.memref_slice %arg5[%arg0, %add3A_56, %dma_wait3A_78] : memref<2x10000x80xf32, #tpu.memory_space<hbm>> -> memref<1x96x80xf32, #tpu.memory_space<hbm>>
        %dma_wait3A_80 = tpu.memref_squeeze %dma_wait3A_79 : memref<1x96x80xf32, #tpu.memory_space<hbm>> -> memref<96x80xf32, #tpu.memory_space<hbm>>
        %dma_wait3A_81 = arith.constant 0 : i32
        %dma_wait3A_82 = tpu.memref_slice %arg5[%arg0, %add3A_56, %dma_wait3A_81] : memref<2x10000x80xf32, #tpu.memory_space<hbm>> -> memref<1x96x80xf32, #tpu.memory_space<hbm>>
        %dma_wait3A_83 = tpu.memref_squeeze %dma_wait3A_82 : memref<1x96x80xf32, #tpu.memory_space<hbm>> -> memref<96x80xf32, #tpu.memory_space<hbm>>
        %dma_wait3A_84 = arith.constant 0 : i32
        %dma_wait3A_85 = arith.constant 0 : i32
        %dma_wait3A_86 = tpu.memref_slice %arg8[%dma_wait3A_84, %dma_wait3A_85] : memref<128x80xf32, #tpu.memory_space<vmem>> -> memref<96x80xf32, #tpu.memory_space<vmem>>
        tpu.wait_dma2 semaphore(%run_scoped3A : memref<!tpu.dma_semaphore, #tpu.memory_space<semaphore_mem>>) src(%dma_wait3A_86 : memref<96x80xf32, #tpu.memory_space<vmem>>) dst(%dma_wait3A_83 : memref<96x80xf32, #tpu.memory_space<hbm>>)
        tpu.yield
      }) : () -> ()
      %mul3A_57 = arith.constant 1000 : i32
      %mul3A_58 = arith.muli %arg1, %mul3A_57 : i32
      %add3A_59 = arith.constant 864 : i32
      %add3A_60 = arith.addi %mul3A_58, %add3A_59 : i32
      "tpu.region"() ({
        %run_scoped3A = tpu.sem_alloc : memref<!tpu.dma_semaphore, #tpu.memory_space<semaphore_mem>>
        %dma_start3A = arith.constant 0 : i32
        %dma_start3A_65 = arith.constant 0 : i32
        %dma_start3A_66 = tpu.memref_slice %arg8[%dma_start3A, %dma_start3A_65] : memref<128x80xf32, #tpu.memory_space<vmem>> -> memref<96x80xf32, #tpu.memory_space<vmem>>
        %dma_start3A_67 = arith.constant 0 : i32
        %dma_start3A_68 = tpu.memref_slice %arg12[%add3A_60, %dma_start3A_67] : memref<10240x80xf32, #tpu.memory_space<vmem_shared>> -> memref<96x80xf32, #tpu.memory_space<vmem_shared>>
        %dma_start3A_69 = arith.constant 0 : i32
        %dma_start3A_70 = arith.constant 0 : i32
        %dma_start3A_71 = tpu.memref_slice %arg8[%dma_start3A_69, %dma_start3A_70] : memref<128x80xf32, #tpu.memory_space<vmem>> -> memref<96x80xf32, #tpu.memory_space<vmem>>
        %dma_start3A_72 = arith.constant 0 : i32
        %dma_start3A_73 = tpu.memref_slice %arg12[%add3A_60, %dma_start3A_72] : memref<10240x80xf32, #tpu.memory_space<vmem_shared>> -> memref<96x80xf32, #tpu.memory_space<vmem_shared>>
        tpu.enqueue_dma source(%dma_start3A_73 : memref<96x80xf32, #tpu.memory_space<vmem_shared>>) target(%dma_start3A_71 : memref<96x80xf32, #tpu.memory_space<vmem>>) target_semaphore(%run_scoped3A : memref<!tpu.dma_semaphore, #tpu.memory_space<semaphore_mem>>)
        %dma_wait3A = arith.constant 0 : i32
        %dma_wait3A_74 = arith.constant 0 : i32
        %dma_wait3A_75 = tpu.memref_slice %arg8[%dma_wait3A, %dma_wait3A_74] : memref<128x80xf32, #tpu.memory_space<vmem>> -> memref<96x80xf32, #tpu.memory_space<vmem>>
        %dma_wait3A_76 = arith.constant 0 : i32
        %dma_wait3A_77 = tpu.memref_slice %arg12[%add3A_60, %dma_wait3A_76] : memref<10240x80xf32, #tpu.memory_space<vmem_shared>> -> memref<96x80xf32, #tpu.memory_space<vmem_shared>>
        %dma_wait3A_78 = arith.constant 0 : i32
        %dma_wait3A_79 = arith.constant 0 : i32
        %dma_wait3A_80 = tpu.memref_slice %arg8[%dma_wait3A_78, %dma_wait3A_79] : memref<128x80xf32, #tpu.memory_space<vmem>> -> memref<96x80xf32, #tpu.memory_space<vmem>>
        %dma_wait3A_81 = arith.constant 0 : i32
        %dma_wait3A_82 = tpu.memref_slice %arg12[%add3A_60, %dma_wait3A_81] : memref<10240x80xf32, #tpu.memory_space<vmem_shared>> -> memref<96x80xf32, #tpu.memory_space<vmem_shared>>
        tpu.wait_dma2 semaphore(%run_scoped3A : memref<!tpu.dma_semaphore, #tpu.memory_space<semaphore_mem>>) src(%dma_wait3A_82 : memref<96x80xf32, #tpu.memory_space<vmem_shared>>) dst(%dma_wait3A_80 : memref<96x80xf32, #tpu.memory_space<vmem>>)
        tpu.yield
      }) : () -> ()
      "tpu.region"() ({
        %run_scoped3A = tpu.sem_alloc : memref<!tpu.dma_semaphore, #tpu.memory_space<semaphore_mem>>
        %dma_start3A = arith.constant 0 : i32
        %dma_start3A_65 = arith.constant 0 : i32
        %dma_start3A_66 = tpu.memref_slice %arg8[%dma_start3A, %dma_start3A_65] : memref<128x80xf32, #tpu.memory_space<vmem>> -> memref<96x80xf32, #tpu.memory_space<vmem>>
        %dma_start3A_67 = arith.constant 0 : i32
        %dma_start3A_68 = tpu.memref_slice %arg5[%arg0, %add3A_60, %dma_start3A_67] : memref<2x10000x80xf32, #tpu.memory_space<hbm>> -> memref<1x96x80xf32, #tpu.memory_space<hbm>>
        %dma_start3A_69 = tpu.memref_squeeze %dma_start3A_68 : memref<1x96x80xf32, #tpu.memory_space<hbm>> -> memref<96x80xf32, #tpu.memory_space<hbm>>
        %dma_start3A_70 = arith.constant 0 : i32
        %dma_start3A_71 = tpu.memref_slice %arg5[%arg0, %add3A_60, %dma_start3A_70] : memref<2x10000x80xf32, #tpu.memory_space<hbm>> -> memref<1x96x80xf32, #tpu.memory_space<hbm>>
        %dma_start3A_72 = tpu.memref_squeeze %dma_start3A_71 : memref<1x96x80xf32, #tpu.memory_space<hbm>> -> memref<96x80xf32, #tpu.memory_space<hbm>>
        %dma_start3A_73 = arith.constant 0 : i32
        %dma_start3A_74 = arith.constant 0 : i32
        %dma_start3A_75 = tpu.memref_slice %arg8[%dma_start3A_73, %dma_start3A_74] : memref<128x80xf32, #tpu.memory_space<vmem>> -> memref<96x80xf32, #tpu.memory_space<vmem>>
        tpu.enqueue_dma source(%dma_start3A_75 : memref<96x80xf32, #tpu.memory_space<vmem>>) target(%dma_start3A_72 : memref<96x80xf32, #tpu.memory_space<hbm>>) target_semaphore(%run_scoped3A : memref<!tpu.dma_semaphore, #tpu.memory_space<semaphore_mem>>)
        %dma_wait3A = arith.constant 0 : i32
        %dma_wait3A_76 = arith.constant 0 : i32
        %dma_wait3A_77 = tpu.memref_slice %arg8[%dma_wait3A, %dma_wait3A_76] : memref<128x80xf32, #tpu.memory_space<vmem>> -> memref<96x80xf32, #tpu.memory_space<vmem>>
        %dma_wait3A_78 = arith.constant 0 : i32
        %dma_wait3A_79 = tpu.memref_slice %arg5[%arg0, %add3A_60, %dma_wait3A_78] : memref<2x10000x80xf32, #tpu.memory_space<hbm>> -> memref<1x96x80xf32, #tpu.memory_space<hbm>>
        %dma_wait3A_80 = tpu.memref_squeeze %dma_wait3A_79 : memref<1x96x80xf32, #tpu.memory_space<hbm>> -> memref<96x80xf32, #tpu.memory_space<hbm>>
        %dma_wait3A_81 = arith.constant 0 : i32
        %dma_wait3A_82 = tpu.memref_slice %arg5[%arg0, %add3A_60, %dma_wait3A_81] : memref<2x10000x80xf32, #tpu.memory_space<hbm>> -> memref<1x96x80xf32, #tpu.memory_space<hbm>>
        %dma_wait3A_83 = tpu.memref_squeeze %dma_wait3A_82 : memref<1x96x80xf32, #tpu.memory_space<hbm>> -> memref<96x80xf32, #tpu.memory_space<hbm>>
        %dma_wait3A_84 = arith.constant 0 : i32
        %dma_wait3A_85 = arith.constant 0 : i32
        %dma_wait3A_86 = tpu.memref_slice %arg8[%dma_wait3A_84, %dma_wait3A_85] : memref<128x80xf32, #tpu.memory_space<vmem>> -> memref<96x80xf32, #tpu.memory_space<vmem>>
        tpu.wait_dma2 semaphore(%run_scoped3A : memref<!tpu.dma_semaphore, #tpu.memory_space<semaphore_mem>>) src(%dma_wait3A_86 : memref<96x80xf32, #tpu.memory_space<vmem>>) dst(%dma_wait3A_83 : memref<96x80xf32, #tpu.memory_space<hbm>>)
        tpu.yield
      }) : () -> ()
      %mul3A_61 = arith.constant 1000 : i32
      %mul3A_62 = arith.muli %arg1, %mul3A_61 : i32
      %add3A_63 = arith.constant 960 : i32
      %add3A_64 = arith.addi %mul3A_62, %add3A_63 : i32
      "tpu.region"() ({
        %run_scoped3A = tpu.sem_alloc : memref<!tpu.dma_semaphore, #tpu.memory_space<semaphore_mem>>
        %dma_start3A = arith.constant 0 : i32
        %dma_start3A_65 = arith.constant 0 : i32
        %dma_start3A_66 = tpu.memref_slice %arg8[%dma_start3A, %dma_start3A_65] : memref<128x80xf32, #tpu.memory_space<vmem>> -> memref<40x80xf32, #tpu.memory_space<vmem>>
        %dma_start3A_67 = arith.constant 0 : i32
        %dma_start3A_68 = tpu.memref_slice %arg12[%add3A_64, %dma_start3A_67] : memref<10240x80xf32, #tpu.memory_space<vmem_shared>> -> memref<40x80xf32, #tpu.memory_space<vmem_shared>>
        %dma_start3A_69 = arith.constant 0 : i32
        %dma_start3A_70 = arith.constant 0 : i32
        %dma_start3A_71 = tpu.memref_slice %arg8[%dma_start3A_69, %dma_start3A_70] : memref<128x80xf32, #tpu.memory_space<vmem>> -> memref<40x80xf32, #tpu.memory_space<vmem>>
        %dma_start3A_72 = arith.constant 0 : i32
        %dma_start3A_73 = tpu.memref_slice %arg12[%add3A_64, %dma_start3A_72] : memref<10240x80xf32, #tpu.memory_space<vmem_shared>> -> memref<40x80xf32, #tpu.memory_space<vmem_shared>>
        tpu.enqueue_dma source(%dma_start3A_73 : memref<40x80xf32, #tpu.memory_space<vmem_shared>>) target(%dma_start3A_71 : memref<40x80xf32, #tpu.memory_space<vmem>>) target_semaphore(%run_scoped3A : memref<!tpu.dma_semaphore, #tpu.memory_space<semaphore_mem>>)
        %dma_wait3A = arith.constant 0 : i32
        %dma_wait3A_74 = arith.constant 0 : i32
        %dma_wait3A_75 = tpu.memref_slice %arg8[%dma_wait3A, %dma_wait3A_74] : memref<128x80xf32, #tpu.memory_space<vmem>> -> memref<40x80xf32, #tpu.memory_space<vmem>>
        %dma_wait3A_76 = arith.constant 0 : i32
        %dma_wait3A_77 = tpu.memref_slice %arg12[%add3A_64, %dma_wait3A_76] : memref<10240x80xf32, #tpu.memory_space<vmem_shared>> -> memref<40x80xf32, #tpu.memory_space<vmem_shared>>
        %dma_wait3A_78 = arith.constant 0 : i32
        %dma_wait3A_79 = arith.constant 0 : i32
        %dma_wait3A_80 = tpu.memref_slice %arg8[%dma_wait3A_78, %dma_wait3A_79] : memref<128x80xf32, #tpu.memory_space<vmem>> -> memref<40x80xf32, #tpu.memory_space<vmem>>
        %dma_wait3A_81 = arith.constant 0 : i32
        %dma_wait3A_82 = tpu.memref_slice %arg12[%add3A_64, %dma_wait3A_81] : memref<10240x80xf32, #tpu.memory_space<vmem_shared>> -> memref<40x80xf32, #tpu.memory_space<vmem_shared>>
        tpu.wait_dma2 semaphore(%run_scoped3A : memref<!tpu.dma_semaphore, #tpu.memory_space<semaphore_mem>>) src(%dma_wait3A_82 : memref<40x80xf32, #tpu.memory_space<vmem_shared>>) dst(%dma_wait3A_80 : memref<40x80xf32, #tpu.memory_space<vmem>>)
        tpu.yield
      }) : () -> ()
      "tpu.region"() ({
        %run_scoped3A = tpu.sem_alloc : memref<!tpu.dma_semaphore, #tpu.memory_space<semaphore_mem>>
        %dma_start3A = arith.constant 0 : i32
        %dma_start3A_65 = arith.constant 0 : i32
        %dma_start3A_66 = tpu.memref_slice %arg8[%dma_start3A, %dma_start3A_65] : memref<128x80xf32, #tpu.memory_space<vmem>> -> memref<40x80xf32, #tpu.memory_space<vmem>>
        %dma_start3A_67 = arith.constant 0 : i32
        %dma_start3A_68 = tpu.memref_slice %arg5[%arg0, %add3A_64, %dma_start3A_67] : memref<2x10000x80xf32, #tpu.memory_space<hbm>> -> memref<1x40x80xf32, #tpu.memory_space<hbm>>
        %dma_start3A_69 = tpu.memref_squeeze %dma_start3A_68 : memref<1x40x80xf32, #tpu.memory_space<hbm>> -> memref<40x80xf32, #tpu.memory_space<hbm>>
        %dma_start3A_70 = arith.constant 0 : i32
        %dma_start3A_71 = tpu.memref_slice %arg5[%arg0, %add3A_64, %dma_start3A_70] : memref<2x10000x80xf32, #tpu.memory_space<hbm>> -> memref<1x40x80xf32, #tpu.memory_space<hbm>>
        %dma_start3A_72 = tpu.memref_squeeze %dma_start3A_71 : memref<1x40x80xf32, #tpu.memory_space<hbm>> -> memref<40x80xf32, #tpu.memory_space<hbm>>
        %dma_start3A_73 = arith.constant 0 : i32
        %dma_start3A_74 = arith.constant 0 : i32
        %dma_start3A_75 = tpu.memref_slice %arg8[%dma_start3A_73, %dma_start3A_74] : memref<128x80xf32, #tpu.memory_space<vmem>> -> memref<40x80xf32, #tpu.memory_space<vmem>>
        tpu.enqueue_dma source(%dma_start3A_75 : memref<40x80xf32, #tpu.memory_space<vmem>>) target(%dma_start3A_72 : memref<40x80xf32, #tpu.memory_space<hbm>>) target_semaphore(%run_scoped3A : memref<!tpu.dma_semaphore, #tpu.memory_space<semaphore_mem>>)
        %dma_wait3A = arith.constant 0 : i32
        %dma_wait3A_76 = arith.constant 0 : i32
        %dma_wait3A_77 = tpu.memref_slice %arg8[%dma_wait3A, %dma_wait3A_76] : memref<128x80xf32, #tpu.memory_space<vmem>> -> memref<40x80xf32, #tpu.memory_space<vmem>>
        %dma_wait3A_78 = arith.constant 0 : i32
        %dma_wait3A_79 = tpu.memref_slice %arg5[%arg0, %add3A_64, %dma_wait3A_78] : memref<2x10000x80xf32, #tpu.memory_space<hbm>> -> memref<1x40x80xf32, #tpu.memory_space<hbm>>
        %dma_wait3A_80 = tpu.memref_squeeze %dma_wait3A_79 : memref<1x40x80xf32, #tpu.memory_space<hbm>> -> memref<40x80xf32, #tpu.memory_space<hbm>>
        %dma_wait3A_81 = arith.constant 0 : i32
        %dma_wait3A_82 = tpu.memref_slice %arg5[%arg0, %add3A_64, %dma_wait3A_81] : memref<2x10000x80xf32, #tpu.memory_space<hbm>> -> memref<1x40x80xf32, #tpu.memory_space<hbm>>
        %dma_wait3A_83 = tpu.memref_squeeze %dma_wait3A_82 : memref<1x40x80xf32, #tpu.memory_space<hbm>> -> memref<40x80xf32, #tpu.memory_space<hbm>>
        %dma_wait3A_84 = arith.constant 0 : i32
        %dma_wait3A_85 = arith.constant 0 : i32
        %dma_wait3A_86 = tpu.memref_slice %arg8[%dma_wait3A_84, %dma_wait3A_85] : memref<128x80xf32, #tpu.memory_space<vmem>> -> memref<40x80xf32, #tpu.memory_space<vmem>>
        tpu.wait_dma2 semaphore(%run_scoped3A : memref<!tpu.dma_semaphore, #tpu.memory_space<semaphore_mem>>) src(%dma_wait3A_86 : memref<40x80xf32, #tpu.memory_space<vmem>>) dst(%dma_wait3A_83 : memref<40x80xf32, #tpu.memory_space<hbm>>)
        tpu.yield
      }) : () -> ()
    } else {
    }
    return
  }
}

#map = affine_map<(d0, d1) -> (0, 0)>
#map1 = affine_map<(d0, d1) -> (0, 0, 0)>
module attributes {stable_mosaic.version = 14 : i64} {
  func.func @_agg_body(%arg0: i32, %arg1: i32, %arg2: memref<10000x80xf32, #tpu.memory_space<hbm>>, %arg3: memref<32x80x128xi32, #tpu.memory_space<hbm>>, %arg4: memref<32x80x128xi32, #tpu.memory_space<hbm>>, %arg5: memref<2x10000x80xf32, #tpu.memory_space<hbm>>, %arg6: memref<80x128xi32, #tpu.memory_space<vmem>>, %arg7: memref<80x128xi32, #tpu.memory_space<vmem>>, %arg8: memref<128x80xf32, #tpu.memory_space<vmem>>, %arg9: memref<128x80xf32, #tpu.memory_space<vmem>>, %arg10: memref<128x80xf32, #tpu.memory_space<vmem>>, %arg11: memref<128x80xf32, #tpu.memory_space<vmem>>, %arg12: memref<10240x80xf32, #tpu.memory_space<vmem_shared>>, %arg13: memref<!tpu.dma_semaphore, #tpu.memory_space<semaphore_mem>>, %arg14: memref<!tpu.dma_semaphore, #tpu.memory_space<semaphore_mem>>, %arg15: memref<!tpu.dma_semaphore, #tpu.memory_space<semaphore_mem>>, %arg16: memref<!tpu.dma_semaphore, #tpu.memory_space<semaphore_mem>>, %arg17: memref<!tpu.dma_semaphore, #tpu.memory_space<semaphore_mem>>) attributes {dimension_semantics = [#tpu.dimension_semantics<core_parallel>, #tpu.dimension_semantics<subcore_parallel>], iteration_bounds = array<i64: 2, 16>, scalar_prefetch = 0 : i64, scratch_operands = 12 : i64, tpu.core_type = #tpu.core_type<sc_vector_subcore>, window_params = [{transform_indices = #map}, {transform_indices = #map1}, {transform_indices = #map1}, {transform_indices = #map1}]} {
    %broadcast_in_dim3A = arith.constant 0.000000e+00 : f32
    %broadcast_in_dim3A_0 = vector.broadcast %broadcast_in_dim3A : f32 to vector<16xf32>
    %mul3A = arith.constant 2 : i32
    %mul3A_1 = arith.muli %arg1, %mul3A : i32
    %add3A = arith.addi %mul3A_1, %arg0 : i32
    %scan3A = arith.constant 0 : i32
    %scan3A_2 = arith.constant 0 : i32
    %scan3A_3 = arith.constant 128 : i32
    %scan3A_4 = arith.addi %scan3A_2, %scan3A_3 : i32
    %scan3A_5 = arith.constant 1 : i32
    scf.for %scan3A_21 = %scan3A_2 to %scan3A_4 step %scan3A_5  : i32 {
      %swap3A = arith.index_cast %scan3A_21 : i32 to index
      %swap3A_22 = arith.constant 0 : index
      %swap3A_23 = tpu.vector_load %arg8[%swap3A, %swap3A_22] {strides = array<i32>} : memref<128x80xf32, #tpu.memory_space<vmem>>, vector<1x16xf32>,
      %swap3A_24 = vector.shape_cast %swap3A_23 : vector<1x16xf32> to vector<16xf32>
      %swap3A_25 = vector.shape_cast %broadcast_in_dim3A_0 : vector<16xf32> to vector<1x16xf32>
      tpu.vector_store %arg8[%swap3A, %swap3A_22], %swap3A_25 {strides = array<i32>} : memref<128x80xf32, #tpu.memory_space<vmem>>, vector<1x16xf32>,
      %swap3A_26 = arith.index_cast %scan3A_21 : i32 to index
      %swap3A_27 = arith.constant 16 : index
      %swap3A_28 = tpu.vector_load %arg8[%swap3A_26, %swap3A_27] {strides = array<i32>} : memref<128x80xf32, #tpu.memory_space<vmem>>, vector<1x16xf32>,
      %swap3A_29 = vector.shape_cast %swap3A_28 : vector<1x16xf32> to vector<16xf32>
      %swap3A_30 = vector.shape_cast %broadcast_in_dim3A_0 : vector<16xf32> to vector<1x16xf32>
      tpu.vector_store %arg8[%swap3A_26, %swap3A_27], %swap3A_30 {strides = array<i32>} : memref<128x80xf32, #tpu.memory_space<vmem>>, vector<1x16xf32>,
      %swap3A_31 = arith.index_cast %scan3A_21 : i32 to index
      %swap3A_32 = arith.constant 32 : index
      %swap3A_33 = tpu.vector_load %arg8[%swap3A_31, %swap3A_32] {strides = array<i32>} : memref<128x80xf32, #tpu.memory_space<vmem>>, vector<1x16xf32>,
      %swap3A_34 = vector.shape_cast %swap3A_33 : vector<1x16xf32> to vector<16xf32>
      %swap3A_35 = vector.shape_cast %broadcast_in_dim3A_0 : vector<16xf32> to vector<1x16xf32>
      tpu.vector_store %arg8[%swap3A_31, %swap3A_32], %swap3A_35 {strides = array<i32>} : memref<128x80xf32, #tpu.memory_space<vmem>>, vector<1x16xf32>,
      %swap3A_36 = arith.index_cast %scan3A_21 : i32 to index
      %swap3A_37 = arith.constant 48 : index
      %swap3A_38 = tpu.vector_load %arg8[%swap3A_36, %swap3A_37] {strides = array<i32>} : memref<128x80xf32, #tpu.memory_space<vmem>>, vector<1x16xf32>,
      %swap3A_39 = vector.shape_cast %swap3A_38 : vector<1x16xf32> to vector<16xf32>
      %swap3A_40 = vector.shape_cast %broadcast_in_dim3A_0 : vector<16xf32> to vector<1x16xf32>
      tpu.vector_store %arg8[%swap3A_36, %swap3A_37], %swap3A_40 {strides = array<i32>} : memref<128x80xf32, #tpu.memory_space<vmem>>, vector<1x16xf32>,
      %swap3A_41 = arith.index_cast %scan3A_21 : i32 to index
      %swap3A_42 = arith.constant 64 : index
      %swap3A_43 = tpu.vector_load %arg8[%swap3A_41, %swap3A_42] {strides = array<i32>} : memref<128x80xf32, #tpu.memory_space<vmem>>, vector<1x16xf32>,
      %swap3A_44 = vector.shape_cast %swap3A_43 : vector<1x16xf32> to vector<16xf32>
      %swap3A_45 = vector.shape_cast %broadcast_in_dim3A_0 : vector<16xf32> to vector<1x16xf32>
      tpu.vector_store %arg8[%swap3A_41, %swap3A_42], %swap3A_45 {strides = array<i32>} : memref<128x80xf32, #tpu.memory_space<vmem>>, vector<1x16xf32>,
    }
    %scan3A_6 = arith.constant 128 : i32
    %lt3A = arith.constant 10 : i32
    %lt3A_7 = arith.cmpi slt, %arg1, %lt3A : i32
    %convert_element_type3A = arith.extui %lt3A_7 : i1 to i32
    %cond3A = arith.constant 0 : i32
    %cond3A_8 = arith.cmpi ne, %convert_element_type3A, %cond3A : i32
    scf.if %cond3A_8 {
      %mul3A_21 = arith.constant 1000 : i32
      %mul3A_22 = arith.muli %arg1, %mul3A_21 : i32
      %add3A_23 = arith.constant 0 : i32
      %add3A_24 = arith.addi %mul3A_22, %add3A_23 : i32
      "tpu.region"() ({
        %run_scoped3A = tpu.sem_alloc : memref<!tpu.dma_semaphore, #tpu.memory_space<semaphore_mem>>
        %dma_start3A = arith.constant 0 : i32
        %dma_start3A_65 = arith.constant 0 : i32
        %dma_start3A_66 = tpu.memref_slice %arg8[%dma_start3A, %dma_start3A_65] : memref<128x80xf32, #tpu.memory_space<vmem>> -> memref<96x80xf32, #tpu.memory_space<vmem>>
        %dma_start3A_67 = arith.constant 0 : i32
        %dma_start3A_68 = tpu.memref_slice %arg12[%add3A_24, %dma_start3A_67] : memref<10240x80xf32, #tpu.memory_space<vmem_shared>> -> memref<96x80xf32, #tpu.memory_space<vmem_shared>>
        %dma_start3A_69 = arith.constant 0 : i32
        %dma_start3A_70 = tpu.memref_slice %arg12[%add3A_24, %dma_start3A_69] : memref<10240x80xf32, #tpu.memory_space<vmem_shared>> -> memref<96x80xf32, #tpu.memory_space<vmem_shared>>
        %dma_start3A_71 = arith.constant 0 : i32
        %dma_start3A_72 = arith.constant 0 : i32
        %dma_start3A_73 = tpu.memref_slice %arg8[%dma_start3A_71, %dma_start3A_72] : memref<128x80xf32, #tpu.memory_space<vmem>> -> memref<96x80xf32, #tpu.memory_space<vmem>>
        tpu.enqueue_dma source(%dma_start3A_73 : memref<96x80xf32, #tpu.memory_space<vmem>>) target(%dma_start3A_70 : memref<96x80xf32, #tpu.memory_space<vmem_shared>>) target_semaphore(%run_scoped3A : memref<!tpu.dma_semaphore, #tpu.memory_space<semaphore_mem>>)
        %dma_wait3A = arith.constant 0 : i32
        %dma_wait3A_74 = arith.constant 0 : i32
        %dma_wait3A_75 = tpu.memref_slice %arg8[%dma_wait3A, %dma_wait3A_74] : memref<128x80xf32, #tpu.memory_space<vmem>> -> memref<96x80xf32, #tpu.memory_space<vmem>>
        %dma_wait3A_76 = arith.constant 0 : i32
        %dma_wait3A_77 = tpu.memref_slice %arg12[%add3A_24, %dma_wait3A_76] : memref<10240x80xf32, #tpu.memory_space<vmem_shared>> -> memref<96x80xf32, #tpu.memory_space<vmem_shared>>
        %dma_wait3A_78 = arith.constant 0 : i32
        %dma_wait3A_79 = tpu.memref_slice %arg12[%add3A_24, %dma_wait3A_78] : memref<10240x80xf32, #tpu.memory_space<vmem_shared>> -> memref<96x80xf32, #tpu.memory_space<vmem_shared>>
        %dma_wait3A_80 = arith.constant 0 : i32
        %dma_wait3A_81 = arith.constant 0 : i32
        %dma_wait3A_82 = tpu.memref_slice %arg8[%dma_wait3A_80, %dma_wait3A_81] : memref<128x80xf32, #tpu.memory_space<vmem>> -> memref<96x80xf32, #tpu.memory_space<vmem>>
        tpu.wait_dma2 semaphore(%run_scoped3A : memref<!tpu.dma_semaphore, #tpu.memory_space<semaphore_mem>>) src(%dma_wait3A_82 : memref<96x80xf32, #tpu.memory_space<vmem>>) dst(%dma_wait3A_79 : memref<96x80xf32, #tpu.memory_space<vmem_shared>>)
        tpu.yield
      }) : () -> ()
      %mul3A_25 = arith.constant 1000 : i32
      %mul3A_26 = arith.muli %arg1, %mul3A_25 : i32
      %add3A_27 = arith.constant 96 : i32
      %add3A_28 = arith.addi %mul3A_26, %add3A_27 : i32
      "tpu.region"() ({
        %run_scoped3A = tpu.sem_alloc : memref<!tpu.dma_semaphore, #tpu.memory_space<semaphore_mem>>
        %dma_start3A = arith.constant 0 : i32
        %dma_start3A_65 = arith.constant 0 : i32
        %dma_start3A_66 = tpu.memref_slice %arg8[%dma_start3A, %dma_start3A_65] : memref<128x80xf32, #tpu.memory_space<vmem>> -> memref<96x80xf32, #tpu.memory_space<vmem>>
        %dma_start3A_67 = arith.constant 0 : i32
        %dma_start3A_68 = tpu.memref_slice %arg12[%add3A_28, %dma_start3A_67] : memref<10240x80xf32, #tpu.memory_space<vmem_shared>> -> memref<96x80xf32, #tpu.memory_space<vmem_shared>>
        %dma_start3A_69 = arith.constant 0 : i32
        %dma_start3A_70 = tpu.memref_slice %arg12[%add3A_28, %dma_start3A_69] : memref<10240x80xf32, #tpu.memory_space<vmem_shared>> -> memref<96x80xf32, #tpu.memory_space<vmem_shared>>
        %dma_start3A_71 = arith.constant 0 : i32
        %dma_start3A_72 = arith.constant 0 : i32
        %dma_start3A_73 = tpu.memref_slice %arg8[%dma_start3A_71, %dma_start3A_72] : memref<128x80xf32, #tpu.memory_space<vmem>> -> memref<96x80xf32, #tpu.memory_space<vmem>>
        tpu.enqueue_dma source(%dma_start3A_73 : memref<96x80xf32, #tpu.memory_space<vmem>>) target(%dma_start3A_70 : memref<96x80xf32, #tpu.memory_space<vmem_shared>>) target_semaphore(%run_scoped3A : memref<!tpu.dma_semaphore, #tpu.memory_space<semaphore_mem>>)
        %dma_wait3A = arith.constant 0 : i32
        %dma_wait3A_74 = arith.constant 0 : i32
        %dma_wait3A_75 = tpu.memref_slice %arg8[%dma_wait3A, %dma_wait3A_74] : memref<128x80xf32, #tpu.memory_space<vmem>> -> memref<96x80xf32, #tpu.memory_space<vmem>>
        %dma_wait3A_76 = arith.constant 0 : i32
        %dma_wait3A_77 = tpu.memref_slice %arg12[%add3A_28, %dma_wait3A_76] : memref<10240x80xf32, #tpu.memory_space<vmem_shared>> -> memref<96x80xf32, #tpu.memory_space<vmem_shared>>
        %dma_wait3A_78 = arith.constant 0 : i32
        %dma_wait3A_79 = tpu.memref_slice %arg12[%add3A_28, %dma_wait3A_78] : memref<10240x80xf32, #tpu.memory_space<vmem_shared>> -> memref<96x80xf32, #tpu.memory_space<vmem_shared>>
        %dma_wait3A_80 = arith.constant 0 : i32
        %dma_wait3A_81 = arith.constant 0 : i32
        %dma_wait3A_82 = tpu.memref_slice %arg8[%dma_wait3A_80, %dma_wait3A_81] : memref<128x80xf32, #tpu.memory_space<vmem>> -> memref<96x80xf32, #tpu.memory_space<vmem>>
        tpu.wait_dma2 semaphore(%run_scoped3A : memref<!tpu.dma_semaphore, #tpu.memory_space<semaphore_mem>>) src(%dma_wait3A_82 : memref<96x80xf32, #tpu.memory_space<vmem>>) dst(%dma_wait3A_79 : memref<96x80xf32, #tpu.memory_space<vmem_shared>>)
        tpu.yield
      }) : () -> ()
      %mul3A_29 = arith.constant 1000 : i32
      %mul3A_30 = arith.muli %arg1, %mul3A_29 : i32
      %add3A_31 = arith.constant 192 : i32
      %add3A_32 = arith.addi %mul3A_30, %add3A_31 : i32
      "tpu.region"() ({
        %run_scoped3A = tpu.sem_alloc : memref<!tpu.dma_semaphore, #tpu.memory_space<semaphore_mem>>
        %dma_start3A = arith.constant 0 : i32
        %dma_start3A_65 = arith.constant 0 : i32
        %dma_start3A_66 = tpu.memref_slice %arg8[%dma_start3A, %dma_start3A_65] : memref<128x80xf32, #tpu.memory_space<vmem>> -> memref<96x80xf32, #tpu.memory_space<vmem>>
        %dma_start3A_67 = arith.constant 0 : i32
        %dma_start3A_68 = tpu.memref_slice %arg12[%add3A_32, %dma_start3A_67] : memref<10240x80xf32, #tpu.memory_space<vmem_shared>> -> memref<96x80xf32, #tpu.memory_space<vmem_shared>>
        %dma_start3A_69 = arith.constant 0 : i32
        %dma_start3A_70 = tpu.memref_slice %arg12[%add3A_32, %dma_start3A_69] : memref<10240x80xf32, #tpu.memory_space<vmem_shared>> -> memref<96x80xf32, #tpu.memory_space<vmem_shared>>
        %dma_start3A_71 = arith.constant 0 : i32
        %dma_start3A_72 = arith.constant 0 : i32
        %dma_start3A_73 = tpu.memref_slice %arg8[%dma_start3A_71, %dma_start3A_72] : memref<128x80xf32, #tpu.memory_space<vmem>> -> memref<96x80xf32, #tpu.memory_space<vmem>>
        tpu.enqueue_dma source(%dma_start3A_73 : memref<96x80xf32, #tpu.memory_space<vmem>>) target(%dma_start3A_70 : memref<96x80xf32, #tpu.memory_space<vmem_shared>>) target_semaphore(%run_scoped3A : memref<!tpu.dma_semaphore, #tpu.memory_space<semaphore_mem>>)
        %dma_wait3A = arith.constant 0 : i32
        %dma_wait3A_74 = arith.constant 0 : i32
        %dma_wait3A_75 = tpu.memref_slice %arg8[%dma_wait3A, %dma_wait3A_74] : memref<128x80xf32, #tpu.memory_space<vmem>> -> memref<96x80xf32, #tpu.memory_space<vmem>>
        %dma_wait3A_76 = arith.constant 0 : i32
        %dma_wait3A_77 = tpu.memref_slice %arg12[%add3A_32, %dma_wait3A_76] : memref<10240x80xf32, #tpu.memory_space<vmem_shared>> -> memref<96x80xf32, #tpu.memory_space<vmem_shared>>
        %dma_wait3A_78 = arith.constant 0 : i32
        %dma_wait3A_79 = tpu.memref_slice %arg12[%add3A_32, %dma_wait3A_78] : memref<10240x80xf32, #tpu.memory_space<vmem_shared>> -> memref<96x80xf32, #tpu.memory_space<vmem_shared>>
        %dma_wait3A_80 = arith.constant 0 : i32
        %dma_wait3A_81 = arith.constant 0 : i32
        %dma_wait3A_82 = tpu.memref_slice %arg8[%dma_wait3A_80, %dma_wait3A_81] : memref<128x80xf32, #tpu.memory_space<vmem>> -> memref<96x80xf32, #tpu.memory_space<vmem>>
        tpu.wait_dma2 semaphore(%run_scoped3A : memref<!tpu.dma_semaphore, #tpu.memory_space<semaphore_mem>>) src(%dma_wait3A_82 : memref<96x80xf32, #tpu.memory_space<vmem>>) dst(%dma_wait3A_79 : memref<96x80xf32, #tpu.memory_space<vmem_shared>>)
        tpu.yield
      }) : () -> ()
      %mul3A_33 = arith.constant 1000 : i32
      %mul3A_34 = arith.muli %arg1, %mul3A_33 : i32
      %add3A_35 = arith.constant 288 : i32
      %add3A_36 = arith.addi %mul3A_34, %add3A_35 : i32
      "tpu.region"() ({
        %run_scoped3A = tpu.sem_alloc : memref<!tpu.dma_semaphore, #tpu.memory_space<semaphore_mem>>
        %dma_start3A = arith.constant 0 : i32
        %dma_start3A_65 = arith.constant 0 : i32
        %dma_start3A_66 = tpu.memref_slice %arg8[%dma_start3A, %dma_start3A_65] : memref<128x80xf32, #tpu.memory_space<vmem>> -> memref<96x80xf32, #tpu.memory_space<vmem>>
        %dma_start3A_67 = arith.constant 0 : i32
        %dma_start3A_68 = tpu.memref_slice %arg12[%add3A_36, %dma_start3A_67] : memref<10240x80xf32, #tpu.memory_space<vmem_shared>> -> memref<96x80xf32, #tpu.memory_space<vmem_shared>>
        %dma_start3A_69 = arith.constant 0 : i32
        %dma_start3A_70 = tpu.memref_slice %arg12[%add3A_36, %dma_start3A_69] : memref<10240x80xf32, #tpu.memory_space<vmem_shared>> -> memref<96x80xf32, #tpu.memory_space<vmem_shared>>
        %dma_start3A_71 = arith.constant 0 : i32
        %dma_start3A_72 = arith.constant 0 : i32
        %dma_start3A_73 = tpu.memref_slice %arg8[%dma_start3A_71, %dma_start3A_72] : memref<128x80xf32, #tpu.memory_space<vmem>> -> memref<96x80xf32, #tpu.memory_space<vmem>>
        tpu.enqueue_dma source(%dma_start3A_73 : memref<96x80xf32, #tpu.memory_space<vmem>>) target(%dma_start3A_70 : memref<96x80xf32, #tpu.memory_space<vmem_shared>>) target_semaphore(%run_scoped3A : memref<!tpu.dma_semaphore, #tpu.memory_space<semaphore_mem>>)
        %dma_wait3A = arith.constant 0 : i32
        %dma_wait3A_74 = arith.constant 0 : i32
        %dma_wait3A_75 = tpu.memref_slice %arg8[%dma_wait3A, %dma_wait3A_74] : memref<128x80xf32, #tpu.memory_space<vmem>> -> memref<96x80xf32, #tpu.memory_space<vmem>>
        %dma_wait3A_76 = arith.constant 0 : i32
        %dma_wait3A_77 = tpu.memref_slice %arg12[%add3A_36, %dma_wait3A_76] : memref<10240x80xf32, #tpu.memory_space<vmem_shared>> -> memref<96x80xf32, #tpu.memory_space<vmem_shared>>
        %dma_wait3A_78 = arith.constant 0 : i32
        %dma_wait3A_79 = tpu.memref_slice %arg12[%add3A_36, %dma_wait3A_78] : memref<10240x80xf32, #tpu.memory_space<vmem_shared>> -> memref<96x80xf32, #tpu.memory_space<vmem_shared>>
        %dma_wait3A_80 = arith.constant 0 : i32
        %dma_wait3A_81 = arith.constant 0 : i32
        %dma_wait3A_82 = tpu.memref_slice %arg8[%dma_wait3A_80, %dma_wait3A_81] : memref<128x80xf32, #tpu.memory_space<vmem>> -> memref<96x80xf32, #tpu.memory_space<vmem>>
        tpu.wait_dma2 semaphore(%run_scoped3A : memref<!tpu.dma_semaphore, #tpu.memory_space<semaphore_mem>>) src(%dma_wait3A_82 : memref<96x80xf32, #tpu.memory_space<vmem>>) dst(%dma_wait3A_79 : memref<96x80xf32, #tpu.memory_space<vmem_shared>>)
        tpu.yield
      }) : () -> ()
      %mul3A_37 = arith.constant 1000 : i32
      %mul3A_38 = arith.muli %arg1, %mul3A_37 : i32
      %add3A_39 = arith.constant 384 : i32
      %add3A_40 = arith.addi %mul3A_38, %add3A_39 : i32
      "tpu.region"() ({
        %run_scoped3A = tpu.sem_alloc : memref<!tpu.dma_semaphore, #tpu.memory_space<semaphore_mem>>
        %dma_start3A = arith.constant 0 : i32
        %dma_start3A_65 = arith.constant 0 : i32
        %dma_start3A_66 = tpu.memref_slice %arg8[%dma_start3A, %dma_start3A_65] : memref<128x80xf32, #tpu.memory_space<vmem>> -> memref<96x80xf32, #tpu.memory_space<vmem>>
        %dma_start3A_67 = arith.constant 0 : i32
        %dma_start3A_68 = tpu.memref_slice %arg12[%add3A_40, %dma_start3A_67] : memref<10240x80xf32, #tpu.memory_space<vmem_shared>> -> memref<96x80xf32, #tpu.memory_space<vmem_shared>>
        %dma_start3A_69 = arith.constant 0 : i32
        %dma_start3A_70 = tpu.memref_slice %arg12[%add3A_40, %dma_start3A_69] : memref<10240x80xf32, #tpu.memory_space<vmem_shared>> -> memref<96x80xf32, #tpu.memory_space<vmem_shared>>
        %dma_start3A_71 = arith.constant 0 : i32
        %dma_start3A_72 = arith.constant 0 : i32
        %dma_start3A_73 = tpu.memref_slice %arg8[%dma_start3A_71, %dma_start3A_72] : memref<128x80xf32, #tpu.memory_space<vmem>> -> memref<96x80xf32, #tpu.memory_space<vmem>>
        tpu.enqueue_dma source(%dma_start3A_73 : memref<96x80xf32, #tpu.memory_space<vmem>>) target(%dma_start3A_70 : memref<96x80xf32, #tpu.memory_space<vmem_shared>>) target_semaphore(%run_scoped3A : memref<!tpu.dma_semaphore, #tpu.memory_space<semaphore_mem>>)
        %dma_wait3A = arith.constant 0 : i32
        %dma_wait3A_74 = arith.constant 0 : i32
        %dma_wait3A_75 = tpu.memref_slice %arg8[%dma_wait3A, %dma_wait3A_74] : memref<128x80xf32, #tpu.memory_space<vmem>> -> memref<96x80xf32, #tpu.memory_space<vmem>>
        %dma_wait3A_76 = arith.constant 0 : i32
        %dma_wait3A_77 = tpu.memref_slice %arg12[%add3A_40, %dma_wait3A_76] : memref<10240x80xf32, #tpu.memory_space<vmem_shared>> -> memref<96x80xf32, #tpu.memory_space<vmem_shared>>
        %dma_wait3A_78 = arith.constant 0 : i32
        %dma_wait3A_79 = tpu.memref_slice %arg12[%add3A_40, %dma_wait3A_78] : memref<10240x80xf32, #tpu.memory_space<vmem_shared>> -> memref<96x80xf32, #tpu.memory_space<vmem_shared>>
        %dma_wait3A_80 = arith.constant 0 : i32
        %dma_wait3A_81 = arith.constant 0 : i32
        %dma_wait3A_82 = tpu.memref_slice %arg8[%dma_wait3A_80, %dma_wait3A_81] : memref<128x80xf32, #tpu.memory_space<vmem>> -> memref<96x80xf32, #tpu.memory_space<vmem>>
        tpu.wait_dma2 semaphore(%run_scoped3A : memref<!tpu.dma_semaphore, #tpu.memory_space<semaphore_mem>>) src(%dma_wait3A_82 : memref<96x80xf32, #tpu.memory_space<vmem>>) dst(%dma_wait3A_79 : memref<96x80xf32, #tpu.memory_space<vmem_shared>>)
        tpu.yield
      }) : () -> ()
      %mul3A_41 = arith.constant 1000 : i32
      %mul3A_42 = arith.muli %arg1, %mul3A_41 : i32
      %add3A_43 = arith.constant 480 : i32
      %add3A_44 = arith.addi %mul3A_42, %add3A_43 : i32
      "tpu.region"() ({
        %run_scoped3A = tpu.sem_alloc : memref<!tpu.dma_semaphore, #tpu.memory_space<semaphore_mem>>
        %dma_start3A = arith.constant 0 : i32
        %dma_start3A_65 = arith.constant 0 : i32
        %dma_start3A_66 = tpu.memref_slice %arg8[%dma_start3A, %dma_start3A_65] : memref<128x80xf32, #tpu.memory_space<vmem>> -> memref<96x80xf32, #tpu.memory_space<vmem>>
        %dma_start3A_67 = arith.constant 0 : i32
        %dma_start3A_68 = tpu.memref_slice %arg12[%add3A_44, %dma_start3A_67] : memref<10240x80xf32, #tpu.memory_space<vmem_shared>> -> memref<96x80xf32, #tpu.memory_space<vmem_shared>>
        %dma_start3A_69 = arith.constant 0 : i32
        %dma_start3A_70 = tpu.memref_slice %arg12[%add3A_44, %dma_start3A_69] : memref<10240x80xf32, #tpu.memory_space<vmem_shared>> -> memref<96x80xf32, #tpu.memory_space<vmem_shared>>
        %dma_start3A_71 = arith.constant 0 : i32
        %dma_start3A_72 = arith.constant 0 : i32
        %dma_start3A_73 = tpu.memref_slice %arg8[%dma_start3A_71, %dma_start3A_72] : memref<128x80xf32, #tpu.memory_space<vmem>> -> memref<96x80xf32, #tpu.memory_space<vmem>>
        tpu.enqueue_dma source(%dma_start3A_73 : memref<96x80xf32, #tpu.memory_space<vmem>>) target(%dma_start3A_70 : memref<96x80xf32, #tpu.memory_space<vmem_shared>>) target_semaphore(%run_scoped3A : memref<!tpu.dma_semaphore, #tpu.memory_space<semaphore_mem>>)
        %dma_wait3A = arith.constant 0 : i32
        %dma_wait3A_74 = arith.constant 0 : i32
        %dma_wait3A_75 = tpu.memref_slice %arg8[%dma_wait3A, %dma_wait3A_74] : memref<128x80xf32, #tpu.memory_space<vmem>> -> memref<96x80xf32, #tpu.memory_space<vmem>>
        %dma_wait3A_76 = arith.constant 0 : i32
        %dma_wait3A_77 = tpu.memref_slice %arg12[%add3A_44, %dma_wait3A_76] : memref<10240x80xf32, #tpu.memory_space<vmem_shared>> -> memref<96x80xf32, #tpu.memory_space<vmem_shared>>
        %dma_wait3A_78 = arith.constant 0 : i32
        %dma_wait3A_79 = tpu.memref_slice %arg12[%add3A_44, %dma_wait3A_78] : memref<10240x80xf32, #tpu.memory_space<vmem_shared>> -> memref<96x80xf32, #tpu.memory_space<vmem_shared>>
        %dma_wait3A_80 = arith.constant 0 : i32
        %dma_wait3A_81 = arith.constant 0 : i32
        %dma_wait3A_82 = tpu.memref_slice %arg8[%dma_wait3A_80, %dma_wait3A_81] : memref<128x80xf32, #tpu.memory_space<vmem>> -> memref<96x80xf32, #tpu.memory_space<vmem>>
        tpu.wait_dma2 semaphore(%run_scoped3A : memref<!tpu.dma_semaphore, #tpu.memory_space<semaphore_mem>>) src(%dma_wait3A_82 : memref<96x80xf32, #tpu.memory_space<vmem>>) dst(%dma_wait3A_79 : memref<96x80xf32, #tpu.memory_space<vmem_shared>>)
        tpu.yield
      }) : () -> ()
      %mul3A_45 = arith.constant 1000 : i32
      %mul3A_46 = arith.muli %arg1, %mul3A_45 : i32
      %add3A_47 = arith.constant 576 : i32
      %add3A_48 = arith.addi %mul3A_46, %add3A_47 : i32
      "tpu.region"() ({
        %run_scoped3A = tpu.sem_alloc : memref<!tpu.dma_semaphore, #tpu.memory_space<semaphore_mem>>
        %dma_start3A = arith.constant 0 : i32
        %dma_start3A_65 = arith.constant 0 : i32
        %dma_start3A_66 = tpu.memref_slice %arg8[%dma_start3A, %dma_start3A_65] : memref<128x80xf32, #tpu.memory_space<vmem>> -> memref<96x80xf32, #tpu.memory_space<vmem>>
        %dma_start3A_67 = arith.constant 0 : i32
        %dma_start3A_68 = tpu.memref_slice %arg12[%add3A_48, %dma_start3A_67] : memref<10240x80xf32, #tpu.memory_space<vmem_shared>> -> memref<96x80xf32, #tpu.memory_space<vmem_shared>>
        %dma_start3A_69 = arith.constant 0 : i32
        %dma_start3A_70 = tpu.memref_slice %arg12[%add3A_48, %dma_start3A_69] : memref<10240x80xf32, #tpu.memory_space<vmem_shared>> -> memref<96x80xf32, #tpu.memory_space<vmem_shared>>
        %dma_start3A_71 = arith.constant 0 : i32
        %dma_start3A_72 = arith.constant 0 : i32
        %dma_start3A_73 = tpu.memref_slice %arg8[%dma_start3A_71, %dma_start3A_72] : memref<128x80xf32, #tpu.memory_space<vmem>> -> memref<96x80xf32, #tpu.memory_space<vmem>>
        tpu.enqueue_dma source(%dma_start3A_73 : memref<96x80xf32, #tpu.memory_space<vmem>>) target(%dma_start3A_70 : memref<96x80xf32, #tpu.memory_space<vmem_shared>>) target_semaphore(%run_scoped3A : memref<!tpu.dma_semaphore, #tpu.memory_space<semaphore_mem>>)
        %dma_wait3A = arith.constant 0 : i32
        %dma_wait3A_74 = arith.constant 0 : i32
        %dma_wait3A_75 = tpu.memref_slice %arg8[%dma_wait3A, %dma_wait3A_74] : memref<128x80xf32, #tpu.memory_space<vmem>> -> memref<96x80xf32, #tpu.memory_space<vmem>>
        %dma_wait3A_76 = arith.constant 0 : i32
        %dma_wait3A_77 = tpu.memref_slice %arg12[%add3A_48, %dma_wait3A_76] : memref<10240x80xf32, #tpu.memory_space<vmem_shared>> -> memref<96x80xf32, #tpu.memory_space<vmem_shared>>
        %dma_wait3A_78 = arith.constant 0 : i32
        %dma_wait3A_79 = tpu.memref_slice %arg12[%add3A_48, %dma_wait3A_78] : memref<10240x80xf32, #tpu.memory_space<vmem_shared>> -> memref<96x80xf32, #tpu.memory_space<vmem_shared>>
        %dma_wait3A_80 = arith.constant 0 : i32
        %dma_wait3A_81 = arith.constant 0 : i32
        %dma_wait3A_82 = tpu.memref_slice %arg8[%dma_wait3A_80, %dma_wait3A_81] : memref<128x80xf32, #tpu.memory_space<vmem>> -> memref<96x80xf32, #tpu.memory_space<vmem>>
        tpu.wait_dma2 semaphore(%run_scoped3A : memref<!tpu.dma_semaphore, #tpu.memory_space<semaphore_mem>>) src(%dma_wait3A_82 : memref<96x80xf32, #tpu.memory_space<vmem>>) dst(%dma_wait3A_79 : memref<96x80xf32, #tpu.memory_space<vmem_shared>>)
        tpu.yield
      }) : () -> ()
      %mul3A_49 = arith.constant 1000 : i32
      %mul3A_50 = arith.muli %arg1, %mul3A_49 : i32
      %add3A_51 = arith.constant 672 : i32
      %add3A_52 = arith.addi %mul3A_50, %add3A_51 : i32
      "tpu.region"() ({
        %run_scoped3A = tpu.sem_alloc : memref<!tpu.dma_semaphore, #tpu.memory_space<semaphore_mem>>
        %dma_start3A = arith.constant 0 : i32
        %dma_start3A_65 = arith.constant 0 : i32
        %dma_start3A_66 = tpu.memref_slice %arg8[%dma_start3A, %dma_start3A_65] : memref<128x80xf32, #tpu.memory_space<vmem>> -> memref<96x80xf32, #tpu.memory_space<vmem>>
        %dma_start3A_67 = arith.constant 0 : i32
        %dma_start3A_68 = tpu.memref_slice %arg12[%add3A_52, %dma_start3A_67] : memref<10240x80xf32, #tpu.memory_space<vmem_shared>> -> memref<96x80xf32, #tpu.memory_space<vmem_shared>>
        %dma_start3A_69 = arith.constant 0 : i32
        %dma_start3A_70 = tpu.memref_slice %arg12[%add3A_52, %dma_start3A_69] : memref<10240x80xf32, #tpu.memory_space<vmem_shared>> -> memref<96x80xf32, #tpu.memory_space<vmem_shared>>
        %dma_start3A_71 = arith.constant 0 : i32
        %dma_start3A_72 = arith.constant 0 : i32
        %dma_start3A_73 = tpu.memref_slice %arg8[%dma_start3A_71, %dma_start3A_72] : memref<128x80xf32, #tpu.memory_space<vmem>> -> memref<96x80xf32, #tpu.memory_space<vmem>>
        tpu.enqueue_dma source(%dma_start3A_73 : memref<96x80xf32, #tpu.memory_space<vmem>>) target(%dma_start3A_70 : memref<96x80xf32, #tpu.memory_space<vmem_shared>>) target_semaphore(%run_scoped3A : memref<!tpu.dma_semaphore, #tpu.memory_space<semaphore_mem>>)
        %dma_wait3A = arith.constant 0 : i32
        %dma_wait3A_74 = arith.constant 0 : i32
        %dma_wait3A_75 = tpu.memref_slice %arg8[%dma_wait3A, %dma_wait3A_74] : memref<128x80xf32, #tpu.memory_space<vmem>> -> memref<96x80xf32, #tpu.memory_space<vmem>>
        %dma_wait3A_76 = arith.constant 0 : i32
        %dma_wait3A_77 = tpu.memref_slice %arg12[%add3A_52, %dma_wait3A_76] : memref<10240x80xf32, #tpu.memory_space<vmem_shared>> -> memref<96x80xf32, #tpu.memory_space<vmem_shared>>
        %dma_wait3A_78 = arith.constant 0 : i32
        %dma_wait3A_79 = tpu.memref_slice %arg12[%add3A_52, %dma_wait3A_78] : memref<10240x80xf32, #tpu.memory_space<vmem_shared>> -> memref<96x80xf32, #tpu.memory_space<vmem_shared>>
        %dma_wait3A_80 = arith.constant 0 : i32
        %dma_wait3A_81 = arith.constant 0 : i32
        %dma_wait3A_82 = tpu.memref_slice %arg8[%dma_wait3A_80, %dma_wait3A_81] : memref<128x80xf32, #tpu.memory_space<vmem>> -> memref<96x80xf32, #tpu.memory_space<vmem>>
        tpu.wait_dma2 semaphore(%run_scoped3A : memref<!tpu.dma_semaphore, #tpu.memory_space<semaphore_mem>>) src(%dma_wait3A_82 : memref<96x80xf32, #tpu.memory_space<vmem>>) dst(%dma_wait3A_79 : memref<96x80xf32, #tpu.memory_space<vmem_shared>>)
        tpu.yield
      }) : () -> ()
      %mul3A_53 = arith.constant 1000 : i32
      %mul3A_54 = arith.muli %arg1, %mul3A_53 : i32
      %add3A_55 = arith.constant 768 : i32
      %add3A_56 = arith.addi %mul3A_54, %add3A_55 : i32
      "tpu.region"() ({
        %run_scoped3A = tpu.sem_alloc : memref<!tpu.dma_semaphore, #tpu.memory_space<semaphore_mem>>
        %dma_start3A = arith.constant 0 : i32
        %dma_start3A_65 = arith.constant 0 : i32
        %dma_start3A_66 = tpu.memref_slice %arg8[%dma_start3A, %dma_start3A_65] : memref<128x80xf32, #tpu.memory_space<vmem>> -> memref<96x80xf32, #tpu.memory_space<vmem>>
        %dma_start3A_67 = arith.constant 0 : i32
        %dma_start3A_68 = tpu.memref_slice %arg12[%add3A_56, %dma_start3A_67] : memref<10240x80xf32, #tpu.memory_space<vmem_shared>> -> memref<96x80xf32, #tpu.memory_space<vmem_shared>>
        %dma_start3A_69 = arith.constant 0 : i32
        %dma_start3A_70 = tpu.memref_slice %arg12[%add3A_56, %dma_start3A_69] : memref<10240x80xf32, #tpu.memory_space<vmem_shared>> -> memref<96x80xf32, #tpu.memory_space<vmem_shared>>
        %dma_start3A_71 = arith.constant 0 : i32
        %dma_start3A_72 = arith.constant 0 : i32
        %dma_start3A_73 = tpu.memref_slice %arg8[%dma_start3A_71, %dma_start3A_72] : memref<128x80xf32, #tpu.memory_space<vmem>> -> memref<96x80xf32, #tpu.memory_space<vmem>>
        tpu.enqueue_dma source(%dma_start3A_73 : memref<96x80xf32, #tpu.memory_space<vmem>>) target(%dma_start3A_70 : memref<96x80xf32, #tpu.memory_space<vmem_shared>>) target_semaphore(%run_scoped3A : memref<!tpu.dma_semaphore, #tpu.memory_space<semaphore_mem>>)
        %dma_wait3A = arith.constant 0 : i32
        %dma_wait3A_74 = arith.constant 0 : i32
        %dma_wait3A_75 = tpu.memref_slice %arg8[%dma_wait3A, %dma_wait3A_74] : memref<128x80xf32, #tpu.memory_space<vmem>> -> memref<96x80xf32, #tpu.memory_space<vmem>>
        %dma_wait3A_76 = arith.constant 0 : i32
        %dma_wait3A_77 = tpu.memref_slice %arg12[%add3A_56, %dma_wait3A_76] : memref<10240x80xf32, #tpu.memory_space<vmem_shared>> -> memref<96x80xf32, #tpu.memory_space<vmem_shared>>
        %dma_wait3A_78 = arith.constant 0 : i32
        %dma_wait3A_79 = tpu.memref_slice %arg12[%add3A_56, %dma_wait3A_78] : memref<10240x80xf32, #tpu.memory_space<vmem_shared>> -> memref<96x80xf32, #tpu.memory_space<vmem_shared>>
        %dma_wait3A_80 = arith.constant 0 : i32
        %dma_wait3A_81 = arith.constant 0 : i32
        %dma_wait3A_82 = tpu.memref_slice %arg8[%dma_wait3A_80, %dma_wait3A_81] : memref<128x80xf32, #tpu.memory_space<vmem>> -> memref<96x80xf32, #tpu.memory_space<vmem>>
        tpu.wait_dma2 semaphore(%run_scoped3A : memref<!tpu.dma_semaphore, #tpu.memory_space<semaphore_mem>>) src(%dma_wait3A_82 : memref<96x80xf32, #tpu.memory_space<vmem>>) dst(%dma_wait3A_79 : memref<96x80xf32, #tpu.memory_space<vmem_shared>>)
        tpu.yield
      }) : () -> ()
      %mul3A_57 = arith.constant 1000 : i32
      %mul3A_58 = arith.muli %arg1, %mul3A_57 : i32
      %add3A_59 = arith.constant 864 : i32
      %add3A_60 = arith.addi %mul3A_58, %add3A_59 : i32
      "tpu.region"() ({
        %run_scoped3A = tpu.sem_alloc : memref<!tpu.dma_semaphore, #tpu.memory_space<semaphore_mem>>
        %dma_start3A = arith.constant 0 : i32
        %dma_start3A_65 = arith.constant 0 : i32
        %dma_start3A_66 = tpu.memref_slice %arg8[%dma_start3A, %dma_start3A_65] : memref<128x80xf32, #tpu.memory_space<vmem>> -> memref<96x80xf32, #tpu.memory_space<vmem>>
        %dma_start3A_67 = arith.constant 0 : i32
        %dma_start3A_68 = tpu.memref_slice %arg12[%add3A_60, %dma_start3A_67] : memref<10240x80xf32, #tpu.memory_space<vmem_shared>> -> memref<96x80xf32, #tpu.memory_space<vmem_shared>>
        %dma_start3A_69 = arith.constant 0 : i32
        %dma_start3A_70 = tpu.memref_slice %arg12[%add3A_60, %dma_start3A_69] : memref<10240x80xf32, #tpu.memory_space<vmem_shared>> -> memref<96x80xf32, #tpu.memory_space<vmem_shared>>
        %dma_start3A_71 = arith.constant 0 : i32
        %dma_start3A_72 = arith.constant 0 : i32
        %dma_start3A_73 = tpu.memref_slice %arg8[%dma_start3A_71, %dma_start3A_72] : memref<128x80xf32, #tpu.memory_space<vmem>> -> memref<96x80xf32, #tpu.memory_space<vmem>>
        tpu.enqueue_dma source(%dma_start3A_73 : memref<96x80xf32, #tpu.memory_space<vmem>>) target(%dma_start3A_70 : memref<96x80xf32, #tpu.memory_space<vmem_shared>>) target_semaphore(%run_scoped3A : memref<!tpu.dma_semaphore, #tpu.memory_space<semaphore_mem>>)
        %dma_wait3A = arith.constant 0 : i32
        %dma_wait3A_74 = arith.constant 0 : i32
        %dma_wait3A_75 = tpu.memref_slice %arg8[%dma_wait3A, %dma_wait3A_74] : memref<128x80xf32, #tpu.memory_space<vmem>> -> memref<96x80xf32, #tpu.memory_space<vmem>>
        %dma_wait3A_76 = arith.constant 0 : i32
        %dma_wait3A_77 = tpu.memref_slice %arg12[%add3A_60, %dma_wait3A_76] : memref<10240x80xf32, #tpu.memory_space<vmem_shared>> -> memref<96x80xf32, #tpu.memory_space<vmem_shared>>
        %dma_wait3A_78 = arith.constant 0 : i32
        %dma_wait3A_79 = tpu.memref_slice %arg12[%add3A_60, %dma_wait3A_78] : memref<10240x80xf32, #tpu.memory_space<vmem_shared>> -> memref<96x80xf32, #tpu.memory_space<vmem_shared>>
        %dma_wait3A_80 = arith.constant 0 : i32
        %dma_wait3A_81 = arith.constant 0 : i32
        %dma_wait3A_82 = tpu.memref_slice %arg8[%dma_wait3A_80, %dma_wait3A_81] : memref<128x80xf32, #tpu.memory_space<vmem>> -> memref<96x80xf32, #tpu.memory_space<vmem>>
        tpu.wait_dma2 semaphore(%run_scoped3A : memref<!tpu.dma_semaphore, #tpu.memory_space<semaphore_mem>>) src(%dma_wait3A_82 : memref<96x80xf32, #tpu.memory_space<vmem>>) dst(%dma_wait3A_79 : memref<96x80xf32, #tpu.memory_space<vmem_shared>>)
        tpu.yield
      }) : () -> ()
      %mul3A_61 = arith.constant 1000 : i32
      %mul3A_62 = arith.muli %arg1, %mul3A_61 : i32
      %add3A_63 = arith.constant 960 : i32
      %add3A_64 = arith.addi %mul3A_62, %add3A_63 : i32
      "tpu.region"() ({
        %run_scoped3A = tpu.sem_alloc : memref<!tpu.dma_semaphore, #tpu.memory_space<semaphore_mem>>
        %dma_start3A = arith.constant 0 : i32
        %dma_start3A_65 = arith.constant 0 : i32
        %dma_start3A_66 = tpu.memref_slice %arg8[%dma_start3A, %dma_start3A_65] : memref<128x80xf32, #tpu.memory_space<vmem>> -> memref<40x80xf32, #tpu.memory_space<vmem>>
        %dma_start3A_67 = arith.constant 0 : i32
        %dma_start3A_68 = tpu.memref_slice %arg12[%add3A_64, %dma_start3A_67] : memref<10240x80xf32, #tpu.memory_space<vmem_shared>> -> memref<40x80xf32, #tpu.memory_space<vmem_shared>>
        %dma_start3A_69 = arith.constant 0 : i32
        %dma_start3A_70 = tpu.memref_slice %arg12[%add3A_64, %dma_start3A_69] : memref<10240x80xf32, #tpu.memory_space<vmem_shared>> -> memref<40x80xf32, #tpu.memory_space<vmem_shared>>
        %dma_start3A_71 = arith.constant 0 : i32
        %dma_start3A_72 = arith.constant 0 : i32
        %dma_start3A_73 = tpu.memref_slice %arg8[%dma_start3A_71, %dma_start3A_72] : memref<128x80xf32, #tpu.memory_space<vmem>> -> memref<40x80xf32, #tpu.memory_space<vmem>>
        tpu.enqueue_dma source(%dma_start3A_73 : memref<40x80xf32, #tpu.memory_space<vmem>>) target(%dma_start3A_70 : memref<40x80xf32, #tpu.memory_space<vmem_shared>>) target_semaphore(%run_scoped3A : memref<!tpu.dma_semaphore, #tpu.memory_space<semaphore_mem>>)
        %dma_wait3A = arith.constant 0 : i32
        %dma_wait3A_74 = arith.constant 0 : i32
        %dma_wait3A_75 = tpu.memref_slice %arg8[%dma_wait3A, %dma_wait3A_74] : memref<128x80xf32, #tpu.memory_space<vmem>> -> memref<40x80xf32, #tpu.memory_space<vmem>>
        %dma_wait3A_76 = arith.constant 0 : i32
        %dma_wait3A_77 = tpu.memref_slice %arg12[%add3A_64, %dma_wait3A_76] : memref<10240x80xf32, #tpu.memory_space<vmem_shared>> -> memref<40x80xf32, #tpu.memory_space<vmem_shared>>
        %dma_wait3A_78 = arith.constant 0 : i32
        %dma_wait3A_79 = tpu.memref_slice %arg12[%add3A_64, %dma_wait3A_78] : memref<10240x80xf32, #tpu.memory_space<vmem_shared>> -> memref<40x80xf32, #tpu.memory_space<vmem_shared>>
        %dma_wait3A_80 = arith.constant 0 : i32
        %dma_wait3A_81 = arith.constant 0 : i32
        %dma_wait3A_82 = tpu.memref_slice %arg8[%dma_wait3A_80, %dma_wait3A_81] : memref<128x80xf32, #tpu.memory_space<vmem>> -> memref<40x80xf32, #tpu.memory_space<vmem>>
        tpu.wait_dma2 semaphore(%run_scoped3A : memref<!tpu.dma_semaphore, #tpu.memory_space<semaphore_mem>>) src(%dma_wait3A_82 : memref<40x80xf32, #tpu.memory_space<vmem>>) dst(%dma_wait3A_79 : memref<40x80xf32, #tpu.memory_space<vmem_shared>>)
        tpu.yield
      }) : () -> ()
    } else {
    }
    %barrier3A = arith.constant 0 : index
    tpu.barrier barrier_id(%barrier3A)
    "tpu.region"() ({
      %run_scoped3A = tpu.sem_alloc : memref<!tpu.dma_semaphore, #tpu.memory_space<semaphore_mem>>
      %dma_start3A = arith.constant 0 : i32
      %dma_start3A_21 = arith.constant 0 : i32
      %dma_start3A_22 = tpu.memref_slice %arg3[%add3A, %dma_start3A, %dma_start3A_21] : memref<32x80x128xi32, #tpu.memory_space<hbm>> -> memref<1x80x128xi32, #tpu.memory_space<hbm>>
      %dma_start3A_23 = tpu.memref_squeeze %dma_start3A_22 : memref<1x80x128xi32, #tpu.memory_space<hbm>> -> memref<80x128xi32, #tpu.memory_space<hbm>>
      %dma_start3A_24 = arith.constant 0 : i32
      %dma_start3A_25 = arith.constant 0 : i32
      %dma_start3A_26 = tpu.memref_slice %arg3[%add3A, %dma_start3A_24, %dma_start3A_25] : memref<32x80x128xi32, #tpu.memory_space<hbm>> -> memref<1x80x128xi32, #tpu.memory_space<hbm>>
      %dma_start3A_27 = tpu.memref_squeeze %dma_start3A_26 : memref<1x80x128xi32, #tpu.memory_space<hbm>> -> memref<80x128xi32, #tpu.memory_space<hbm>>
      tpu.enqueue_dma source(%dma_start3A_27 : memref<80x128xi32, #tpu.memory_space<hbm>>) target(%arg6 : memref<80x128xi32, #tpu.memory_space<vmem>>) target_semaphore(%run_scoped3A : memref<!tpu.dma_semaphore, #tpu.memory_space<semaphore_mem>>)
      %dma_wait3A = arith.constant 0 : i32
      %dma_wait3A_28 = arith.constant 0 : i32
      %dma_wait3A_29 = tpu.memref_slice %arg3[%add3A, %dma_wait3A, %dma_wait3A_28] : memref<32x80x128xi32, #tpu.memory_space<hbm>> -> memref<1x80x128xi32, #tpu.memory_space<hbm>>
      %dma_wait3A_30 = tpu.memref_squeeze %dma_wait3A_29 : memref<1x80x128xi32, #tpu.memory_space<hbm>> -> memref<80x128xi32, #tpu.memory_space<hbm>>
      %dma_wait3A_31 = arith.constant 0 : i32
      %dma_wait3A_32 = arith.constant 0 : i32
      %dma_wait3A_33 = tpu.memref_slice %arg3[%add3A, %dma_wait3A_31, %dma_wait3A_32] : memref<32x80x128xi32, #tpu.memory_space<hbm>> -> memref<1x80x128xi32, #tpu.memory_space<hbm>>
      %dma_wait3A_34 = tpu.memref_squeeze %dma_wait3A_33 : memref<1x80x128xi32, #tpu.memory_space<hbm>> -> memref<80x128xi32, #tpu.memory_space<hbm>>
      tpu.wait_dma2 semaphore(%run_scoped3A : memref<!tpu.dma_semaphore, #tpu.memory_space<semaphore_mem>>) src(%dma_wait3A_34 : memref<80x128xi32, #tpu.memory_space<hbm>>) dst(%arg6 : memref<80x128xi32, #tpu.memory_space<vmem>>)
      tpu.yield
    }) : () -> ()
    "tpu.region"() ({
      %run_scoped3A = tpu.sem_alloc : memref<!tpu.dma_semaphore, #tpu.memory_space<semaphore_mem>>
      %dma_start3A = arith.constant 0 : i32
      %dma_start3A_21 = arith.constant 0 : i32
      %dma_start3A_22 = tpu.memref_slice %arg4[%add3A, %dma_start3A, %dma_start3A_21] : memref<32x80x128xi32, #tpu.memory_space<hbm>> -> memref<1x80x128xi32, #tpu.memory_space<hbm>>
      %dma_start3A_23 = tpu.memref_squeeze %dma_start3A_22 : memref<1x80x128xi32, #tpu.memory_space<hbm>> -> memref<80x128xi32, #tpu.memory_space<hbm>>
      %dma_start3A_24 = arith.constant 0 : i32
      %dma_start3A_25 = arith.constant 0 : i32
      %dma_start3A_26 = tpu.memref_slice %arg4[%add3A, %dma_start3A_24, %dma_start3A_25] : memref<32x80x128xi32, #tpu.memory_space<hbm>> -> memref<1x80x128xi32, #tpu.memory_space<hbm>>
      %dma_start3A_27 = tpu.memref_squeeze %dma_start3A_26 : memref<1x80x128xi32, #tpu.memory_space<hbm>> -> memref<80x128xi32, #tpu.memory_space<hbm>>
      tpu.enqueue_dma source(%dma_start3A_27 : memref<80x128xi32, #tpu.memory_space<hbm>>) target(%arg7 : memref<80x128xi32, #tpu.memory_space<vmem>>) target_semaphore(%run_scoped3A : memref<!tpu.dma_semaphore, #tpu.memory_space<semaphore_mem>>)
      %dma_wait3A = arith.constant 0 : i32
      %dma_wait3A_28 = arith.constant 0 : i32
      %dma_wait3A_29 = tpu.memref_slice %arg4[%add3A, %dma_wait3A, %dma_wait3A_28] : memref<32x80x128xi32, #tpu.memory_space<hbm>> -> memref<1x80x128xi32, #tpu.memory_space<hbm>>
      %dma_wait3A_30 = tpu.memref_squeeze %dma_wait3A_29 : memref<1x80x128xi32, #tpu.memory_space<hbm>> -> memref<80x128xi32, #tpu.memory_space<hbm>>
      %dma_wait3A_31 = arith.constant 0 : i32
      %dma_wait3A_32 = arith.constant 0 : i32
      %dma_wait3A_33 = tpu.memref_slice %arg4[%add3A, %dma_wait3A_31, %dma_wait3A_32] : memref<32x80x128xi32, #tpu.memory_space<hbm>> -> memref<1x80x128xi32, #tpu.memory_space<hbm>>
      %dma_wait3A_34 = tpu.memref_squeeze %dma_wait3A_33 : memref<1x80x128xi32, #tpu.memory_space<hbm>> -> memref<80x128xi32, #tpu.memory_space<hbm>>
      tpu.wait_dma2 semaphore(%run_scoped3A : memref<!tpu.dma_semaphore, #tpu.memory_space<semaphore_mem>>) src(%dma_wait3A_34 : memref<80x128xi32, #tpu.memory_space<hbm>>) dst(%arg7 : memref<80x128xi32, #tpu.memory_space<vmem>>)
      tpu.yield
    }) : () -> ()
    %scan3A_9 = arith.constant 0 : i32
    %scan3A_10 = arith.constant 0 : i32
    %scan3A_11 = arith.constant 20 : i32
    %scan3A_12 = arith.addi %scan3A_10, %scan3A_11 : i32
    %scan3A_13 = arith.constant 1 : i32
    scf.for %scan3A_21 = %scan3A_10 to %scan3A_12 step %scan3A_13  : i32 {
      %mul3A_22 = arith.constant 4 : i32
      %mul3A_23 = arith.muli %mul3A_22, %scan3A_21 : i32
      %add3A_24 = arith.constant 0 : i32
      %add3A_25 = arith.addi %mul3A_23, %add3A_24 : i32
      %dma_start3A = arith.constant 0 : i32
      %dma_start3A_26 = tpu.memref_slice %arg6[%add3A_25, %dma_start3A] : memref<80x128xi32, #tpu.memory_space<vmem>> -> memref<1x128xi32, #tpu.memory_space<vmem>>
      %dma_start3A_27 = tpu.memref_squeeze %dma_start3A_26 : memref<1x128xi32, #tpu.memory_space<vmem>> -> memref<128xi32, #tpu.memory_space<vmem>>
      %dma_start3A_28 = arith.constant 0 : i32
      %dma_start3A_29 = arith.constant 0 : i32
      %dma_start3A_30 = tpu.memref_slice %arg2[%dma_start3A_28, %dma_start3A_29] : memref<10000x80xf32, #tpu.memory_space<hbm>> -> memref<10000x80xf32, #tpu.memory_space<hbm>>
      tpu.enqueue_indirect_dma source(%dma_start3A_30 : memref<10000x80xf32, #tpu.memory_space<hbm>>) target(%arg8 : memref<128x80xf32, #tpu.memory_space<vmem>>) offsets(%dma_start3A_27 : memref<128xi32, #tpu.memory_space<vmem>>) semaphore(%arg13 : memref<!tpu.dma_semaphore, #tpu.memory_space<semaphore_mem>>)
      %add3A_31 = arith.constant 1 : i32
      %add3A_32 = arith.addi %mul3A_23, %add3A_31 : i32
      %dma_start3A_33 = arith.constant 0 : i32
      %dma_start3A_34 = tpu.memref_slice %arg6[%add3A_32, %dma_start3A_33] : memref<80x128xi32, #tpu.memory_space<vmem>> -> memref<1x128xi32, #tpu.memory_space<vmem>>
      %dma_start3A_35 = tpu.memref_squeeze %dma_start3A_34 : memref<1x128xi32, #tpu.memory_space<vmem>> -> memref<128xi32, #tpu.memory_space<vmem>>
      %dma_start3A_36 = arith.constant 0 : i32
      %dma_start3A_37 = arith.constant 0 : i32
      %dma_start3A_38 = tpu.memref_slice %arg2[%dma_start3A_36, %dma_start3A_37] : memref<10000x80xf32, #tpu.memory_space<hbm>> -> memref<10000x80xf32, #tpu.memory_space<hbm>>
      tpu.enqueue_indirect_dma source(%dma_start3A_38 : memref<10000x80xf32, #tpu.memory_space<hbm>>) target(%arg9 : memref<128x80xf32, #tpu.memory_space<vmem>>) offsets(%dma_start3A_35 : memref<128xi32, #tpu.memory_space<vmem>>) semaphore(%arg14 : memref<!tpu.dma_semaphore, #tpu.memory_space<semaphore_mem>>)
      %add3A_39 = arith.constant 2 : i32
      %add3A_40 = arith.addi %mul3A_23, %add3A_39 : i32
      %dma_start3A_41 = arith.constant 0 : i32
      %dma_start3A_42 = tpu.memref_slice %arg6[%add3A_40, %dma_start3A_41] : memref<80x128xi32, #tpu.memory_space<vmem>> -> memref<1x128xi32, #tpu.memory_space<vmem>>
      %dma_start3A_43 = tpu.memref_squeeze %dma_start3A_42 : memref<1x128xi32, #tpu.memory_space<vmem>> -> memref<128xi32, #tpu.memory_space<vmem>>
      %dma_start3A_44 = arith.constant 0 : i32
      %dma_start3A_45 = arith.constant 0 : i32
      %dma_start3A_46 = tpu.memref_slice %arg2[%dma_start3A_44, %dma_start3A_45] : memref<10000x80xf32, #tpu.memory_space<hbm>> -> memref<10000x80xf32, #tpu.memory_space<hbm>>
      tpu.enqueue_indirect_dma source(%dma_start3A_46 : memref<10000x80xf32, #tpu.memory_space<hbm>>) target(%arg10 : memref<128x80xf32, #tpu.memory_space<vmem>>) offsets(%dma_start3A_43 : memref<128xi32, #tpu.memory_space<vmem>>) semaphore(%arg15 : memref<!tpu.dma_semaphore, #tpu.memory_space<semaphore_mem>>)
      %add3A_47 = arith.constant 3 : i32
      %add3A_48 = arith.addi %mul3A_23, %add3A_47 : i32
      %dma_start3A_49 = arith.constant 0 : i32
      %dma_start3A_50 = tpu.memref_slice %arg6[%add3A_48, %dma_start3A_49] : memref<80x128xi32, #tpu.memory_space<vmem>> -> memref<1x128xi32, #tpu.memory_space<vmem>>
      %dma_start3A_51 = tpu.memref_squeeze %dma_start3A_50 : memref<1x128xi32, #tpu.memory_space<vmem>> -> memref<128xi32, #tpu.memory_space<vmem>>
      %dma_start3A_52 = arith.constant 0 : i32
      %dma_start3A_53 = arith.constant 0 : i32
      %dma_start3A_54 = tpu.memref_slice %arg2[%dma_start3A_52, %dma_start3A_53] : memref<10000x80xf32, #tpu.memory_space<hbm>> -> memref<10000x80xf32, #tpu.memory_space<hbm>>
      tpu.enqueue_indirect_dma source(%dma_start3A_54 : memref<10000x80xf32, #tpu.memory_space<hbm>>) target(%arg11 : memref<128x80xf32, #tpu.memory_space<vmem>>) offsets(%dma_start3A_51 : memref<128xi32, #tpu.memory_space<vmem>>) semaphore(%arg16 : memref<!tpu.dma_semaphore, #tpu.memory_space<semaphore_mem>>)
      %dma_wait3A = arith.constant 0 : i32
      %dma_wait3A_55 = tpu.memref_slice %arg6[%add3A_25, %dma_wait3A] : memref<80x128xi32, #tpu.memory_space<vmem>> -> memref<1x128xi32, #tpu.memory_space<vmem>>
      %dma_wait3A_56 = tpu.memref_squeeze %dma_wait3A_55 : memref<1x128xi32, #tpu.memory_space<vmem>> -> memref<128xi32, #tpu.memory_space<vmem>>
      %dma_wait3A_57 = arith.constant 0 : i32
      %dma_wait3A_58 = arith.constant 0 : i32
      %dma_wait3A_59 = tpu.memref_slice %arg2[%dma_wait3A_57, %dma_wait3A_58] : memref<10000x80xf32, #tpu.memory_space<hbm>> -> memref<10000x80xf32, #tpu.memory_space<hbm>>
      tpu.wait_indirect_dma semaphore(%arg13 : memref<!tpu.dma_semaphore, #tpu.memory_space<semaphore_mem>>) src(%dma_wait3A_59 : memref<10000x80xf32, #tpu.memory_space<hbm>>) dst(%arg8 : memref<128x80xf32, #tpu.memory_space<vmem>>)
      %add3A_60 = arith.constant 0 : i32
      %add3A_61 = arith.addi %mul3A_23, %add3A_60 : i32
      %dma_start3A_62 = arith.constant 0 : i32
      %dma_start3A_63 = tpu.memref_slice %arg7[%add3A_61, %dma_start3A_62] : memref<80x128xi32, #tpu.memory_space<vmem>> -> memref<1x128xi32, #tpu.memory_space<vmem>>
      %dma_start3A_64 = tpu.memref_squeeze %dma_start3A_63 : memref<1x128xi32, #tpu.memory_space<vmem>> -> memref<128xi32, #tpu.memory_space<vmem>>
      %dma_start3A_65 = arith.constant 0 : i32
      %dma_start3A_66 = arith.constant 0 : i32
      %dma_start3A_67 = tpu.memref_slice %arg12[%dma_start3A_65, %dma_start3A_66] : memref<10240x80xf32, #tpu.memory_space<vmem_shared>> -> memref<10240x80xf32, #tpu.memory_space<vmem_shared>>
      tpu.enqueue_indirect_dma source(%arg8 : memref<128x80xf32, #tpu.memory_space<vmem>>) target(%dma_start3A_67 : memref<10240x80xf32, #tpu.memory_space<vmem_shared>>) offsets(%dma_start3A_64 : memref<128xi32, #tpu.memory_space<vmem>>) semaphore(%arg17 : memref<!tpu.dma_semaphore, #tpu.memory_space<semaphore_mem>>) {add = true}
      %dma_wait3A_68 = arith.constant 0 : i32
      %dma_wait3A_69 = tpu.memref_slice %arg6[%add3A_32, %dma_wait3A_68] : memref<80x128xi32, #tpu.memory_space<vmem>> -> memref<1x128xi32, #tpu.memory_space<vmem>>
      %dma_wait3A_70 = tpu.memref_squeeze %dma_wait3A_69 : memref<1x128xi32, #tpu.memory_space<vmem>> -> memref<128xi32, #tpu.memory_space<vmem>>
      %dma_wait3A_71 = arith.constant 0 : i32
      %dma_wait3A_72 = arith.constant 0 : i32
      %dma_wait3A_73 = tpu.memref_slice %arg2[%dma_wait3A_71, %dma_wait3A_72] : memref<10000x80xf32, #tpu.memory_space<hbm>> -> memref<10000x80xf32, #tpu.memory_space<hbm>>
      tpu.wait_indirect_dma semaphore(%arg14 : memref<!tpu.dma_semaphore, #tpu.memory_space<semaphore_mem>>) src(%dma_wait3A_73 : memref<10000x80xf32, #tpu.memory_space<hbm>>) dst(%arg9 : memref<128x80xf32, #tpu.memory_space<vmem>>)
      %add3A_74 = arith.constant 1 : i32
      %add3A_75 = arith.addi %mul3A_23, %add3A_74 : i32
      %dma_start3A_76 = arith.constant 0 : i32
      %dma_start3A_77 = tpu.memref_slice %arg7[%add3A_75, %dma_start3A_76] : memref<80x128xi32, #tpu.memory_space<vmem>> -> memref<1x128xi32, #tpu.memory_space<vmem>>
      %dma_start3A_78 = tpu.memref_squeeze %dma_start3A_77 : memref<1x128xi32, #tpu.memory_space<vmem>> -> memref<128xi32, #tpu.memory_space<vmem>>
      %dma_start3A_79 = arith.constant 0 : i32
      %dma_start3A_80 = arith.constant 0 : i32
      %dma_start3A_81 = tpu.memref_slice %arg12[%dma_start3A_79, %dma_start3A_80] : memref<10240x80xf32, #tpu.memory_space<vmem_shared>> -> memref<10240x80xf32, #tpu.memory_space<vmem_shared>>
      tpu.enqueue_indirect_dma source(%arg9 : memref<128x80xf32, #tpu.memory_space<vmem>>) target(%dma_start3A_81 : memref<10240x80xf32, #tpu.memory_space<vmem_shared>>) offsets(%dma_start3A_78 : memref<128xi32, #tpu.memory_space<vmem>>) semaphore(%arg17 : memref<!tpu.dma_semaphore, #tpu.memory_space<semaphore_mem>>) {add = true}
      %dma_wait3A_82 = arith.constant 0 : i32
      %dma_wait3A_83 = tpu.memref_slice %arg6[%add3A_40, %dma_wait3A_82] : memref<80x128xi32, #tpu.memory_space<vmem>> -> memref<1x128xi32, #tpu.memory_space<vmem>>
      %dma_wait3A_84 = tpu.memref_squeeze %dma_wait3A_83 : memref<1x128xi32, #tpu.memory_space<vmem>> -> memref<128xi32, #tpu.memory_space<vmem>>
      %dma_wait3A_85 = arith.constant 0 : i32
      %dma_wait3A_86 = arith.constant 0 : i32
      %dma_wait3A_87 = tpu.memref_slice %arg2[%dma_wait3A_85, %dma_wait3A_86] : memref<10000x80xf32, #tpu.memory_space<hbm>> -> memref<10000x80xf32, #tpu.memory_space<hbm>>
      tpu.wait_indirect_dma semaphore(%arg15 : memref<!tpu.dma_semaphore, #tpu.memory_space<semaphore_mem>>) src(%dma_wait3A_87 : memref<10000x80xf32, #tpu.memory_space<hbm>>) dst(%arg10 : memref<128x80xf32, #tpu.memory_space<vmem>>)
      %add3A_88 = arith.constant 2 : i32
      %add3A_89 = arith.addi %mul3A_23, %add3A_88 : i32
      %dma_start3A_90 = arith.constant 0 : i32
      %dma_start3A_91 = tpu.memref_slice %arg7[%add3A_89, %dma_start3A_90] : memref<80x128xi32, #tpu.memory_space<vmem>> -> memref<1x128xi32, #tpu.memory_space<vmem>>
      %dma_start3A_92 = tpu.memref_squeeze %dma_start3A_91 : memref<1x128xi32, #tpu.memory_space<vmem>> -> memref<128xi32, #tpu.memory_space<vmem>>
      %dma_start3A_93 = arith.constant 0 : i32
      %dma_start3A_94 = arith.constant 0 : i32
      %dma_start3A_95 = tpu.memref_slice %arg12[%dma_start3A_93, %dma_start3A_94] : memref<10240x80xf32, #tpu.memory_space<vmem_shared>> -> memref<10240x80xf32, #tpu.memory_space<vmem_shared>>
      tpu.enqueue_indirect_dma source(%arg10 : memref<128x80xf32, #tpu.memory_space<vmem>>) target(%dma_start3A_95 : memref<10240x80xf32, #tpu.memory_space<vmem_shared>>) offsets(%dma_start3A_92 : memref<128xi32, #tpu.memory_space<vmem>>) semaphore(%arg17 : memref<!tpu.dma_semaphore, #tpu.memory_space<semaphore_mem>>) {add = true}
      %dma_wait3A_96 = arith.constant 0 : i32
      %dma_wait3A_97 = tpu.memref_slice %arg6[%add3A_48, %dma_wait3A_96] : memref<80x128xi32, #tpu.memory_space<vmem>> -> memref<1x128xi32, #tpu.memory_space<vmem>>
      %dma_wait3A_98 = tpu.memref_squeeze %dma_wait3A_97 : memref<1x128xi32, #tpu.memory_space<vmem>> -> memref<128xi32, #tpu.memory_space<vmem>>
      %dma_wait3A_99 = arith.constant 0 : i32
      %dma_wait3A_100 = arith.constant 0 : i32
      %dma_wait3A_101 = tpu.memref_slice %arg2[%dma_wait3A_99, %dma_wait3A_100] : memref<10000x80xf32, #tpu.memory_space<hbm>> -> memref<10000x80xf32, #tpu.memory_space<hbm>>
      tpu.wait_indirect_dma semaphore(%arg16 : memref<!tpu.dma_semaphore, #tpu.memory_space<semaphore_mem>>) src(%dma_wait3A_101 : memref<10000x80xf32, #tpu.memory_space<hbm>>) dst(%arg11 : memref<128x80xf32, #tpu.memory_space<vmem>>)
      %add3A_102 = arith.constant 3 : i32
      %add3A_103 = arith.addi %mul3A_23, %add3A_102 : i32
      %dma_start3A_104 = arith.constant 0 : i32
      %dma_start3A_105 = tpu.memref_slice %arg7[%add3A_103, %dma_start3A_104] : memref<80x128xi32, #tpu.memory_space<vmem>> -> memref<1x128xi32, #tpu.memory_space<vmem>>
      %dma_start3A_106 = tpu.memref_squeeze %dma_start3A_105 : memref<1x128xi32, #tpu.memory_space<vmem>> -> memref<128xi32, #tpu.memory_space<vmem>>
      %dma_start3A_107 = arith.constant 0 : i32
      %dma_start3A_108 = arith.constant 0 : i32
      %dma_start3A_109 = tpu.memref_slice %arg12[%dma_start3A_107, %dma_start3A_108] : memref<10240x80xf32, #tpu.memory_space<vmem_shared>> -> memref<10240x80xf32, #tpu.memory_space<vmem_shared>>
      tpu.enqueue_indirect_dma source(%arg11 : memref<128x80xf32, #tpu.memory_space<vmem>>) target(%dma_start3A_109 : memref<10240x80xf32, #tpu.memory_space<vmem_shared>>) offsets(%dma_start3A_106 : memref<128xi32, #tpu.memory_space<vmem>>) semaphore(%arg17 : memref<!tpu.dma_semaphore, #tpu.memory_space<semaphore_mem>>) {add = true}
      %dma_wait3A_110 = arith.constant 0 : i32
      %dma_wait3A_111 = tpu.memref_slice %arg7[%add3A_61, %dma_wait3A_110] : memref<80x128xi32, #tpu.memory_space<vmem>> -> memref<1x128xi32, #tpu.memory_space<vmem>>
      %dma_wait3A_112 = tpu.memref_squeeze %dma_wait3A_111 : memref<1x128xi32, #tpu.memory_space<vmem>> -> memref<128xi32, #tpu.memory_space<vmem>>
      %dma_wait3A_113 = arith.constant 0 : i32
      %dma_wait3A_114 = arith.constant 0 : i32
      %dma_wait3A_115 = tpu.memref_slice %arg12[%dma_wait3A_113, %dma_wait3A_114] : memref<10240x80xf32, #tpu.memory_space<vmem_shared>> -> memref<10240x80xf32, #tpu.memory_space<vmem_shared>>
      tpu.wait_indirect_dma semaphore(%arg17 : memref<!tpu.dma_semaphore, #tpu.memory_space<semaphore_mem>>) src(%arg8 : memref<128x80xf32, #tpu.memory_space<vmem>>) dst(%dma_wait3A_115 : memref<10240x80xf32, #tpu.memory_space<vmem_shared>>)
      %dma_wait3A_116 = arith.constant 0 : i32
      %dma_wait3A_117 = tpu.memref_slice %arg7[%add3A_75, %dma_wait3A_116] : memref<80x128xi32, #tpu.memory_space<vmem>> -> memref<1x128xi32, #tpu.memory_space<vmem>>
      %dma_wait3A_118 = tpu.memref_squeeze %dma_wait3A_117 : memref<1x128xi32, #tpu.memory_space<vmem>> -> memref<128xi32, #tpu.memory_space<vmem>>
      %dma_wait3A_119 = arith.constant 0 : i32
      %dma_wait3A_120 = arith.constant 0 : i32
      %dma_wait3A_121 = tpu.memref_slice %arg12[%dma_wait3A_119, %dma_wait3A_120] : memref<10240x80xf32, #tpu.memory_space<vmem_shared>> -> memref<10240x80xf32, #tpu.memory_space<vmem_shared>>
      tpu.wait_indirect_dma semaphore(%arg17 : memref<!tpu.dma_semaphore, #tpu.memory_space<semaphore_mem>>) src(%arg9 : memref<128x80xf32, #tpu.memory_space<vmem>>) dst(%dma_wait3A_121 : memref<10240x80xf32, #tpu.memory_space<vmem_shared>>)
      %dma_wait3A_122 = arith.constant 0 : i32
      %dma_wait3A_123 = tpu.memref_slice %arg7[%add3A_89, %dma_wait3A_122] : memref<80x128xi32, #tpu.memory_space<vmem>> -> memref<1x128xi32, #tpu.memory_space<vmem>>
      %dma_wait3A_124 = tpu.memref_squeeze %dma_wait3A_123 : memref<1x128xi32, #tpu.memory_space<vmem>> -> memref<128xi32, #tpu.memory_space<vmem>>
      %dma_wait3A_125 = arith.constant 0 : i32
      %dma_wait3A_126 = arith.constant 0 : i32
      %dma_wait3A_127 = tpu.memref_slice %arg12[%dma_wait3A_125, %dma_wait3A_126] : memref<10240x80xf32, #tpu.memory_space<vmem_shared>> -> memref<10240x80xf32, #tpu.memory_space<vmem_shared>>
      tpu.wait_indirect_dma semaphore(%arg17 : memref<!tpu.dma_semaphore, #tpu.memory_space<semaphore_mem>>) src(%arg10 : memref<128x80xf32, #tpu.memory_space<vmem>>) dst(%dma_wait3A_127 : memref<10240x80xf32, #tpu.memory_space<vmem_shared>>)
      %dma_wait3A_128 = arith.constant 0 : i32
      %dma_wait3A_129 = tpu.memref_slice %arg7[%add3A_103, %dma_wait3A_128] : memref<80x128xi32, #tpu.memory_space<vmem>> -> memref<1x128xi32, #tpu.memory_space<vmem>>
      %dma_wait3A_130 = tpu.memref_squeeze %dma_wait3A_129 : memref<1x128xi32, #tpu.memory_space<vmem>> -> memref<128xi32, #tpu.memory_space<vmem>>
      %dma_wait3A_131 = arith.constant 0 : i32
      %dma_wait3A_132 = arith.constant 0 : i32
      %dma_wait3A_133 = tpu.memref_slice %arg12[%dma_wait3A_131, %dma_wait3A_132] : memref<10240x80xf32, #tpu.memory_space<vmem_shared>> -> memref<10240x80xf32, #tpu.memory_space<vmem_shared>>
      tpu.wait_indirect_dma semaphore(%arg17 : memref<!tpu.dma_semaphore, #tpu.memory_space<semaphore_mem>>) src(%arg11 : memref<128x80xf32, #tpu.memory_space<vmem>>) dst(%dma_wait3A_133 : memref<10240x80xf32, #tpu.memory_space<vmem_shared>>)
    }
    %scan3A_14 = arith.constant 20 : i32
    %barrier3A_15 = arith.constant 0 : index
    tpu.barrier barrier_id(%barrier3A_15)
    %lt3A_16 = arith.constant 10 : i32
    %lt3A_17 = arith.cmpi slt, %arg1, %lt3A_16 : i32
    %convert_element_type3A_18 = arith.extui %lt3A_17 : i1 to i32
    %cond3A_19 = arith.constant 0 : i32
    %cond3A_20 = arith.cmpi ne, %convert_element_type3A_18, %cond3A_19 : i32
    scf.if %cond3A_20 {
      %mul3A_21 = arith.constant 1000 : i32
      %mul3A_22 = arith.muli %arg1, %mul3A_21 : i32
      %add3A_23 = arith.constant 0 : i32
      %add3A_24 = arith.addi %mul3A_22, %add3A_23 : i32
      "tpu.region"() ({
        %run_scoped3A = tpu.sem_alloc : memref<!tpu.dma_semaphore, #tpu.memory_space<semaphore_mem>>
        %dma_start3A = arith.constant 0 : i32
        %dma_start3A_65 = arith.constant 0 : i32
        %dma_start3A_66 = tpu.memref_slice %arg8[%dma_start3A, %dma_start3A_65] : memref<128x80xf32, #tpu.memory_space<vmem>> -> memref<96x80xf32, #tpu.memory_space<vmem>>
        %dma_start3A_67 = arith.constant 0 : i32
        %dma_start3A_68 = tpu.memref_slice %arg12[%add3A_24, %dma_start3A_67] : memref<10240x80xf32, #tpu.memory_space<vmem_shared>> -> memref<96x80xf32, #tpu.memory_space<vmem_shared>>
        %dma_start3A_69 = arith.constant 0 : i32
        %dma_start3A_70 = arith.constant 0 : i32
        %dma_start3A_71 = tpu.memref_slice %arg8[%dma_start3A_69, %dma_start3A_70] : memref<128x80xf32, #tpu.memory_space<vmem>> -> memref<96x80xf32, #tpu.memory_space<vmem>>
        %dma_start3A_72 = arith.constant 0 : i32
        %dma_start3A_73 = tpu.memref_slice %arg12[%add3A_24, %dma_start3A_72] : memref<10240x80xf32, #tpu.memory_space<vmem_shared>> -> memref<96x80xf32, #tpu.memory_space<vmem_shared>>
        tpu.enqueue_dma source(%dma_start3A_73 : memref<96x80xf32, #tpu.memory_space<vmem_shared>>) target(%dma_start3A_71 : memref<96x80xf32, #tpu.memory_space<vmem>>) target_semaphore(%run_scoped3A : memref<!tpu.dma_semaphore, #tpu.memory_space<semaphore_mem>>)
        %dma_wait3A = arith.constant 0 : i32
        %dma_wait3A_74 = arith.constant 0 : i32
        %dma_wait3A_75 = tpu.memref_slice %arg8[%dma_wait3A, %dma_wait3A_74] : memref<128x80xf32, #tpu.memory_space<vmem>> -> memref<96x80xf32, #tpu.memory_space<vmem>>
        %dma_wait3A_76 = arith.constant 0 : i32
        %dma_wait3A_77 = tpu.memref_slice %arg12[%add3A_24, %dma_wait3A_76] : memref<10240x80xf32, #tpu.memory_space<vmem_shared>> -> memref<96x80xf32, #tpu.memory_space<vmem_shared>>
        %dma_wait3A_78 = arith.constant 0 : i32
        %dma_wait3A_79 = arith.constant 0 : i32
        %dma_wait3A_80 = tpu.memref_slice %arg8[%dma_wait3A_78, %dma_wait3A_79] : memref<128x80xf32, #tpu.memory_space<vmem>> -> memref<96x80xf32, #tpu.memory_space<vmem>>
        %dma_wait3A_81 = arith.constant 0 : i32
        %dma_wait3A_82 = tpu.memref_slice %arg12[%add3A_24, %dma_wait3A_81] : memref<10240x80xf32, #tpu.memory_space<vmem_shared>> -> memref<96x80xf32, #tpu.memory_space<vmem_shared>>
        tpu.wait_dma2 semaphore(%run_scoped3A : memref<!tpu.dma_semaphore, #tpu.memory_space<semaphore_mem>>) src(%dma_wait3A_82 : memref<96x80xf32, #tpu.memory_space<vmem_shared>>) dst(%dma_wait3A_80 : memref<96x80xf32, #tpu.memory_space<vmem>>)
        tpu.yield
      }) : () -> ()
      "tpu.region"() ({
        %run_scoped3A = tpu.sem_alloc : memref<!tpu.dma_semaphore, #tpu.memory_space<semaphore_mem>>
        %dma_start3A = arith.constant 0 : i32
        %dma_start3A_65 = arith.constant 0 : i32
        %dma_start3A_66 = tpu.memref_slice %arg8[%dma_start3A, %dma_start3A_65] : memref<128x80xf32, #tpu.memory_space<vmem>> -> memref<96x80xf32, #tpu.memory_space<vmem>>
        %dma_start3A_67 = arith.constant 0 : i32
        %dma_start3A_68 = tpu.memref_slice %arg5[%arg0, %add3A_24, %dma_start3A_67] : memref<2x10000x80xf32, #tpu.memory_space<hbm>> -> memref<1x96x80xf32, #tpu.memory_space<hbm>>
        %dma_start3A_69 = tpu.memref_squeeze %dma_start3A_68 : memref<1x96x80xf32, #tpu.memory_space<hbm>> -> memref<96x80xf32, #tpu.memory_space<hbm>>
        %dma_start3A_70 = arith.constant 0 : i32
        %dma_start3A_71 = tpu.memref_slice %arg5[%arg0, %add3A_24, %dma_start3A_70] : memref<2x10000x80xf32, #tpu.memory_space<hbm>> -> memref<1x96x80xf32, #tpu.memory_space<hbm>>
        %dma_start3A_72 = tpu.memref_squeeze %dma_start3A_71 : memref<1x96x80xf32, #tpu.memory_space<hbm>> -> memref<96x80xf32, #tpu.memory_space<hbm>>
        %dma_start3A_73 = arith.constant 0 : i32
        %dma_start3A_74 = arith.constant 0 : i32
        %dma_start3A_75 = tpu.memref_slice %arg8[%dma_start3A_73, %dma_start3A_74] : memref<128x80xf32, #tpu.memory_space<vmem>> -> memref<96x80xf32, #tpu.memory_space<vmem>>
        tpu.enqueue_dma source(%dma_start3A_75 : memref<96x80xf32, #tpu.memory_space<vmem>>) target(%dma_start3A_72 : memref<96x80xf32, #tpu.memory_space<hbm>>) target_semaphore(%run_scoped3A : memref<!tpu.dma_semaphore, #tpu.memory_space<semaphore_mem>>)
        %dma_wait3A = arith.constant 0 : i32
        %dma_wait3A_76 = arith.constant 0 : i32
        %dma_wait3A_77 = tpu.memref_slice %arg8[%dma_wait3A, %dma_wait3A_76] : memref<128x80xf32, #tpu.memory_space<vmem>> -> memref<96x80xf32, #tpu.memory_space<vmem>>
        %dma_wait3A_78 = arith.constant 0 : i32
        %dma_wait3A_79 = tpu.memref_slice %arg5[%arg0, %add3A_24, %dma_wait3A_78] : memref<2x10000x80xf32, #tpu.memory_space<hbm>> -> memref<1x96x80xf32, #tpu.memory_space<hbm>>
        %dma_wait3A_80 = tpu.memref_squeeze %dma_wait3A_79 : memref<1x96x80xf32, #tpu.memory_space<hbm>> -> memref<96x80xf32, #tpu.memory_space<hbm>>
        %dma_wait3A_81 = arith.constant 0 : i32
        %dma_wait3A_82 = tpu.memref_slice %arg5[%arg0, %add3A_24, %dma_wait3A_81] : memref<2x10000x80xf32, #tpu.memory_space<hbm>> -> memref<1x96x80xf32, #tpu.memory_space<hbm>>
        %dma_wait3A_83 = tpu.memref_squeeze %dma_wait3A_82 : memref<1x96x80xf32, #tpu.memory_space<hbm>> -> memref<96x80xf32, #tpu.memory_space<hbm>>
        %dma_wait3A_84 = arith.constant 0 : i32
        %dma_wait3A_85 = arith.constant 0 : i32
        %dma_wait3A_86 = tpu.memref_slice %arg8[%dma_wait3A_84, %dma_wait3A_85] : memref<128x80xf32, #tpu.memory_space<vmem>> -> memref<96x80xf32, #tpu.memory_space<vmem>>
        tpu.wait_dma2 semaphore(%run_scoped3A : memref<!tpu.dma_semaphore, #tpu.memory_space<semaphore_mem>>) src(%dma_wait3A_86 : memref<96x80xf32, #tpu.memory_space<vmem>>) dst(%dma_wait3A_83 : memref<96x80xf32, #tpu.memory_space<hbm>>)
        tpu.yield
      }) : () -> ()
      %mul3A_25 = arith.constant 1000 : i32
      %mul3A_26 = arith.muli %arg1, %mul3A_25 : i32
      %add3A_27 = arith.constant 96 : i32
      %add3A_28 = arith.addi %mul3A_26, %add3A_27 : i32
      "tpu.region"() ({
        %run_scoped3A = tpu.sem_alloc : memref<!tpu.dma_semaphore, #tpu.memory_space<semaphore_mem>>
        %dma_start3A = arith.constant 0 : i32
        %dma_start3A_65 = arith.constant 0 : i32
        %dma_start3A_66 = tpu.memref_slice %arg8[%dma_start3A, %dma_start3A_65] : memref<128x80xf32, #tpu.memory_space<vmem>> -> memref<96x80xf32, #tpu.memory_space<vmem>>
        %dma_start3A_67 = arith.constant 0 : i32
        %dma_start3A_68 = tpu.memref_slice %arg12[%add3A_28, %dma_start3A_67] : memref<10240x80xf32, #tpu.memory_space<vmem_shared>> -> memref<96x80xf32, #tpu.memory_space<vmem_shared>>
        %dma_start3A_69 = arith.constant 0 : i32
        %dma_start3A_70 = arith.constant 0 : i32
        %dma_start3A_71 = tpu.memref_slice %arg8[%dma_start3A_69, %dma_start3A_70] : memref<128x80xf32, #tpu.memory_space<vmem>> -> memref<96x80xf32, #tpu.memory_space<vmem>>
        %dma_start3A_72 = arith.constant 0 : i32
        %dma_start3A_73 = tpu.memref_slice %arg12[%add3A_28, %dma_start3A_72] : memref<10240x80xf32, #tpu.memory_space<vmem_shared>> -> memref<96x80xf32, #tpu.memory_space<vmem_shared>>
        tpu.enqueue_dma source(%dma_start3A_73 : memref<96x80xf32, #tpu.memory_space<vmem_shared>>) target(%dma_start3A_71 : memref<96x80xf32, #tpu.memory_space<vmem>>) target_semaphore(%run_scoped3A : memref<!tpu.dma_semaphore, #tpu.memory_space<semaphore_mem>>)
        %dma_wait3A = arith.constant 0 : i32
        %dma_wait3A_74 = arith.constant 0 : i32
        %dma_wait3A_75 = tpu.memref_slice %arg8[%dma_wait3A, %dma_wait3A_74] : memref<128x80xf32, #tpu.memory_space<vmem>> -> memref<96x80xf32, #tpu.memory_space<vmem>>
        %dma_wait3A_76 = arith.constant 0 : i32
        %dma_wait3A_77 = tpu.memref_slice %arg12[%add3A_28, %dma_wait3A_76] : memref<10240x80xf32, #tpu.memory_space<vmem_shared>> -> memref<96x80xf32, #tpu.memory_space<vmem_shared>>
        %dma_wait3A_78 = arith.constant 0 : i32
        %dma_wait3A_79 = arith.constant 0 : i32
        %dma_wait3A_80 = tpu.memref_slice %arg8[%dma_wait3A_78, %dma_wait3A_79] : memref<128x80xf32, #tpu.memory_space<vmem>> -> memref<96x80xf32, #tpu.memory_space<vmem>>
        %dma_wait3A_81 = arith.constant 0 : i32
        %dma_wait3A_82 = tpu.memref_slice %arg12[%add3A_28, %dma_wait3A_81] : memref<10240x80xf32, #tpu.memory_space<vmem_shared>> -> memref<96x80xf32, #tpu.memory_space<vmem_shared>>
        tpu.wait_dma2 semaphore(%run_scoped3A : memref<!tpu.dma_semaphore, #tpu.memory_space<semaphore_mem>>) src(%dma_wait3A_82 : memref<96x80xf32, #tpu.memory_space<vmem_shared>>) dst(%dma_wait3A_80 : memref<96x80xf32, #tpu.memory_space<vmem>>)
        tpu.yield
      }) : () -> ()
      "tpu.region"() ({
        %run_scoped3A = tpu.sem_alloc : memref<!tpu.dma_semaphore, #tpu.memory_space<semaphore_mem>>
        %dma_start3A = arith.constant 0 : i32
        %dma_start3A_65 = arith.constant 0 : i32
        %dma_start3A_66 = tpu.memref_slice %arg8[%dma_start3A, %dma_start3A_65] : memref<128x80xf32, #tpu.memory_space<vmem>> -> memref<96x80xf32, #tpu.memory_space<vmem>>
        %dma_start3A_67 = arith.constant 0 : i32
        %dma_start3A_68 = tpu.memref_slice %arg5[%arg0, %add3A_28, %dma_start3A_67] : memref<2x10000x80xf32, #tpu.memory_space<hbm>> -> memref<1x96x80xf32, #tpu.memory_space<hbm>>
        %dma_start3A_69 = tpu.memref_squeeze %dma_start3A_68 : memref<1x96x80xf32, #tpu.memory_space<hbm>> -> memref<96x80xf32, #tpu.memory_space<hbm>>
        %dma_start3A_70 = arith.constant 0 : i32
        %dma_start3A_71 = tpu.memref_slice %arg5[%arg0, %add3A_28, %dma_start3A_70] : memref<2x10000x80xf32, #tpu.memory_space<hbm>> -> memref<1x96x80xf32, #tpu.memory_space<hbm>>
        %dma_start3A_72 = tpu.memref_squeeze %dma_start3A_71 : memref<1x96x80xf32, #tpu.memory_space<hbm>> -> memref<96x80xf32, #tpu.memory_space<hbm>>
        %dma_start3A_73 = arith.constant 0 : i32
        %dma_start3A_74 = arith.constant 0 : i32
        %dma_start3A_75 = tpu.memref_slice %arg8[%dma_start3A_73, %dma_start3A_74] : memref<128x80xf32, #tpu.memory_space<vmem>> -> memref<96x80xf32, #tpu.memory_space<vmem>>
        tpu.enqueue_dma source(%dma_start3A_75 : memref<96x80xf32, #tpu.memory_space<vmem>>) target(%dma_start3A_72 : memref<96x80xf32, #tpu.memory_space<hbm>>) target_semaphore(%run_scoped3A : memref<!tpu.dma_semaphore, #tpu.memory_space<semaphore_mem>>)
        %dma_wait3A = arith.constant 0 : i32
        %dma_wait3A_76 = arith.constant 0 : i32
        %dma_wait3A_77 = tpu.memref_slice %arg8[%dma_wait3A, %dma_wait3A_76] : memref<128x80xf32, #tpu.memory_space<vmem>> -> memref<96x80xf32, #tpu.memory_space<vmem>>
        %dma_wait3A_78 = arith.constant 0 : i32
        %dma_wait3A_79 = tpu.memref_slice %arg5[%arg0, %add3A_28, %dma_wait3A_78] : memref<2x10000x80xf32, #tpu.memory_space<hbm>> -> memref<1x96x80xf32, #tpu.memory_space<hbm>>
        %dma_wait3A_80 = tpu.memref_squeeze %dma_wait3A_79 : memref<1x96x80xf32, #tpu.memory_space<hbm>> -> memref<96x80xf32, #tpu.memory_space<hbm>>
        %dma_wait3A_81 = arith.constant 0 : i32
        %dma_wait3A_82 = tpu.memref_slice %arg5[%arg0, %add3A_28, %dma_wait3A_81] : memref<2x10000x80xf32, #tpu.memory_space<hbm>> -> memref<1x96x80xf32, #tpu.memory_space<hbm>>
        %dma_wait3A_83 = tpu.memref_squeeze %dma_wait3A_82 : memref<1x96x80xf32, #tpu.memory_space<hbm>> -> memref<96x80xf32, #tpu.memory_space<hbm>>
        %dma_wait3A_84 = arith.constant 0 : i32
        %dma_wait3A_85 = arith.constant 0 : i32
        %dma_wait3A_86 = tpu.memref_slice %arg8[%dma_wait3A_84, %dma_wait3A_85] : memref<128x80xf32, #tpu.memory_space<vmem>> -> memref<96x80xf32, #tpu.memory_space<vmem>>
        tpu.wait_dma2 semaphore(%run_scoped3A : memref<!tpu.dma_semaphore, #tpu.memory_space<semaphore_mem>>) src(%dma_wait3A_86 : memref<96x80xf32, #tpu.memory_space<vmem>>) dst(%dma_wait3A_83 : memref<96x80xf32, #tpu.memory_space<hbm>>)
        tpu.yield
      }) : () -> ()
      %mul3A_29 = arith.constant 1000 : i32
      %mul3A_30 = arith.muli %arg1, %mul3A_29 : i32
      %add3A_31 = arith.constant 192 : i32
      %add3A_32 = arith.addi %mul3A_30, %add3A_31 : i32
      "tpu.region"() ({
        %run_scoped3A = tpu.sem_alloc : memref<!tpu.dma_semaphore, #tpu.memory_space<semaphore_mem>>
        %dma_start3A = arith.constant 0 : i32
        %dma_start3A_65 = arith.constant 0 : i32
        %dma_start3A_66 = tpu.memref_slice %arg8[%dma_start3A, %dma_start3A_65] : memref<128x80xf32, #tpu.memory_space<vmem>> -> memref<96x80xf32, #tpu.memory_space<vmem>>
        %dma_start3A_67 = arith.constant 0 : i32
        %dma_start3A_68 = tpu.memref_slice %arg12[%add3A_32, %dma_start3A_67] : memref<10240x80xf32, #tpu.memory_space<vmem_shared>> -> memref<96x80xf32, #tpu.memory_space<vmem_shared>>
        %dma_start3A_69 = arith.constant 0 : i32
        %dma_start3A_70 = arith.constant 0 : i32
        %dma_start3A_71 = tpu.memref_slice %arg8[%dma_start3A_69, %dma_start3A_70] : memref<128x80xf32, #tpu.memory_space<vmem>> -> memref<96x80xf32, #tpu.memory_space<vmem>>
        %dma_start3A_72 = arith.constant 0 : i32
        %dma_start3A_73 = tpu.memref_slice %arg12[%add3A_32, %dma_start3A_72] : memref<10240x80xf32, #tpu.memory_space<vmem_shared>> -> memref<96x80xf32, #tpu.memory_space<vmem_shared>>
        tpu.enqueue_dma source(%dma_start3A_73 : memref<96x80xf32, #tpu.memory_space<vmem_shared>>) target(%dma_start3A_71 : memref<96x80xf32, #tpu.memory_space<vmem>>) target_semaphore(%run_scoped3A : memref<!tpu.dma_semaphore, #tpu.memory_space<semaphore_mem>>)
        %dma_wait3A = arith.constant 0 : i32
        %dma_wait3A_74 = arith.constant 0 : i32
        %dma_wait3A_75 = tpu.memref_slice %arg8[%dma_wait3A, %dma_wait3A_74] : memref<128x80xf32, #tpu.memory_space<vmem>> -> memref<96x80xf32, #tpu.memory_space<vmem>>
        %dma_wait3A_76 = arith.constant 0 : i32
        %dma_wait3A_77 = tpu.memref_slice %arg12[%add3A_32, %dma_wait3A_76] : memref<10240x80xf32, #tpu.memory_space<vmem_shared>> -> memref<96x80xf32, #tpu.memory_space<vmem_shared>>
        %dma_wait3A_78 = arith.constant 0 : i32
        %dma_wait3A_79 = arith.constant 0 : i32
        %dma_wait3A_80 = tpu.memref_slice %arg8[%dma_wait3A_78, %dma_wait3A_79] : memref<128x80xf32, #tpu.memory_space<vmem>> -> memref<96x80xf32, #tpu.memory_space<vmem>>
        %dma_wait3A_81 = arith.constant 0 : i32
        %dma_wait3A_82 = tpu.memref_slice %arg12[%add3A_32, %dma_wait3A_81] : memref<10240x80xf32, #tpu.memory_space<vmem_shared>> -> memref<96x80xf32, #tpu.memory_space<vmem_shared>>
        tpu.wait_dma2 semaphore(%run_scoped3A : memref<!tpu.dma_semaphore, #tpu.memory_space<semaphore_mem>>) src(%dma_wait3A_82 : memref<96x80xf32, #tpu.memory_space<vmem_shared>>) dst(%dma_wait3A_80 : memref<96x80xf32, #tpu.memory_space<vmem>>)
        tpu.yield
      }) : () -> ()
      "tpu.region"() ({
        %run_scoped3A = tpu.sem_alloc : memref<!tpu.dma_semaphore, #tpu.memory_space<semaphore_mem>>
        %dma_start3A = arith.constant 0 : i32
        %dma_start3A_65 = arith.constant 0 : i32
        %dma_start3A_66 = tpu.memref_slice %arg8[%dma_start3A, %dma_start3A_65] : memref<128x80xf32, #tpu.memory_space<vmem>> -> memref<96x80xf32, #tpu.memory_space<vmem>>
        %dma_start3A_67 = arith.constant 0 : i32
        %dma_start3A_68 = tpu.memref_slice %arg5[%arg0, %add3A_32, %dma_start3A_67] : memref<2x10000x80xf32, #tpu.memory_space<hbm>> -> memref<1x96x80xf32, #tpu.memory_space<hbm>>
        %dma_start3A_69 = tpu.memref_squeeze %dma_start3A_68 : memref<1x96x80xf32, #tpu.memory_space<hbm>> -> memref<96x80xf32, #tpu.memory_space<hbm>>
        %dma_start3A_70 = arith.constant 0 : i32
        %dma_start3A_71 = tpu.memref_slice %arg5[%arg0, %add3A_32, %dma_start3A_70] : memref<2x10000x80xf32, #tpu.memory_space<hbm>> -> memref<1x96x80xf32, #tpu.memory_space<hbm>>
        %dma_start3A_72 = tpu.memref_squeeze %dma_start3A_71 : memref<1x96x80xf32, #tpu.memory_space<hbm>> -> memref<96x80xf32, #tpu.memory_space<hbm>>
        %dma_start3A_73 = arith.constant 0 : i32
        %dma_start3A_74 = arith.constant 0 : i32
        %dma_start3A_75 = tpu.memref_slice %arg8[%dma_start3A_73, %dma_start3A_74] : memref<128x80xf32, #tpu.memory_space<vmem>> -> memref<96x80xf32, #tpu.memory_space<vmem>>
        tpu.enqueue_dma source(%dma_start3A_75 : memref<96x80xf32, #tpu.memory_space<vmem>>) target(%dma_start3A_72 : memref<96x80xf32, #tpu.memory_space<hbm>>) target_semaphore(%run_scoped3A : memref<!tpu.dma_semaphore, #tpu.memory_space<semaphore_mem>>)
        %dma_wait3A = arith.constant 0 : i32
        %dma_wait3A_76 = arith.constant 0 : i32
        %dma_wait3A_77 = tpu.memref_slice %arg8[%dma_wait3A, %dma_wait3A_76] : memref<128x80xf32, #tpu.memory_space<vmem>> -> memref<96x80xf32, #tpu.memory_space<vmem>>
        %dma_wait3A_78 = arith.constant 0 : i32
        %dma_wait3A_79 = tpu.memref_slice %arg5[%arg0, %add3A_32, %dma_wait3A_78] : memref<2x10000x80xf32, #tpu.memory_space<hbm>> -> memref<1x96x80xf32, #tpu.memory_space<hbm>>
        %dma_wait3A_80 = tpu.memref_squeeze %dma_wait3A_79 : memref<1x96x80xf32, #tpu.memory_space<hbm>> -> memref<96x80xf32, #tpu.memory_space<hbm>>
        %dma_wait3A_81 = arith.constant 0 : i32
        %dma_wait3A_82 = tpu.memref_slice %arg5[%arg0, %add3A_32, %dma_wait3A_81] : memref<2x10000x80xf32, #tpu.memory_space<hbm>> -> memref<1x96x80xf32, #tpu.memory_space<hbm>>
        %dma_wait3A_83 = tpu.memref_squeeze %dma_wait3A_82 : memref<1x96x80xf32, #tpu.memory_space<hbm>> -> memref<96x80xf32, #tpu.memory_space<hbm>>
        %dma_wait3A_84 = arith.constant 0 : i32
        %dma_wait3A_85 = arith.constant 0 : i32
        %dma_wait3A_86 = tpu.memref_slice %arg8[%dma_wait3A_84, %dma_wait3A_85] : memref<128x80xf32, #tpu.memory_space<vmem>> -> memref<96x80xf32, #tpu.memory_space<vmem>>
        tpu.wait_dma2 semaphore(%run_scoped3A : memref<!tpu.dma_semaphore, #tpu.memory_space<semaphore_mem>>) src(%dma_wait3A_86 : memref<96x80xf32, #tpu.memory_space<vmem>>) dst(%dma_wait3A_83 : memref<96x80xf32, #tpu.memory_space<hbm>>)
        tpu.yield
      }) : () -> ()
      %mul3A_33 = arith.constant 1000 : i32
      %mul3A_34 = arith.muli %arg1, %mul3A_33 : i32
      %add3A_35 = arith.constant 288 : i32
      %add3A_36 = arith.addi %mul3A_34, %add3A_35 : i32
      "tpu.region"() ({
        %run_scoped3A = tpu.sem_alloc : memref<!tpu.dma_semaphore, #tpu.memory_space<semaphore_mem>>
        %dma_start3A = arith.constant 0 : i32
        %dma_start3A_65 = arith.constant 0 : i32
        %dma_start3A_66 = tpu.memref_slice %arg8[%dma_start3A, %dma_start3A_65] : memref<128x80xf32, #tpu.memory_space<vmem>> -> memref<96x80xf32, #tpu.memory_space<vmem>>
        %dma_start3A_67 = arith.constant 0 : i32
        %dma_start3A_68 = tpu.memref_slice %arg12[%add3A_36, %dma_start3A_67] : memref<10240x80xf32, #tpu.memory_space<vmem_shared>> -> memref<96x80xf32, #tpu.memory_space<vmem_shared>>
        %dma_start3A_69 = arith.constant 0 : i32
        %dma_start3A_70 = arith.constant 0 : i32
        %dma_start3A_71 = tpu.memref_slice %arg8[%dma_start3A_69, %dma_start3A_70] : memref<128x80xf32, #tpu.memory_space<vmem>> -> memref<96x80xf32, #tpu.memory_space<vmem>>
        %dma_start3A_72 = arith.constant 0 : i32
        %dma_start3A_73 = tpu.memref_slice %arg12[%add3A_36, %dma_start3A_72] : memref<10240x80xf32, #tpu.memory_space<vmem_shared>> -> memref<96x80xf32, #tpu.memory_space<vmem_shared>>
        tpu.enqueue_dma source(%dma_start3A_73 : memref<96x80xf32, #tpu.memory_space<vmem_shared>>) target(%dma_start3A_71 : memref<96x80xf32, #tpu.memory_space<vmem>>) target_semaphore(%run_scoped3A : memref<!tpu.dma_semaphore, #tpu.memory_space<semaphore_mem>>)
        %dma_wait3A = arith.constant 0 : i32
        %dma_wait3A_74 = arith.constant 0 : i32
        %dma_wait3A_75 = tpu.memref_slice %arg8[%dma_wait3A, %dma_wait3A_74] : memref<128x80xf32, #tpu.memory_space<vmem>> -> memref<96x80xf32, #tpu.memory_space<vmem>>
        %dma_wait3A_76 = arith.constant 0 : i32
        %dma_wait3A_77 = tpu.memref_slice %arg12[%add3A_36, %dma_wait3A_76] : memref<10240x80xf32, #tpu.memory_space<vmem_shared>> -> memref<96x80xf32, #tpu.memory_space<vmem_shared>>
        %dma_wait3A_78 = arith.constant 0 : i32
        %dma_wait3A_79 = arith.constant 0 : i32
        %dma_wait3A_80 = tpu.memref_slice %arg8[%dma_wait3A_78, %dma_wait3A_79] : memref<128x80xf32, #tpu.memory_space<vmem>> -> memref<96x80xf32, #tpu.memory_space<vmem>>
        %dma_wait3A_81 = arith.constant 0 : i32
        %dma_wait3A_82 = tpu.memref_slice %arg12[%add3A_36, %dma_wait3A_81] : memref<10240x80xf32, #tpu.memory_space<vmem_shared>> -> memref<96x80xf32, #tpu.memory_space<vmem_shared>>
        tpu.wait_dma2 semaphore(%run_scoped3A : memref<!tpu.dma_semaphore, #tpu.memory_space<semaphore_mem>>) src(%dma_wait3A_82 : memref<96x80xf32, #tpu.memory_space<vmem_shared>>) dst(%dma_wait3A_80 : memref<96x80xf32, #tpu.memory_space<vmem>>)
        tpu.yield
      }) : () -> ()
      "tpu.region"() ({
        %run_scoped3A = tpu.sem_alloc : memref<!tpu.dma_semaphore, #tpu.memory_space<semaphore_mem>>
        %dma_start3A = arith.constant 0 : i32
        %dma_start3A_65 = arith.constant 0 : i32
        %dma_start3A_66 = tpu.memref_slice %arg8[%dma_start3A, %dma_start3A_65] : memref<128x80xf32, #tpu.memory_space<vmem>> -> memref<96x80xf32, #tpu.memory_space<vmem>>
        %dma_start3A_67 = arith.constant 0 : i32
        %dma_start3A_68 = tpu.memref_slice %arg5[%arg0, %add3A_36, %dma_start3A_67] : memref<2x10000x80xf32, #tpu.memory_space<hbm>> -> memref<1x96x80xf32, #tpu.memory_space<hbm>>
        %dma_start3A_69 = tpu.memref_squeeze %dma_start3A_68 : memref<1x96x80xf32, #tpu.memory_space<hbm>> -> memref<96x80xf32, #tpu.memory_space<hbm>>
        %dma_start3A_70 = arith.constant 0 : i32
        %dma_start3A_71 = tpu.memref_slice %arg5[%arg0, %add3A_36, %dma_start3A_70] : memref<2x10000x80xf32, #tpu.memory_space<hbm>> -> memref<1x96x80xf32, #tpu.memory_space<hbm>>
        %dma_start3A_72 = tpu.memref_squeeze %dma_start3A_71 : memref<1x96x80xf32, #tpu.memory_space<hbm>> -> memref<96x80xf32, #tpu.memory_space<hbm>>
        %dma_start3A_73 = arith.constant 0 : i32
        %dma_start3A_74 = arith.constant 0 : i32
        %dma_start3A_75 = tpu.memref_slice %arg8[%dma_start3A_73, %dma_start3A_74] : memref<128x80xf32, #tpu.memory_space<vmem>> -> memref<96x80xf32, #tpu.memory_space<vmem>>
        tpu.enqueue_dma source(%dma_start3A_75 : memref<96x80xf32, #tpu.memory_space<vmem>>) target(%dma_start3A_72 : memref<96x80xf32, #tpu.memory_space<hbm>>) target_semaphore(%run_scoped3A : memref<!tpu.dma_semaphore, #tpu.memory_space<semaphore_mem>>)
        %dma_wait3A = arith.constant 0 : i32
        %dma_wait3A_76 = arith.constant 0 : i32
        %dma_wait3A_77 = tpu.memref_slice %arg8[%dma_wait3A, %dma_wait3A_76] : memref<128x80xf32, #tpu.memory_space<vmem>> -> memref<96x80xf32, #tpu.memory_space<vmem>>
        %dma_wait3A_78 = arith.constant 0 : i32
        %dma_wait3A_79 = tpu.memref_slice %arg5[%arg0, %add3A_36, %dma_wait3A_78] : memref<2x10000x80xf32, #tpu.memory_space<hbm>> -> memref<1x96x80xf32, #tpu.memory_space<hbm>>
        %dma_wait3A_80 = tpu.memref_squeeze %dma_wait3A_79 : memref<1x96x80xf32, #tpu.memory_space<hbm>> -> memref<96x80xf32, #tpu.memory_space<hbm>>
        %dma_wait3A_81 = arith.constant 0 : i32
        %dma_wait3A_82 = tpu.memref_slice %arg5[%arg0, %add3A_36, %dma_wait3A_81] : memref<2x10000x80xf32, #tpu.memory_space<hbm>> -> memref<1x96x80xf32, #tpu.memory_space<hbm>>
        %dma_wait3A_83 = tpu.memref_squeeze %dma_wait3A_82 : memref<1x96x80xf32, #tpu.memory_space<hbm>> -> memref<96x80xf32, #tpu.memory_space<hbm>>
        %dma_wait3A_84 = arith.constant 0 : i32
        %dma_wait3A_85 = arith.constant 0 : i32
        %dma_wait3A_86 = tpu.memref_slice %arg8[%dma_wait3A_84, %dma_wait3A_85] : memref<128x80xf32, #tpu.memory_space<vmem>> -> memref<96x80xf32, #tpu.memory_space<vmem>>
        tpu.wait_dma2 semaphore(%run_scoped3A : memref<!tpu.dma_semaphore, #tpu.memory_space<semaphore_mem>>) src(%dma_wait3A_86 : memref<96x80xf32, #tpu.memory_space<vmem>>) dst(%dma_wait3A_83 : memref<96x80xf32, #tpu.memory_space<hbm>>)
        tpu.yield
      }) : () -> ()
      %mul3A_37 = arith.constant 1000 : i32
      %mul3A_38 = arith.muli %arg1, %mul3A_37 : i32
      %add3A_39 = arith.constant 384 : i32
      %add3A_40 = arith.addi %mul3A_38, %add3A_39 : i32
      "tpu.region"() ({
        %run_scoped3A = tpu.sem_alloc : memref<!tpu.dma_semaphore, #tpu.memory_space<semaphore_mem>>
        %dma_start3A = arith.constant 0 : i32
        %dma_start3A_65 = arith.constant 0 : i32
        %dma_start3A_66 = tpu.memref_slice %arg8[%dma_start3A, %dma_start3A_65] : memref<128x80xf32, #tpu.memory_space<vmem>> -> memref<96x80xf32, #tpu.memory_space<vmem>>
        %dma_start3A_67 = arith.constant 0 : i32
        %dma_start3A_68 = tpu.memref_slice %arg12[%add3A_40, %dma_start3A_67] : memref<10240x80xf32, #tpu.memory_space<vmem_shared>> -> memref<96x80xf32, #tpu.memory_space<vmem_shared>>
        %dma_start3A_69 = arith.constant 0 : i32
        %dma_start3A_70 = arith.constant 0 : i32
        %dma_start3A_71 = tpu.memref_slice %arg8[%dma_start3A_69, %dma_start3A_70] : memref<128x80xf32, #tpu.memory_space<vmem>> -> memref<96x80xf32, #tpu.memory_space<vmem>>
        %dma_start3A_72 = arith.constant 0 : i32
        %dma_start3A_73 = tpu.memref_slice %arg12[%add3A_40, %dma_start3A_72] : memref<10240x80xf32, #tpu.memory_space<vmem_shared>> -> memref<96x80xf32, #tpu.memory_space<vmem_shared>>
        tpu.enqueue_dma source(%dma_start3A_73 : memref<96x80xf32, #tpu.memory_space<vmem_shared>>) target(%dma_start3A_71 : memref<96x80xf32, #tpu.memory_space<vmem>>) target_semaphore(%run_scoped3A : memref<!tpu.dma_semaphore, #tpu.memory_space<semaphore_mem>>)
        %dma_wait3A = arith.constant 0 : i32
        %dma_wait3A_74 = arith.constant 0 : i32
        %dma_wait3A_75 = tpu.memref_slice %arg8[%dma_wait3A, %dma_wait3A_74] : memref<128x80xf32, #tpu.memory_space<vmem>> -> memref<96x80xf32, #tpu.memory_space<vmem>>
        %dma_wait3A_76 = arith.constant 0 : i32
        %dma_wait3A_77 = tpu.memref_slice %arg12[%add3A_40, %dma_wait3A_76] : memref<10240x80xf32, #tpu.memory_space<vmem_shared>> -> memref<96x80xf32, #tpu.memory_space<vmem_shared>>
        %dma_wait3A_78 = arith.constant 0 : i32
        %dma_wait3A_79 = arith.constant 0 : i32
        %dma_wait3A_80 = tpu.memref_slice %arg8[%dma_wait3A_78, %dma_wait3A_79] : memref<128x80xf32, #tpu.memory_space<vmem>> -> memref<96x80xf32, #tpu.memory_space<vmem>>
        %dma_wait3A_81 = arith.constant 0 : i32
        %dma_wait3A_82 = tpu.memref_slice %arg12[%add3A_40, %dma_wait3A_81] : memref<10240x80xf32, #tpu.memory_space<vmem_shared>> -> memref<96x80xf32, #tpu.memory_space<vmem_shared>>
        tpu.wait_dma2 semaphore(%run_scoped3A : memref<!tpu.dma_semaphore, #tpu.memory_space<semaphore_mem>>) src(%dma_wait3A_82 : memref<96x80xf32, #tpu.memory_space<vmem_shared>>) dst(%dma_wait3A_80 : memref<96x80xf32, #tpu.memory_space<vmem>>)
        tpu.yield
      }) : () -> ()
      "tpu.region"() ({
        %run_scoped3A = tpu.sem_alloc : memref<!tpu.dma_semaphore, #tpu.memory_space<semaphore_mem>>
        %dma_start3A = arith.constant 0 : i32
        %dma_start3A_65 = arith.constant 0 : i32
        %dma_start3A_66 = tpu.memref_slice %arg8[%dma_start3A, %dma_start3A_65] : memref<128x80xf32, #tpu.memory_space<vmem>> -> memref<96x80xf32, #tpu.memory_space<vmem>>
        %dma_start3A_67 = arith.constant 0 : i32
        %dma_start3A_68 = tpu.memref_slice %arg5[%arg0, %add3A_40, %dma_start3A_67] : memref<2x10000x80xf32, #tpu.memory_space<hbm>> -> memref<1x96x80xf32, #tpu.memory_space<hbm>>
        %dma_start3A_69 = tpu.memref_squeeze %dma_start3A_68 : memref<1x96x80xf32, #tpu.memory_space<hbm>> -> memref<96x80xf32, #tpu.memory_space<hbm>>
        %dma_start3A_70 = arith.constant 0 : i32
        %dma_start3A_71 = tpu.memref_slice %arg5[%arg0, %add3A_40, %dma_start3A_70] : memref<2x10000x80xf32, #tpu.memory_space<hbm>> -> memref<1x96x80xf32, #tpu.memory_space<hbm>>
        %dma_start3A_72 = tpu.memref_squeeze %dma_start3A_71 : memref<1x96x80xf32, #tpu.memory_space<hbm>> -> memref<96x80xf32, #tpu.memory_space<hbm>>
        %dma_start3A_73 = arith.constant 0 : i32
        %dma_start3A_74 = arith.constant 0 : i32
        %dma_start3A_75 = tpu.memref_slice %arg8[%dma_start3A_73, %dma_start3A_74] : memref<128x80xf32, #tpu.memory_space<vmem>> -> memref<96x80xf32, #tpu.memory_space<vmem>>
        tpu.enqueue_dma source(%dma_start3A_75 : memref<96x80xf32, #tpu.memory_space<vmem>>) target(%dma_start3A_72 : memref<96x80xf32, #tpu.memory_space<hbm>>) target_semaphore(%run_scoped3A : memref<!tpu.dma_semaphore, #tpu.memory_space<semaphore_mem>>)
        %dma_wait3A = arith.constant 0 : i32
        %dma_wait3A_76 = arith.constant 0 : i32
        %dma_wait3A_77 = tpu.memref_slice %arg8[%dma_wait3A, %dma_wait3A_76] : memref<128x80xf32, #tpu.memory_space<vmem>> -> memref<96x80xf32, #tpu.memory_space<vmem>>
        %dma_wait3A_78 = arith.constant 0 : i32
        %dma_wait3A_79 = tpu.memref_slice %arg5[%arg0, %add3A_40, %dma_wait3A_78] : memref<2x10000x80xf32, #tpu.memory_space<hbm>> -> memref<1x96x80xf32, #tpu.memory_space<hbm>>
        %dma_wait3A_80 = tpu.memref_squeeze %dma_wait3A_79 : memref<1x96x80xf32, #tpu.memory_space<hbm>> -> memref<96x80xf32, #tpu.memory_space<hbm>>
        %dma_wait3A_81 = arith.constant 0 : i32
        %dma_wait3A_82 = tpu.memref_slice %arg5[%arg0, %add3A_40, %dma_wait3A_81] : memref<2x10000x80xf32, #tpu.memory_space<hbm>> -> memref<1x96x80xf32, #tpu.memory_space<hbm>>
        %dma_wait3A_83 = tpu.memref_squeeze %dma_wait3A_82 : memref<1x96x80xf32, #tpu.memory_space<hbm>> -> memref<96x80xf32, #tpu.memory_space<hbm>>
        %dma_wait3A_84 = arith.constant 0 : i32
        %dma_wait3A_85 = arith.constant 0 : i32
        %dma_wait3A_86 = tpu.memref_slice %arg8[%dma_wait3A_84, %dma_wait3A_85] : memref<128x80xf32, #tpu.memory_space<vmem>> -> memref<96x80xf32, #tpu.memory_space<vmem>>
        tpu.wait_dma2 semaphore(%run_scoped3A : memref<!tpu.dma_semaphore, #tpu.memory_space<semaphore_mem>>) src(%dma_wait3A_86 : memref<96x80xf32, #tpu.memory_space<vmem>>) dst(%dma_wait3A_83 : memref<96x80xf32, #tpu.memory_space<hbm>>)
        tpu.yield
      }) : () -> ()
      %mul3A_41 = arith.constant 1000 : i32
      %mul3A_42 = arith.muli %arg1, %mul3A_41 : i32
      %add3A_43 = arith.constant 480 : i32
      %add3A_44 = arith.addi %mul3A_42, %add3A_43 : i32
      "tpu.region"() ({
        %run_scoped3A = tpu.sem_alloc : memref<!tpu.dma_semaphore, #tpu.memory_space<semaphore_mem>>
        %dma_start3A = arith.constant 0 : i32
        %dma_start3A_65 = arith.constant 0 : i32
        %dma_start3A_66 = tpu.memref_slice %arg8[%dma_start3A, %dma_start3A_65] : memref<128x80xf32, #tpu.memory_space<vmem>> -> memref<96x80xf32, #tpu.memory_space<vmem>>
        %dma_start3A_67 = arith.constant 0 : i32
        %dma_start3A_68 = tpu.memref_slice %arg12[%add3A_44, %dma_start3A_67] : memref<10240x80xf32, #tpu.memory_space<vmem_shared>> -> memref<96x80xf32, #tpu.memory_space<vmem_shared>>
        %dma_start3A_69 = arith.constant 0 : i32
        %dma_start3A_70 = arith.constant 0 : i32
        %dma_start3A_71 = tpu.memref_slice %arg8[%dma_start3A_69, %dma_start3A_70] : memref<128x80xf32, #tpu.memory_space<vmem>> -> memref<96x80xf32, #tpu.memory_space<vmem>>
        %dma_start3A_72 = arith.constant 0 : i32
        %dma_start3A_73 = tpu.memref_slice %arg12[%add3A_44, %dma_start3A_72] : memref<10240x80xf32, #tpu.memory_space<vmem_shared>> -> memref<96x80xf32, #tpu.memory_space<vmem_shared>>
        tpu.enqueue_dma source(%dma_start3A_73 : memref<96x80xf32, #tpu.memory_space<vmem_shared>>) target(%dma_start3A_71 : memref<96x80xf32, #tpu.memory_space<vmem>>) target_semaphore(%run_scoped3A : memref<!tpu.dma_semaphore, #tpu.memory_space<semaphore_mem>>)
        %dma_wait3A = arith.constant 0 : i32
        %dma_wait3A_74 = arith.constant 0 : i32
        %dma_wait3A_75 = tpu.memref_slice %arg8[%dma_wait3A, %dma_wait3A_74] : memref<128x80xf32, #tpu.memory_space<vmem>> -> memref<96x80xf32, #tpu.memory_space<vmem>>
        %dma_wait3A_76 = arith.constant 0 : i32
        %dma_wait3A_77 = tpu.memref_slice %arg12[%add3A_44, %dma_wait3A_76] : memref<10240x80xf32, #tpu.memory_space<vmem_shared>> -> memref<96x80xf32, #tpu.memory_space<vmem_shared>>
        %dma_wait3A_78 = arith.constant 0 : i32
        %dma_wait3A_79 = arith.constant 0 : i32
        %dma_wait3A_80 = tpu.memref_slice %arg8[%dma_wait3A_78, %dma_wait3A_79] : memref<128x80xf32, #tpu.memory_space<vmem>> -> memref<96x80xf32, #tpu.memory_space<vmem>>
        %dma_wait3A_81 = arith.constant 0 : i32
        %dma_wait3A_82 = tpu.memref_slice %arg12[%add3A_44, %dma_wait3A_81] : memref<10240x80xf32, #tpu.memory_space<vmem_shared>> -> memref<96x80xf32, #tpu.memory_space<vmem_shared>>
        tpu.wait_dma2 semaphore(%run_scoped3A : memref<!tpu.dma_semaphore, #tpu.memory_space<semaphore_mem>>) src(%dma_wait3A_82 : memref<96x80xf32, #tpu.memory_space<vmem_shared>>) dst(%dma_wait3A_80 : memref<96x80xf32, #tpu.memory_space<vmem>>)
        tpu.yield
      }) : () -> ()
      "tpu.region"() ({
        %run_scoped3A = tpu.sem_alloc : memref<!tpu.dma_semaphore, #tpu.memory_space<semaphore_mem>>
        %dma_start3A = arith.constant 0 : i32
        %dma_start3A_65 = arith.constant 0 : i32
        %dma_start3A_66 = tpu.memref_slice %arg8[%dma_start3A, %dma_start3A_65] : memref<128x80xf32, #tpu.memory_space<vmem>> -> memref<96x80xf32, #tpu.memory_space<vmem>>
        %dma_start3A_67 = arith.constant 0 : i32
        %dma_start3A_68 = tpu.memref_slice %arg5[%arg0, %add3A_44, %dma_start3A_67] : memref<2x10000x80xf32, #tpu.memory_space<hbm>> -> memref<1x96x80xf32, #tpu.memory_space<hbm>>
        %dma_start3A_69 = tpu.memref_squeeze %dma_start3A_68 : memref<1x96x80xf32, #tpu.memory_space<hbm>> -> memref<96x80xf32, #tpu.memory_space<hbm>>
        %dma_start3A_70 = arith.constant 0 : i32
        %dma_start3A_71 = tpu.memref_slice %arg5[%arg0, %add3A_44, %dma_start3A_70] : memref<2x10000x80xf32, #tpu.memory_space<hbm>> -> memref<1x96x80xf32, #tpu.memory_space<hbm>>
        %dma_start3A_72 = tpu.memref_squeeze %dma_start3A_71 : memref<1x96x80xf32, #tpu.memory_space<hbm>> -> memref<96x80xf32, #tpu.memory_space<hbm>>
        %dma_start3A_73 = arith.constant 0 : i32
        %dma_start3A_74 = arith.constant 0 : i32
        %dma_start3A_75 = tpu.memref_slice %arg8[%dma_start3A_73, %dma_start3A_74] : memref<128x80xf32, #tpu.memory_space<vmem>> -> memref<96x80xf32, #tpu.memory_space<vmem>>
        tpu.enqueue_dma source(%dma_start3A_75 : memref<96x80xf32, #tpu.memory_space<vmem>>) target(%dma_start3A_72 : memref<96x80xf32, #tpu.memory_space<hbm>>) target_semaphore(%run_scoped3A : memref<!tpu.dma_semaphore, #tpu.memory_space<semaphore_mem>>)
        %dma_wait3A = arith.constant 0 : i32
        %dma_wait3A_76 = arith.constant 0 : i32
        %dma_wait3A_77 = tpu.memref_slice %arg8[%dma_wait3A, %dma_wait3A_76] : memref<128x80xf32, #tpu.memory_space<vmem>> -> memref<96x80xf32, #tpu.memory_space<vmem>>
        %dma_wait3A_78 = arith.constant 0 : i32
        %dma_wait3A_79 = tpu.memref_slice %arg5[%arg0, %add3A_44, %dma_wait3A_78] : memref<2x10000x80xf32, #tpu.memory_space<hbm>> -> memref<1x96x80xf32, #tpu.memory_space<hbm>>
        %dma_wait3A_80 = tpu.memref_squeeze %dma_wait3A_79 : memref<1x96x80xf32, #tpu.memory_space<hbm>> -> memref<96x80xf32, #tpu.memory_space<hbm>>
        %dma_wait3A_81 = arith.constant 0 : i32
        %dma_wait3A_82 = tpu.memref_slice %arg5[%arg0, %add3A_44, %dma_wait3A_81] : memref<2x10000x80xf32, #tpu.memory_space<hbm>> -> memref<1x96x80xf32, #tpu.memory_space<hbm>>
        %dma_wait3A_83 = tpu.memref_squeeze %dma_wait3A_82 : memref<1x96x80xf32, #tpu.memory_space<hbm>> -> memref<96x80xf32, #tpu.memory_space<hbm>>
        %dma_wait3A_84 = arith.constant 0 : i32
        %dma_wait3A_85 = arith.constant 0 : i32
        %dma_wait3A_86 = tpu.memref_slice %arg8[%dma_wait3A_84, %dma_wait3A_85] : memref<128x80xf32, #tpu.memory_space<vmem>> -> memref<96x80xf32, #tpu.memory_space<vmem>>
        tpu.wait_dma2 semaphore(%run_scoped3A : memref<!tpu.dma_semaphore, #tpu.memory_space<semaphore_mem>>) src(%dma_wait3A_86 : memref<96x80xf32, #tpu.memory_space<vmem>>) dst(%dma_wait3A_83 : memref<96x80xf32, #tpu.memory_space<hbm>>)
        tpu.yield
      }) : () -> ()
      %mul3A_45 = arith.constant 1000 : i32
      %mul3A_46 = arith.muli %arg1, %mul3A_45 : i32
      %add3A_47 = arith.constant 576 : i32
      %add3A_48 = arith.addi %mul3A_46, %add3A_47 : i32
      "tpu.region"() ({
        %run_scoped3A = tpu.sem_alloc : memref<!tpu.dma_semaphore, #tpu.memory_space<semaphore_mem>>
        %dma_start3A = arith.constant 0 : i32
        %dma_start3A_65 = arith.constant 0 : i32
        %dma_start3A_66 = tpu.memref_slice %arg8[%dma_start3A, %dma_start3A_65] : memref<128x80xf32, #tpu.memory_space<vmem>> -> memref<96x80xf32, #tpu.memory_space<vmem>>
        %dma_start3A_67 = arith.constant 0 : i32
        %dma_start3A_68 = tpu.memref_slice %arg12[%add3A_48, %dma_start3A_67] : memref<10240x80xf32, #tpu.memory_space<vmem_shared>> -> memref<96x80xf32, #tpu.memory_space<vmem_shared>>
        %dma_start3A_69 = arith.constant 0 : i32
        %dma_start3A_70 = arith.constant 0 : i32
        %dma_start3A_71 = tpu.memref_slice %arg8[%dma_start3A_69, %dma_start3A_70] : memref<128x80xf32, #tpu.memory_space<vmem>> -> memref<96x80xf32, #tpu.memory_space<vmem>>
        %dma_start3A_72 = arith.constant 0 : i32
        %dma_start3A_73 = tpu.memref_slice %arg12[%add3A_48, %dma_start3A_72] : memref<10240x80xf32, #tpu.memory_space<vmem_shared>> -> memref<96x80xf32, #tpu.memory_space<vmem_shared>>
        tpu.enqueue_dma source(%dma_start3A_73 : memref<96x80xf32, #tpu.memory_space<vmem_shared>>) target(%dma_start3A_71 : memref<96x80xf32, #tpu.memory_space<vmem>>) target_semaphore(%run_scoped3A : memref<!tpu.dma_semaphore, #tpu.memory_space<semaphore_mem>>)
        %dma_wait3A = arith.constant 0 : i32
        %dma_wait3A_74 = arith.constant 0 : i32
        %dma_wait3A_75 = tpu.memref_slice %arg8[%dma_wait3A, %dma_wait3A_74] : memref<128x80xf32, #tpu.memory_space<vmem>> -> memref<96x80xf32, #tpu.memory_space<vmem>>
        %dma_wait3A_76 = arith.constant 0 : i32
        %dma_wait3A_77 = tpu.memref_slice %arg12[%add3A_48, %dma_wait3A_76] : memref<10240x80xf32, #tpu.memory_space<vmem_shared>> -> memref<96x80xf32, #tpu.memory_space<vmem_shared>>
        %dma_wait3A_78 = arith.constant 0 : i32
        %dma_wait3A_79 = arith.constant 0 : i32
        %dma_wait3A_80 = tpu.memref_slice %arg8[%dma_wait3A_78, %dma_wait3A_79] : memref<128x80xf32, #tpu.memory_space<vmem>> -> memref<96x80xf32, #tpu.memory_space<vmem>>
        %dma_wait3A_81 = arith.constant 0 : i32
        %dma_wait3A_82 = tpu.memref_slice %arg12[%add3A_48, %dma_wait3A_81] : memref<10240x80xf32, #tpu.memory_space<vmem_shared>> -> memref<96x80xf32, #tpu.memory_space<vmem_shared>>
        tpu.wait_dma2 semaphore(%run_scoped3A : memref<!tpu.dma_semaphore, #tpu.memory_space<semaphore_mem>>) src(%dma_wait3A_82 : memref<96x80xf32, #tpu.memory_space<vmem_shared>>) dst(%dma_wait3A_80 : memref<96x80xf32, #tpu.memory_space<vmem>>)
        tpu.yield
      }) : () -> ()
      "tpu.region"() ({
        %run_scoped3A = tpu.sem_alloc : memref<!tpu.dma_semaphore, #tpu.memory_space<semaphore_mem>>
        %dma_start3A = arith.constant 0 : i32
        %dma_start3A_65 = arith.constant 0 : i32
        %dma_start3A_66 = tpu.memref_slice %arg8[%dma_start3A, %dma_start3A_65] : memref<128x80xf32, #tpu.memory_space<vmem>> -> memref<96x80xf32, #tpu.memory_space<vmem>>
        %dma_start3A_67 = arith.constant 0 : i32
        %dma_start3A_68 = tpu.memref_slice %arg5[%arg0, %add3A_48, %dma_start3A_67] : memref<2x10000x80xf32, #tpu.memory_space<hbm>> -> memref<1x96x80xf32, #tpu.memory_space<hbm>>
        %dma_start3A_69 = tpu.memref_squeeze %dma_start3A_68 : memref<1x96x80xf32, #tpu.memory_space<hbm>> -> memref<96x80xf32, #tpu.memory_space<hbm>>
        %dma_start3A_70 = arith.constant 0 : i32
        %dma_start3A_71 = tpu.memref_slice %arg5[%arg0, %add3A_48, %dma_start3A_70] : memref<2x10000x80xf32, #tpu.memory_space<hbm>> -> memref<1x96x80xf32, #tpu.memory_space<hbm>>
        %dma_start3A_72 = tpu.memref_squeeze %dma_start3A_71 : memref<1x96x80xf32, #tpu.memory_space<hbm>> -> memref<96x80xf32, #tpu.memory_space<hbm>>
        %dma_start3A_73 = arith.constant 0 : i32
        %dma_start3A_74 = arith.constant 0 : i32
        %dma_start3A_75 = tpu.memref_slice %arg8[%dma_start3A_73, %dma_start3A_74] : memref<128x80xf32, #tpu.memory_space<vmem>> -> memref<96x80xf32, #tpu.memory_space<vmem>>
        tpu.enqueue_dma source(%dma_start3A_75 : memref<96x80xf32, #tpu.memory_space<vmem>>) target(%dma_start3A_72 : memref<96x80xf32, #tpu.memory_space<hbm>>) target_semaphore(%run_scoped3A : memref<!tpu.dma_semaphore, #tpu.memory_space<semaphore_mem>>)
        %dma_wait3A = arith.constant 0 : i32
        %dma_wait3A_76 = arith.constant 0 : i32
        %dma_wait3A_77 = tpu.memref_slice %arg8[%dma_wait3A, %dma_wait3A_76] : memref<128x80xf32, #tpu.memory_space<vmem>> -> memref<96x80xf32, #tpu.memory_space<vmem>>
        %dma_wait3A_78 = arith.constant 0 : i32
        %dma_wait3A_79 = tpu.memref_slice %arg5[%arg0, %add3A_48, %dma_wait3A_78] : memref<2x10000x80xf32, #tpu.memory_space<hbm>> -> memref<1x96x80xf32, #tpu.memory_space<hbm>>
        %dma_wait3A_80 = tpu.memref_squeeze %dma_wait3A_79 : memref<1x96x80xf32, #tpu.memory_space<hbm>> -> memref<96x80xf32, #tpu.memory_space<hbm>>
        %dma_wait3A_81 = arith.constant 0 : i32
        %dma_wait3A_82 = tpu.memref_slice %arg5[%arg0, %add3A_48, %dma_wait3A_81] : memref<2x10000x80xf32, #tpu.memory_space<hbm>> -> memref<1x96x80xf32, #tpu.memory_space<hbm>>
        %dma_wait3A_83 = tpu.memref_squeeze %dma_wait3A_82 : memref<1x96x80xf32, #tpu.memory_space<hbm>> -> memref<96x80xf32, #tpu.memory_space<hbm>>
        %dma_wait3A_84 = arith.constant 0 : i32
        %dma_wait3A_85 = arith.constant 0 : i32
        %dma_wait3A_86 = tpu.memref_slice %arg8[%dma_wait3A_84, %dma_wait3A_85] : memref<128x80xf32, #tpu.memory_space<vmem>> -> memref<96x80xf32, #tpu.memory_space<vmem>>
        tpu.wait_dma2 semaphore(%run_scoped3A : memref<!tpu.dma_semaphore, #tpu.memory_space<semaphore_mem>>) src(%dma_wait3A_86 : memref<96x80xf32, #tpu.memory_space<vmem>>) dst(%dma_wait3A_83 : memref<96x80xf32, #tpu.memory_space<hbm>>)
        tpu.yield
      }) : () -> ()
      %mul3A_49 = arith.constant 1000 : i32
      %mul3A_50 = arith.muli %arg1, %mul3A_49 : i32
      %add3A_51 = arith.constant 672 : i32
      %add3A_52 = arith.addi %mul3A_50, %add3A_51 : i32
      "tpu.region"() ({
        %run_scoped3A = tpu.sem_alloc : memref<!tpu.dma_semaphore, #tpu.memory_space<semaphore_mem>>
        %dma_start3A = arith.constant 0 : i32
        %dma_start3A_65 = arith.constant 0 : i32
        %dma_start3A_66 = tpu.memref_slice %arg8[%dma_start3A, %dma_start3A_65] : memref<128x80xf32, #tpu.memory_space<vmem>> -> memref<96x80xf32, #tpu.memory_space<vmem>>
        %dma_start3A_67 = arith.constant 0 : i32
        %dma_start3A_68 = tpu.memref_slice %arg12[%add3A_52, %dma_start3A_67] : memref<10240x80xf32, #tpu.memory_space<vmem_shared>> -> memref<96x80xf32, #tpu.memory_space<vmem_shared>>
        %dma_start3A_69 = arith.constant 0 : i32
        %dma_start3A_70 = arith.constant 0 : i32
        %dma_start3A_71 = tpu.memref_slice %arg8[%dma_start3A_69, %dma_start3A_70] : memref<128x80xf32, #tpu.memory_space<vmem>> -> memref<96x80xf32, #tpu.memory_space<vmem>>
        %dma_start3A_72 = arith.constant 0 : i32
        %dma_start3A_73 = tpu.memref_slice %arg12[%add3A_52, %dma_start3A_72] : memref<10240x80xf32, #tpu.memory_space<vmem_shared>> -> memref<96x80xf32, #tpu.memory_space<vmem_shared>>
        tpu.enqueue_dma source(%dma_start3A_73 : memref<96x80xf32, #tpu.memory_space<vmem_shared>>) target(%dma_start3A_71 : memref<96x80xf32, #tpu.memory_space<vmem>>) target_semaphore(%run_scoped3A : memref<!tpu.dma_semaphore, #tpu.memory_space<semaphore_mem>>)
        %dma_wait3A = arith.constant 0 : i32
        %dma_wait3A_74 = arith.constant 0 : i32
        %dma_wait3A_75 = tpu.memref_slice %arg8[%dma_wait3A, %dma_wait3A_74] : memref<128x80xf32, #tpu.memory_space<vmem>> -> memref<96x80xf32, #tpu.memory_space<vmem>>
        %dma_wait3A_76 = arith.constant 0 : i32
        %dma_wait3A_77 = tpu.memref_slice %arg12[%add3A_52, %dma_wait3A_76] : memref<10240x80xf32, #tpu.memory_space<vmem_shared>> -> memref<96x80xf32, #tpu.memory_space<vmem_shared>>
        %dma_wait3A_78 = arith.constant 0 : i32
        %dma_wait3A_79 = arith.constant 0 : i32
        %dma_wait3A_80 = tpu.memref_slice %arg8[%dma_wait3A_78, %dma_wait3A_79] : memref<128x80xf32, #tpu.memory_space<vmem>> -> memref<96x80xf32, #tpu.memory_space<vmem>>
        %dma_wait3A_81 = arith.constant 0 : i32
        %dma_wait3A_82 = tpu.memref_slice %arg12[%add3A_52, %dma_wait3A_81] : memref<10240x80xf32, #tpu.memory_space<vmem_shared>> -> memref<96x80xf32, #tpu.memory_space<vmem_shared>>
        tpu.wait_dma2 semaphore(%run_scoped3A : memref<!tpu.dma_semaphore, #tpu.memory_space<semaphore_mem>>) src(%dma_wait3A_82 : memref<96x80xf32, #tpu.memory_space<vmem_shared>>) dst(%dma_wait3A_80 : memref<96x80xf32, #tpu.memory_space<vmem>>)
        tpu.yield
      }) : () -> ()
      "tpu.region"() ({
        %run_scoped3A = tpu.sem_alloc : memref<!tpu.dma_semaphore, #tpu.memory_space<semaphore_mem>>
        %dma_start3A = arith.constant 0 : i32
        %dma_start3A_65 = arith.constant 0 : i32
        %dma_start3A_66 = tpu.memref_slice %arg8[%dma_start3A, %dma_start3A_65] : memref<128x80xf32, #tpu.memory_space<vmem>> -> memref<96x80xf32, #tpu.memory_space<vmem>>
        %dma_start3A_67 = arith.constant 0 : i32
        %dma_start3A_68 = tpu.memref_slice %arg5[%arg0, %add3A_52, %dma_start3A_67] : memref<2x10000x80xf32, #tpu.memory_space<hbm>> -> memref<1x96x80xf32, #tpu.memory_space<hbm>>
        %dma_start3A_69 = tpu.memref_squeeze %dma_start3A_68 : memref<1x96x80xf32, #tpu.memory_space<hbm>> -> memref<96x80xf32, #tpu.memory_space<hbm>>
        %dma_start3A_70 = arith.constant 0 : i32
        %dma_start3A_71 = tpu.memref_slice %arg5[%arg0, %add3A_52, %dma_start3A_70] : memref<2x10000x80xf32, #tpu.memory_space<hbm>> -> memref<1x96x80xf32, #tpu.memory_space<hbm>>
        %dma_start3A_72 = tpu.memref_squeeze %dma_start3A_71 : memref<1x96x80xf32, #tpu.memory_space<hbm>> -> memref<96x80xf32, #tpu.memory_space<hbm>>
        %dma_start3A_73 = arith.constant 0 : i32
        %dma_start3A_74 = arith.constant 0 : i32
        %dma_start3A_75 = tpu.memref_slice %arg8[%dma_start3A_73, %dma_start3A_74] : memref<128x80xf32, #tpu.memory_space<vmem>> -> memref<96x80xf32, #tpu.memory_space<vmem>>
        tpu.enqueue_dma source(%dma_start3A_75 : memref<96x80xf32, #tpu.memory_space<vmem>>) target(%dma_start3A_72 : memref<96x80xf32, #tpu.memory_space<hbm>>) target_semaphore(%run_scoped3A : memref<!tpu.dma_semaphore, #tpu.memory_space<semaphore_mem>>)
        %dma_wait3A = arith.constant 0 : i32
        %dma_wait3A_76 = arith.constant 0 : i32
        %dma_wait3A_77 = tpu.memref_slice %arg8[%dma_wait3A, %dma_wait3A_76] : memref<128x80xf32, #tpu.memory_space<vmem>> -> memref<96x80xf32, #tpu.memory_space<vmem>>
        %dma_wait3A_78 = arith.constant 0 : i32
        %dma_wait3A_79 = tpu.memref_slice %arg5[%arg0, %add3A_52, %dma_wait3A_78] : memref<2x10000x80xf32, #tpu.memory_space<hbm>> -> memref<1x96x80xf32, #tpu.memory_space<hbm>>
        %dma_wait3A_80 = tpu.memref_squeeze %dma_wait3A_79 : memref<1x96x80xf32, #tpu.memory_space<hbm>> -> memref<96x80xf32, #tpu.memory_space<hbm>>
        %dma_wait3A_81 = arith.constant 0 : i32
        %dma_wait3A_82 = tpu.memref_slice %arg5[%arg0, %add3A_52, %dma_wait3A_81] : memref<2x10000x80xf32, #tpu.memory_space<hbm>> -> memref<1x96x80xf32, #tpu.memory_space<hbm>>
        %dma_wait3A_83 = tpu.memref_squeeze %dma_wait3A_82 : memref<1x96x80xf32, #tpu.memory_space<hbm>> -> memref<96x80xf32, #tpu.memory_space<hbm>>
        %dma_wait3A_84 = arith.constant 0 : i32
        %dma_wait3A_85 = arith.constant 0 : i32
        %dma_wait3A_86 = tpu.memref_slice %arg8[%dma_wait3A_84, %dma_wait3A_85] : memref<128x80xf32, #tpu.memory_space<vmem>> -> memref<96x80xf32, #tpu.memory_space<vmem>>
        tpu.wait_dma2 semaphore(%run_scoped3A : memref<!tpu.dma_semaphore, #tpu.memory_space<semaphore_mem>>) src(%dma_wait3A_86 : memref<96x80xf32, #tpu.memory_space<vmem>>) dst(%dma_wait3A_83 : memref<96x80xf32, #tpu.memory_space<hbm>>)
        tpu.yield
      }) : () -> ()
      %mul3A_53 = arith.constant 1000 : i32
      %mul3A_54 = arith.muli %arg1, %mul3A_53 : i32
      %add3A_55 = arith.constant 768 : i32
      %add3A_56 = arith.addi %mul3A_54, %add3A_55 : i32
      "tpu.region"() ({
        %run_scoped3A = tpu.sem_alloc : memref<!tpu.dma_semaphore, #tpu.memory_space<semaphore_mem>>
        %dma_start3A = arith.constant 0 : i32
        %dma_start3A_65 = arith.constant 0 : i32
        %dma_start3A_66 = tpu.memref_slice %arg8[%dma_start3A, %dma_start3A_65] : memref<128x80xf32, #tpu.memory_space<vmem>> -> memref<96x80xf32, #tpu.memory_space<vmem>>
        %dma_start3A_67 = arith.constant 0 : i32
        %dma_start3A_68 = tpu.memref_slice %arg12[%add3A_56, %dma_start3A_67] : memref<10240x80xf32, #tpu.memory_space<vmem_shared>> -> memref<96x80xf32, #tpu.memory_space<vmem_shared>>
        %dma_start3A_69 = arith.constant 0 : i32
        %dma_start3A_70 = arith.constant 0 : i32
        %dma_start3A_71 = tpu.memref_slice %arg8[%dma_start3A_69, %dma_start3A_70] : memref<128x80xf32, #tpu.memory_space<vmem>> -> memref<96x80xf32, #tpu.memory_space<vmem>>
        %dma_start3A_72 = arith.constant 0 : i32
        %dma_start3A_73 = tpu.memref_slice %arg12[%add3A_56, %dma_start3A_72] : memref<10240x80xf32, #tpu.memory_space<vmem_shared>> -> memref<96x80xf32, #tpu.memory_space<vmem_shared>>
        tpu.enqueue_dma source(%dma_start3A_73 : memref<96x80xf32, #tpu.memory_space<vmem_shared>>) target(%dma_start3A_71 : memref<96x80xf32, #tpu.memory_space<vmem>>) target_semaphore(%run_scoped3A : memref<!tpu.dma_semaphore, #tpu.memory_space<semaphore_mem>>)
        %dma_wait3A = arith.constant 0 : i32
        %dma_wait3A_74 = arith.constant 0 : i32
        %dma_wait3A_75 = tpu.memref_slice %arg8[%dma_wait3A, %dma_wait3A_74] : memref<128x80xf32, #tpu.memory_space<vmem>> -> memref<96x80xf32, #tpu.memory_space<vmem>>
        %dma_wait3A_76 = arith.constant 0 : i32
        %dma_wait3A_77 = tpu.memref_slice %arg12[%add3A_56, %dma_wait3A_76] : memref<10240x80xf32, #tpu.memory_space<vmem_shared>> -> memref<96x80xf32, #tpu.memory_space<vmem_shared>>
        %dma_wait3A_78 = arith.constant 0 : i32
        %dma_wait3A_79 = arith.constant 0 : i32
        %dma_wait3A_80 = tpu.memref_slice %arg8[%dma_wait3A_78, %dma_wait3A_79] : memref<128x80xf32, #tpu.memory_space<vmem>> -> memref<96x80xf32, #tpu.memory_space<vmem>>
        %dma_wait3A_81 = arith.constant 0 : i32
        %dma_wait3A_82 = tpu.memref_slice %arg12[%add3A_56, %dma_wait3A_81] : memref<10240x80xf32, #tpu.memory_space<vmem_shared>> -> memref<96x80xf32, #tpu.memory_space<vmem_shared>>
        tpu.wait_dma2 semaphore(%run_scoped3A : memref<!tpu.dma_semaphore, #tpu.memory_space<semaphore_mem>>) src(%dma_wait3A_82 : memref<96x80xf32, #tpu.memory_space<vmem_shared>>) dst(%dma_wait3A_80 : memref<96x80xf32, #tpu.memory_space<vmem>>)
        tpu.yield
      }) : () -> ()
      "tpu.region"() ({
        %run_scoped3A = tpu.sem_alloc : memref<!tpu.dma_semaphore, #tpu.memory_space<semaphore_mem>>
        %dma_start3A = arith.constant 0 : i32
        %dma_start3A_65 = arith.constant 0 : i32
        %dma_start3A_66 = tpu.memref_slice %arg8[%dma_start3A, %dma_start3A_65] : memref<128x80xf32, #tpu.memory_space<vmem>> -> memref<96x80xf32, #tpu.memory_space<vmem>>
        %dma_start3A_67 = arith.constant 0 : i32
        %dma_start3A_68 = tpu.memref_slice %arg5[%arg0, %add3A_56, %dma_start3A_67] : memref<2x10000x80xf32, #tpu.memory_space<hbm>> -> memref<1x96x80xf32, #tpu.memory_space<hbm>>
        %dma_start3A_69 = tpu.memref_squeeze %dma_start3A_68 : memref<1x96x80xf32, #tpu.memory_space<hbm>> -> memref<96x80xf32, #tpu.memory_space<hbm>>
        %dma_start3A_70 = arith.constant 0 : i32
        %dma_start3A_71 = tpu.memref_slice %arg5[%arg0, %add3A_56, %dma_start3A_70] : memref<2x10000x80xf32, #tpu.memory_space<hbm>> -> memref<1x96x80xf32, #tpu.memory_space<hbm>>
        %dma_start3A_72 = tpu.memref_squeeze %dma_start3A_71 : memref<1x96x80xf32, #tpu.memory_space<hbm>> -> memref<96x80xf32, #tpu.memory_space<hbm>>
        %dma_start3A_73 = arith.constant 0 : i32
        %dma_start3A_74 = arith.constant 0 : i32
        %dma_start3A_75 = tpu.memref_slice %arg8[%dma_start3A_73, %dma_start3A_74] : memref<128x80xf32, #tpu.memory_space<vmem>> -> memref<96x80xf32, #tpu.memory_space<vmem>>
        tpu.enqueue_dma source(%dma_start3A_75 : memref<96x80xf32, #tpu.memory_space<vmem>>) target(%dma_start3A_72 : memref<96x80xf32, #tpu.memory_space<hbm>>) target_semaphore(%run_scoped3A : memref<!tpu.dma_semaphore, #tpu.memory_space<semaphore_mem>>)
        %dma_wait3A = arith.constant 0 : i32
        %dma_wait3A_76 = arith.constant 0 : i32
        %dma_wait3A_77 = tpu.memref_slice %arg8[%dma_wait3A, %dma_wait3A_76] : memref<128x80xf32, #tpu.memory_space<vmem>> -> memref<96x80xf32, #tpu.memory_space<vmem>>
        %dma_wait3A_78 = arith.constant 0 : i32
        %dma_wait3A_79 = tpu.memref_slice %arg5[%arg0, %add3A_56, %dma_wait3A_78] : memref<2x10000x80xf32, #tpu.memory_space<hbm>> -> memref<1x96x80xf32, #tpu.memory_space<hbm>>
        %dma_wait3A_80 = tpu.memref_squeeze %dma_wait3A_79 : memref<1x96x80xf32, #tpu.memory_space<hbm>> -> memref<96x80xf32, #tpu.memory_space<hbm>>
        %dma_wait3A_81 = arith.constant 0 : i32
        %dma_wait3A_82 = tpu.memref_slice %arg5[%arg0, %add3A_56, %dma_wait3A_81] : memref<2x10000x80xf32, #tpu.memory_space<hbm>> -> memref<1x96x80xf32, #tpu.memory_space<hbm>>
        %dma_wait3A_83 = tpu.memref_squeeze %dma_wait3A_82 : memref<1x96x80xf32, #tpu.memory_space<hbm>> -> memref<96x80xf32, #tpu.memory_space<hbm>>
        %dma_wait3A_84 = arith.constant 0 : i32
        %dma_wait3A_85 = arith.constant 0 : i32
        %dma_wait3A_86 = tpu.memref_slice %arg8[%dma_wait3A_84, %dma_wait3A_85] : memref<128x80xf32, #tpu.memory_space<vmem>> -> memref<96x80xf32, #tpu.memory_space<vmem>>
        tpu.wait_dma2 semaphore(%run_scoped3A : memref<!tpu.dma_semaphore, #tpu.memory_space<semaphore_mem>>) src(%dma_wait3A_86 : memref<96x80xf32, #tpu.memory_space<vmem>>) dst(%dma_wait3A_83 : memref<96x80xf32, #tpu.memory_space<hbm>>)
        tpu.yield
      }) : () -> ()
      %mul3A_57 = arith.constant 1000 : i32
      %mul3A_58 = arith.muli %arg1, %mul3A_57 : i32
      %add3A_59 = arith.constant 864 : i32
      %add3A_60 = arith.addi %mul3A_58, %add3A_59 : i32
      "tpu.region"() ({
        %run_scoped3A = tpu.sem_alloc : memref<!tpu.dma_semaphore, #tpu.memory_space<semaphore_mem>>
        %dma_start3A = arith.constant 0 : i32
        %dma_start3A_65 = arith.constant 0 : i32
        %dma_start3A_66 = tpu.memref_slice %arg8[%dma_start3A, %dma_start3A_65] : memref<128x80xf32, #tpu.memory_space<vmem>> -> memref<96x80xf32, #tpu.memory_space<vmem>>
        %dma_start3A_67 = arith.constant 0 : i32
        %dma_start3A_68 = tpu.memref_slice %arg12[%add3A_60, %dma_start3A_67] : memref<10240x80xf32, #tpu.memory_space<vmem_shared>> -> memref<96x80xf32, #tpu.memory_space<vmem_shared>>
        %dma_start3A_69 = arith.constant 0 : i32
        %dma_start3A_70 = arith.constant 0 : i32
        %dma_start3A_71 = tpu.memref_slice %arg8[%dma_start3A_69, %dma_start3A_70] : memref<128x80xf32, #tpu.memory_space<vmem>> -> memref<96x80xf32, #tpu.memory_space<vmem>>
        %dma_start3A_72 = arith.constant 0 : i32
        %dma_start3A_73 = tpu.memref_slice %arg12[%add3A_60, %dma_start3A_72] : memref<10240x80xf32, #tpu.memory_space<vmem_shared>> -> memref<96x80xf32, #tpu.memory_space<vmem_shared>>
        tpu.enqueue_dma source(%dma_start3A_73 : memref<96x80xf32, #tpu.memory_space<vmem_shared>>) target(%dma_start3A_71 : memref<96x80xf32, #tpu.memory_space<vmem>>) target_semaphore(%run_scoped3A : memref<!tpu.dma_semaphore, #tpu.memory_space<semaphore_mem>>)
        %dma_wait3A = arith.constant 0 : i32
        %dma_wait3A_74 = arith.constant 0 : i32
        %dma_wait3A_75 = tpu.memref_slice %arg8[%dma_wait3A, %dma_wait3A_74] : memref<128x80xf32, #tpu.memory_space<vmem>> -> memref<96x80xf32, #tpu.memory_space<vmem>>
        %dma_wait3A_76 = arith.constant 0 : i32
        %dma_wait3A_77 = tpu.memref_slice %arg12[%add3A_60, %dma_wait3A_76] : memref<10240x80xf32, #tpu.memory_space<vmem_shared>> -> memref<96x80xf32, #tpu.memory_space<vmem_shared>>
        %dma_wait3A_78 = arith.constant 0 : i32
        %dma_wait3A_79 = arith.constant 0 : i32
        %dma_wait3A_80 = tpu.memref_slice %arg8[%dma_wait3A_78, %dma_wait3A_79] : memref<128x80xf32, #tpu.memory_space<vmem>> -> memref<96x80xf32, #tpu.memory_space<vmem>>
        %dma_wait3A_81 = arith.constant 0 : i32
        %dma_wait3A_82 = tpu.memref_slice %arg12[%add3A_60, %dma_wait3A_81] : memref<10240x80xf32, #tpu.memory_space<vmem_shared>> -> memref<96x80xf32, #tpu.memory_space<vmem_shared>>
        tpu.wait_dma2 semaphore(%run_scoped3A : memref<!tpu.dma_semaphore, #tpu.memory_space<semaphore_mem>>) src(%dma_wait3A_82 : memref<96x80xf32, #tpu.memory_space<vmem_shared>>) dst(%dma_wait3A_80 : memref<96x80xf32, #tpu.memory_space<vmem>>)
        tpu.yield
      }) : () -> ()
      "tpu.region"() ({
        %run_scoped3A = tpu.sem_alloc : memref<!tpu.dma_semaphore, #tpu.memory_space<semaphore_mem>>
        %dma_start3A = arith.constant 0 : i32
        %dma_start3A_65 = arith.constant 0 : i32
        %dma_start3A_66 = tpu.memref_slice %arg8[%dma_start3A, %dma_start3A_65] : memref<128x80xf32, #tpu.memory_space<vmem>> -> memref<96x80xf32, #tpu.memory_space<vmem>>
        %dma_start3A_67 = arith.constant 0 : i32
        %dma_start3A_68 = tpu.memref_slice %arg5[%arg0, %add3A_60, %dma_start3A_67] : memref<2x10000x80xf32, #tpu.memory_space<hbm>> -> memref<1x96x80xf32, #tpu.memory_space<hbm>>
        %dma_start3A_69 = tpu.memref_squeeze %dma_start3A_68 : memref<1x96x80xf32, #tpu.memory_space<hbm>> -> memref<96x80xf32, #tpu.memory_space<hbm>>
        %dma_start3A_70 = arith.constant 0 : i32
        %dma_start3A_71 = tpu.memref_slice %arg5[%arg0, %add3A_60, %dma_start3A_70] : memref<2x10000x80xf32, #tpu.memory_space<hbm>> -> memref<1x96x80xf32, #tpu.memory_space<hbm>>
        %dma_start3A_72 = tpu.memref_squeeze %dma_start3A_71 : memref<1x96x80xf32, #tpu.memory_space<hbm>> -> memref<96x80xf32, #tpu.memory_space<hbm>>
        %dma_start3A_73 = arith.constant 0 : i32
        %dma_start3A_74 = arith.constant 0 : i32
        %dma_start3A_75 = tpu.memref_slice %arg8[%dma_start3A_73, %dma_start3A_74] : memref<128x80xf32, #tpu.memory_space<vmem>> -> memref<96x80xf32, #tpu.memory_space<vmem>>
        tpu.enqueue_dma source(%dma_start3A_75 : memref<96x80xf32, #tpu.memory_space<vmem>>) target(%dma_start3A_72 : memref<96x80xf32, #tpu.memory_space<hbm>>) target_semaphore(%run_scoped3A : memref<!tpu.dma_semaphore, #tpu.memory_space<semaphore_mem>>)
        %dma_wait3A = arith.constant 0 : i32
        %dma_wait3A_76 = arith.constant 0 : i32
        %dma_wait3A_77 = tpu.memref_slice %arg8[%dma_wait3A, %dma_wait3A_76] : memref<128x80xf32, #tpu.memory_space<vmem>> -> memref<96x80xf32, #tpu.memory_space<vmem>>
        %dma_wait3A_78 = arith.constant 0 : i32
        %dma_wait3A_79 = tpu.memref_slice %arg5[%arg0, %add3A_60, %dma_wait3A_78] : memref<2x10000x80xf32, #tpu.memory_space<hbm>> -> memref<1x96x80xf32, #tpu.memory_space<hbm>>
        %dma_wait3A_80 = tpu.memref_squeeze %dma_wait3A_79 : memref<1x96x80xf32, #tpu.memory_space<hbm>> -> memref<96x80xf32, #tpu.memory_space<hbm>>
        %dma_wait3A_81 = arith.constant 0 : i32
        %dma_wait3A_82 = tpu.memref_slice %arg5[%arg0, %add3A_60, %dma_wait3A_81] : memref<2x10000x80xf32, #tpu.memory_space<hbm>> -> memref<1x96x80xf32, #tpu.memory_space<hbm>>
        %dma_wait3A_83 = tpu.memref_squeeze %dma_wait3A_82 : memref<1x96x80xf32, #tpu.memory_space<hbm>> -> memref<96x80xf32, #tpu.memory_space<hbm>>
        %dma_wait3A_84 = arith.constant 0 : i32
        %dma_wait3A_85 = arith.constant 0 : i32
        %dma_wait3A_86 = tpu.memref_slice %arg8[%dma_wait3A_84, %dma_wait3A_85] : memref<128x80xf32, #tpu.memory_space<vmem>> -> memref<96x80xf32, #tpu.memory_space<vmem>>
        tpu.wait_dma2 semaphore(%run_scoped3A : memref<!tpu.dma_semaphore, #tpu.memory_space<semaphore_mem>>) src(%dma_wait3A_86 : memref<96x80xf32, #tpu.memory_space<vmem>>) dst(%dma_wait3A_83 : memref<96x80xf32, #tpu.memory_space<hbm>>)
        tpu.yield
      }) : () -> ()
      %mul3A_61 = arith.constant 1000 : i32
      %mul3A_62 = arith.muli %arg1, %mul3A_61 : i32
      %add3A_63 = arith.constant 960 : i32
      %add3A_64 = arith.addi %mul3A_62, %add3A_63 : i32
      "tpu.region"() ({
        %run_scoped3A = tpu.sem_alloc : memref<!tpu.dma_semaphore, #tpu.memory_space<semaphore_mem>>
        %dma_start3A = arith.constant 0 : i32
        %dma_start3A_65 = arith.constant 0 : i32
        %dma_start3A_66 = tpu.memref_slice %arg8[%dma_start3A, %dma_start3A_65] : memref<128x80xf32, #tpu.memory_space<vmem>> -> memref<40x80xf32, #tpu.memory_space<vmem>>
        %dma_start3A_67 = arith.constant 0 : i32
        %dma_start3A_68 = tpu.memref_slice %arg12[%add3A_64, %dma_start3A_67] : memref<10240x80xf32, #tpu.memory_space<vmem_shared>> -> memref<40x80xf32, #tpu.memory_space<vmem_shared>>
        %dma_start3A_69 = arith.constant 0 : i32
        %dma_start3A_70 = arith.constant 0 : i32
        %dma_start3A_71 = tpu.memref_slice %arg8[%dma_start3A_69, %dma_start3A_70] : memref<128x80xf32, #tpu.memory_space<vmem>> -> memref<40x80xf32, #tpu.memory_space<vmem>>
        %dma_start3A_72 = arith.constant 0 : i32
        %dma_start3A_73 = tpu.memref_slice %arg12[%add3A_64, %dma_start3A_72] : memref<10240x80xf32, #tpu.memory_space<vmem_shared>> -> memref<40x80xf32, #tpu.memory_space<vmem_shared>>
        tpu.enqueue_dma source(%dma_start3A_73 : memref<40x80xf32, #tpu.memory_space<vmem_shared>>) target(%dma_start3A_71 : memref<40x80xf32, #tpu.memory_space<vmem>>) target_semaphore(%run_scoped3A : memref<!tpu.dma_semaphore, #tpu.memory_space<semaphore_mem>>)
        %dma_wait3A = arith.constant 0 : i32
        %dma_wait3A_74 = arith.constant 0 : i32
        %dma_wait3A_75 = tpu.memref_slice %arg8[%dma_wait3A, %dma_wait3A_74] : memref<128x80xf32, #tpu.memory_space<vmem>> -> memref<40x80xf32, #tpu.memory_space<vmem>>
        %dma_wait3A_76 = arith.constant 0 : i32
        %dma_wait3A_77 = tpu.memref_slice %arg12[%add3A_64, %dma_wait3A_76] : memref<10240x80xf32, #tpu.memory_space<vmem_shared>> -> memref<40x80xf32, #tpu.memory_space<vmem_shared>>
        %dma_wait3A_78 = arith.constant 0 : i32
        %dma_wait3A_79 = arith.constant 0 : i32
        %dma_wait3A_80 = tpu.memref_slice %arg8[%dma_wait3A_78, %dma_wait3A_79] : memref<128x80xf32, #tpu.memory_space<vmem>> -> memref<40x80xf32, #tpu.memory_space<vmem>>
        %dma_wait3A_81 = arith.constant 0 : i32
        %dma_wait3A_82 = tpu.memref_slice %arg12[%add3A_64, %dma_wait3A_81] : memref<10240x80xf32, #tpu.memory_space<vmem_shared>> -> memref<40x80xf32, #tpu.memory_space<vmem_shared>>
        tpu.wait_dma2 semaphore(%run_scoped3A : memref<!tpu.dma_semaphore, #tpu.memory_space<semaphore_mem>>) src(%dma_wait3A_82 : memref<40x80xf32, #tpu.memory_space<vmem_shared>>) dst(%dma_wait3A_80 : memref<40x80xf32, #tpu.memory_space<vmem>>)
        tpu.yield
      }) : () -> ()
      "tpu.region"() ({
        %run_scoped3A = tpu.sem_alloc : memref<!tpu.dma_semaphore, #tpu.memory_space<semaphore_mem>>
        %dma_start3A = arith.constant 0 : i32
        %dma_start3A_65 = arith.constant 0 : i32
        %dma_start3A_66 = tpu.memref_slice %arg8[%dma_start3A, %dma_start3A_65] : memref<128x80xf32, #tpu.memory_space<vmem>> -> memref<40x80xf32, #tpu.memory_space<vmem>>
        %dma_start3A_67 = arith.constant 0 : i32
        %dma_start3A_68 = tpu.memref_slice %arg5[%arg0, %add3A_64, %dma_start3A_67] : memref<2x10000x80xf32, #tpu.memory_space<hbm>> -> memref<1x40x80xf32, #tpu.memory_space<hbm>>
        %dma_start3A_69 = tpu.memref_squeeze %dma_start3A_68 : memref<1x40x80xf32, #tpu.memory_space<hbm>> -> memref<40x80xf32, #tpu.memory_space<hbm>>
        %dma_start3A_70 = arith.constant 0 : i32
        %dma_start3A_71 = tpu.memref_slice %arg5[%arg0, %add3A_64, %dma_start3A_70] : memref<2x10000x80xf32, #tpu.memory_space<hbm>> -> memref<1x40x80xf32, #tpu.memory_space<hbm>>
        %dma_start3A_72 = tpu.memref_squeeze %dma_start3A_71 : memref<1x40x80xf32, #tpu.memory_space<hbm>> -> memref<40x80xf32, #tpu.memory_space<hbm>>
        %dma_start3A_73 = arith.constant 0 : i32
        %dma_start3A_74 = arith.constant 0 : i32
        %dma_start3A_75 = tpu.memref_slice %arg8[%dma_start3A_73, %dma_start3A_74] : memref<128x80xf32, #tpu.memory_space<vmem>> -> memref<40x80xf32, #tpu.memory_space<vmem>>
        tpu.enqueue_dma source(%dma_start3A_75 : memref<40x80xf32, #tpu.memory_space<vmem>>) target(%dma_start3A_72 : memref<40x80xf32, #tpu.memory_space<hbm>>) target_semaphore(%run_scoped3A : memref<!tpu.dma_semaphore, #tpu.memory_space<semaphore_mem>>)
        %dma_wait3A = arith.constant 0 : i32
        %dma_wait3A_76 = arith.constant 0 : i32
        %dma_wait3A_77 = tpu.memref_slice %arg8[%dma_wait3A, %dma_wait3A_76] : memref<128x80xf32, #tpu.memory_space<vmem>> -> memref<40x80xf32, #tpu.memory_space<vmem>>
        %dma_wait3A_78 = arith.constant 0 : i32
        %dma_wait3A_79 = tpu.memref_slice %arg5[%arg0, %add3A_64, %dma_wait3A_78] : memref<2x10000x80xf32, #tpu.memory_space<hbm>> -> memref<1x40x80xf32, #tpu.memory_space<hbm>>
        %dma_wait3A_80 = tpu.memref_squeeze %dma_wait3A_79 : memref<1x40x80xf32, #tpu.memory_space<hbm>> -> memref<40x80xf32, #tpu.memory_space<hbm>>
        %dma_wait3A_81 = arith.constant 0 : i32
        %dma_wait3A_82 = tpu.memref_slice %arg5[%arg0, %add3A_64, %dma_wait3A_81] : memref<2x10000x80xf32, #tpu.memory_space<hbm>> -> memref<1x40x80xf32, #tpu.memory_space<hbm>>
        %dma_wait3A_83 = tpu.memref_squeeze %dma_wait3A_82 : memref<1x40x80xf32, #tpu.memory_space<hbm>> -> memref<40x80xf32, #tpu.memory_space<hbm>>
        %dma_wait3A_84 = arith.constant 0 : i32
        %dma_wait3A_85 = arith.constant 0 : i32
        %dma_wait3A_86 = tpu.memref_slice %arg8[%dma_wait3A_84, %dma_wait3A_85] : memref<128x80xf32, #tpu.memory_space<vmem>> -> memref<40x80xf32, #tpu.memory_space<vmem>>
        tpu.wait_dma2 semaphore(%run_scoped3A : memref<!tpu.dma_semaphore, #tpu.memory_space<semaphore_mem>>) src(%dma_wait3A_86 : memref<40x80xf32, #tpu.memory_space<vmem>>) dst(%dma_wait3A_83 : memref<40x80xf32, #tpu.memory_space<hbm>>)
        tpu.yield
      }) : () -> ()
    } else {
    }
    return
  }
}

module attributes {stable_mosaic.version = 14 : i64} {
  func.func @_mm1_body(%arg0: i32, %arg1: memref<2000x128xf32, #tpu.memory_space<vmem>>, %arg2: memref<64x128xf32, #tpu.memory_space<vmem>>, %arg3: memref<64x128xf32, #tpu.memory_space<vmem>>, %arg4: memref<2000x80xf32, #tpu.memory_space<vmem>>, %arg5: memref<2000x64xf32, #tpu.memory_space<vmem>>) attributes {dimension_semantics = [#tpu.dimension_semantics<arbitrary>], iteration_bounds = array<i64: 5>, scalar_prefetch = 0 : i64, scratch_operands = 0 : i64, tpu.core_type = #tpu.core_type<tc>, window_params = [{transform_indices = @transform_0, window_bounds = array<i64: 2000, 128>}, {pipeline_mode = #tpu.pipeline_mode<synchronous>, transform_indices = @transform_1, window_bounds = array<i64: 64, 128>}, {pipeline_mode = #tpu.pipeline_mode<synchronous>, transform_indices = @transform_2, window_bounds = array<i64: 64, 128>}, {transform_indices = @transform_3, window_bounds = array<i64: 2000, 80>}, {transform_indices = @transform_4, window_bounds = array<i64: 2000, 64>}]} {
    %get3A = arith.constant 0 : index
    %get3A_0 = arith.constant 0 : index
    %get3A_1 = vector.load %arg1[%get3A, %get3A_0] : memref<2000x128xf32, #tpu.memory_space<vmem>>, vector<2000x128xf32>
    %get3A_2 = arith.constant 0 : index
    %get3A_3 = arith.constant 0 : index
    %get3A_4 = vector.load %arg2[%get3A_2, %get3A_3] : memref<64x128xf32, #tpu.memory_space<vmem>>, vector<64x128xf32>
    %dot_general3A = arith.constant dense<0.000000e+00> : vector<2000x64xf32>
    %dot_general3A_5 = tpu.matmul %get3A_1, %get3A_4, %dot_general3A {dimension_numbers = #tpu.dot_dimension_numbers<[1], [1], [0], [0], [0, 0, 1, 0], [], []>, transpose_lhs_hint = false} : vector<2000x128xf32>, vector<64x128xf32>, vector<2000x64xf32> -> vector<2000x64xf32>
    %broadcast_in_dim3A = arith.constant 1.000000e+00 : f32
    %broadcast_in_dim3A_6 = vector.broadcast %broadcast_in_dim3A : f32 to vector<2000x1xf32>
    %broadcast_in_dim3A_7 = arith.constant 0.000000e+00 : f32
    %broadcast_in_dim3A_8 = vector.broadcast %broadcast_in_dim3A_7 : f32 to vector<2000x15xf32>
    %concatenate3A = tpu.concatenate %dot_general3A_5, %broadcast_in_dim3A_6, %broadcast_in_dim3A_8 in 1 : vector<2000x64xf32>, vector<2000x1xf32>, vector<2000x15xf32> -> vector<2000x80xf32>
    %swap3A = arith.constant 0 : index
    %swap3A_9 = arith.constant 0 : index
    %swap3A_10 = vector.load %arg4[%swap3A, %swap3A_9] : memref<2000x80xf32, #tpu.memory_space<vmem>>, vector<2000x80xf32>
    tpu.vector_store %arg4[%swap3A, %swap3A_9], %concatenate3A {strides = array<i32>} : memref<2000x80xf32, #tpu.memory_space<vmem>>, vector<2000x80xf32>,
    %get3A_11 = arith.constant 0 : index
    %get3A_12 = arith.constant 0 : index
    %get3A_13 = vector.load %arg3[%get3A_11, %get3A_12] : memref<64x128xf32, #tpu.memory_space<vmem>>, vector<64x128xf32>
    %dot_general3A_14 = arith.constant dense<0.000000e+00> : vector<2000x64xf32>
    %dot_general3A_15 = tpu.matmul %get3A_1, %get3A_13, %dot_general3A_14 {dimension_numbers = #tpu.dot_dimension_numbers<[1], [1], [0], [0], [0, 0, 1, 0], [], []>, transpose_lhs_hint = false} : vector<2000x128xf32>, vector<64x128xf32>, vector<2000x64xf32> -> vector<2000x64xf32>
    %swap3A_16 = arith.constant 0 : index
    %swap3A_17 = arith.constant 0 : index
    %swap3A_18 = vector.load %arg5[%swap3A_16, %swap3A_17] : memref<2000x64xf32, #tpu.memory_space<vmem>>, vector<2000x64xf32>
    tpu.vector_store %arg5[%swap3A_16, %swap3A_17], %dot_general3A_15 {strides = array<i32>} : memref<2000x64xf32, #tpu.memory_space<vmem>>, vector<2000x64xf32>,
    return
  }
  func.func @transform_0(%arg0: i32) -> (i32, i32) {
    %c0_i32 = arith.constant 0 : i32
    %c0_i32_0 = arith.constant 0 : i32
    return %arg0, %c0_i32 : i32, i32
  }
  func.func @transform_1(%arg0: i32) -> (i32, i32) {
    %c0_i32 = arith.constant 0 : i32
    %c0_i32_0 = arith.constant 0 : i32
    %c0_i32_1 = arith.constant 0 : i32
    return %c0_i32, %c0_i32_0 : i32, i32
  }
  func.func @transform_2(%arg0: i32) -> (i32, i32) {
    %c0_i32 = arith.constant 0 : i32
    %c0_i32_0 = arith.constant 0 : i32
    %c0_i32_1 = arith.constant 0 : i32
    return %c0_i32, %c0_i32_0 : i32, i32
  }
  func.func @transform_3(%arg0: i32) -> (i32, i32) {
    %c0_i32 = arith.constant 0 : i32
    %c0_i32_0 = arith.constant 0 : i32
    return %arg0, %c0_i32 : i32, i32
  }
  func.func @transform_4(%arg0: i32) -> (i32, i32) {
    %c0_i32 = arith.constant 0 : i32
    %c0_i32_0 = arith.constant 0 : i32
    return %arg0, %c0_i32 : i32, i32
  }
}

module attributes {stable_mosaic.version = 14 : i64} {
  func.func @_combine1_body(%arg0: i32, %arg1: memref<2000x80xf32, #tpu.memory_space<vmem>>, %arg2: memref<2000x80xf32, #tpu.memory_space<vmem>>, %arg3: memref<2000x64xf32, #tpu.memory_space<vmem>>, %arg4: memref<1x64xf32, #tpu.memory_space<vmem>>, %arg5: memref<32x64xf32, #tpu.memory_space<vmem>>, %arg6: memref<32x64xf32, #tpu.memory_space<vmem>>, %arg7: memref<2000x80xf32, #tpu.memory_space<vmem>>) attributes {dimension_semantics = [#tpu.dimension_semantics<arbitrary>], iteration_bounds = array<i64: 5>, scalar_prefetch = 0 : i64, scratch_operands = 0 : i64, tpu.core_type = #tpu.core_type<tc>, window_params = [{transform_indices = @transform_0, window_bounds = array<i64: 2000, 80>}, {transform_indices = @transform_1, window_bounds = array<i64: 2000, 80>}, {transform_indices = @transform_2, window_bounds = array<i64: 2000, 64>}, {pipeline_mode = #tpu.pipeline_mode<synchronous>, transform_indices = @transform_3, window_bounds = array<i64: 1, 64>}, {pipeline_mode = #tpu.pipeline_mode<synchronous>, transform_indices = @transform_4, window_bounds = array<i64: 32, 64>}, {pipeline_mode = #tpu.pipeline_mode<synchronous>, transform_indices = @transform_5, window_bounds = array<i64: 32, 64>}, {transform_indices = @transform_6, window_bounds = array<i64: 2000, 80>}]} {
    %get3A = arith.constant 0 : index
    %get3A_0 = arith.constant 0 : index
    %get3A_1 = vector.load %arg1[%get3A, %get3A_0] : memref<2000x80xf32, #tpu.memory_space<vmem>>, vector<2000x80xf32>
    %get3A_2 = arith.constant 0 : index
    %get3A_3 = arith.constant 0 : index
    %get3A_4 = vector.load %arg2[%get3A_2, %get3A_3] : memref<2000x80xf32, #tpu.memory_space<vmem>>, vector<2000x80xf32>
    %slice3A = vector.extract_strided_slice %get3A_1 {offsets = [0, 64], sizes = [2000, 1], strides = [1, 1]} : vector<2000x80xf32> to vector<2000x1xf32>
    %slice3A_5 = vector.extract_strided_slice %get3A_4 {offsets = [0, 64], sizes = [2000, 1], strides = [1, 1]} : vector<2000x80xf32> to vector<2000x1xf32>
    %add3A = arith.addf %slice3A, %slice3A_5 : vector<2000x1xf32>
    %max3A = arith.constant 1.000000e+00 : f32
    %max3A_6 = vector.broadcast %max3A : f32 to vector<2000x1xf32>
    %max3A_7 = arith.maximumf %add3A, %max3A_6 : vector<2000x1xf32>
    %div3A = arith.constant 1.000000e+00 : f32
    %div3A_8 = vector.broadcast %div3A : f32 to vector<2000x1xf32>
    %div3A_9 = arith.divf %div3A_8, %max3A_7 : vector<2000x1xf32>
    %slice3A_10 = vector.extract_strided_slice %get3A_1 {offsets = [0, 0], sizes = [2000, 64], strides = [1, 1]} : vector<2000x80xf32> to vector<2000x64xf32>
    %slice3A_11 = vector.extract_strided_slice %get3A_4 {offsets = [0, 0], sizes = [2000, 64], strides = [1, 1]} : vector<2000x80xf32> to vector<2000x64xf32>
    %add3A_12 = arith.addf %slice3A_10, %slice3A_11 : vector<2000x64xf32>
    %mul3A = vector.broadcast %div3A_9 : vector<2000x1xf32> to vector<2000x64xf32>
    %mul3A_13 = arith.mulf %add3A_12, %mul3A : vector<2000x64xf32>
    %get3A_14 = arith.constant 0 : index
    %get3A_15 = arith.constant 0 : index
    %get3A_16 = vector.load %arg4[%get3A_14, %get3A_15] : memref<1x64xf32, #tpu.memory_space<vmem>>, vector<1x64xf32>
    %add3A_17 = vector.broadcast %get3A_16 : vector<1x64xf32> to vector<2000x64xf32>
    %add3A_18 = arith.addf %mul3A_13, %add3A_17 : vector<2000x64xf32>
    %get3A_19 = arith.constant 0 : index
    %get3A_20 = arith.constant 0 : index
    %get3A_21 = vector.load %arg3[%get3A_19, %get3A_20] : memref<2000x64xf32, #tpu.memory_space<vmem>>, vector<2000x64xf32>
    %add3A_22 = arith.addf %add3A_18, %get3A_21 : vector<2000x64xf32>
    %max3A_23 = arith.constant 0.000000e+00 : f32
    %max3A_24 = vector.broadcast %max3A_23 : f32 to vector<2000x64xf32>
    %max3A_25 = arith.maximumf %add3A_22, %max3A_24 : vector<2000x64xf32>
    %get3A_26 = arith.constant 0 : index
    %get3A_27 = arith.constant 0 : index
    %get3A_28 = vector.load %arg5[%get3A_26, %get3A_27] : memref<32x64xf32, #tpu.memory_space<vmem>>, vector<32x64xf32>
    %dot_general3A = arith.constant dense<0.000000e+00> : vector<2000x32xf32>
    %dot_general3A_29 = tpu.matmul %max3A_25, %get3A_28, %dot_general3A {dimension_numbers = #tpu.dot_dimension_numbers<[1], [1], [0], [0], [0, 0, 1, 0], [], []>, transpose_lhs_hint = false} : vector<2000x64xf32>, vector<32x64xf32>, vector<2000x32xf32> -> vector<2000x32xf32>
    %get3A_30 = arith.constant 0 : index
    %get3A_31 = arith.constant 0 : index
    %get3A_32 = vector.load %arg6[%get3A_30, %get3A_31] : memref<32x64xf32, #tpu.memory_space<vmem>>, vector<32x64xf32>
    %dot_general3A_33 = arith.constant dense<0.000000e+00> : vector<2000x32xf32>
    %dot_general3A_34 = tpu.matmul %max3A_25, %get3A_32, %dot_general3A_33 {dimension_numbers = #tpu.dot_dimension_numbers<[1], [1], [0], [0], [0, 0, 1, 0], [], []>, transpose_lhs_hint = false} : vector<2000x64xf32>, vector<32x64xf32>, vector<2000x32xf32> -> vector<2000x32xf32>
    %broadcast_in_dim3A = arith.constant 0.000000e+00 : f32
    %broadcast_in_dim3A_35 = vector.broadcast %broadcast_in_dim3A : f32 to vector<2000x15xf32>
    %concatenate3A = tpu.concatenate %dot_general3A_29, %dot_general3A_34, %div3A_9, %broadcast_in_dim3A_35 in 1 : vector<2000x32xf32>, vector<2000x32xf32>, vector<2000x1xf32>, vector<2000x15xf32> -> vector<2000x80xf32>
    %swap3A = arith.constant 0 : index
    %swap3A_36 = arith.constant 0 : index
    %swap3A_37 = vector.load %arg7[%swap3A, %swap3A_36] : memref<2000x80xf32, #tpu.memory_space<vmem>>, vector<2000x80xf32>
    tpu.vector_store %arg7[%swap3A, %swap3A_36], %concatenate3A {strides = array<i32>} : memref<2000x80xf32, #tpu.memory_space<vmem>>, vector<2000x80xf32>,
    return
  }
  func.func @transform_0(%arg0: i32) -> (i32, i32) {
    %c0_i32 = arith.constant 0 : i32
    %c0_i32_0 = arith.constant 0 : i32
    return %arg0, %c0_i32 : i32, i32
  }
  func.func @transform_1(%arg0: i32) -> (i32, i32) {
    %c0_i32 = arith.constant 0 : i32
    %c0_i32_0 = arith.constant 0 : i32
    return %arg0, %c0_i32 : i32, i32
  }
  func.func @transform_2(%arg0: i32) -> (i32, i32) {
    %c0_i32 = arith.constant 0 : i32
    %c0_i32_0 = arith.constant 0 : i32
    return %arg0, %c0_i32 : i32, i32
  }
  func.func @transform_3(%arg0: i32) -> (i32, i32) {
    %c0_i32 = arith.constant 0 : i32
    %c0_i32_0 = arith.constant 0 : i32
    %c0_i32_1 = arith.constant 0 : i32
    return %c0_i32, %c0_i32_0 : i32, i32
  }
  func.func @transform_4(%arg0: i32) -> (i32, i32) {
    %c0_i32 = arith.constant 0 : i32
    %c0_i32_0 = arith.constant 0 : i32
    %c0_i32_1 = arith.constant 0 : i32
    return %c0_i32, %c0_i32_0 : i32, i32
  }
  func.func @transform_5(%arg0: i32) -> (i32, i32) {
    %c0_i32 = arith.constant 0 : i32
    %c0_i32_0 = arith.constant 0 : i32
    %c0_i32_1 = arith.constant 0 : i32
    return %c0_i32, %c0_i32_0 : i32, i32
  }
  func.func @transform_6(%arg0: i32) -> (i32, i32) {
    %c0_i32 = arith.constant 0 : i32
    %c0_i32_0 = arith.constant 0 : i32
    return %arg0, %c0_i32 : i32, i32
  }
}

module attributes {stable_mosaic.version = 14 : i64} {
  func.func @_combine2_body(%arg0: i32, %arg1: memref<2000x80xf32, #tpu.memory_space<vmem>>, %arg2: memref<2000x80xf32, #tpu.memory_space<vmem>>, %arg3: memref<2000x80xf32, #tpu.memory_space<vmem>>, %arg4: memref<1x32xf32, #tpu.memory_space<vmem>>, %arg5: memref<32x1xf32, #tpu.memory_space<vmem>>, %arg6: memref<1x1xf32, #tpu.memory_space<vmem>>, %arg7: memref<2000x1xf32, #tpu.memory_space<vmem>>) attributes {dimension_semantics = [#tpu.dimension_semantics<arbitrary>], iteration_bounds = array<i64: 5>, scalar_prefetch = 0 : i64, scratch_operands = 0 : i64, tpu.core_type = #tpu.core_type<tc>, window_params = [{transform_indices = @transform_0, window_bounds = array<i64: 2000, 80>}, {transform_indices = @transform_1, window_bounds = array<i64: 2000, 80>}, {transform_indices = @transform_2, window_bounds = array<i64: 2000, 80>}, {pipeline_mode = #tpu.pipeline_mode<synchronous>, transform_indices = @transform_3, window_bounds = array<i64: 1, 32>}, {pipeline_mode = #tpu.pipeline_mode<synchronous>, transform_indices = @transform_4, window_bounds = array<i64: 32, 1>}, {pipeline_mode = #tpu.pipeline_mode<synchronous>, transform_indices = @transform_5, window_bounds = array<i64: 1, 1>}, {transform_indices = @transform_6, window_bounds = array<i64: 2000, 1>}]} {
    %get3A = arith.constant 0 : index
    %get3A_0 = arith.constant 0 : index
    %get3A_1 = vector.load %arg1[%get3A, %get3A_0] : memref<2000x80xf32, #tpu.memory_space<vmem>>, vector<2000x80xf32>
    %get3A_2 = arith.constant 0 : index
    %get3A_3 = arith.constant 0 : index
    %get3A_4 = vector.load %arg2[%get3A_2, %get3A_3] : memref<2000x80xf32, #tpu.memory_space<vmem>>, vector<2000x80xf32>
    %get3A_5 = arith.constant 0 : index
    %get3A_6 = arith.constant 0 : index
    %get3A_7 = vector.load %arg3[%get3A_5, %get3A_6] : memref<2000x80xf32, #tpu.memory_space<vmem>>, vector<2000x80xf32>
    %slice3A = vector.extract_strided_slice %get3A_7 {offsets = [0, 64], sizes = [2000, 1], strides = [1, 1]} : vector<2000x80xf32> to vector<2000x1xf32>
    %slice3A_8 = vector.extract_strided_slice %get3A_1 {offsets = [0, 0], sizes = [2000, 32], strides = [1, 1]} : vector<2000x80xf32> to vector<2000x32xf32>
    %slice3A_9 = vector.extract_strided_slice %get3A_4 {offsets = [0, 0], sizes = [2000, 32], strides = [1, 1]} : vector<2000x80xf32> to vector<2000x32xf32>
    %add3A = arith.addf %slice3A_8, %slice3A_9 : vector<2000x32xf32>
    %mul3A = vector.broadcast %slice3A : vector<2000x1xf32> to vector<2000x32xf32>
    %mul3A_10 = arith.mulf %add3A, %mul3A : vector<2000x32xf32>
    %get3A_11 = arith.constant 0 : index
    %get3A_12 = arith.constant 0 : index
    %get3A_13 = vector.load %arg4[%get3A_11, %get3A_12] : memref<1x32xf32, #tpu.memory_space<vmem>>, vector<1x32xf32>
    %add3A_14 = vector.broadcast %get3A_13 : vector<1x32xf32> to vector<2000x32xf32>
    %add3A_15 = arith.addf %mul3A_10, %add3A_14 : vector<2000x32xf32>
    %slice3A_16 = vector.extract_strided_slice %get3A_7 {offsets = [0, 32], sizes = [2000, 32], strides = [1, 1]} : vector<2000x80xf32> to vector<2000x32xf32>
    %add3A_17 = arith.addf %add3A_15, %slice3A_16 : vector<2000x32xf32>
    %max3A = arith.constant 0.000000e+00 : f32
    %max3A_18 = vector.broadcast %max3A : f32 to vector<2000x32xf32>
    %max3A_19 = arith.maximumf %add3A_17, %max3A_18 : vector<2000x32xf32>
    %get3A_20 = arith.constant 0 : index
    %get3A_21 = arith.constant 0 : index
    %get3A_22 = vector.load %arg5[%get3A_20, %get3A_21] : memref<32x1xf32, #tpu.memory_space<vmem>>, vector<32x1xf32>
    %dot_general3A = arith.constant dense<0.000000e+00> : vector<2000x1xf32>
    %dot_general3A_23 = tpu.matmul %max3A_19, %get3A_22, %dot_general3A {dimension_numbers = #tpu.dot_dimension_numbers<[1], [0], [0], [1], [0, 0, 1, 1], [], []>, transpose_lhs_hint = false} : vector<2000x32xf32>, vector<32x1xf32>, vector<2000x1xf32> -> vector<2000x1xf32>
    %get3A_24 = arith.constant 0 : index
    %get3A_25 = arith.constant 0 : index
    %get3A_26 = vector.load %arg6[%get3A_24, %get3A_25] : memref<1x1xf32, #tpu.memory_space<vmem>>, vector<1x1xf32>
    %add3A_27 = vector.broadcast %get3A_26 : vector<1x1xf32> to vector<2000x1xf32>
    %add3A_28 = arith.addf %dot_general3A_23, %add3A_27 : vector<2000x1xf32>
    %swap3A = arith.constant 0 : index
    %swap3A_29 = arith.constant 0 : index
    %swap3A_30 = vector.load %arg7[%swap3A, %swap3A_29] : memref<2000x1xf32, #tpu.memory_space<vmem>>, vector<2000x1xf32>
    tpu.vector_store %arg7[%swap3A, %swap3A_29], %add3A_28 {strides = array<i32>} : memref<2000x1xf32, #tpu.memory_space<vmem>>, vector<2000x1xf32>,
    return
  }
  func.func @transform_0(%arg0: i32) -> (i32, i32) {
    %c0_i32 = arith.constant 0 : i32
    %c0_i32_0 = arith.constant 0 : i32
    return %arg0, %c0_i32 : i32, i32
  }
  func.func @transform_1(%arg0: i32) -> (i32, i32) {
    %c0_i32 = arith.constant 0 : i32
    %c0_i32_0 = arith.constant 0 : i32
    return %arg0, %c0_i32 : i32, i32
  }
  func.func @transform_2(%arg0: i32) -> (i32, i32) {
    %c0_i32 = arith.constant 0 : i32
    %c0_i32_0 = arith.constant 0 : i32
    return %arg0, %c0_i32 : i32, i32
  }
  func.func @transform_3(%arg0: i32) -> (i32, i32) {
    %c0_i32 = arith.constant 0 : i32
    %c0_i32_0 = arith.constant 0 : i32
    %c0_i32_1 = arith.constant 0 : i32
    return %c0_i32, %c0_i32_0 : i32, i32
  }
  func.func @transform_4(%arg0: i32) -> (i32, i32) {
    %c0_i32 = arith.constant 0 : i32
    %c0_i32_0 = arith.constant 0 : i32
    %c0_i32_1 = arith.constant 0 : i32
    return %c0_i32, %c0_i32_0 : i32, i32
  }
  func.func @transform_5(%arg0: i32) -> (i32, i32) {
    %c0_i32 = arith.constant 0 : i32
    %c0_i32_0 = arith.constant 0 : i32
    %c0_i32_1 = arith.constant 0 : i32
    return %c0_i32, %c0_i32_0 : i32, i32
  }
  func.func @transform_6(%arg0: i32) -> (i32, i32) {
    %c0_i32 = arith.constant 0 : i32
    %c0_i32_0 = arith.constant 0 : i32
    return %arg0, %c0_i32 : i32, i32
  }
}

</mosaic_0001>

<sc_bundles>
// kernel: kernel.10.cloned.1.call-start
scs
__scs_entry_jumppad:
0x0: {  	(pc) =	sbr.rel $0x88, $3  }
0x1: {  	(tag) =	ssettag $0x0;
	lr =	simm.s32 $0x1  }
0x2: {  	[smem:$0x3F97] =	sst lr;
	_ =	strace $0xD0000000  }
0x3: {  	_ = 	snop  }
0x4: {  	_ = 	snop  }
0x5: {  	_ = 	snop  }
0x6: {  	_ = 	snop  }
0x7: {  	_ = 	snop  }
__scs_overlays_trampoline_lowered:
0x8: {  	[smem:$0x3FA6] =	sst s0  }
0x9: {  	[smem:$0x3FA7] =	sst s1  }
0xa: {  	[smem:$0x3FA8] =	sst s2  }
0xb: {  	[smem:$0x3FA9] =	sst s3  }
0xc: {  	[smem:$0x3FAA] =	sst s4  }
0xd: {  	[smem:$0x3FAB] =	sst s5  }
0xe: {  	[smem:$0x3FAC] =	sst s6  }
0xf: {  	[smem:$0x3FAD] =	sst s7  }
0x10: {  	[smem:$0x3FAE] =	sst s8  }
0x11: {  	[smem:$0x3FAF] =	sst s9;
	s0 =	simm.s32 @!p0 $0x0  }
0x12: {  	s1 =	sld [smem:$0x3F95];
	s0 =	simm.s32 @p0 $0x1  }
0x13: {  	[smem:$0x3FB0] =	sst s0;
	s0 =	simm.s32 @!p1 $0x0  }
0x14: {  	s2 =	sld [smem:$0x3F94];
	s0 =	simm.s32 @p1 $0x1  }
0x15: {  	[smem:$0x3FB1] =	sst s0;
	s0 =	simm.s32 @!p2 $0x0  }
0x16: {  	s3 =	sld [smem:$0x3FDB];
	s0 =	simm.s32 @p2 $0x1  }
0x17: {  	s4 =	simm.s32 $0x1BF5;
	[smem:$0x3FB3] =	sst s0  }
0x18: {  	s0 =	sld [smem:$0x3F96];
	_ =	swait.ge [sflag:s4], $0x0  }
0x19: {  	s7 =	sld [smem:$0x3F97]  }
0x1a: {  	s8 =	sadd.s32 $0xFFFFE003, lr  }
0x1b: {  	s9 =	sadd.s32 $0xFFFFFEF7, lr;
	s5 =	simm.s32 $0xFFFFFFFF;
	p2 =	slt.u32 s8, $0xFFFFF086  }
0x1c: {  	p1 =	slt.u32 s9, $0xF7A;
	s5 =	simm.s32 @!p2 $0x0  }
0x1d: {  	s5 =	simm.s32 @p1 $0x1;
	p0 =	seq.s32 s7, s2  }
0x1e: {  	s7 =	smul.u32 @!p0 $0xF7A, s2;
	p2 =	seq.s32 @!p0 s5, $0x0  }
0x1f: {  	s9 =	smul.u32 $0xF7A, s1;
	s8 =	simm.s32 @!p0 $0x1BF5;
	p2 =	por !p2, p0  }
0x20: {  	[sflag:s8] =	ssyncset.s32 @!p0 $0xFFFFF086;
	s6 =	sadd.s32 @!p0 s3, s7;
	s7 =	simm.s32 @!p0 $0x108  }
0x21: {  	s3 =	sadd.s32 s3, s9;
	s6 =	sadd.s32 @!p0 $0x88, s6;
	s7 =	simm.s32 @p2 $0x1082  }
0x22: {  	[simem:s7], [sflag:s8] =	dma.local @!p0 [hbm:s6], $0xF7A  }
0x23: {  	s9 =	sor.u32 $0xD0000000, s2;
	s6 =	simm.s32 $0x108;
	_ =	swait.ge @!p0 [sflag:s8], $0x0  }
0x24: {  	s3 =	sadd.s32 $0x88, s3;
	s6 =	simm.s32 @!p1 $0x1082;
	[sflag:s4] =	ssyncset.s32 $0xFFFFF086  }
0x25: {  	[simem:s6], [sflag:s4] =	dma.local [hbm:s3], $0xF7A  }
0x26: {  	[smem:$0x3F97] =	sst s1;
	(tag) =	ssettag s2;
	_ =	strace s9  }
0x27: {  	s1 =	sld [smem:$0x3FA7]  }
0x28: {  	s2 =	sld [smem:$0x3FA8]  }
0x29: {  	s4 =	sld [smem:$0x3FAA]  }
0x2a: {  	p0 =	seq.s32 s5, $0x0;
	s5 =	sld [smem:$0x3FAB]  }
0x2b: {  	s6 =	sld [smem:$0x3FAC]  }
0x2c: {  	s7 =	sld [smem:$0x3FAD]  }
0x2d: {  	s3 =	simm.s32 $0x108;
	s8 =	sld [smem:$0x3FAE]  }
0x2e: {  	s3 =	simm.s32 @!p0 $0x1082;
	s9 =	sld [smem:$0x3FAF]  }
0x2f: {  	lr =	sadd.s32 s0, s3;
	s0 =	sld [smem:$0x3FA6]  }
0x30: {  	s3 =	sld [smem:$0x3FA9]  }
0x31: {  	[smem:$0x3FB2] =	sst s10  }
0x32: {  	s10 =	sld [smem:$0x3FB0];
	_ =	sdelay $0x3  }
0x33: {  	p0 =	seq.s32 s10, $0x1;
	s10 =	sld [smem:$0x3FB2];
	_ =	sdelay $0x3  }
0x34: {  	[smem:$0x3FB2] =	sst s10  }
0x35: {  	s10 =	sld [smem:$0x3FB1];
	_ =	sdelay $0x3  }
0x36: {  	p1 =	seq.s32 s10, $0x1;
	s10 =	sld [smem:$0x3FB2];
	_ =	sdelay $0x3  }
0x37: {  	[smem:$0x3FB2] =	sst s10  }
0x38: {  	s10 =	sld [smem:$0x3FB3]  }
0x39: {  	_ = 	snop;
	(pc) =	sbr.ind lr, $3  }
0x3a: {  	_ = 	snop  }
0x3b: {  	_ = 	snop  }
0x3c: {  	p2 =	seq.s32 s10, $0x1;
	s10 =	sld [smem:$0x3FB2]  }
0x3d: {  	_ =	shalt  }
0x3e: {  	_ =	shalt  }
0x3f: {  	_ =	shalt  }
0x40: {  	_ =	shalt  }
0x41: {  	_ =	shalt  }
0x42: {  	_ =	shalt  }
0x43: {  	_ =	shalt  }
0x44: {  	_ =	shalt  }
0x45: {  	_ =	shalt  }
0x46: {  	_ =	shalt  }
0x47: {  	_ =	shalt  }
0x48: {  	_ =	shalt  }
0x49: {  	_ =	shalt  }
0x4a: {  	_ =	shalt  }
0x4b: {  	_ =	shalt  }
0x4c: {  	_ =	shalt  }
0x4d: {  	_ =	shalt  }
0x4e: {  	_ =	shalt  }
0x4f: {  	_ =	shalt  }
0x50: {  	_ =	shalt  }
0x51: {  	_ =	shalt  }
0x52: {  	_ =	shalt  }
0x53: {  	_ =	shalt  }
0x54: {  	_ =	shalt  }
0x55: {  	_ =	shalt  }
0x56: {  	_ =	shalt  }
0x57: {  	_ =	shalt  }
0x58: {  	_ =	shalt  }
0x59: {  	_ =	shalt  }
0x5a: {  	_ =	shalt  }
0x5b: {  	_ =	shalt  }
0x5c: {  	_ =	shalt  }
0x5d: {  	_ =	shalt  }
0x5e: {  	_ =	shalt  }
0x5f: {  	_ =	shalt  }
0x60: {  	_ =	shalt  }
0x61: {  	_ =	shalt  }
0x62: {  	_ =	shalt  }
0x63: {  	_ =	shalt  }
0x64: {  	_ =	shalt  }
0x65: {  	_ =	shalt  }
0x66: {  	_ =	shalt  }
0x67: {  	_ =	shalt  }
0x68: {  	_ =	shalt  }
0x69: {  	_ =	shalt  }
0x6a: {  	_ =	shalt  }
0x6b: {  	_ =	shalt  }
0x6c: {  	_ =	shalt  }
0x6d: {  	_ =	shalt  }
0x6e: {  	_ =	shalt  }
0x6f: {  	_ =	shalt  }
0x70: {  	_ =	shalt  }
0x71: {  	_ =	shalt  }
0x72: {  	_ =	shalt  }
0x73: {  	_ =	shalt  }
0x74: {  	_ =	shalt  }
0x75: {  	_ =	shalt  }
0x76: {  	_ =	shalt  }
0x77: {  	_ =	shalt  }
0x78: {  	_ =	shalt  }
0x79: {  	_ =	shalt  }
0x7a: {  	_ =	shalt  }
0x7b: {  	_ =	shalt  }
0x7c: {  	_ =	shalt  }
0x7d: {  	_ =	shalt  }
0x7e: {  	_ =	shalt  }
0x7f: {  	_ =	shalt  }
0x80: {  	_ =	shalt  }
0x81: {  	_ =	shalt  }
0x82: {  	_ =	shalt  }
0x83: {  	_ =	shalt  }
0x84: {  	_ =	shalt  }
0x85: {  	_ =	shalt  }
0x86: {  	_ =	shalt  }
0x87: {  	_ =	shalt  }
.Lfunc_end0:
.L_simem_size_0:
called_computation.1_lowered:
.L_overlay_start_0:
0x88: {  	s2 =	sld [smem:$0x3FD9]  }
0x89: {  	s3 =	sld [smem:$0x3FFE];
	_ =	sdelay $0x1  }
0x8a: {  	s1 =	srdreg.scid  }
0x8b: {  	s0 =	sand.u32 $0x1, s1  }
0x8c: {  	s16 =	sshll.u32 s0, $0xA;
	s2 =	sadd.s32 s3, s2  }
0x8d: {  	s2 =	sadd.s32 s2, s16  }
0x8e: {  	[smem:$0x3FBE] =	sst s2  }
0x8f: {  	_ = 	snop  }
0x90: {  	(tm) =	ssettm $0x1  }
0x91: {  	s17 =	sld [smem:$0x3FFB];
	_ =	sdelay $0x3  }
0x92: {  	_ =	strace s17  }
0x93: {  	s2 =	sld [smem:$0x3FFC];
	_ =	sdelay $0x3  }
0x94: {  	_ =	strace s2  }
0x95: {  	s2 =	sld [smem:$0x3FFD];
	_ =	sdelay $0x3  }
0x96: {  	_ =	strace s2  }
0x97: {  	_ =	strace $0x8FFFFFFF  }
0x98: {  	s18 =	sld [smem:$0x3FDB];
	_ =	sdelay $0x1  }
0x99: {  	s19 =	simm.s32 $_scs_section_size  }
0x9a: {  	s4 =	simm.s32 $_size__tile_overlayer_lowered;
	s5 =	simm.s32 $_tile_overlayer_lowered  }
0x9b: {  	s22 =	simm.s32 $0x1BFF;
	s21 =	sshll.u32 s5, $0x1;
	s2 =	sadd.s32 s19, s18  }
0x9c: {  	s6 =	simm.s32 $0x0;
	s20 =	sshll.u32 s4, $0x1;
	s4 =	sadd.s32 s21, s2  }
0x9d: {  	[timem:s6], [sflag:s22] =	dma.local [hbm:s4], s20  }
0x9e: {  	_ =	swait.ge [sflag:s22], s20  }
0x9f: {  	s3 =	ssub.s32 $0x0, s20;
	[sflag:s22] =	ssyncset.done $0x0  }
0xa0: {  	[sflag:s22] =	ssyncadd.s32 s3;
	_ =	sdelay $0x1  }
0xa1: {  	s23 =	simm.s32 $0x1B8B  }
0xa2: {  	_ =	swait.ge [sflag:s23], $0x1  }
0xa3: {  	[sflag:s23] =	ssyncset.done $0x0  }
0xa4: {  	s25 =	simm.s32 $0x1B8E;
	s24 =	sld [smem:$0x3FFE];
	[sflag:s23] =	ssyncadd.s32 $0xFFFFFFFF  }
0xa5: {  	s26 =	simm.s32 $execute0_lowered;
	[smem:$0x3FD2] =	sst s25  }
0xa6: {  	s4 =	sshll.u32 s26, $0x1;
	_ =	strace $0x80000049;
	[dreg:$0x1] =	wrdreg $0xFFFFFFFF  }
0xa7: {  	s28 =	simm.s32 $_size_execute0_lowered;
	s2 =	sadd.s32 s2, s4;
	[dreg:$0x0] =	wrdreg $0x0  }
0xa8: {  	s4 =	sshll.u32 s28, $0x1;
	[dreg:$0x2] =	wrdreg s2  }
0xa9: {  	[dreg:$0x3] =	wrdreg s4  }
0xaa: {  	[dreg:$0x4] =	wrdreg $0xC0  }
0xab: {  	_ =	task [dreg:s6], $0x5FFFF  }
0xac: {  	[dreg:$0x1] =	wrdreg $0xFFFFFFFF  }
0xad: {  	[dreg:$0x0] =	wrdreg $0x60  }
0xae: {  	[dreg:$0x2] =	wrdreg s24  }
0xaf: {  	[dreg:$0x3] =	wrdreg $0xF0000  }
0xb0: {  	[dreg:$0x4] =	wrdreg $0x9  }
0xb1: {  	_ =	task.clear_ibuf [dreg:s6], $0x5FFFF;
	_ =	strace $0x90000049  }
0xb2: {  	s29 =	simm.s32 $0x9;
	_ =	strace $0x8000004B  }
0xb3: {  	_ =	swait.ge [sflag:s29], $0x1  }
0xb4: {  	[sflag:s29] =	ssyncadd.s32 $0xFFFFFFFF  }
0xb5: {  	_ =	strace $0x9000004B  }
0xb6: {  	_ =	sfence  }
0xb7: {  	s30 =	sld [smem:$0x0];
	_ =	sdelay $0x2  }
0xb8: {  	s31 =	sshll.u32 s1, $0xD;
	s1 =	sshrl.u32 s1, $0x2  }
0xb9: {  	s3 =	sand.u32 $0x4000, s31;
	s1 =	sadd.s32 s1, s30  }
0xba: {  	s0 =	sor.u32 s3, s0;
	s1 =	sshll.u32 s1, $0x11  }
0xbb: {  	s0 =	sor.u32 s1, s0  }
0xbc: {  	s0 =	sadd.s32 $0x8F2B, s0  }
0xbd: {  	[sflag:s0] =	ssyncadd.remote.s32 $0x1  }
0xbe: {  	_ =	sfence.sel $0xFFFF  }
0xbf: {  	[dreg:$0x0] =	wrdreg $0xFFFFFFFF;
	(pc) =	sbr.abs _section_cstart, $3  }
0xc0: {  	[dreg:$0x1] =	wrdreg $0xFFFFFFFF  }
0xc1: {  	_ =	task.clear_ibuf [dreg:s6], $0x2FFFF;
	_ =	strace $0x9FFFFFFF  }
0xc2: {  	(tm) =	ssettm $0x7FFFFFFF  }
0xc3: {  	_ =	shalt  }
tec
execute0_lowered:
.L_overlay_start_1:
0x0: {  	(tag) =	ssettag $0x1  }
0x1: {  	s2 =	rddreg [dreg:$0x0]  }
0x2: {  	s1 =	simm.s32 $0x0;
	s0 =	srdreg.scid;
	s18 =	stileid.u32  }
0x3: {  	s28 =	simm.s32 $0x5;
	s29 =	simm.s32 $0x0;
	[smem:$0x7FF] =	sst s1  }
0x4: {  	s0 =	sand.u32 $0x1, s0;
	s3 =	sshll.u32 s18, $0x1;
	s4 =	smul.u32 $0x13880, s18  }
0x5: {  	s7 =	sadd.s32 $0x2DE00, s2;
	s3 =	sor.u32 s0, s3;
	s6 =	smul.u32 $0xC3500, s0  }
0x6: {  	p0 =	sgt.u32 s18, $0x9;
	s5 =	ssub.s32 $0x2, s0;
	s3 =	smul.u32 $0x500, s3  }
0x7: {  	s9 =	sshrl.u32 s5, $0x1;
	s8 =	sadd.s32 $0x1E00, s4;
	s10 =	sadd.s32 s4, s6  }
0x8: {  	s0 =	ssub.s32 s5, s9;
	s9 =	sadd.s32 s6, s8;
	s5 =	sshrl.u32 s10, $0x3  }
0x9: {  	s10 =	sadd.s32 $0x3C00, s4;
	s11 =	sshrl.u32 s9, $0x3;
	s9 =	sadd.s32 $0x5A00, s4  }
0xa: {  	s5 =	sadd.s32 s7, s5;
	s12 =	sadd.s32 s6, s10;
	s14 =	sadd.s32 s6, s9  }
0xb: {  	[dreg:$0x3] =	wrdreg s5;
	s5 =	sadd.s32 s7, s11;
	s13 =	sshrl.u32 s12, $0x3  }
0xc: {  	s11 =	sadd.s32 $0x7800, s4;
	[dreg:$0x4] =	wrdreg s5;
	s5 =	sadd.s32 s7, s13  }
0xd: {  	s12 =	sadd.s32 s6, s11;
	s13 =	sadd.s32 $0x9600, s4;
	[dreg:$0x5] =	wrdreg s5  }
0xe: {  	s5 =	sshrl.u32 s14, $0x3;
	s15 =	sshrl.u32 s12, $0x3;
	s16 =	sadd.s32 s6, s13  }
0xf: {  	s14 =	sadd.s32 $0xB400, s4;
	s5 =	sadd.s32 s7, s5;
	s17 =	sshrl.u32 s16, $0x3  }
0x10: {  	s19 =	sadd.s32 s6, s14;
	[dreg:$0x6] =	wrdreg s5;
	s5 =	sadd.s32 s7, s15  }
0x11: {  	[dreg:$0x7] =	wrdreg s5;
	s5 =	sadd.s32 s7, s17;
	s17 =	sadd.s32 $0xD200, s4  }
0x12: {  	[dreg:$0x8] =	wrdreg s5;
	s5 =	sshrl.u32 s19, $0x3;
	s20 =	sadd.s32 s6, s17  }
0x13: {  	s19 =	sadd.s32 $0xF000, s4;
	s5 =	sadd.s32 s7, s5;
	s21 =	sshrl.u32 s20, $0x3  }
0x14: {  	s22 =	sadd.s32 s6, s19;
	s20 =	sadd.s32 $0x10E00, s4;
	[dreg:$0x9] =	wrdreg s5  }
0x15: {  	s5 =	sadd.s32 s7, s21;
	s23 =	sshrl.u32 s22, $0x3;
	s24 =	sadd.s32 s6, s20  }
0x16: {  	s21 =	sadd.s32 $0x12C00, s4;
	[dreg:$0xa] =	wrdreg s5;
	s5 =	sadd.s32 s7, s23  }
0x17: {  	s6 =	sadd.s32 s6, s21;
	[dreg:$0xb] =	wrdreg s5;
	s5 =	sshrl.u32 s24, $0x3  }
0x18: {  	s12 =	rddreg [dreg:$0x1];
	s6 =	sshrl.u32 s6, $0x3;
	s5 =	sadd.s32 s7, s5  }
0x19: {  	s3 =	sadd.s32 s3, s2;
	s25 =	sadd.s32 s7, s6;
	[dreg:$0xc] =	wrdreg s5  }
0x1a: {  	s31 =	smax.u32 s0, $0x1;
	s30 =	sadd.s32 $0x23E00, s3;
	[dreg:$0xd] =	wrdreg s25  }
0x1b: {  	s5 =	sadd.s32 $0x19E00, s3;
	_ =	strace $0x8000004A;
	[dreg:$0xe] =	wrdreg s30  }
0x1c: {  	s16 =	smul.u32 $0x4E200, s18;
	s6 =	sadd.s32 s4, s12;
	[dreg:$0xf] =	wrdreg s5  }
0x1d: {  	s11 =	sadd.s32 s11, s12;
	s7 =	sadd.s32 s8, s12;
	[dreg:$0x10] =	wrdreg s6  }
0x1e: {  	s26 =	sshrl.u32 s16, $0x2;
	s8 =	sadd.s32 s10, s12;
	[dreg:$0x11] =	wrdreg s7  }
0x1f: {  	s16 =	sadd.s32 s26, s12;
	s10 =	sadd.s32 s9, s12;
	[dreg:$0x12] =	wrdreg s8  }
0x20: {  	s15 =	sadd.s32 $0x1600, s2;
	s0 =	sadd.s32 $0x3C00, s16;
	[dreg:$0x13] =	wrdreg s10  }
0x21: {  	s2 =	sadd.s32 $0x5A00, s16;
	s22 =	sadd.s32 s13, s12;
	[dreg:$0x14] =	wrdreg s11  }
0x22: {  	s26 =	sadd.s32 s20, s12;
	s23 =	sadd.s32 s14, s12;
	[dreg:$0x15] =	wrdreg s22  }
0x23: {  	s20 =	simm.s32 $0x7800;
	s24 =	sadd.s32 s17, s12;
	[dreg:$0x16] =	wrdreg s23  }
0x24: {  	s14 =	simm.s32 $0x80;
	s25 =	sadd.s32 s19, s12;
	[dreg:$0x17] =	wrdreg s24  }
0x25: {  	s4 =	sadd.s32 $0x9600, s16;
	s9 =	sadd.s32 $0x12C00, s16;
	[dreg:$0x18] =	wrdreg s25  }
0x26: {  	s3 =	sadd.s32 $0x7800, s16;
	s19 =	simm.s32 $0x5000;
	[dreg:$0x19] =	wrdreg s26  }
.Ltmp0:
0x27: {  	s30 =	sadd.s32 s21, s12;
	s11 =	sadd.s32 $0x1E00, s16;
	(pc) =	sbr.rel .LBB2_1-.Ltmp0, $4  }
0x28: {  	s5 =	sadd.s32 $0xB400, s16;
	s6 =	sadd.s32 $0xD200, s16;
	s7 =	sadd.s32 $0xF000, s16  }
0x29: {  	s8 =	sadd.s32 $0x10E00, s16;
	s10 =	simm.s32 $0x6;
	s21 =	simm.s32 $0xA000  }
0x2a: {  	s22 =	simm.s32 $0xC800;
	s23 =	simm.s32 $0x1;
	s24 =	simm.s32 $0x2  }
0x2b: {  	v0 =	vimm.f32 $0.0e+00;
	s25 =	simm.s32 $0x3;
	s26 =	simm.s32 $0x4;
	[dreg:$0x1a] =	wrdreg s30  }
.LBB2_7:
0x2c: {  	s29 =	sadd.s32 $0x1, s29  }
0x2d: {  	p1 =	sne.s32 s29, s31  }
.Ltmp1:
0x2e: {  	_ = 	snop;
	(pc) =	sbr.rel @!p1 .LBB2_8-.Ltmp1, $1  }
0x2f: {  	_ =	sdelay $0x3  }
.LBB2_1:
0x30: {  	s30 =	simm.s32 $0x140;
	s13 =	simm.s32 $0x0  }
.LBB2_2:
0x31: {  	p1 =	sne.s32 s30, $0x9EC0;
	[tilespmem:s13+$0x5040] =	vst v0;
	s17 =	smov.u32 s30;
	s30 =	sadd.s32 $0x140, s30  }
.Ltmp2:
0x32: {  	[tilespmem:s13+$0x5030] =	vst v0;
	(pc) =	sbr.rel @p1 .LBB2_2-.Ltmp2, $4  }
0x33: {  	[tilespmem:s13+$0x5020] =	vst v0  }
0x34: {  	[tilespmem:s13+$0x5000] =	vst v0  }
0x35: {  	[tilespmem:s13+$0x5010] =	vst v0  }
0x36: {  	s13 =	sshra.s32 s17, $0x2  }
0x37: {  	[tilespmem:s13+$0x5040] =	vst v0  }
0x38: {  	[tilespmem:s13+$0x5030] =	vst v0  }
0x39: {  	[tilespmem:s13+$0x5020] =	vst v0  }
0x3a: {  	[tilespmem:s13+$0x5000] =	vst v0  }
0x3b: {  	[tilespmem:s13+$0x5010] =	vst v0;
	s13 =	simm.s32 @!p0 $0x5000;
	s17 =	simm.s32 @!p0 $0x6  }
0x3c: {  	[spmem:s16] =	stream.linear.scatter @!p0 [tilespmem:s13], [sflag:$0x6], $0x1E00, $0x38;
	[tilespmem:$0x1B800] =	vst v63  }
0x3d: {  	_ =	swait.ge @!p0 [sflag:s17], $0x1E00  }
0x3e: {  	[sflag:s17] =	ssyncset.done @!p0 $0x0  }
0x3f: {  	[sflag:s17] =	ssyncadd.s32 @!p0 $0xFFFFE200  }
0x40: {  	[spmem:s11] =	stream.linear.scatter @!p0 [tilespmem:s13], [sflag:$0x6], $0x1E00, $0x38;
	[tilespmem:$0x1B800] =	vst v63  }
0x41: {  	_ =	swait.ge @!p0 [sflag:s17], $0x1E00  }
0x42: {  	[sflag:s17] =	ssyncset.done @!p0 $0x0  }
0x43: {  	[sflag:s17] =	ssyncadd.s32 @!p0 $0xFFFFE200  }
0x44: {  	[spmem:s0] =	stream.linear.scatter @!p0 [tilespmem:s13], [sflag:$0x6], $0x1E00, $0x38;
	[tilespmem:$0x1B800] =	vst v63  }
0x45: {  	_ =	swait.ge @!p0 [sflag:s17], $0x1E00  }
0x46: {  	[sflag:s17] =	ssyncset.done @!p0 $0x0  }
0x47: {  	[sflag:s17] =	ssyncadd.s32 @!p0 $0xFFFFE200  }
0x48: {  	[spmem:s2] =	stream.linear.scatter @!p0 [tilespmem:s13], [sflag:$0x6], $0x1E00, $0x38;
	[tilespmem:$0x1B800] =	vst v63  }
0x49: {  	_ =	swait.ge @!p0 [sflag:s17], $0x1E00  }
0x4a: {  	[sflag:s17] =	ssyncset.done @!p0 $0x0  }
0x4b: {  	[sflag:s17] =	ssyncadd.s32 @!p0 $0xFFFFE200  }
0x4c: {  	[spmem:s3] =	stream.linear.scatter @!p0 [tilespmem:s13], [sflag:$0x6], $0x1E00, $0x38;
	[tilespmem:$0x1B800] =	vst v63  }
0x4d: {  	_ =	swait.ge @!p0 [sflag:s17], $0x1E00  }
0x4e: {  	[sflag:s17] =	ssyncset.done @!p0 $0x0  }
0x4f: {  	[sflag:s17] =	ssyncadd.s32 @!p0 $0xFFFFE200  }
0x50: {  	[spmem:s4] =	stream.linear.scatter @!p0 [tilespmem:s13], [sflag:$0x6], $0x1E00, $0x38;
	[tilespmem:$0x1B800] =	vst v63  }
0x51: {  	_ =	swait.ge @!p0 [sflag:s17], $0x1E00  }
0x52: {  	[sflag:s17] =	ssyncset.done @!p0 $0x0  }
0x53: {  	[sflag:s17] =	ssyncadd.s32 @!p0 $0xFFFFE200  }
0x54: {  	[spmem:s5] =	stream.linear.scatter @!p0 [tilespmem:s13], [sflag:$0x6], $0x1E00, $0x38;
	[tilespmem:$0x1B800] =	vst v63  }
0x55: {  	_ =	swait.ge @!p0 [sflag:s17], $0x1E00  }
0x56: {  	[sflag:s17] =	ssyncset.done @!p0 $0x0  }
0x57: {  	[sflag:s17] =	ssyncadd.s32 @!p0 $0xFFFFE200  }
0x58: {  	[spmem:s6] =	stream.linear.scatter @!p0 [tilespmem:s13], [sflag:$0x6], $0x1E00, $0x38;
	[tilespmem:$0x1B800] =	vst v63  }
0x59: {  	_ =	swait.ge @!p0 [sflag:s17], $0x1E00  }
0x5a: {  	[sflag:s17] =	ssyncset.done @!p0 $0x0  }
0x5b: {  	[sflag:s17] =	ssyncadd.s32 @!p0 $0xFFFFE200  }
0x5c: {  	[spmem:s7] =	stream.linear.scatter @!p0 [tilespmem:s13], [sflag:$0x6], $0x1E00, $0x38;
	[tilespmem:$0x1B800] =	vst v63  }
0x5d: {  	_ =	swait.ge @!p0 [sflag:s17], $0x1E00  }
0x5e: {  	[sflag:s17] =	ssyncset.done @!p0 $0x0  }
0x5f: {  	[sflag:s17] =	ssyncadd.s32 @!p0 $0xFFFFE200  }
0x60: {  	[spmem:s8] =	stream.linear.scatter @!p0 [tilespmem:s13], [sflag:$0x6], $0x1E00, $0x38;
	[tilespmem:$0x1B800] =	vst v63  }
0x61: {  	_ =	swait.ge @!p0 [sflag:s17], $0x1E00  }
0x62: {  	[sflag:s17] =	ssyncset.done @!p0 $0x0  }
0x63: {  	[sflag:s17] =	ssyncadd.s32 @!p0 $0xFFFFE200  }
0x64: {  	[spmem:s9] =	stream.linear.scatter @!p0 [tilespmem:s13], [sflag:$0x6], $0xC80, $0x38;
	[tilespmem:$0x1B800] =	vst v63  }
0x65: {  	_ =	swait.ge @!p0 [sflag:s17], $0xC80  }
0x66: {  	[sflag:s17] =	ssyncset.done @!p0 $0x0  }
0x67: {  	[sflag:s17] =	ssyncadd.s32 @!p0 $0xFFFFF380  }
0x68: {  	[bflag:$0x0] =	sbarrier.arrive $0xFFFF  }
0x69: {  	s13 =	simm.s32 $0x0;
	s18 =	rddreg [dreg:$0xe]  }
0x6a: {  	[tilespmem:s13], [sflag:$0x6] =	stream.linear.gather [hbm4b:s18+s13], $0x2800, $0x38;
	[tilespmem:$0x1B800] =	vst v63  }
0x6b: {  	_ =	swait.ge [sflag:s10], $0x2800  }
0x6c: {  	[sflag:s10] =	ssyncset.done $0x0  }
0x6d: {  	s18 =	simm.s32 $0x2800;
	s17 =	rddreg [dreg:$0xf];
	[sflag:s10] =	ssyncadd.s32 $0xFFFFD800  }
0x6e: {  	[tilespmem:s18], [sflag:$0x6] =	stream.linear.gather [hbm4b:s17+s13], $0x2800, $0x38;
	[tilespmem:$0x1B800] =	vst v63  }
0x6f: {  	_ =	swait.ge [sflag:s10], $0x2800  }
0x70: {  	[sflag:s10] =	ssyncset.done $0x0  }
0x71: {  	s17 =	simm.s32 $0x0;
	[sflag:s10] =	ssyncadd.s32 $0xFFFFD800  }
0x72: {  	[tilespmem:s19], [sflag:$0x1] =	stream.indirect.gather [hbm4b:s15+s14], $0x50, s17, s14, $0xb8;
	[tilespmem:$0x1B800] =	vst v63  }
0x73: {  	s18 =	simm.s32 $0x80  }
0x74: {  	[tilespmem:s20], [sflag:$0x2] =	stream.indirect.gather [hbm4b:s15+s14], $0x50, s18, s14, $0xb8;
	[tilespmem:$0x1B800] =	vst v63  }
0x75: {  	s17 =	simm.s32 $0x100  }
0x76: {  	[tilespmem:s21], [sflag:$0x3] =	stream.indirect.gather [hbm4b:s15+s14], $0x50, s17, s14, $0xb8;
	[tilespmem:$0x1B800] =	vst v63  }
0x77: {  	s18 =	simm.s32 $0x180  }
0x78: {  	[tilespmem:s22], [sflag:$0x4] =	stream.indirect.gather [hbm4b:s15+s14], $0x50, s18, s14, $0xb8;
	[tilespmem:$0x1B800] =	vst v63  }
0x79: {  	_ =	swait.ge [sflag:s23], $0x2800  }
0x7a: {  	[sflag:s23] =	ssyncset.done $0x0  }
0x7b: {  	s17 =	simm.s32 $0x2800;
	[sflag:s23] =	ssyncadd.s32 $0xFFFFD800  }
0x7c: {  	[spmem:s12] =	stream.indirect.scatter.add.f32 [tilespmem:s19], [sflag:$0x5], $0x50, s17, s14, $0xb8;
	[tilespmem:$0x1B800] =	vst v63  }
0x7d: {  	_ =	swait.ge [sflag:s24], $0x2800  }
0x7e: {  	[sflag:s24] =	ssyncset.done $0x0  }
0x7f: {  	s18 =	simm.s32 $0x2880;
	[sflag:s24] =	ssyncadd.s32 $0xFFFFD800  }
0x80: {  	[spmem:s12] =	stream.indirect.scatter.add.f32 [tilespmem:s20], [sflag:$0x5], $0x50, s18, s14, $0xb8;
	[tilespmem:$0x1B800] =	vst v63  }
0x81: {  	_ =	swait.ge [sflag:s25], $0x2800  }
0x82: {  	[sflag:s25] =	ssyncset.done $0x0  }
0x83: {  	s17 =	simm.s32 $0x2900;
	[sflag:s25] =	ssyncadd.s32 $0xFFFFD800  }
0x84: {  	[spmem:s12] =	stream.indirect.scatter.add.f32 [tilespmem:s21], [sflag:$0x5], $0x50, s17, s14, $0xb8;
	[tilespmem:$0x1B800] =	vst v63  }
0x85: {  	_ =	swait.ge [sflag:s26], $0x2800  }
0x86: {  	[sflag:s26] =	ssyncset.done $0x0  }
0x87: {  	s18 =	simm.s32 $0x2980;
	[sflag:s26] =	ssyncadd.s32 $0xFFFFD800  }
0x88: {  	[spmem:s12] =	stream.indirect.scatter.add.f32 [tilespmem:s22], [sflag:$0x5], $0x50, s18, s14, $0xb8;
	[tilespmem:$0x1B800] =	vst v63  }
0x89: {  	_ =	swait.ge [sflag:s28], $0x2800  }
0x8a: {  	[sflag:s28] =	ssyncset.done $0x0  }
0x8b: {  	[sflag:s28] =	ssyncadd.s32 $0xFFFFD800  }
0x8c: {  	_ =	swait.ge [sflag:s28], $0x2800  }
0x8d: {  	[sflag:s28] =	ssyncset.done $0x0  }
0x8e: {  	[sflag:s28] =	ssyncadd.s32 $0xFFFFD800  }
0x8f: {  	_ =	swait.ge [sflag:s28], $0x2800  }
0x90: {  	[sflag:s28] =	ssyncset.done $0x0  }
0x91: {  	[sflag:s28] =	ssyncadd.s32 $0xFFFFD800  }
0x92: {  	_ =	swait.ge [sflag:s28], $0x2800  }
0x93: {  	s30 =	simm.s32 $0x800;
	s13 =	simm.s32 $0x1000;
	[sflag:s28] =	ssyncset.done $0x0  }
.LBB2_4:
0x94: {  	s18 =	sshra.s32 s30, $0x2  }
0x95: {  	[sflag:s28] =	ssyncadd.s32 $0xFFFFD800;
	s30 =	smov.u32 s13;
	s17 =	sadd.s32 $0x800, s13  }
0x96: {  	[tilespmem:s19], [sflag:$0x1] =	stream.indirect.gather [hbm4b:s15+s14], $0x50, s18, s14, $0xb8;
	[tilespmem:$0x1B800] =	vst v63  }
0x97: {  	p1 =	sne.s32 s13, $0x9800;
	s13 =	sadd.s32 $0x80, s18  }
0x98: {  	[tilespmem:s20], [sflag:$0x2] =	stream.indirect.gather [hbm4b:s15+s14], $0x50, s13, s14, $0xb8;
	[tilespmem:$0x1B800] =	vst v63  }
0x99: {  	s13 =	sadd.s32 $0x100, s18  }
0x9a: {  	[tilespmem:s21], [sflag:$0x3] =	stream.indirect.gather [hbm4b:s15+s14], $0x50, s13, s14, $0xb8;
	[tilespmem:$0x1B800] =	vst v63  }
0x9b: {  	s13 =	sadd.s32 $0x180, s18  }
0x9c: {  	[tilespmem:s22], [sflag:$0x4] =	stream.indirect.gather [hbm4b:s15+s14], $0x50, s13, s14, $0xb8;
	[tilespmem:$0x1B800] =	vst v63  }
0x9d: {  	_ =	swait.ge [sflag:s23], $0x2800  }
0x9e: {  	[sflag:s23] =	ssyncset.done $0x0  }
0x9f: {  	s13 =	sadd.s32 $0x2800, s18;
	[sflag:s23] =	ssyncadd.s32 $0xFFFFD800  }
0xa0: {  	[spmem:s12] =	stream.indirect.scatter.add.f32 [tilespmem:s19], [sflag:$0x5], $0x50, s13, s14, $0xb8;
	[tilespmem:$0x1B800] =	vst v63  }
0xa1: {  	_ =	swait.ge [sflag:s24], $0x2800  }
0xa2: {  	[sflag:s24] =	ssyncset.done $0x0  }
0xa3: {  	s13 =	sadd.s32 $0x2880, s18;
	[sflag:s24] =	ssyncadd.s32 $0xFFFFD800  }
0xa4: {  	[spmem:s12] =	stream.indirect.scatter.add.f32 [tilespmem:s20], [sflag:$0x5], $0x50, s13, s14, $0xb8;
	[tilespmem:$0x1B800] =	vst v63  }
0xa5: {  	_ =	swait.ge [sflag:s25], $0x2800  }
0xa6: {  	[sflag:s25] =	ssyncset.done $0x0  }
0xa7: {  	s13 =	sadd.s32 $0x2900, s18;
	[sflag:s25] =	ssyncadd.s32 $0xFFFFD800  }
0xa8: {  	[spmem:s12] =	stream.indirect.scatter.add.f32 [tilespmem:s21], [sflag:$0x5], $0x50, s13, s14, $0xb8;
	[tilespmem:$0x1B800] =	vst v63  }
0xa9: {  	_ =	swait.ge [sflag:s26], $0x2800  }
0xaa: {  	[sflag:s26] =	ssyncset.done $0x0  }
0xab: {  	s13 =	sadd.s32 $0x2980, s18;
	[sflag:s26] =	ssyncadd.s32 $0xFFFFD800  }
0xac: {  	[spmem:s12] =	stream.indirect.scatter.add.f32 [tilespmem:s22], [sflag:$0x5], $0x50, s13, s14, $0xb8;
	[tilespmem:$0x1B800] =	vst v63  }
0xad: {  	_ =	swait.ge [sflag:s28], $0x2800  }
0xae: {  	[sflag:s28] =	ssyncset.done $0x0  }
0xaf: {  	[sflag:s28] =	ssyncadd.s32 $0xFFFFD800  }
0xb0: {  	_ =	swait.ge [sflag:s28], $0x2800  }
0xb1: {  	[sflag:s28] =	ssyncset.done $0x0  }
0xb2: {  	[sflag:s28] =	ssyncadd.s32 $0xFFFFD800  }
.Ltmp3:
0xb3: {  	_ =	swait.ge [sflag:s28], $0x2800;
	(pc) =	sbr.rel @p1 .LBB2_4-.Ltmp3, $4  }
0xb4: {  	[sflag:s28] =	ssyncset.done $0x0  }
0xb5: {  	[sflag:s28] =	ssyncadd.s32 $0xFFFFD800  }
0xb6: {  	_ =	swait.ge [sflag:s28], $0x2800  }
0xb7: {  	s13 =	smov.u32 s17;
	[sflag:s28] =	ssyncset.done $0x0  }
0xb8: {  	s13 =	sshra.s32 s30, $0x2;
	[sflag:s28] =	ssyncadd.s32 $0xFFFFD800  }
0xb9: {  	[tilespmem:s19], [sflag:$0x1] =	stream.indirect.gather [hbm4b:s15+s14], $0x50, s13, s14, $0xb8;
	[tilespmem:$0x1B800] =	vst v63  }
0xba: {  	s17 =	sadd.s32 $0x80, s13  }
0xbb: {  	[tilespmem:s20], [sflag:$0x2] =	stream.indirect.gather [hbm4b:s15+s14], $0x50, s17, s14, $0xb8;
	[tilespmem:$0x1B800] =	vst v63  }
0xbc: {  	s30 =	sadd.s32 $0x100, s13  }
0xbd: {  	[tilespmem:s21], [sflag:$0x3] =	stream.indirect.gather [hbm4b:s15+s14], $0x50, s30, s14, $0xb8;
	[tilespmem:$0x1B800] =	vst v63  }
0xbe: {  	s18 =	sadd.s32 $0x180, s13  }
0xbf: {  	[tilespmem:s22], [sflag:$0x4] =	stream.indirect.gather [hbm4b:s15+s14], $0x50, s18, s14, $0xb8;
	[tilespmem:$0x1B800] =	vst v63  }
0xc0: {  	_ =	swait.ge [sflag:s23], $0x2800  }
0xc1: {  	[sflag:s23] =	ssyncset.done $0x0  }
0xc2: {  	s30 =	sadd.s32 $0x2800, s13;
	[sflag:s23] =	ssyncadd.s32 $0xFFFFD800  }
0xc3: {  	[spmem:s12] =	stream.indirect.scatter.add.f32 [tilespmem:s19], [sflag:$0x5], $0x50, s30, s14, $0xb8;
	[tilespmem:$0x1B800] =	vst v63  }
0xc4: {  	_ =	swait.ge [sflag:s24], $0x2800  }
0xc5: {  	[sflag:s24] =	ssyncset.done $0x0  }
0xc6: {  	s18 =	sadd.s32 $0x2880, s13;
	[sflag:s24] =	ssyncadd.s32 $0xFFFFD800  }
0xc7: {  	[spmem:s12] =	stream.indirect.scatter.add.f32 [tilespmem:s20], [sflag:$0x5], $0x50, s18, s14, $0xb8;
	[tilespmem:$0x1B800] =	vst v63  }
0xc8: {  	_ =	swait.ge [sflag:s25], $0x2800  }
0xc9: {  	[sflag:s25] =	ssyncset.done $0x0  }
0xca: {  	s30 =	sadd.s32 $0x2900, s13;
	[sflag:s25] =	ssyncadd.s32 $0xFFFFD800  }
0xcb: {  	[spmem:s12] =	stream.indirect.scatter.add.f32 [tilespmem:s21], [sflag:$0x5], $0x50, s30, s14, $0xb8;
	[tilespmem:$0x1B800] =	vst v63  }
0xcc: {  	_ =	swait.ge [sflag:s26], $0x2800  }
0xcd: {  	[sflag:s26] =	ssyncset.done $0x0  }
0xce: {  	s13 =	sadd.s32 $0x2980, s13;
	[sflag:s26] =	ssyncadd.s32 $0xFFFFD800  }
0xcf: {  	[spmem:s12] =	stream.indirect.scatter.add.f32 [tilespmem:s22], [sflag:$0x5], $0x50, s13, s14, $0xb8;
	[tilespmem:$0x1B800] =	vst v63  }
0xd0: {  	_ =	swait.ge [sflag:s28], $0x2800  }
0xd1: {  	[sflag:s28] =	ssyncset.done $0x0  }
0xd2: {  	[sflag:s28] =	ssyncadd.s32 $0xFFFFD800  }
0xd3: {  	_ =	swait.ge [sflag:s28], $0x2800  }
0xd4: {  	[sflag:s28] =	ssyncset.done $0x0  }
0xd5: {  	[sflag:s28] =	ssyncadd.s32 $0xFFFFD800  }
0xd6: {  	_ =	swait.ge [sflag:s28], $0x2800  }
0xd7: {  	[sflag:s28] =	ssyncset.done $0x0  }
0xd8: {  	[sflag:s28] =	ssyncadd.s32 $0xFFFFD800  }
.Ltmp4:
0xd9: {  	_ =	swait.ge [sflag:s28], $0x2800;
	(pc) =	sbr.rel @p0 .LBB2_7-.Ltmp4, $3  }
0xda: {  	[sflag:s28] =	ssyncset.done $0x0  }
0xdb: {  	[sflag:s28] =	ssyncadd.s32 $0xFFFFD800  }
0xdc: {  	[bflag:$0x0] =	sbarrier.arrive $0xFFFF;
	_ =	sdelay $0x1  }
0xdd: {  	s13 =	rddreg [dreg:$0x10]  }
0xde: {  	[tilespmem:s19], [sflag:$0x6] =	stream.linear.gather [spmem:s13], $0x1E00, $0x38;
	[tilespmem:$0x1B800] =	vst v63  }
0xdf: {  	_ =	swait.ge [sflag:s10], $0x1E00  }
0xe0: {  	[sflag:s10] =	ssyncset.done $0x0  }
0xe1: {  	s17 =	rddreg [dreg:$0x3];
	[sflag:s10] =	ssyncadd.s32 $0xFFFFE200  }
0xe2: {  	[hbm4b:s17+s1] =	stream.linear.scatter [tilespmem:s19], [sflag:$0x6], $0x1E00, $0x38;
	[tilespmem:$0x1B800] =	vst v63  }
0xe3: {  	_ =	swait.ge [sflag:s10], $0x1E00  }
0xe4: {  	[sflag:s10] =	ssyncset.done $0x0  }
0xe5: {  	s18 =	rddreg [dreg:$0x11];
	[sflag:s10] =	ssyncadd.s32 $0xFFFFE200  }
0xe6: {  	[tilespmem:s19], [sflag:$0x6] =	stream.linear.gather [spmem:s18], $0x1E00, $0x38;
	[tilespmem:$0x1B800] =	vst v63  }
0xe7: {  	_ =	swait.ge [sflag:s10], $0x1E00  }
0xe8: {  	[sflag:s10] =	ssyncset.done $0x0  }
0xe9: {  	s30 =	rddreg [dreg:$0x4];
	[sflag:s10] =	ssyncadd.s32 $0xFFFFE200  }
0xea: {  	[hbm4b:s30+s1] =	stream.linear.scatter [tilespmem:s19], [sflag:$0x6], $0x1E00, $0x38;
	[tilespmem:$0x1B800] =	vst v63  }
0xeb: {  	_ =	swait.ge [sflag:s10], $0x1E00  }
0xec: {  	[sflag:s10] =	ssyncset.done $0x0  }
0xed: {  	s17 =	rddreg [dreg:$0x12];
	[sflag:s10] =	ssyncadd.s32 $0xFFFFE200  }
0xee: {  	[tilespmem:s19], [sflag:$0x6] =	stream.linear.gather [spmem:s17], $0x1E00, $0x38;
	[tilespmem:$0x1B800] =	vst v63  }
0xef: {  	_ =	swait.ge [sflag:s10], $0x1E00  }
0xf0: {  	[sflag:s10] =	ssyncset.done $0x0  }
0xf1: {  	s18 =	rddreg [dreg:$0x5];
	[sflag:s10] =	ssyncadd.s32 $0xFFFFE200  }
0xf2: {  	[hbm4b:s18+s1] =	stream.linear.scatter [tilespmem:s19], [sflag:$0x6], $0x1E00, $0x38;
	[tilespmem:$0x1B800] =	vst v63  }
0xf3: {  	_ =	swait.ge [sflag:s10], $0x1E00  }
0xf4: {  	[sflag:s10] =	ssyncset.done $0x0  }
0xf5: {  	s30 =	rddreg [dreg:$0x13];
	[sflag:s10] =	ssyncadd.s32 $0xFFFFE200  }
0xf6: {  	[tilespmem:s19], [sflag:$0x6] =	stream.linear.gather [spmem:s30], $0x1E00, $0x38;
	[tilespmem:$0x1B800] =	vst v63  }
0xf7: {  	_ =	swait.ge [sflag:s10], $0x1E00  }
0xf8: {  	[sflag:s10] =	ssyncset.done $0x0  }
0xf9: {  	s17 =	rddreg [dreg:$0x6];
	[sflag:s10] =	ssyncadd.s32 $0xFFFFE200  }
0xfa: {  	[hbm4b:s17+s1] =	stream.linear.scatter [tilespmem:s19], [sflag:$0x6], $0x1E00, $0x38;
	[tilespmem:$0x1B800] =	vst v63  }
0xfb: {  	_ =	swait.ge [sflag:s10], $0x1E00  }
0xfc: {  	[sflag:s10] =	ssyncset.done $0x0  }
0xfd: {  	s18 =	rddreg [dreg:$0x14];
	[sflag:s10] =	ssyncadd.s32 $0xFFFFE200  }
0xfe: {  	[tilespmem:s19], [sflag:$0x6] =	stream.linear.gather [spmem:s18], $0x1E00, $0x38;
	[tilespmem:$0x1B800] =	vst v63  }
0xff: {  	_ =	swait.ge [sflag:s10], $0x1E00  }
0x100: {  	[sflag:s10] =	ssyncset.done $0x0  }
0x101: {  	s30 =	rddreg [dreg:$0x7];
	[sflag:s10] =	ssyncadd.s32 $0xFFFFE200  }
0x102: {  	[hbm4b:s30+s1] =	stream.linear.scatter [tilespmem:s19], [sflag:$0x6], $0x1E00, $0x38;
	[tilespmem:$0x1B800] =	vst v63  }
0x103: {  	_ =	swait.ge [sflag:s10], $0x1E00  }
0x104: {  	[sflag:s10] =	ssyncset.done $0x0  }
0x105: {  	s17 =	rddreg [dreg:$0x15];
	[sflag:s10] =	ssyncadd.s32 $0xFFFFE200  }
0x106: {  	[tilespmem:s19], [sflag:$0x6] =	stream.linear.gather [spmem:s17], $0x1E00, $0x38;
	[tilespmem:$0x1B800] =	vst v63  }
0x107: {  	_ =	swait.ge [sflag:s10], $0x1E00  }
0x108: {  	[sflag:s10] =	ssyncset.done $0x0  }
0x109: {  	s18 =	rddreg [dreg:$0x8];
	[sflag:s10] =	ssyncadd.s32 $0xFFFFE200  }
0x10a: {  	[hbm4b:s18+s1] =	stream.linear.scatter [tilespmem:s19], [sflag:$0x6], $0x1E00, $0x38;
	[tilespmem:$0x1B800] =	vst v63  }
0x10b: {  	_ =	swait.ge [sflag:s10], $0x1E00  }
0x10c: {  	[sflag:s10] =	ssyncset.done $0x0  }
0x10d: {  	s30 =	rddreg [dreg:$0x16];
	[sflag:s10] =	ssyncadd.s32 $0xFFFFE200  }
0x10e: {  	[tilespmem:s19], [sflag:$0x6] =	stream.linear.gather [spmem:s30], $0x1E00, $0x38;
	[tilespmem:$0x1B800] =	vst v63  }
0x10f: {  	_ =	swait.ge [sflag:s10], $0x1E00  }
0x110: {  	[sflag:s10] =	ssyncset.done $0x0  }
0x111: {  	s17 =	rddreg [dreg:$0x9];
	[sflag:s10] =	ssyncadd.s32 $0xFFFFE200  }
0x112: {  	[hbm4b:s17+s1] =	stream.linear.scatter [tilespmem:s19], [sflag:$0x6], $0x1E00, $0x38;
	[tilespmem:$0x1B800] =	vst v63  }
0x113: {  	_ =	swait.ge [sflag:s10], $0x1E00  }
0x114: {  	[sflag:s10] =	ssyncset.done $0x0  }
0x115: {  	s18 =	rddreg [dreg:$0x17];
	[sflag:s10] =	ssyncadd.s32 $0xFFFFE200  }
0x116: {  	[tilespmem:s19], [sflag:$0x6] =	stream.linear.gather [spmem:s18], $0x1E00, $0x38;
	[tilespmem:$0x1B800] =	vst v63  }
0x117: {  	_ =	swait.ge [sflag:s10], $0x1E00  }
0x118: {  	[sflag:s10] =	ssyncset.done $0x0  }
0x119: {  	s30 =	rddreg [dreg:$0xa];
	[sflag:s10] =	ssyncadd.s32 $0xFFFFE200  }
0x11a: {  	[hbm4b:s30+s1] =	stream.linear.scatter [tilespmem:s19], [sflag:$0x6], $0x1E00, $0x38;
	[tilespmem:$0x1B800] =	vst v63  }
0x11b: {  	_ =	swait.ge [sflag:s10], $0x1E00  }
0x11c: {  	[sflag:s10] =	ssyncset.done $0x0  }
0x11d: {  	s17 =	rddreg [dreg:$0x18];
	[sflag:s10] =	ssyncadd.s32 $0xFFFFE200  }
0x11e: {  	[tilespmem:s19], [sflag:$0x6] =	stream.linear.gather [spmem:s17], $0x1E00, $0x38;
	[tilespmem:$0x1B800] =	vst v63  }
0x11f: {  	_ =	swait.ge [sflag:s10], $0x1E00  }
0x120: {  	[sflag:s10] =	ssyncset.done $0x0  }
0x121: {  	s18 =	rddreg [dreg:$0xb];
	[sflag:s10] =	ssyncadd.s32 $0xFFFFE200  }
0x122: {  	[hbm4b:s18+s1] =	stream.linear.scatter [tilespmem:s19], [sflag:$0x6], $0x1E00, $0x38;
	[tilespmem:$0x1B800] =	vst v63  }
0x123: {  	_ =	swait.ge [sflag:s10], $0x1E00  }
0x124: {  	[sflag:s10] =	ssyncset.done $0x0  }
0x125: {  	s30 =	rddreg [dreg:$0x19];
	[sflag:s10] =	ssyncadd.s32 $0xFFFFE200  }
0x126: {  	[tilespmem:s19], [sflag:$0x6] =	stream.linear.gather [spmem:s30], $0x1E00, $0x38;
	[tilespmem:$0x1B800] =	vst v63  }
0x127: {  	_ =	swait.ge [sflag:s10], $0x1E00  }
0x128: {  	[sflag:s10] =	ssyncset.done $0x0  }
0x129: {  	s17 =	rddreg [dreg:$0xc];
	[sflag:s10] =	ssyncadd.s32 $0xFFFFE200  }
0x12a: {  	[hbm4b:s17+s1] =	stream.linear.scatter [tilespmem:s19], [sflag:$0x6], $0x1E00, $0x38;
	[tilespmem:$0x1B800] =	vst v63  }
0x12b: {  	_ =	swait.ge [sflag:s10], $0x1E00  }
0x12c: {  	[sflag:s10] =	ssyncset.done $0x0  }
0x12d: {  	s18 =	rddreg [dreg:$0x1a];
	[sflag:s10] =	ssyncadd.s32 $0xFFFFE200  }
0x12e: {  	[tilespmem:s19], [sflag:$0x6] =	stream.linear.gather [spmem:s18], $0xC80, $0x38;
	[tilespmem:$0x1B800] =	vst v63  }
0x12f: {  	_ =	swait.ge [sflag:s10], $0xC80  }
0x130: {  	[sflag:s10] =	ssyncset.done $0x0  }
.Ltmp5:
0x131: {  	s30 =	rddreg [dreg:$0xd];
	[sflag:s10] =	ssyncadd.s32 $0xFFFFF380;
	(pc) =	sbr.rel .LBB2_7-.Ltmp5, $4  }
0x132: {  	[hbm4b:s30+s1] =	stream.linear.scatter [tilespmem:s19], [sflag:$0x6], $0xC80, $0x38;
	[tilespmem:$0x1B800] =	vst v63  }
0x133: {  	_ =	swait.ge [sflag:s10], $0xC80  }
0x134: {  	[sflag:s10] =	ssyncset.done $0x0  }
0x135: {  	[sflag:s10] =	ssyncadd.s32 $0xFFFFF380  }
.LBB2_8:
0x136: {  	_ =	sfence.sel $0x180000  }
0x137: {  	[bflag:$0x0] =	sbarrier.arrive $0xFFFF  }
0x138: {  	_ =	strace $0x9000004A  }
0x139: {  	s0 =	stileid.u32;
	[bflag:$0x2] =	sbarrier.arrive $0xFFFF  }
0x13a: {  	p0 =	sne.s32 s0, $0x0;
	s0 =	rddreg [dreg:$0x2]  }
0x13b: {  	s0 =	sadd.s32 @!p0 $0x100000, s0  }
0x13c: {  	[sflag:s0] =	ssyncadd.tile.s32 @!p0 $0x1;
	_ =	shalt  }
.Lfunc_end2:
_tile_overlayer_lowered:
.L_overlay_start_2:
0x13d: {  	(tag) =	ssettag $0x2  }
0x13e: {  	s0 =	rddreg [dreg:$0x0];
	s2 =	stileid.u32  }
0x13f: {  	s1 =	rddreg [dreg:$0x1];
	p0 =	sne.s32 s2, $0x0  }
0x140: {  	s3 =	rddreg [dreg:$0x2];
	[bflag:$0x3] =	sbarrier.arrive $0xFFFF;
	s2 =	simm.s32 @!p0 $0x1C06  }
0x141: {  	[timem:s3], [sflag:s2] =	dma.local @!p0 [hbm:s0], s1  }
0x142: {  	s0 =	simm.s32 @!p0 $0x6  }
0x143: {  	_ =	swait.ge @!p0 [sflag:s0], s1  }
0x144: {  	s1 =	ssub.s32 @!p0 $0x0, s1;
	[sflag:s0] =	ssyncset.done @!p0 $0x0  }
0x145: {  	[sflag:s0] =	ssyncadd.s32 @!p0 s1  }
0x146: {  	[bflag:$0x3] =	sbarrier.arrive $0xFFFF  }
0x147: {  	_ =	shalt  }

// kernel: kernel.7.cloned.1.call-start
scs
__scs_entry_jumppad:
0x0: {  	(pc) =	sbr.rel $0x88, $3  }
0x1: {  	(tag) =	ssettag $0x0;
	lr =	simm.s32 $0x1  }
0x2: {  	[smem:$0x3F97] =	sst lr;
	_ =	strace $0xD0000000  }
0x3: {  	_ = 	snop  }
0x4: {  	_ = 	snop  }
0x5: {  	_ = 	snop  }
0x6: {  	_ = 	snop  }
0x7: {  	_ = 	snop  }
__scs_overlays_trampoline_lowered:
0x8: {  	[smem:$0x3FA6] =	sst s0  }
0x9: {  	[smem:$0x3FA7] =	sst s1  }
0xa: {  	[smem:$0x3FA8] =	sst s2  }
0xb: {  	[smem:$0x3FA9] =	sst s3  }
0xc: {  	[smem:$0x3FAA] =	sst s4  }
0xd: {  	[smem:$0x3FAB] =	sst s5  }
0xe: {  	[smem:$0x3FAC] =	sst s6  }
0xf: {  	[smem:$0x3FAD] =	sst s7  }
0x10: {  	[smem:$0x3FAE] =	sst s8  }
0x11: {  	[smem:$0x3FAF] =	sst s9;
	s0 =	simm.s32 @!p0 $0x0  }
0x12: {  	s1 =	sld [smem:$0x3F95];
	s0 =	simm.s32 @p0 $0x1  }
0x13: {  	[smem:$0x3FB0] =	sst s0;
	s0 =	simm.s32 @!p1 $0x0  }
0x14: {  	s2 =	sld [smem:$0x3F94];
	s0 =	simm.s32 @p1 $0x1  }
0x15: {  	[smem:$0x3FB1] =	sst s0;
	s0 =	simm.s32 @!p2 $0x0  }
0x16: {  	s3 =	sld [smem:$0x3FDB];
	s0 =	simm.s32 @p2 $0x1  }
0x17: {  	s4 =	simm.s32 $0x1BF5;
	[smem:$0x3FB3] =	sst s0  }
0x18: {  	s0 =	sld [smem:$0x3F96];
	_ =	swait.ge [sflag:s4], $0x0  }
0x19: {  	s7 =	sld [smem:$0x3F97]  }
0x1a: {  	s8 =	sadd.s32 $0xFFFFE003, lr  }
0x1b: {  	s9 =	sadd.s32 $0xFFFFFEF7, lr;
	s5 =	simm.s32 $0xFFFFFFFF;
	p2 =	slt.u32 s8, $0xFFFFF086  }
0x1c: {  	p1 =	slt.u32 s9, $0xF7A;
	s5 =	simm.s32 @!p2 $0x0  }
0x1d: {  	s5 =	simm.s32 @p1 $0x1;
	p0 =	seq.s32 s7, s2  }
0x1e: {  	s7 =	smul.u32 @!p0 $0xF7A, s2;
	p2 =	seq.s32 @!p0 s5, $0x0  }
0x1f: {  	s9 =	smul.u32 $0xF7A, s1;
	s8 =	simm.s32 @!p0 $0x1BF5;
	p2 =	por !p2, p0  }
0x20: {  	[sflag:s8] =	ssyncset.s32 @!p0 $0xFFFFF086;
	s6 =	sadd.s32 @!p0 s3, s7;
	s7 =	simm.s32 @!p0 $0x108  }
0x21: {  	s3 =	sadd.s32 s3, s9;
	s6 =	sadd.s32 @!p0 $0x88, s6;
	s7 =	simm.s32 @p2 $0x1082  }
0x22: {  	[simem:s7], [sflag:s8] =	dma.local @!p0 [hbm:s6], $0xF7A  }
0x23: {  	s9 =	sor.u32 $0xD0000000, s2;
	s6 =	simm.s32 $0x108;
	_ =	swait.ge @!p0 [sflag:s8], $0x0  }
0x24: {  	s3 =	sadd.s32 $0x88, s3;
	s6 =	simm.s32 @!p1 $0x1082;
	[sflag:s4] =	ssyncset.s32 $0xFFFFF086  }
0x25: {  	[simem:s6], [sflag:s4] =	dma.local [hbm:s3], $0xF7A  }
0x26: {  	[smem:$0x3F97] =	sst s1;
	(tag) =	ssettag s2;
	_ =	strace s9  }
0x27: {  	s1 =	sld [smem:$0x3FA7]  }
0x28: {  	s2 =	sld [smem:$0x3FA8]  }
0x29: {  	s4 =	sld [smem:$0x3FAA]  }
0x2a: {  	p0 =	seq.s32 s5, $0x0;
	s5 =	sld [smem:$0x3FAB]  }
0x2b: {  	s6 =	sld [smem:$0x3FAC]  }
0x2c: {  	s7 =	sld [smem:$0x3FAD]  }
0x2d: {  	s3 =	simm.s32 $0x108;
	s8 =	sld [smem:$0x3FAE]  }
0x2e: {  	s3 =	simm.s32 @!p0 $0x1082;
	s9 =	sld [smem:$0x3FAF]  }
0x2f: {  	lr =	sadd.s32 s0, s3;
	s0 =	sld [smem:$0x3FA6]  }
0x30: {  	s3 =	sld [smem:$0x3FA9]  }
0x31: {  	[smem:$0x3FB2] =	sst s10  }
0x32: {  	s10 =	sld [smem:$0x3FB0];
	_ =	sdelay $0x3  }
0x33: {  	p0 =	seq.s32 s10, $0x1;
	s10 =	sld [smem:$0x3FB2];
	_ =	sdelay $0x3  }
0x34: {  	[smem:$0x3FB2] =	sst s10  }
0x35: {  	s10 =	sld [smem:$0x3FB1];
	_ =	sdelay $0x3  }
0x36: {  	p1 =	seq.s32 s10, $0x1;
	s10 =	sld [smem:$0x3FB2];
	_ =	sdelay $0x3  }
0x37: {  	[smem:$0x3FB2] =	sst s10  }
0x38: {  	s10 =	sld [smem:$0x3FB3]  }
0x39: {  	_ = 	snop;
	(pc) =	sbr.ind lr, $3  }
0x3a: {  	_ = 	snop  }
0x3b: {  	_ = 	snop  }
0x3c: {  	p2 =	seq.s32 s10, $0x1;
	s10 =	sld [smem:$0x3FB2]  }
0x3d: {  	_ =	shalt  }
0x3e: {  	_ =	shalt  }
0x3f: {  	_ =	shalt  }
0x40: {  	_ =	shalt  }
0x41: {  	_ =	shalt  }
0x42: {  	_ =	shalt  }
0x43: {  	_ =	shalt  }
0x44: {  	_ =	shalt  }
0x45: {  	_ =	shalt  }
0x46: {  	_ =	shalt  }
0x47: {  	_ =	shalt  }
0x48: {  	_ =	shalt  }
0x49: {  	_ =	shalt  }
0x4a: {  	_ =	shalt  }
0x4b: {  	_ =	shalt  }
0x4c: {  	_ =	shalt  }
0x4d: {  	_ =	shalt  }
0x4e: {  	_ =	shalt  }
0x4f: {  	_ =	shalt  }
0x50: {  	_ =	shalt  }
0x51: {  	_ =	shalt  }
0x52: {  	_ =	shalt  }
0x53: {  	_ =	shalt  }
0x54: {  	_ =	shalt  }
0x55: {  	_ =	shalt  }
0x56: {  	_ =	shalt  }
0x57: {  	_ =	shalt  }
0x58: {  	_ =	shalt  }
0x59: {  	_ =	shalt  }
0x5a: {  	_ =	shalt  }
0x5b: {  	_ =	shalt  }
0x5c: {  	_ =	shalt  }
0x5d: {  	_ =	shalt  }
0x5e: {  	_ =	shalt  }
0x5f: {  	_ =	shalt  }
0x60: {  	_ =	shalt  }
0x61: {  	_ =	shalt  }
0x62: {  	_ =	shalt  }
0x63: {  	_ =	shalt  }
0x64: {  	_ =	shalt  }
0x65: {  	_ =	shalt  }
0x66: {  	_ =	shalt  }
0x67: {  	_ =	shalt  }
0x68: {  	_ =	shalt  }
0x69: {  	_ =	shalt  }
0x6a: {  	_ =	shalt  }
0x6b: {  	_ =	shalt  }
0x6c: {  	_ =	shalt  }
0x6d: {  	_ =	shalt  }
0x6e: {  	_ =	shalt  }
0x6f: {  	_ =	shalt  }
0x70: {  	_ =	shalt  }
0x71: {  	_ =	shalt  }
0x72: {  	_ =	shalt  }
0x73: {  	_ =	shalt  }
0x74: {  	_ =	shalt  }
0x75: {  	_ =	shalt  }
0x76: {  	_ =	shalt  }
0x77: {  	_ =	shalt  }
0x78: {  	_ =	shalt  }
0x79: {  	_ =	shalt  }
0x7a: {  	_ =	shalt  }
0x7b: {  	_ =	shalt  }
0x7c: {  	_ =	shalt  }
0x7d: {  	_ =	shalt  }
0x7e: {  	_ =	shalt  }
0x7f: {  	_ =	shalt  }
0x80: {  	_ =	shalt  }
0x81: {  	_ =	shalt  }
0x82: {  	_ =	shalt  }
0x83: {  	_ =	shalt  }
0x84: {  	_ =	shalt  }
0x85: {  	_ =	shalt  }
0x86: {  	_ =	shalt  }
0x87: {  	_ =	shalt  }
.Lfunc_end0:
.L_simem_size_0:
called_computation_lowered:
.L_overlay_start_0:
0x88: {  	s2 =	sld [smem:$0x3FD9]  }
0x89: {  	s3 =	sld [smem:$0x3FFE];
	_ =	sdelay $0x1  }
0x8a: {  	s1 =	srdreg.scid  }
0x8b: {  	s0 =	sand.u32 $0x1, s1  }
0x8c: {  	s16 =	sshll.u32 s0, $0xA;
	s2 =	sadd.s32 s3, s2  }
0x8d: {  	s2 =	sadd.s32 s2, s16  }
0x8e: {  	[smem:$0x3FBE] =	sst s2  }
0x8f: {  	_ = 	snop  }
0x90: {  	(tm) =	ssettm $0x1  }
0x91: {  	s17 =	sld [smem:$0x3FFB];
	_ =	sdelay $0x3  }
0x92: {  	_ =	strace s17  }
0x93: {  	s2 =	sld [smem:$0x3FFC];
	_ =	sdelay $0x3  }
0x94: {  	_ =	strace s2  }
0x95: {  	s2 =	sld [smem:$0x3FFD];
	_ =	sdelay $0x3  }
0x96: {  	_ =	strace s2  }
0x97: {  	_ =	strace $0x8FFFFFFF  }
0x98: {  	s18 =	sld [smem:$0x3FDB];
	_ =	sdelay $0x1  }
0x99: {  	s19 =	simm.s32 $_scs_section_size  }
0x9a: {  	s4 =	simm.s32 $_size__tile_overlayer_lowered;
	s5 =	simm.s32 $_tile_overlayer_lowered  }
0x9b: {  	s22 =	simm.s32 $0x1BFF;
	s21 =	sshll.u32 s5, $0x1;
	s2 =	sadd.s32 s19, s18  }
0x9c: {  	s6 =	simm.s32 $0x0;
	s20 =	sshll.u32 s4, $0x1;
	s4 =	sadd.s32 s21, s2  }
0x9d: {  	[timem:s6], [sflag:s22] =	dma.local [hbm:s4], s20  }
0x9e: {  	_ =	swait.ge [sflag:s22], s20  }
0x9f: {  	s3 =	ssub.s32 $0x0, s20;
	[sflag:s22] =	ssyncset.done $0x0  }
0xa0: {  	[sflag:s22] =	ssyncadd.s32 s3;
	_ =	sdelay $0x1  }
0xa1: {  	s23 =	simm.s32 $0x1B8B  }
0xa2: {  	_ =	swait.ge [sflag:s23], $0x1  }
0xa3: {  	[sflag:s23] =	ssyncset.done $0x0  }
0xa4: {  	s25 =	simm.s32 $0x1B8E;
	s24 =	sld [smem:$0x3FFE];
	[sflag:s23] =	ssyncadd.s32 $0xFFFFFFFF  }
0xa5: {  	s26 =	simm.s32 $execute0_lowered;
	[smem:$0x3FD2] =	sst s25  }
0xa6: {  	s4 =	sshll.u32 s26, $0x1;
	_ =	strace $0x80000046;
	[dreg:$0x1] =	wrdreg $0xFFFFFFFF  }
0xa7: {  	s28 =	simm.s32 $_size_execute0_lowered;
	s2 =	sadd.s32 s2, s4;
	[dreg:$0x0] =	wrdreg $0x0  }
0xa8: {  	s4 =	sshll.u32 s28, $0x1;
	[dreg:$0x2] =	wrdreg s2  }
0xa9: {  	[dreg:$0x3] =	wrdreg s4  }
0xaa: {  	[dreg:$0x4] =	wrdreg $0xC0  }
0xab: {  	_ =	task [dreg:s6], $0x5FFFF  }
0xac: {  	[dreg:$0x1] =	wrdreg $0xFFFFFFFF  }
0xad: {  	[dreg:$0x0] =	wrdreg $0x60  }
0xae: {  	[dreg:$0x2] =	wrdreg s24  }
0xaf: {  	[dreg:$0x3] =	wrdreg $0xF0000  }
0xb0: {  	[dreg:$0x4] =	wrdreg $0x9  }
0xb1: {  	_ =	task.clear_ibuf [dreg:s6], $0x5FFFF;
	_ =	strace $0x90000046  }
0xb2: {  	s29 =	simm.s32 $0x9;
	_ =	strace $0x80000048  }
0xb3: {  	_ =	swait.ge [sflag:s29], $0x1  }
0xb4: {  	[sflag:s29] =	ssyncadd.s32 $0xFFFFFFFF  }
0xb5: {  	_ =	strace $0x90000048  }
0xb6: {  	_ =	sfence  }
0xb7: {  	s30 =	sld [smem:$0x0];
	_ =	sdelay $0x2  }
0xb8: {  	s31 =	sshll.u32 s1, $0xD;
	s1 =	sshrl.u32 s1, $0x2  }
0xb9: {  	s3 =	sand.u32 $0x4000, s31;
	s1 =	sadd.s32 s1, s30  }
0xba: {  	s0 =	sor.u32 s3, s0;
	s1 =	sshll.u32 s1, $0x11  }
0xbb: {  	s0 =	sor.u32 s1, s0  }
0xbc: {  	s0 =	sadd.s32 $0x8F2B, s0  }
0xbd: {  	[sflag:s0] =	ssyncadd.remote.s32 $0x1  }
0xbe: {  	_ =	sfence.sel $0xFFFF  }
0xbf: {  	[dreg:$0x0] =	wrdreg $0xFFFFFFFF;
	(pc) =	sbr.abs _section_cstart, $3  }
0xc0: {  	[dreg:$0x1] =	wrdreg $0xFFFFFFFF  }
0xc1: {  	_ =	task.clear_ibuf [dreg:s6], $0x2FFFF;
	_ =	strace $0x9FFFFFFF  }
0xc2: {  	(tm) =	ssettm $0x7FFFFFFF  }
0xc3: {  	_ =	shalt  }
tec
execute0_lowered:
.L_overlay_start_1:
0x0: {  	(tag) =	ssettag $0x1  }
0x1: {  	s2 =	rddreg [dreg:$0x0]  }
0x2: {  	s1 =	simm.s32 $0x0;
	s0 =	srdreg.scid;
	s18 =	stileid.u32  }
0x3: {  	s28 =	simm.s32 $0x5;
	s29 =	simm.s32 $0x0;
	[smem:$0x7FF] =	sst s1  }
0x4: {  	s0 =	sand.u32 $0x1, s0;
	s3 =	sshll.u32 s18, $0x1;
	s4 =	smul.u32 $0x13880, s18  }
0x5: {  	s7 =	sadd.s32 $0x2DE00, s2;
	s3 =	sor.u32 s0, s3;
	s6 =	smul.u32 $0xC3500, s0  }
0x6: {  	p0 =	sgt.u32 s18, $0x9;
	s5 =	ssub.s32 $0x2, s0;
	s3 =	smul.u32 $0x500, s3  }
0x7: {  	s9 =	sshrl.u32 s5, $0x1;
	s8 =	sadd.s32 $0x1E00, s4;
	s10 =	sadd.s32 s4, s6  }
0x8: {  	s0 =	ssub.s32 s5, s9;
	s9 =	sadd.s32 s6, s8;
	s5 =	sshrl.u32 s10, $0x3  }
0x9: {  	s10 =	sadd.s32 $0x3C00, s4;
	s11 =	sshrl.u32 s9, $0x3;
	s9 =	sadd.s32 $0x5A00, s4  }
0xa: {  	s5 =	sadd.s32 s7, s5;
	s12 =	sadd.s32 s6, s10;
	s14 =	sadd.s32 s6, s9  }
0xb: {  	[dreg:$0x3] =	wrdreg s5;
	s5 =	sadd.s32 s7, s11;
	s13 =	sshrl.u32 s12, $0x3  }
0xc: {  	s11 =	sadd.s32 $0x7800, s4;
	[dreg:$0x4] =	wrdreg s5;
	s5 =	sadd.s32 s7, s13  }
0xd: {  	s12 =	sadd.s32 s6, s11;
	s13 =	sadd.s32 $0x9600, s4;
	[dreg:$0x5] =	wrdreg s5  }
0xe: {  	s5 =	sshrl.u32 s14, $0x3;
	s15 =	sshrl.u32 s12, $0x3;
	s16 =	sadd.s32 s6, s13  }
0xf: {  	s14 =	sadd.s32 $0xB400, s4;
	s5 =	sadd.s32 s7, s5;
	s17 =	sshrl.u32 s16, $0x3  }
0x10: {  	s19 =	sadd.s32 s6, s14;
	[dreg:$0x6] =	wrdreg s5;
	s5 =	sadd.s32 s7, s15  }
0x11: {  	[dreg:$0x7] =	wrdreg s5;
	s5 =	sadd.s32 s7, s17;
	s17 =	sadd.s32 $0xD200, s4  }
0x12: {  	[dreg:$0x8] =	wrdreg s5;
	s5 =	sshrl.u32 s19, $0x3;
	s20 =	sadd.s32 s6, s17  }
0x13: {  	s19 =	sadd.s32 $0xF000, s4;
	s5 =	sadd.s32 s7, s5;
	s21 =	sshrl.u32 s20, $0x3  }
0x14: {  	s22 =	sadd.s32 s6, s19;
	s20 =	sadd.s32 $0x10E00, s4;
	[dreg:$0x9] =	wrdreg s5  }
0x15: {  	s5 =	sadd.s32 s7, s21;
	s23 =	sshrl.u32 s22, $0x3;
	s24 =	sadd.s32 s6, s20  }
0x16: {  	s21 =	sadd.s32 $0x12C00, s4;
	[dreg:$0xa] =	wrdreg s5;
	s5 =	sadd.s32 s7, s23  }
0x17: {  	s6 =	sadd.s32 s6, s21;
	[dreg:$0xb] =	wrdreg s5;
	s5 =	sshrl.u32 s24, $0x3  }
0x18: {  	s12 =	rddreg [dreg:$0x1];
	s6 =	sshrl.u32 s6, $0x3;
	s5 =	sadd.s32 s7, s5  }
0x19: {  	s3 =	sadd.s32 s3, s2;
	s25 =	sadd.s32 s7, s6;
	[dreg:$0xc] =	wrdreg s5  }
0x1a: {  	s31 =	smax.u32 s0, $0x1;
	s30 =	sadd.s32 $0x23E00, s3;
	[dreg:$0xd] =	wrdreg s25  }
0x1b: {  	s5 =	sadd.s32 $0x19E00, s3;
	_ =	strace $0x80000047;
	[dreg:$0xe] =	wrdreg s30  }
0x1c: {  	s16 =	smul.u32 $0x4E200, s18;
	s6 =	sadd.s32 s4, s12;
	[dreg:$0xf] =	wrdreg s5  }
0x1d: {  	s11 =	sadd.s32 s11, s12;
	s7 =	sadd.s32 s8, s12;
	[dreg:$0x10] =	wrdreg s6  }
0x1e: {  	s26 =	sshrl.u32 s16, $0x2;
	s8 =	sadd.s32 s10, s12;
	[dreg:$0x11] =	wrdreg s7  }
0x1f: {  	s16 =	sadd.s32 s26, s12;
	s10 =	sadd.s32 s9, s12;
	[dreg:$0x12] =	wrdreg s8  }
0x20: {  	s15 =	sadd.s32 $0x1600, s2;
	s0 =	sadd.s32 $0x3C00, s16;
	[dreg:$0x13] =	wrdreg s10  }
0x21: {  	s2 =	sadd.s32 $0x5A00, s16;
	s22 =	sadd.s32 s13, s12;
	[dreg:$0x14] =	wrdreg s11  }
0x22: {  	s26 =	sadd.s32 s20, s12;
	s23 =	sadd.s32 s14, s12;
	[dreg:$0x15] =	wrdreg s22  }
0x23: {  	s20 =	simm.s32 $0x7800;
	s24 =	sadd.s32 s17, s12;
	[dreg:$0x16] =	wrdreg s23  }
0x24: {  	s14 =	simm.s32 $0x80;
	s25 =	sadd.s32 s19, s12;
	[dreg:$0x17] =	wrdreg s24  }
0x25: {  	s4 =	sadd.s32 $0x9600, s16;
	s9 =	sadd.s32 $0x12C00, s16;
	[dreg:$0x18] =	wrdreg s25  }
0x26: {  	s3 =	sadd.s32 $0x7800, s16;
	s19 =	simm.s32 $0x5000;
	[dreg:$0x19] =	wrdreg s26  }
.Ltmp0:
0x27: {  	s30 =	sadd.s32 s21, s12;
	s11 =	sadd.s32 $0x1E00, s16;
	(pc) =	sbr.rel .LBB2_1-.Ltmp0, $4  }
0x28: {  	s5 =	sadd.s32 $0xB400, s16;
	s6 =	sadd.s32 $0xD200, s16;
	s7 =	sadd.s32 $0xF000, s16  }
0x29: {  	s8 =	sadd.s32 $0x10E00, s16;
	s10 =	simm.s32 $0x6;
	s21 =	simm.s32 $0xA000  }
0x2a: {  	s22 =	simm.s32 $0xC800;
	s23 =	simm.s32 $0x1;
	s24 =	simm.s32 $0x2  }
0x2b: {  	v0 =	vimm.f32 $0.0e+00;
	s25 =	simm.s32 $0x3;
	s26 =	simm.s32 $0x4;
	[dreg:$0x1a] =	wrdreg s30  }
.LBB2_7:
0x2c: {  	s29 =	sadd.s32 $0x1, s29  }
0x2d: {  	p1 =	sne.s32 s29, s31  }
.Ltmp1:
0x2e: {  	_ = 	snop;
	(pc) =	sbr.rel @!p1 .LBB2_8-.Ltmp1, $1  }
0x2f: {  	_ =	sdelay $0x3  }
.LBB2_1:
0x30: {  	s30 =	simm.s32 $0x140;
	s13 =	simm.s32 $0x0  }
.LBB2_2:
0x31: {  	p1 =	sne.s32 s30, $0x9EC0;
	[tilespmem:s13+$0x5040] =	vst v0;
	s17 =	smov.u32 s30;
	s30 =	sadd.s32 $0x140, s30  }
.Ltmp2:
0x32: {  	[tilespmem:s13+$0x5030] =	vst v0;
	(pc) =	sbr.rel @p1 .LBB2_2-.Ltmp2, $4  }
0x33: {  	[tilespmem:s13+$0x5020] =	vst v0  }
0x34: {  	[tilespmem:s13+$0x5000] =	vst v0  }
0x35: {  	[tilespmem:s13+$0x5010] =	vst v0  }
0x36: {  	s13 =	sshra.s32 s17, $0x2  }
0x37: {  	[tilespmem:s13+$0x5040] =	vst v0  }
0x38: {  	[tilespmem:s13+$0x5030] =	vst v0  }
0x39: {  	[tilespmem:s13+$0x5020] =	vst v0  }
0x3a: {  	[tilespmem:s13+$0x5000] =	vst v0  }
0x3b: {  	[tilespmem:s13+$0x5010] =	vst v0;
	s13 =	simm.s32 @!p0 $0x5000;
	s17 =	simm.s32 @!p0 $0x6  }
0x3c: {  	[spmem:s16] =	stream.linear.scatter @!p0 [tilespmem:s13], [sflag:$0x6], $0x1E00, $0x38;
	[tilespmem:$0x1B800] =	vst v63  }
0x3d: {  	_ =	swait.ge @!p0 [sflag:s17], $0x1E00  }
0x3e: {  	[sflag:s17] =	ssyncset.done @!p0 $0x0  }
0x3f: {  	[sflag:s17] =	ssyncadd.s32 @!p0 $0xFFFFE200  }
0x40: {  	[spmem:s11] =	stream.linear.scatter @!p0 [tilespmem:s13], [sflag:$0x6], $0x1E00, $0x38;
	[tilespmem:$0x1B800] =	vst v63  }
0x41: {  	_ =	swait.ge @!p0 [sflag:s17], $0x1E00  }
0x42: {  	[sflag:s17] =	ssyncset.done @!p0 $0x0  }
0x43: {  	[sflag:s17] =	ssyncadd.s32 @!p0 $0xFFFFE200  }
0x44: {  	[spmem:s0] =	stream.linear.scatter @!p0 [tilespmem:s13], [sflag:$0x6], $0x1E00, $0x38;
	[tilespmem:$0x1B800] =	vst v63  }
0x45: {  	_ =	swait.ge @!p0 [sflag:s17], $0x1E00  }
0x46: {  	[sflag:s17] =	ssyncset.done @!p0 $0x0  }
0x47: {  	[sflag:s17] =	ssyncadd.s32 @!p0 $0xFFFFE200  }
0x48: {  	[spmem:s2] =	stream.linear.scatter @!p0 [tilespmem:s13], [sflag:$0x6], $0x1E00, $0x38;
	[tilespmem:$0x1B800] =	vst v63  }
0x49: {  	_ =	swait.ge @!p0 [sflag:s17], $0x1E00  }
0x4a: {  	[sflag:s17] =	ssyncset.done @!p0 $0x0  }
0x4b: {  	[sflag:s17] =	ssyncadd.s32 @!p0 $0xFFFFE200  }
0x4c: {  	[spmem:s3] =	stream.linear.scatter @!p0 [tilespmem:s13], [sflag:$0x6], $0x1E00, $0x38;
	[tilespmem:$0x1B800] =	vst v63  }
0x4d: {  	_ =	swait.ge @!p0 [sflag:s17], $0x1E00  }
0x4e: {  	[sflag:s17] =	ssyncset.done @!p0 $0x0  }
0x4f: {  	[sflag:s17] =	ssyncadd.s32 @!p0 $0xFFFFE200  }
0x50: {  	[spmem:s4] =	stream.linear.scatter @!p0 [tilespmem:s13], [sflag:$0x6], $0x1E00, $0x38;
	[tilespmem:$0x1B800] =	vst v63  }
0x51: {  	_ =	swait.ge @!p0 [sflag:s17], $0x1E00  }
0x52: {  	[sflag:s17] =	ssyncset.done @!p0 $0x0  }
0x53: {  	[sflag:s17] =	ssyncadd.s32 @!p0 $0xFFFFE200  }
0x54: {  	[spmem:s5] =	stream.linear.scatter @!p0 [tilespmem:s13], [sflag:$0x6], $0x1E00, $0x38;
	[tilespmem:$0x1B800] =	vst v63  }
0x55: {  	_ =	swait.ge @!p0 [sflag:s17], $0x1E00  }
0x56: {  	[sflag:s17] =	ssyncset.done @!p0 $0x0  }
0x57: {  	[sflag:s17] =	ssyncadd.s32 @!p0 $0xFFFFE200  }
0x58: {  	[spmem:s6] =	stream.linear.scatter @!p0 [tilespmem:s13], [sflag:$0x6], $0x1E00, $0x38;
	[tilespmem:$0x1B800] =	vst v63  }
0x59: {  	_ =	swait.ge @!p0 [sflag:s17], $0x1E00  }
0x5a: {  	[sflag:s17] =	ssyncset.done @!p0 $0x0  }
0x5b: {  	[sflag:s17] =	ssyncadd.s32 @!p0 $0xFFFFE200  }
0x5c: {  	[spmem:s7] =	stream.linear.scatter @!p0 [tilespmem:s13], [sflag:$0x6], $0x1E00, $0x38;
	[tilespmem:$0x1B800] =	vst v63  }
0x5d: {  	_ =	swait.ge @!p0 [sflag:s17], $0x1E00  }
0x5e: {  	[sflag:s17] =	ssyncset.done @!p0 $0x0  }
0x5f: {  	[sflag:s17] =	ssyncadd.s32 @!p0 $0xFFFFE200  }
0x60: {  	[spmem:s8] =	stream.linear.scatter @!p0 [tilespmem:s13], [sflag:$0x6], $0x1E00, $0x38;
	[tilespmem:$0x1B800] =	vst v63  }
0x61: {  	_ =	swait.ge @!p0 [sflag:s17], $0x1E00  }
0x62: {  	[sflag:s17] =	ssyncset.done @!p0 $0x0  }
0x63: {  	[sflag:s17] =	ssyncadd.s32 @!p0 $0xFFFFE200  }
0x64: {  	[spmem:s9] =	stream.linear.scatter @!p0 [tilespmem:s13], [sflag:$0x6], $0xC80, $0x38;
	[tilespmem:$0x1B800] =	vst v63  }
0x65: {  	_ =	swait.ge @!p0 [sflag:s17], $0xC80  }
0x66: {  	[sflag:s17] =	ssyncset.done @!p0 $0x0  }
0x67: {  	[sflag:s17] =	ssyncadd.s32 @!p0 $0xFFFFF380  }
0x68: {  	[bflag:$0x0] =	sbarrier.arrive $0xFFFF  }
0x69: {  	s13 =	simm.s32 $0x0;
	s18 =	rddreg [dreg:$0xe]  }
0x6a: {  	[tilespmem:s13], [sflag:$0x6] =	stream.linear.gather [hbm4b:s18+s13], $0x2800, $0x38;
	[tilespmem:$0x1B800] =	vst v63  }
0x6b: {  	_ =	swait.ge [sflag:s10], $0x2800  }
0x6c: {  	[sflag:s10] =	ssyncset.done $0x0  }
0x6d: {  	s18 =	simm.s32 $0x2800;
	s17 =	rddreg [dreg:$0xf];
	[sflag:s10] =	ssyncadd.s32 $0xFFFFD800  }
0x6e: {  	[tilespmem:s18], [sflag:$0x6] =	stream.linear.gather [hbm4b:s17+s13], $0x2800, $0x38;
	[tilespmem:$0x1B800] =	vst v63  }
0x6f: {  	_ =	swait.ge [sflag:s10], $0x2800  }
0x70: {  	[sflag:s10] =	ssyncset.done $0x0  }
0x71: {  	s17 =	simm.s32 $0x0;
	[sflag:s10] =	ssyncadd.s32 $0xFFFFD800  }
0x72: {  	[tilespmem:s19], [sflag:$0x1] =	stream.indirect.gather [hbm4b:s15+s14], $0x50, s17, s14, $0xb8;
	[tilespmem:$0x1B800] =	vst v63  }
0x73: {  	s18 =	simm.s32 $0x80  }
0x74: {  	[tilespmem:s20], [sflag:$0x2] =	stream.indirect.gather [hbm4b:s15+s14], $0x50, s18, s14, $0xb8;
	[tilespmem:$0x1B800] =	vst v63  }
0x75: {  	s17 =	simm.s32 $0x100  }
0x76: {  	[tilespmem:s21], [sflag:$0x3] =	stream.indirect.gather [hbm4b:s15+s14], $0x50, s17, s14, $0xb8;
	[tilespmem:$0x1B800] =	vst v63  }
0x77: {  	s18 =	simm.s32 $0x180  }
0x78: {  	[tilespmem:s22], [sflag:$0x4] =	stream.indirect.gather [hbm4b:s15+s14], $0x50, s18, s14, $0xb8;
	[tilespmem:$0x1B800] =	vst v63  }
0x79: {  	_ =	swait.ge [sflag:s23], $0x2800  }
0x7a: {  	[sflag:s23] =	ssyncset.done $0x0  }
0x7b: {  	s17 =	simm.s32 $0x2800;
	[sflag:s23] =	ssyncadd.s32 $0xFFFFD800  }
0x7c: {  	[spmem:s12] =	stream.indirect.scatter.add.f32 [tilespmem:s19], [sflag:$0x5], $0x50, s17, s14, $0xb8;
	[tilespmem:$0x1B800] =	vst v63  }
0x7d: {  	_ =	swait.ge [sflag:s24], $0x2800  }
0x7e: {  	[sflag:s24] =	ssyncset.done $0x0  }
0x7f: {  	s18 =	simm.s32 $0x2880;
	[sflag:s24] =	ssyncadd.s32 $0xFFFFD800  }
0x80: {  	[spmem:s12] =	stream.indirect.scatter.add.f32 [tilespmem:s20], [sflag:$0x5], $0x50, s18, s14, $0xb8;
	[tilespmem:$0x1B800] =	vst v63  }
0x81: {  	_ =	swait.ge [sflag:s25], $0x2800  }
0x82: {  	[sflag:s25] =	ssyncset.done $0x0  }
0x83: {  	s17 =	simm.s32 $0x2900;
	[sflag:s25] =	ssyncadd.s32 $0xFFFFD800  }
0x84: {  	[spmem:s12] =	stream.indirect.scatter.add.f32 [tilespmem:s21], [sflag:$0x5], $0x50, s17, s14, $0xb8;
	[tilespmem:$0x1B800] =	vst v63  }
0x85: {  	_ =	swait.ge [sflag:s26], $0x2800  }
0x86: {  	[sflag:s26] =	ssyncset.done $0x0  }
0x87: {  	s18 =	simm.s32 $0x2980;
	[sflag:s26] =	ssyncadd.s32 $0xFFFFD800  }
0x88: {  	[spmem:s12] =	stream.indirect.scatter.add.f32 [tilespmem:s22], [sflag:$0x5], $0x50, s18, s14, $0xb8;
	[tilespmem:$0x1B800] =	vst v63  }
0x89: {  	_ =	swait.ge [sflag:s28], $0x2800  }
0x8a: {  	[sflag:s28] =	ssyncset.done $0x0  }
0x8b: {  	[sflag:s28] =	ssyncadd.s32 $0xFFFFD800  }
0x8c: {  	_ =	swait.ge [sflag:s28], $0x2800  }
0x8d: {  	[sflag:s28] =	ssyncset.done $0x0  }
0x8e: {  	[sflag:s28] =	ssyncadd.s32 $0xFFFFD800  }
0x8f: {  	_ =	swait.ge [sflag:s28], $0x2800  }
0x90: {  	[sflag:s28] =	ssyncset.done $0x0  }
0x91: {  	[sflag:s28] =	ssyncadd.s32 $0xFFFFD800  }
0x92: {  	_ =	swait.ge [sflag:s28], $0x2800  }
0x93: {  	s30 =	simm.s32 $0x800;
	s13 =	simm.s32 $0x1000;
	[sflag:s28] =	ssyncset.done $0x0  }
.LBB2_4:
0x94: {  	s18 =	sshra.s32 s30, $0x2  }
0x95: {  	[sflag:s28] =	ssyncadd.s32 $0xFFFFD800;
	s30 =	smov.u32 s13;
	s17 =	sadd.s32 $0x800, s13  }
0x96: {  	[tilespmem:s19], [sflag:$0x1] =	stream.indirect.gather [hbm4b:s15+s14], $0x50, s18, s14, $0xb8;
	[tilespmem:$0x1B800] =	vst v63  }
0x97: {  	p1 =	sne.s32 s13, $0x9800;
	s13 =	sadd.s32 $0x80, s18  }
0x98: {  	[tilespmem:s20], [sflag:$0x2] =	stream.indirect.gather [hbm4b:s15+s14], $0x50, s13, s14, $0xb8;
	[tilespmem:$0x1B800] =	vst v63  }
0x99: {  	s13 =	sadd.s32 $0x100, s18  }
0x9a: {  	[tilespmem:s21], [sflag:$0x3] =	stream.indirect.gather [hbm4b:s15+s14], $0x50, s13, s14, $0xb8;
	[tilespmem:$0x1B800] =	vst v63  }
0x9b: {  	s13 =	sadd.s32 $0x180, s18  }
0x9c: {  	[tilespmem:s22], [sflag:$0x4] =	stream.indirect.gather [hbm4b:s15+s14], $0x50, s13, s14, $0xb8;
	[tilespmem:$0x1B800] =	vst v63  }
0x9d: {  	_ =	swait.ge [sflag:s23], $0x2800  }
0x9e: {  	[sflag:s23] =	ssyncset.done $0x0  }
0x9f: {  	s13 =	sadd.s32 $0x2800, s18;
	[sflag:s23] =	ssyncadd.s32 $0xFFFFD800  }
0xa0: {  	[spmem:s12] =	stream.indirect.scatter.add.f32 [tilespmem:s19], [sflag:$0x5], $0x50, s13, s14, $0xb8;
	[tilespmem:$0x1B800] =	vst v63  }
0xa1: {  	_ =	swait.ge [sflag:s24], $0x2800  }
0xa2: {  	[sflag:s24] =	ssyncset.done $0x0  }
0xa3: {  	s13 =	sadd.s32 $0x2880, s18;
	[sflag:s24] =	ssyncadd.s32 $0xFFFFD800  }
0xa4: {  	[spmem:s12] =	stream.indirect.scatter.add.f32 [tilespmem:s20], [sflag:$0x5], $0x50, s13, s14, $0xb8;
	[tilespmem:$0x1B800] =	vst v63  }
0xa5: {  	_ =	swait.ge [sflag:s25], $0x2800  }
0xa6: {  	[sflag:s25] =	ssyncset.done $0x0  }
0xa7: {  	s13 =	sadd.s32 $0x2900, s18;
	[sflag:s25] =	ssyncadd.s32 $0xFFFFD800  }
0xa8: {  	[spmem:s12] =	stream.indirect.scatter.add.f32 [tilespmem:s21], [sflag:$0x5], $0x50, s13, s14, $0xb8;
	[tilespmem:$0x1B800] =	vst v63  }
0xa9: {  	_ =	swait.ge [sflag:s26], $0x2800  }
0xaa: {  	[sflag:s26] =	ssyncset.done $0x0  }
0xab: {  	s13 =	sadd.s32 $0x2980, s18;
	[sflag:s26] =	ssyncadd.s32 $0xFFFFD800  }
0xac: {  	[spmem:s12] =	stream.indirect.scatter.add.f32 [tilespmem:s22], [sflag:$0x5], $0x50, s13, s14, $0xb8;
	[tilespmem:$0x1B800] =	vst v63  }
0xad: {  	_ =	swait.ge [sflag:s28], $0x2800  }
0xae: {  	[sflag:s28] =	ssyncset.done $0x0  }
0xaf: {  	[sflag:s28] =	ssyncadd.s32 $0xFFFFD800  }
0xb0: {  	_ =	swait.ge [sflag:s28], $0x2800  }
0xb1: {  	[sflag:s28] =	ssyncset.done $0x0  }
0xb2: {  	[sflag:s28] =	ssyncadd.s32 $0xFFFFD800  }
.Ltmp3:
0xb3: {  	_ =	swait.ge [sflag:s28], $0x2800;
	(pc) =	sbr.rel @p1 .LBB2_4-.Ltmp3, $4  }
0xb4: {  	[sflag:s28] =	ssyncset.done $0x0  }
0xb5: {  	[sflag:s28] =	ssyncadd.s32 $0xFFFFD800  }
0xb6: {  	_ =	swait.ge [sflag:s28], $0x2800  }
0xb7: {  	s13 =	smov.u32 s17;
	[sflag:s28] =	ssyncset.done $0x0  }
0xb8: {  	s13 =	sshra.s32 s30, $0x2;
	[sflag:s28] =	ssyncadd.s32 $0xFFFFD800  }
0xb9: {  	[tilespmem:s19], [sflag:$0x1] =	stream.indirect.gather [hbm4b:s15+s14], $0x50, s13, s14, $0xb8;
	[tilespmem:$0x1B800] =	vst v63  }
0xba: {  	s17 =	sadd.s32 $0x80, s13  }
0xbb: {  	[tilespmem:s20], [sflag:$0x2] =	stream.indirect.gather [hbm4b:s15+s14], $0x50, s17, s14, $0xb8;
	[tilespmem:$0x1B800] =	vst v63  }
0xbc: {  	s30 =	sadd.s32 $0x100, s13  }
0xbd: {  	[tilespmem:s21], [sflag:$0x3] =	stream.indirect.gather [hbm4b:s15+s14], $0x50, s30, s14, $0xb8;
	[tilespmem:$0x1B800] =	vst v63  }
0xbe: {  	s18 =	sadd.s32 $0x180, s13  }
0xbf: {  	[tilespmem:s22], [sflag:$0x4] =	stream.indirect.gather [hbm4b:s15+s14], $0x50, s18, s14, $0xb8;
	[tilespmem:$0x1B800] =	vst v63  }
0xc0: {  	_ =	swait.ge [sflag:s23], $0x2800  }
0xc1: {  	[sflag:s23] =	ssyncset.done $0x0  }
0xc2: {  	s30 =	sadd.s32 $0x2800, s13;
	[sflag:s23] =	ssyncadd.s32 $0xFFFFD800  }
0xc3: {  	[spmem:s12] =	stream.indirect.scatter.add.f32 [tilespmem:s19], [sflag:$0x5], $0x50, s30, s14, $0xb8;
	[tilespmem:$0x1B800] =	vst v63  }
0xc4: {  	_ =	swait.ge [sflag:s24], $0x2800  }
0xc5: {  	[sflag:s24] =	ssyncset.done $0x0  }
0xc6: {  	s18 =	sadd.s32 $0x2880, s13;
	[sflag:s24] =	ssyncadd.s32 $0xFFFFD800  }
0xc7: {  	[spmem:s12] =	stream.indirect.scatter.add.f32 [tilespmem:s20], [sflag:$0x5], $0x50, s18, s14, $0xb8;
	[tilespmem:$0x1B800] =	vst v63  }
0xc8: {  	_ =	swait.ge [sflag:s25], $0x2800  }
0xc9: {  	[sflag:s25] =	ssyncset.done $0x0  }
0xca: {  	s30 =	sadd.s32 $0x2900, s13;
	[sflag:s25] =	ssyncadd.s32 $0xFFFFD800  }
0xcb: {  	[spmem:s12] =	stream.indirect.scatter.add.f32 [tilespmem:s21], [sflag:$0x5], $0x50, s30, s14, $0xb8;
	[tilespmem:$0x1B800] =	vst v63  }
0xcc: {  	_ =	swait.ge [sflag:s26], $0x2800  }
0xcd: {  	[sflag:s26] =	ssyncset.done $0x0  }
0xce: {  	s13 =	sadd.s32 $0x2980, s13;
	[sflag:s26] =	ssyncadd.s32 $0xFFFFD800  }
0xcf: {  	[spmem:s12] =	stream.indirect.scatter.add.f32 [tilespmem:s22], [sflag:$0x5], $0x50, s13, s14, $0xb8;
	[tilespmem:$0x1B800] =	vst v63  }
0xd0: {  	_ =	swait.ge [sflag:s28], $0x2800  }
0xd1: {  	[sflag:s28] =	ssyncset.done $0x0  }
0xd2: {  	[sflag:s28] =	ssyncadd.s32 $0xFFFFD800  }
0xd3: {  	_ =	swait.ge [sflag:s28], $0x2800  }
0xd4: {  	[sflag:s28] =	ssyncset.done $0x0  }
0xd5: {  	[sflag:s28] =	ssyncadd.s32 $0xFFFFD800  }
0xd6: {  	_ =	swait.ge [sflag:s28], $0x2800  }
0xd7: {  	[sflag:s28] =	ssyncset.done $0x0  }
0xd8: {  	[sflag:s28] =	ssyncadd.s32 $0xFFFFD800  }
.Ltmp4:
0xd9: {  	_ =	swait.ge [sflag:s28], $0x2800;
	(pc) =	sbr.rel @p0 .LBB2_7-.Ltmp4, $3  }
0xda: {  	[sflag:s28] =	ssyncset.done $0x0  }
0xdb: {  	[sflag:s28] =	ssyncadd.s32 $0xFFFFD800  }
0xdc: {  	[bflag:$0x0] =	sbarrier.arrive $0xFFFF;
	_ =	sdelay $0x1  }
0xdd: {  	s13 =	rddreg [dreg:$0x10]  }
0xde: {  	[tilespmem:s19], [sflag:$0x6] =	stream.linear.gather [spmem:s13], $0x1E00, $0x38;
	[tilespmem:$0x1B800] =	vst v63  }
0xdf: {  	_ =	swait.ge [sflag:s10], $0x1E00  }
0xe0: {  	[sflag:s10] =	ssyncset.done $0x0  }
0xe1: {  	s17 =	rddreg [dreg:$0x3];
	[sflag:s10] =	ssyncadd.s32 $0xFFFFE200  }
0xe2: {  	[hbm4b:s17+s1] =	stream.linear.scatter [tilespmem:s19], [sflag:$0x6], $0x1E00, $0x38;
	[tilespmem:$0x1B800] =	vst v63  }
0xe3: {  	_ =	swait.ge [sflag:s10], $0x1E00  }
0xe4: {  	[sflag:s10] =	ssyncset.done $0x0  }
0xe5: {  	s18 =	rddreg [dreg:$0x11];
	[sflag:s10] =	ssyncadd.s32 $0xFFFFE200  }
0xe6: {  	[tilespmem:s19], [sflag:$0x6] =	stream.linear.gather [spmem:s18], $0x1E00, $0x38;
	[tilespmem:$0x1B800] =	vst v63  }
0xe7: {  	_ =	swait.ge [sflag:s10], $0x1E00  }
0xe8: {  	[sflag:s10] =	ssyncset.done $0x0  }
0xe9: {  	s30 =	rddreg [dreg:$0x4];
	[sflag:s10] =	ssyncadd.s32 $0xFFFFE200  }
0xea: {  	[hbm4b:s30+s1] =	stream.linear.scatter [tilespmem:s19], [sflag:$0x6], $0x1E00, $0x38;
	[tilespmem:$0x1B800] =	vst v63  }
0xeb: {  	_ =	swait.ge [sflag:s10], $0x1E00  }
0xec: {  	[sflag:s10] =	ssyncset.done $0x0  }
0xed: {  	s17 =	rddreg [dreg:$0x12];
	[sflag:s10] =	ssyncadd.s32 $0xFFFFE200  }
0xee: {  	[tilespmem:s19], [sflag:$0x6] =	stream.linear.gather [spmem:s17], $0x1E00, $0x38;
	[tilespmem:$0x1B800] =	vst v63  }
0xef: {  	_ =	swait.ge [sflag:s10], $0x1E00  }
0xf0: {  	[sflag:s10] =	ssyncset.done $0x0  }
0xf1: {  	s18 =	rddreg [dreg:$0x5];
	[sflag:s10] =	ssyncadd.s32 $0xFFFFE200  }
0xf2: {  	[hbm4b:s18+s1] =	stream.linear.scatter [tilespmem:s19], [sflag:$0x6], $0x1E00, $0x38;
	[tilespmem:$0x1B800] =	vst v63  }
0xf3: {  	_ =	swait.ge [sflag:s10], $0x1E00  }
0xf4: {  	[sflag:s10] =	ssyncset.done $0x0  }
0xf5: {  	s30 =	rddreg [dreg:$0x13];
	[sflag:s10] =	ssyncadd.s32 $0xFFFFE200  }
0xf6: {  	[tilespmem:s19], [sflag:$0x6] =	stream.linear.gather [spmem:s30], $0x1E00, $0x38;
	[tilespmem:$0x1B800] =	vst v63  }
0xf7: {  	_ =	swait.ge [sflag:s10], $0x1E00  }
0xf8: {  	[sflag:s10] =	ssyncset.done $0x0  }
0xf9: {  	s17 =	rddreg [dreg:$0x6];
	[sflag:s10] =	ssyncadd.s32 $0xFFFFE200  }
0xfa: {  	[hbm4b:s17+s1] =	stream.linear.scatter [tilespmem:s19], [sflag:$0x6], $0x1E00, $0x38;
	[tilespmem:$0x1B800] =	vst v63  }
0xfb: {  	_ =	swait.ge [sflag:s10], $0x1E00  }
0xfc: {  	[sflag:s10] =	ssyncset.done $0x0  }
0xfd: {  	s18 =	rddreg [dreg:$0x14];
	[sflag:s10] =	ssyncadd.s32 $0xFFFFE200  }
0xfe: {  	[tilespmem:s19], [sflag:$0x6] =	stream.linear.gather [spmem:s18], $0x1E00, $0x38;
	[tilespmem:$0x1B800] =	vst v63  }
0xff: {  	_ =	swait.ge [sflag:s10], $0x1E00  }
0x100: {  	[sflag:s10] =	ssyncset.done $0x0  }
0x101: {  	s30 =	rddreg [dreg:$0x7];
	[sflag:s10] =	ssyncadd.s32 $0xFFFFE200  }
0x102: {  	[hbm4b:s30+s1] =	stream.linear.scatter [tilespmem:s19], [sflag:$0x6], $0x1E00, $0x38;
	[tilespmem:$0x1B800] =	vst v63  }
0x103: {  	_ =	swait.ge [sflag:s10], $0x1E00  }
0x104: {  	[sflag:s10] =	ssyncset.done $0x0  }
0x105: {  	s17 =	rddreg [dreg:$0x15];
	[sflag:s10] =	ssyncadd.s32 $0xFFFFE200  }
0x106: {  	[tilespmem:s19], [sflag:$0x6] =	stream.linear.gather [spmem:s17], $0x1E00, $0x38;
	[tilespmem:$0x1B800] =	vst v63  }
0x107: {  	_ =	swait.ge [sflag:s10], $0x1E00  }
0x108: {  	[sflag:s10] =	ssyncset.done $0x0  }
0x109: {  	s18 =	rddreg [dreg:$0x8];
	[sflag:s10] =	ssyncadd.s32 $0xFFFFE200  }
0x10a: {  	[hbm4b:s18+s1] =	stream.linear.scatter [tilespmem:s19], [sflag:$0x6], $0x1E00, $0x38;
	[tilespmem:$0x1B800] =	vst v63  }
0x10b: {  	_ =	swait.ge [sflag:s10], $0x1E00  }
0x10c: {  	[sflag:s10] =	ssyncset.done $0x0  }
0x10d: {  	s30 =	rddreg [dreg:$0x16];
	[sflag:s10] =	ssyncadd.s32 $0xFFFFE200  }
0x10e: {  	[tilespmem:s19], [sflag:$0x6] =	stream.linear.gather [spmem:s30], $0x1E00, $0x38;
	[tilespmem:$0x1B800] =	vst v63  }
0x10f: {  	_ =	swait.ge [sflag:s10], $0x1E00  }
0x110: {  	[sflag:s10] =	ssyncset.done $0x0  }
0x111: {  	s17 =	rddreg [dreg:$0x9];
	[sflag:s10] =	ssyncadd.s32 $0xFFFFE200  }
0x112: {  	[hbm4b:s17+s1] =	stream.linear.scatter [tilespmem:s19], [sflag:$0x6], $0x1E00, $0x38;
	[tilespmem:$0x1B800] =	vst v63  }
0x113: {  	_ =	swait.ge [sflag:s10], $0x1E00  }
0x114: {  	[sflag:s10] =	ssyncset.done $0x0  }
0x115: {  	s18 =	rddreg [dreg:$0x17];
	[sflag:s10] =	ssyncadd.s32 $0xFFFFE200  }
0x116: {  	[tilespmem:s19], [sflag:$0x6] =	stream.linear.gather [spmem:s18], $0x1E00, $0x38;
	[tilespmem:$0x1B800] =	vst v63  }
0x117: {  	_ =	swait.ge [sflag:s10], $0x1E00  }
0x118: {  	[sflag:s10] =	ssyncset.done $0x0  }
0x119: {  	s30 =	rddreg [dreg:$0xa];
	[sflag:s10] =	ssyncadd.s32 $0xFFFFE200  }
0x11a: {  	[hbm4b:s30+s1] =	stream.linear.scatter [tilespmem:s19], [sflag:$0x6], $0x1E00, $0x38;
	[tilespmem:$0x1B800] =	vst v63  }
0x11b: {  	_ =	swait.ge [sflag:s10], $0x1E00  }
0x11c: {  	[sflag:s10] =	ssyncset.done $0x0  }
0x11d: {  	s17 =	rddreg [dreg:$0x18];
	[sflag:s10] =	ssyncadd.s32 $0xFFFFE200  }
0x11e: {  	[tilespmem:s19], [sflag:$0x6] =	stream.linear.gather [spmem:s17], $0x1E00, $0x38;
	[tilespmem:$0x1B800] =	vst v63  }
0x11f: {  	_ =	swait.ge [sflag:s10], $0x1E00  }
0x120: {  	[sflag:s10] =	ssyncset.done $0x0  }
0x121: {  	s18 =	rddreg [dreg:$0xb];
	[sflag:s10] =	ssyncadd.s32 $0xFFFFE200  }
0x122: {  	[hbm4b:s18+s1] =	stream.linear.scatter [tilespmem:s19], [sflag:$0x6], $0x1E00, $0x38;
	[tilespmem:$0x1B800] =	vst v63  }
0x123: {  	_ =	swait.ge [sflag:s10], $0x1E00  }
0x124: {  	[sflag:s10] =	ssyncset.done $0x0  }
0x125: {  	s30 =	rddreg [dreg:$0x19];
	[sflag:s10] =	ssyncadd.s32 $0xFFFFE200  }
0x126: {  	[tilespmem:s19], [sflag:$0x6] =	stream.linear.gather [spmem:s30], $0x1E00, $0x38;
	[tilespmem:$0x1B800] =	vst v63  }
0x127: {  	_ =	swait.ge [sflag:s10], $0x1E00  }
0x128: {  	[sflag:s10] =	ssyncset.done $0x0  }
0x129: {  	s17 =	rddreg [dreg:$0xc];
	[sflag:s10] =	ssyncadd.s32 $0xFFFFE200  }
0x12a: {  	[hbm4b:s17+s1] =	stream.linear.scatter [tilespmem:s19], [sflag:$0x6], $0x1E00, $0x38;
	[tilespmem:$0x1B800] =	vst v63  }
0x12b: {  	_ =	swait.ge [sflag:s10], $0x1E00  }
0x12c: {  	[sflag:s10] =	ssyncset.done $0x0  }
0x12d: {  	s18 =	rddreg [dreg:$0x1a];
	[sflag:s10] =	ssyncadd.s32 $0xFFFFE200  }
0x12e: {  	[tilespmem:s19], [sflag:$0x6] =	stream.linear.gather [spmem:s18], $0xC80, $0x38;
	[tilespmem:$0x1B800] =	vst v63  }
0x12f: {  	_ =	swait.ge [sflag:s10], $0xC80  }
0x130: {  	[sflag:s10] =	ssyncset.done $0x0  }
.Ltmp5:
0x131: {  	s30 =	rddreg [dreg:$0xd];
	[sflag:s10] =	ssyncadd.s32 $0xFFFFF380;
	(pc) =	sbr.rel .LBB2_7-.Ltmp5, $4  }
0x132: {  	[hbm4b:s30+s1] =	stream.linear.scatter [tilespmem:s19], [sflag:$0x6], $0xC80, $0x38;
	[tilespmem:$0x1B800] =	vst v63  }
0x133: {  	_ =	swait.ge [sflag:s10], $0xC80  }
0x134: {  	[sflag:s10] =	ssyncset.done $0x0  }
0x135: {  	[sflag:s10] =	ssyncadd.s32 $0xFFFFF380  }
.LBB2_8:
0x136: {  	_ =	sfence.sel $0x180000  }
0x137: {  	[bflag:$0x0] =	sbarrier.arrive $0xFFFF  }
0x138: {  	_ =	strace $0x90000047  }
0x139: {  	s0 =	stileid.u32;
	[bflag:$0x2] =	sbarrier.arrive $0xFFFF  }
0x13a: {  	p0 =	sne.s32 s0, $0x0;
	s0 =	rddreg [dreg:$0x2]  }
0x13b: {  	s0 =	sadd.s32 @!p0 $0x100000, s0  }
0x13c: {  	[sflag:s0] =	ssyncadd.tile.s32 @!p0 $0x1;
	_ =	shalt  }
.Lfunc_end2:
_tile_overlayer_lowered:
.L_overlay_start_2:
0x13d: {  	(tag) =	ssettag $0x2  }
0x13e: {  	s0 =	rddreg [dreg:$0x0];
	s2 =	stileid.u32  }
0x13f: {  	s1 =	rddreg [dreg:$0x1];
	p0 =	sne.s32 s2, $0x0  }
0x140: {  	s3 =	rddreg [dreg:$0x2];
	[bflag:$0x3] =	sbarrier.arrive $0xFFFF;
	s2 =	simm.s32 @!p0 $0x1C06  }
0x141: {  	[timem:s3], [sflag:s2] =	dma.local @!p0 [hbm:s0], s1  }
0x142: {  	s0 =	simm.s32 @!p0 $0x6  }
0x143: {  	_ =	swait.ge @!p0 [sflag:s0], s1  }
0x144: {  	s1 =	ssub.s32 @!p0 $0x0, s1;
	[sflag:s0] =	ssyncset.done @!p0 $0x0  }
0x145: {  	[sflag:s0] =	ssyncadd.s32 @!p0 s1  }
0x146: {  	[bflag:$0x3] =	sbarrier.arrive $0xFFFF  }
0x147: {  	_ =	shalt  }

</sc_bundles>
